<compile_context>
chip_gen: v7x
topology: tpu7x:2x2x1
jax: 0.10.2.dev20260603
libtpu: 0.0.44.dev20260713+nightly
codegen_flags: <defaults>
</compile_context>

<pallas_src>
import functools

import jax
import jax.numpy as jnp
from jax import lax
from jax.experimental import pallas as pl
from jax.experimental.pallas import tpu as pltpu
from jax.experimental.pallas import tpu_sc as plsc

NC = 2
NS = 16
L = 16

SAMPLE_FRAC = 0.25


def _make_fps(B, N, D, n_samp, interpret=False):
  assert B == NC * (NS // 2)
  half_n = N // 2
  mesh = plsc.VectorSubcoreMesh(
      core_axis_name="c", subcore_axis_name="s",
      num_cores=NC, num_subcores=NS)

  @functools.partial(
      pl.kernel,
      out_type=(
          jax.ShapeDtypeStruct((B * n_samp,), jnp.float32),
          jax.ShapeDtypeStruct((B * n_samp,), jnp.float32),
          jax.ShapeDtypeStruct((B * n_samp,), jnp.float32),
          jax.ShapeDtypeStruct((B * n_samp, D), jnp.float32),
          jax.ShapeDtypeStruct((B * n_samp,), jnp.float32),
      ),
      mesh=mesh,
      scratch_types=[
          pltpu.VMEM((N,), jnp.float32),
          pltpu.VMEM((N,), jnp.float32),
          pltpu.VMEM((N,), jnp.float32),
          pltpu.VMEM((N // 2,), jnp.float32),
          pltpu.VMEM((N,), jnp.float32),
          pltpu.VMEM((L,), jnp.int32),
          pltpu.VMEM((n_samp,), jnp.int32),
          pltpu.VMEM((n_samp,), jnp.float32),
          pltpu.VMEM((n_samp,), jnp.float32),
          pltpu.VMEM((n_samp,), jnp.float32),
          pltpu.VMEM((n_samp,), jnp.float32),
          pltpu.VMEM((n_samp // 128, 128), jnp.int32),
          pltpu.VMEM((128, D), jnp.float32),
          pltpu.VMEM((2 * L,), jnp.int32),
          pltpu.VMEM((2 * L,), jnp.int32),
          pltpu.VMEM_SHARED((2 * NS * 2 * L,), jnp.int32),
          pltpu.SemaphoreType.DMA,
      ],
      compiler_params=pltpu.CompilerParams(needs_layout_passes=False),
      interpret=interpret,
  )
  def fps(xs, ys, zs, f0_hbm, mask_flat, values_flat,
          qxo, qyo, qzo, outv, outm,
          x_v, y_v, z_v, dist_v, m_v, f0_v, idx_v,
          qx_v, qy_v, qz_v, qm_v, idxg_v, rows_v, ex_v, px_v, shared, sem):
    s = lax.axis_index("s")
    c = lax.axis_index("c")
    b = c * (NS // 2) + lax.rem(s, NS // 2)
    half = lax.div(s, NS // 2)
    base = half * half_n
    sp = lax.rem(s + NS // 2, NS)

    pltpu.sync_copy(xs.at[pl.ds(b * N, N)], x_v)
    pltpu.sync_copy(ys.at[pl.ds(b * N, N)], y_v)
    pltpu.sync_copy(zs.at[pl.ds(b * N, N)], z_v)
    pltpu.sync_copy(f0_hbm, f0_v)

    @pl.when(half == 0)
    def _():
      pltpu.sync_copy(mask_flat.at[pl.ds(b * N, N)], m_v)

    def init_chunk(j, _):
      dist_v[pl.ds(j * L, L)] = jnp.full((L,), 1e8, jnp.float32)
      return 0
    lax.fori_loop(0, half_n // L, init_chunk, 0)

    lanes = lax.iota(jnp.int32, L)
    bvec = jnp.full((L,), b, jnp.int32)
    fvec0 = plsc.load_gather(f0_v, [bvec])

    big_i = jnp.full((L,), jnp.iinfo(jnp.int32).max, jnp.int32)
    cand0 = lanes + base

    def step(i, carry):
      fvec, idxvec = carry
      t = i % L
      idxvec = jnp.where(lanes == t, fvec, idxvec)
      cx = plsc.load_gather(x_v, [fvec])
      cy = plsc.load_gather(y_v, [fvec])
      cz = plsc.load_gather(z_v, [fvec])

      def chunk(j, c2):
        bv, bi = c2
        sl = pl.ds(j * L, L)
        gsl = pl.ds(base + j * L, L)
        dx = x_v[gsl] - cx
        dy = y_v[gsl] - cy
        dz = z_v[gsl] - cz
        d = (dz * dz + dx * dx) + dy * dy
        dn = jnp.minimum(d, dist_v[sl])
        dist_v[sl] = dn
        cand = cand0 + j * L
        better = (dn > bv) | ((dn == bv) & (cand < bi))
        bv = jnp.where(better, dn, bv)
        bi = jnp.where(better, cand, bi)
        return (bv, bi)

      bv, bi = plsc.parallel_loop(
          0, half_n // L, step=1, unroll=4,
          carry=(jnp.full((L,), -1.0, jnp.float32),
                 big_i))(chunk)

      slot = lax.rem(i, 2)
      ex_v[pl.ds(0, L)] = plsc.bitcast(bv, jnp.int32)
      ex_v[pl.ds(L, L)] = bi
      pltpu.sync_copy(
          ex_v, shared.at[pl.ds(slot * (NS * 2 * L) + s * (2 * L), 2 * L)])
      plsc.subcore_barrier()
      pltpu.sync_copy(
          shared.at[pl.ds(slot * (NS * 2 * L) + sp * (2 * L), 2 * L)], px_v)
      bvp = plsc.bitcast(px_v[pl.ds(0, L)], jnp.float32)
      bip = px_v[pl.ds(L, L)]
      take = (bvp > bv) | ((bvp == bv) & (bip < bi))
      bv = jnp.where(take, bvp, bv)
      bi = jnp.where(take, bip, bi)

      m = jnp.max(bv)
      cid = jnp.where(bv == m, bi, big_i)
      fnew = jnp.min(cid)

      @pl.when(t == L - 1)
      def _():
        idx_v[pl.ds((i // L) * L, L)] = idxvec

      return (jnp.full((L,), fnew, jnp.int32), idxvec)

    lax.fori_loop(0, n_samp, step,
                  (fvec0, jnp.zeros((L,), jnp.int32)))

    @pl.when(half == 0)
    def _():
      for g in range(n_samp // L):
        sl = pl.ds(g * L, L)
        iv = idx_v[sl]
        qx_v[sl] = plsc.load_gather(x_v, [iv])
        qy_v[sl] = plsc.load_gather(y_v, [iv])
        qz_v[sl] = plsc.load_gather(z_v, [iv])
        qm_v[sl] = plsc.load_gather(m_v, [iv])

      pltpu.sync_copy(qx_v, qxo.at[pl.ds(b * n_samp, n_samp)])
      pltpu.sync_copy(qy_v, qyo.at[pl.ds(b * n_samp, n_samp)])
      pltpu.sync_copy(qz_v, qzo.at[pl.ds(b * n_samp, n_samp)])
      pltpu.sync_copy(qm_v, outm.at[pl.ds(b * n_samp, n_samp)])

    n_cc = n_samp // 128
    half_g = n_samp // L // 2
    for gg in range(half_g):
      g = gg + half * half_g
      sl = pl.ds(g * L, L)
      iv = idx_v[sl]
      r = g // 8
      cpos = lax.rem(g, 8) * L
      idxg_v[r, pl.ds(cpos, L)] = iv + b * N

    cc_lo = half * (n_cc // 2)
    for k in range(n_cc // 2):
      cc = cc_lo + k
      pltpu.async_copy(values_flat.at[idxg_v.at[cc]], rows_v, sem).wait()
      pltpu.sync_copy(rows_v, outv.at[pl.ds((b * n_samp + cc * 128) * 1, 128)])

  return fps


@jax.jit
def kernel(coords, values, mask):
  B, N, C = coords.shape
  D = values.shape[-1]
  n_samp = int(round(N * SAMPLE_FRAC))
  f0 = jax.random.randint(jax.random.key(42), (B,), 0, N).astype(jnp.int32)
  xs = coords[:, :, 0].reshape(-1)
  ys = coords[:, :, 1].reshape(-1)
  zs = coords[:, :, 2].reshape(-1)
  values_flat = values.reshape(B * N, D)
  mask_flat = mask.reshape(-1)
  fps = _make_fps(B, N, D, n_samp)
  qx, qy, qz, outv, outm = fps(xs, ys, zs, f0, mask_flat, values_flat)
  query_coords = jnp.stack([qx, qy, qz], axis=-1).reshape(B, n_samp, C)
  return (query_coords, outv.reshape(B, n_samp, D), outm.reshape(B, n_samp))

# --- scband reference (transcript-rebuilt; emitter-appended) ---
"""Pipeline reference for scband-euclid-farther-subsample-17952963297847 (READ-ONLY COPY).

The authoritative reference and input builder live on the scoring server;
editing this copy changes nothing except your own understanding.
"""

import jax, jax.numpy as jnp
import numpy as np

SAMPLING_FRACTION = 0.25


def _farthest_point_sample(points, n_sample, key):
    B, N, D = points.shape
    farthest = jax.random.randint(key, (B,), 0, N).astype(jnp.int32)
    distances = jnp.full((B, N), 1e8, dtype=points.dtype)
    batch_idx = jnp.arange(B)
    centroids = jnp.zeros((B, n_sample), dtype=jnp.int32)

    def body(i, state):
        centroids, distances, farthest = state
        centroids = centroids.at[:, i].set(farthest)
        centroid = points[batch_idx, farthest, :][:, None, :]
        dist = jnp.sum((points - centroid) ** 2, axis=-1)
        distances = jnp.where(dist < distances, dist, distances)
        farthest = jnp.argmax(distances, axis=-1).astype(jnp.int32)
        return (centroids, distances, farthest)

    centroids, _, _ = jax.lax.fori_loop(0, n_sample, body, (centroids, distances, farthest))
    return centroids


def _index_points(points, idx):
    B = points.shape[0]
    batch_idx = jnp.arange(B)[:, None]
    return points[batch_idx, idx]


def setup_inputs(seed: int = 0):
    key = jax.random.key(seed)
    k1, k2 = jax.random.split(key)
    B, N, C, D = 16, 4096, 3, 128
    coords = jax.random.normal(k1, (B, N, C), dtype=jnp.float32)
    values = jax.random.normal(k2, (B, N, D), dtype=jnp.float32)
    mask = jnp.ones((B, N), dtype=jnp.float32)
    return {"coords": coords, "values": values, "mask": mask}


def reference(coords, values, mask):
    N = coords.shape[1]
    n_sample = int(round(N * SAMPLING_FRACTION))
    # knn_channels=None -> use all coordinate channels
    idx = _farthest_point_sample(coords, n_sample, jax.random.key(42))
    query_coords = _index_points(coords, idx)
    query_values = _index_points(values, idx)
    query_mask = _index_points(mask, idx)
    return (query_coords, query_values, query_mask)

if __name__ == "__main__":
    import jax
    _d = setup_inputs()
    print(jax.jit(kernel)(*tuple(_d.values())))

</pallas_src>

<mosaic_0001>
#map = affine_map<(d0, d1) -> (0)>
#map1 = affine_map<(d0, d1) -> (0, 0)>
module attributes {stable_mosaic.version = 14 : i64} {
  func.func @fps(%arg0: i32, %arg1: i32, %arg2: memref<65536xf32, #tpu.memory_space<hbm>>, %arg3: memref<65536xf32, #tpu.memory_space<hbm>>, %arg4: memref<65536xf32, #tpu.memory_space<hbm>>, %arg5: memref<16xi32, #tpu.memory_space<hbm>>, %arg6: memref<65536xf32, #tpu.memory_space<hbm>>, %arg7: memref<65536x128xf32, #tpu.memory_space<hbm>>, %arg8: memref<16384xf32, #tpu.memory_space<hbm>>, %arg9: memref<16384xf32, #tpu.memory_space<hbm>>, %arg10: memref<16384xf32, #tpu.memory_space<hbm>>, %arg11: memref<16384x128xf32, #tpu.memory_space<hbm>>, %arg12: memref<16384xf32, #tpu.memory_space<hbm>>, %arg13: memref<4096xf32, #tpu.memory_space<vmem>>, %arg14: memref<4096xf32, #tpu.memory_space<vmem>>, %arg15: memref<4096xf32, #tpu.memory_space<vmem>>, %arg16: memref<2048xf32, #tpu.memory_space<vmem>>, %arg17: memref<4096xf32, #tpu.memory_space<vmem>>, %arg18: memref<16xi32, #tpu.memory_space<vmem>>, %arg19: memref<1024xi32, #tpu.memory_space<vmem>>, %arg20: memref<1024xf32, #tpu.memory_space<vmem>>, %arg21: memref<1024xf32, #tpu.memory_space<vmem>>, %arg22: memref<1024xf32, #tpu.memory_space<vmem>>, %arg23: memref<1024xf32, #tpu.memory_space<vmem>>, %arg24: memref<8x128xi32, #tpu.memory_space<vmem>>, %arg25: memref<128x128xf32, #tpu.memory_space<vmem>>, %arg26: memref<32xi32, #tpu.memory_space<vmem>>, %arg27: memref<32xi32, #tpu.memory_space<vmem>>, %arg28: memref<1024xi32, #tpu.memory_space<vmem_shared>>, %arg29: memref<!tpu.dma_semaphore, #tpu.memory_space<semaphore_mem>>) attributes {dimension_semantics = [#tpu.dimension_semantics<core_parallel>, #tpu.dimension_semantics<subcore_parallel>], iteration_bounds = array<i64: 2, 16>, scalar_prefetch = 0 : i64, scratch_operands = 17 : i64, tpu.core_type = #tpu.core_type<sc_vector_subcore>, window_params = [{transform_indices = #map}, {transform_indices = #map}, {transform_indices = #map}, {transform_indices = #map}, {transform_indices = #map}, {transform_indices = #map1}, {transform_indices = #map}, {transform_indices = #map}, {transform_indices = #map}, {transform_indices = #map1}, {transform_indices = #map}]} {
    %mul3A = arith.constant 8 : i32
    %mul3A_0 = arith.muli %arg0, %mul3A : i32
    %rem3A = arith.constant 8 : i32
    %rem3A_1 = arith.remsi %arg1, %rem3A : i32
    %add3A = arith.addi %mul3A_0, %rem3A_1 : i32
    %div3A = arith.constant 8 : i32
    %div3A_2 = arith.divsi %arg1, %div3A : i32
    %mul3A_3 = arith.constant 2048 : i32
    %mul3A_4 = arith.muli %div3A_2, %mul3A_3 : i32
    %add3A_5 = arith.constant 8 : i32
    %add3A_6 = arith.addi %arg1, %add3A_5 : i32
    %rem3A_7 = arith.constant 16 : i32
    %rem3A_8 = arith.remsi %add3A_6, %rem3A_7 : i32
    %mul3A_9 = arith.constant 4096 : i32
    %mul3A_10 = arith.muli %add3A, %mul3A_9 : i32
    "tpu.region"() ({
      %run_scoped3A = tpu.sem_alloc : memref<!tpu.dma_semaphore, #tpu.memory_space<semaphore_mem>>
      %dma_start3A_1492 = tpu.memref_slice %arg2[%mul3A_10] : memref<65536xf32, #tpu.memory_space<hbm>> -> memref<4096xf32, #tpu.memory_space<hbm>>
      %dma_start3A_1493 = tpu.memref_slice %arg2[%mul3A_10] : memref<65536xf32, #tpu.memory_space<hbm>> -> memref<4096xf32, #tpu.memory_space<hbm>>
      tpu.enqueue_dma source(%dma_start3A_1493 : memref<4096xf32, #tpu.memory_space<hbm>>) target(%arg13 : memref<4096xf32, #tpu.memory_space<vmem>>) target_semaphore(%run_scoped3A : memref<!tpu.dma_semaphore, #tpu.memory_space<semaphore_mem>>)
      %dma_wait3A_1494 = tpu.memref_slice %arg2[%mul3A_10] : memref<65536xf32, #tpu.memory_space<hbm>> -> memref<4096xf32, #tpu.memory_space<hbm>>
      %dma_wait3A_1495 = tpu.memref_slice %arg2[%mul3A_10] : memref<65536xf32, #tpu.memory_space<hbm>> -> memref<4096xf32, #tpu.memory_space<hbm>>
      tpu.wait_dma2 semaphore(%run_scoped3A : memref<!tpu.dma_semaphore, #tpu.memory_space<semaphore_mem>>) src(%dma_wait3A_1495 : memref<4096xf32, #tpu.memory_space<hbm>>) dst(%arg13 : memref<4096xf32, #tpu.memory_space<vmem>>)
      tpu.yield
    }) : () -> ()
    %mul3A_11 = arith.constant 4096 : i32
    %mul3A_12 = arith.muli %add3A, %mul3A_11 : i32
    "tpu.region"() ({
      %run_scoped3A = tpu.sem_alloc : memref<!tpu.dma_semaphore, #tpu.memory_space<semaphore_mem>>
      %dma_start3A_1492 = tpu.memref_slice %arg3[%mul3A_12] : memref<65536xf32, #tpu.memory_space<hbm>> -> memref<4096xf32, #tpu.memory_space<hbm>>
      %dma_start3A_1493 = tpu.memref_slice %arg3[%mul3A_12] : memref<65536xf32, #tpu.memory_space<hbm>> -> memref<4096xf32, #tpu.memory_space<hbm>>
      tpu.enqueue_dma source(%dma_start3A_1493 : memref<4096xf32, #tpu.memory_space<hbm>>) target(%arg14 : memref<4096xf32, #tpu.memory_space<vmem>>) target_semaphore(%run_scoped3A : memref<!tpu.dma_semaphore, #tpu.memory_space<semaphore_mem>>)
      %dma_wait3A_1494 = tpu.memref_slice %arg3[%mul3A_12] : memref<65536xf32, #tpu.memory_space<hbm>> -> memref<4096xf32, #tpu.memory_space<hbm>>
      %dma_wait3A_1495 = tpu.memref_slice %arg3[%mul3A_12] : memref<65536xf32, #tpu.memory_space<hbm>> -> memref<4096xf32, #tpu.memory_space<hbm>>
      tpu.wait_dma2 semaphore(%run_scoped3A : memref<!tpu.dma_semaphore, #tpu.memory_space<semaphore_mem>>) src(%dma_wait3A_1495 : memref<4096xf32, #tpu.memory_space<hbm>>) dst(%arg14 : memref<4096xf32, #tpu.memory_space<vmem>>)
      tpu.yield
    }) : () -> ()
    %mul3A_13 = arith.constant 4096 : i32
    %mul3A_14 = arith.muli %add3A, %mul3A_13 : i32
    "tpu.region"() ({
      %run_scoped3A = tpu.sem_alloc : memref<!tpu.dma_semaphore, #tpu.memory_space<semaphore_mem>>
      %dma_start3A_1492 = tpu.memref_slice %arg4[%mul3A_14] : memref<65536xf32, #tpu.memory_space<hbm>> -> memref<4096xf32, #tpu.memory_space<hbm>>
      %dma_start3A_1493 = tpu.memref_slice %arg4[%mul3A_14] : memref<65536xf32, #tpu.memory_space<hbm>> -> memref<4096xf32, #tpu.memory_space<hbm>>
      tpu.enqueue_dma source(%dma_start3A_1493 : memref<4096xf32, #tpu.memory_space<hbm>>) target(%arg15 : memref<4096xf32, #tpu.memory_space<vmem>>) target_semaphore(%run_scoped3A : memref<!tpu.dma_semaphore, #tpu.memory_space<semaphore_mem>>)
      %dma_wait3A_1494 = tpu.memref_slice %arg4[%mul3A_14] : memref<65536xf32, #tpu.memory_space<hbm>> -> memref<4096xf32, #tpu.memory_space<hbm>>
      %dma_wait3A_1495 = tpu.memref_slice %arg4[%mul3A_14] : memref<65536xf32, #tpu.memory_space<hbm>> -> memref<4096xf32, #tpu.memory_space<hbm>>
      tpu.wait_dma2 semaphore(%run_scoped3A : memref<!tpu.dma_semaphore, #tpu.memory_space<semaphore_mem>>) src(%dma_wait3A_1495 : memref<4096xf32, #tpu.memory_space<hbm>>) dst(%arg15 : memref<4096xf32, #tpu.memory_space<vmem>>)
      tpu.yield
    }) : () -> ()
    "tpu.region"() ({
      %run_scoped3A = tpu.sem_alloc : memref<!tpu.dma_semaphore, #tpu.memory_space<semaphore_mem>>
      tpu.enqueue_dma source(%arg5 : memref<16xi32, #tpu.memory_space<hbm>>) target(%arg18 : memref<16xi32, #tpu.memory_space<vmem>>) target_semaphore(%run_scoped3A : memref<!tpu.dma_semaphore, #tpu.memory_space<semaphore_mem>>)
      tpu.wait_dma2 semaphore(%run_scoped3A : memref<!tpu.dma_semaphore, #tpu.memory_space<semaphore_mem>>) src(%arg5 : memref<16xi32, #tpu.memory_space<hbm>>) dst(%arg18 : memref<16xi32, #tpu.memory_space<vmem>>)
      tpu.yield
    }) : () -> ()
    %eq3A = arith.constant 0 : i32
    %eq3A_15 = arith.cmpi eq, %div3A_2, %eq3A : i32
    %convert_element_type3A = arith.extui %eq3A_15 : i1 to i32
    %cond3A = arith.constant 0 : i32
    %cond3A_16 = arith.cmpi ne, %convert_element_type3A, %cond3A : i32
    scf.if %cond3A_16 {
      %mul3A_1492 = arith.constant 4096 : i32
      %mul3A_1493 = arith.muli %add3A, %mul3A_1492 : i32
      "tpu.region"() ({
        %run_scoped3A = tpu.sem_alloc : memref<!tpu.dma_semaphore, #tpu.memory_space<semaphore_mem>>
        %dma_start3A_1494 = tpu.memref_slice %arg6[%mul3A_1493] : memref<65536xf32, #tpu.memory_space<hbm>> -> memref<4096xf32, #tpu.memory_space<hbm>>
        %dma_start3A_1495 = tpu.memref_slice %arg6[%mul3A_1493] : memref<65536xf32, #tpu.memory_space<hbm>> -> memref<4096xf32, #tpu.memory_space<hbm>>
        tpu.enqueue_dma source(%dma_start3A_1495 : memref<4096xf32, #tpu.memory_space<hbm>>) target(%arg17 : memref<4096xf32, #tpu.memory_space<vmem>>) target_semaphore(%run_scoped3A : memref<!tpu.dma_semaphore, #tpu.memory_space<semaphore_mem>>)
        %dma_wait3A_1496 = tpu.memref_slice %arg6[%mul3A_1493] : memref<65536xf32, #tpu.memory_space<hbm>> -> memref<4096xf32, #tpu.memory_space<hbm>>
        %dma_wait3A_1497 = tpu.memref_slice %arg6[%mul3A_1493] : memref<65536xf32, #tpu.memory_space<hbm>> -> memref<4096xf32, #tpu.memory_space<hbm>>
        tpu.wait_dma2 semaphore(%run_scoped3A : memref<!tpu.dma_semaphore, #tpu.memory_space<semaphore_mem>>) src(%dma_wait3A_1497 : memref<4096xf32, #tpu.memory_space<hbm>>) dst(%arg17 : memref<4096xf32, #tpu.memory_space<vmem>>)
        tpu.yield
      }) : () -> ()
    } else {
    }
    %scan3A = arith.constant 0 : i32
    %scan3A_17 = arith.constant 0 : i32
    %scan3A_18 = arith.constant 128 : i32
    %scan3A_19 = arith.addi %scan3A_17, %scan3A_18 : i32
    %scan3A_20 = arith.constant 1 : i32
    %scan3A_21 = scf.for %scan3A_1492 = %scan3A_17 to %scan3A_19 step %scan3A_20 iter_args(%scan3A_1493 = %scan3A) -> (i32)  : i32 {
      %broadcast_in_dim3A_1494 = arith.constant 1.000000e+08 : f32
      %broadcast_in_dim3A_1495 = vector.broadcast %broadcast_in_dim3A_1494 : f32 to vector<16xf32>
      %mul3A_1496 = arith.constant 16 : i32
      %mul3A_1497 = arith.muli %scan3A_1492, %mul3A_1496 : i32
      %swap3A_1498 = arith.index_cast %mul3A_1497 : i32 to index
      %swap3A_1499 = tpu.vector_load %arg16[%swap3A_1498] {strides = array<i32>} : memref<2048xf32, #tpu.memory_space<vmem>>, vector<16xf32>,
      tpu.vector_store %arg16[%swap3A_1498], %broadcast_in_dim3A_1495 {strides = array<i32>} : memref<2048xf32, #tpu.memory_space<vmem>>, vector<16xf32>,
      %scan3A_1500 = arith.constant 0 : i32
      scf.yield %scan3A_1500 : i32
    }
    %scan3A_22 = arith.constant 128 : i32
    %iota3A = tpu.iota {dimensions = array<i32: 0>} : vector<16xi32>
    %broadcast_in_dim3A = vector.broadcast %add3A : i32 to vector<16xi32>
    %gather3A = tpu.vector_load_idx %arg18[%broadcast_in_dim3A] : memref<16xi32, #tpu.memory_space<vmem>>[vector<16xi32>], vector<16xi32>,
    %broadcast_in_dim3A_23 = arith.constant 2147483647 : i32
    %broadcast_in_dim3A_24 = vector.broadcast %broadcast_in_dim3A_23 : i32 to vector<16xi32>
    %add3A_25 = vector.broadcast %mul3A_4 : i32 to vector<16xi32>
    %add3A_26 = arith.addi %iota3A, %add3A_25 : vector<16xi32>
    %broadcast_in_dim3A_27 = arith.constant 0 : i32
    %broadcast_in_dim3A_28 = vector.broadcast %broadcast_in_dim3A_27 : i32 to vector<16xi32>
    %scan3A_29 = arith.constant 0 : i32
    %scan3A_30 = arith.constant 1024 : i32
    %scan3A_31 = arith.addi %scan3A_29, %scan3A_30 : i32
    %scan3A_32 = arith.constant 1 : i32
    %scan3A_33:2 = scf.for %scan3A_1492 = %scan3A_29 to %scan3A_31 step %scan3A_32 iter_args(%scan3A_1493 = %gather3A, %scan3A_1494 = %broadcast_in_dim3A_28) -> (vector<16xi32>, vector<16xi32>)  : i32 {
      %jit3A_1495 = arith.constant 16 : i32
      %eq3A_1496 = arith.constant 0 : i32
      %eq3A_1497 = arith.cmpi eq, %jit3A_1495, %eq3A_1496 : i32
      %jit3A_1498 = arith.constant 1 : i32
      %select_n3A_1499 = arith.select %eq3A_1497, %jit3A_1498, %jit3A_1495 : i32
      %rem3A_1500 = arith.remsi %scan3A_1492, %select_n3A_1499 : i32
      %ne3A_1501 = arith.constant 0 : i32
      %ne3A_1502 = arith.cmpi ne, %rem3A_1500, %ne3A_1501 : i32
      %lt3A = arith.constant 0 : i32
      %lt3A_1503 = arith.cmpi slt, %rem3A_1500, %lt3A : i32
      %lt3A_1504 = arith.constant 0 : i32
      %lt3A_1505 = arith.cmpi slt, %select_n3A_1499, %lt3A_1504 : i32
      %ne3A_1506 = arith.xori %lt3A_1503, %lt3A_1505 : i1
      %and3A_1507 = arith.andi %ne3A_1506, %ne3A_1502 : i1
      %add3A_1508 = arith.addi %rem3A_1500, %select_n3A_1499 : i32
      %select_n3A_1509 = arith.select %and3A_1507, %add3A_1508, %rem3A_1500 : i32
      %eq3A_1510 = vector.broadcast %select_n3A_1509 : i32 to vector<16xi32>
      %eq3A_1511 = arith.cmpi eq, %iota3A, %eq3A_1510 : vector<16xi32>
      %select_n3A_1512 = arith.select %eq3A_1511, %scan3A_1493, %scan3A_1494 : vector<16xi1>, vector<16xi32>
      %gather3A_1513 = tpu.vector_load_idx %arg13[%scan3A_1493] : memref<4096xf32, #tpu.memory_space<vmem>>[vector<16xi32>], vector<16xf32>,
      %gather3A_1514 = tpu.vector_load_idx %arg14[%scan3A_1493] : memref<4096xf32, #tpu.memory_space<vmem>>[vector<16xi32>], vector<16xf32>,
      %gather3A_1515 = tpu.vector_load_idx %arg15[%scan3A_1493] : memref<4096xf32, #tpu.memory_space<vmem>>[vector<16xi32>], vector<16xf32>,
      %broadcast_in_dim3A_1516 = arith.constant -1.000000e+00 : f32
      %broadcast_in_dim3A_1517 = vector.broadcast %broadcast_in_dim3A_1516 : f32 to vector<16xf32>
      %parallel_loop3A = arith.constant 0 : i32
      %parallel_loop3A_1518 = arith.constant 128 : i32
      %parallel_loop3A_1519 = arith.constant 1 : i32
      %parallel_loop3A_1520:2 = scf.for %parallel_loop3A_1566 = %parallel_loop3A to %parallel_loop3A_1518 step %parallel_loop3A_1519 iter_args(%parallel_loop3A_1567 = %broadcast_in_dim3A_1517, %parallel_loop3A_1568 = %broadcast_in_dim3A_24) -> (vector<16xf32>, vector<16xi32>)  : i32 {
        %parallel_loop3A_1569 = arith.constant 16 : i32
        %parallel_loop3A_1570 = arith.muli %parallel_loop3A_1566, %parallel_loop3A_1569 : i32
        %parallel_loop3A_1571 = arith.constant 16 : i32
        %parallel_loop3A_1572 = arith.muli %parallel_loop3A_1566, %parallel_loop3A_1571 : i32
        %parallel_loop3A_1573 = arith.addi %mul3A_4, %parallel_loop3A_1572 : i32
        %parallel_loop3A_1574 = arith.index_cast %parallel_loop3A_1573 : i32 to index
        %parallel_loop3A_1575 = tpu.vector_load %arg13[%parallel_loop3A_1574] {strides = array<i32>} : memref<4096xf32, #tpu.memory_space<vmem>>, vector<16xf32>,
        %parallel_loop3A_1576 = arith.subf %parallel_loop3A_1575, %gather3A_1513 : vector<16xf32>
        %parallel_loop3A_1577 = arith.index_cast %parallel_loop3A_1573 : i32 to index
        %parallel_loop3A_1578 = tpu.vector_load %arg14[%parallel_loop3A_1577] {strides = array<i32>} : memref<4096xf32, #tpu.memory_space<vmem>>, vector<16xf32>,
        %parallel_loop3A_1579 = arith.subf %parallel_loop3A_1578, %gather3A_1514 : vector<16xf32>
        %parallel_loop3A_1580 = arith.index_cast %parallel_loop3A_1573 : i32 to index
        %parallel_loop3A_1581 = tpu.vector_load %arg15[%parallel_loop3A_1580] {strides = array<i32>} : memref<4096xf32, #tpu.memory_space<vmem>>, vector<16xf32>,
        %parallel_loop3A_1582 = arith.subf %parallel_loop3A_1581, %gather3A_1515 : vector<16xf32>
        %parallel_loop3A_1583 = arith.mulf %parallel_loop3A_1582, %parallel_loop3A_1582 : vector<16xf32>
        %parallel_loop3A_1584 = arith.mulf %parallel_loop3A_1576, %parallel_loop3A_1576 : vector<16xf32>
        %parallel_loop3A_1585 = arith.addf %parallel_loop3A_1583, %parallel_loop3A_1584 : vector<16xf32>
        %parallel_loop3A_1586 = arith.mulf %parallel_loop3A_1579, %parallel_loop3A_1579 : vector<16xf32>
        %parallel_loop3A_1587 = arith.addf %parallel_loop3A_1585, %parallel_loop3A_1586 : vector<16xf32>
        %parallel_loop3A_1588 = arith.index_cast %parallel_loop3A_1570 : i32 to index
        %parallel_loop3A_1589 = tpu.vector_load %arg16[%parallel_loop3A_1588] {strides = array<i32>} : memref<2048xf32, #tpu.memory_space<vmem>>, vector<16xf32>,
        %parallel_loop3A_1590 = arith.minimumf %parallel_loop3A_1587, %parallel_loop3A_1589 : vector<16xf32>
        %parallel_loop3A_1591 = arith.index_cast %parallel_loop3A_1570 : i32 to index
        %parallel_loop3A_1592 = tpu.vector_load %arg16[%parallel_loop3A_1591] {strides = array<i32>} : memref<2048xf32, #tpu.memory_space<vmem>>, vector<16xf32>,
        tpu.vector_store %arg16[%parallel_loop3A_1591], %parallel_loop3A_1590 {strides = array<i32>} : memref<2048xf32, #tpu.memory_space<vmem>>, vector<16xf32>,
        %parallel_loop3A_1593 = arith.constant 16 : i32
        %parallel_loop3A_1594 = arith.muli %parallel_loop3A_1566, %parallel_loop3A_1593 : i32
        %parallel_loop3A_1595 = vector.broadcast %parallel_loop3A_1594 : i32 to vector<16xi32>
        %parallel_loop3A_1596 = arith.addi %add3A_26, %parallel_loop3A_1595 : vector<16xi32>
        %parallel_loop3A_1597 = arith.cmpf ogt, %parallel_loop3A_1590, %parallel_loop3A_1567 : vector<16xf32>
        %parallel_loop3A_1598 = arith.cmpf oeq, %parallel_loop3A_1590, %parallel_loop3A_1567 : vector<16xf32>
        %parallel_loop3A_1599 = arith.cmpi slt, %parallel_loop3A_1596, %parallel_loop3A_1568 : vector<16xi32>
        %parallel_loop3A_1600 = arith.andi %parallel_loop3A_1598, %parallel_loop3A_1599 : vector<16xi1>
        %parallel_loop3A_1601 = arith.ori %parallel_loop3A_1597, %parallel_loop3A_1600 : vector<16xi1>
        %parallel_loop3A_1602 = arith.select %parallel_loop3A_1601, %parallel_loop3A_1590, %parallel_loop3A_1567 : vector<16xi1>, vector<16xf32>
        %parallel_loop3A_1603 = arith.select %parallel_loop3A_1601, %parallel_loop3A_1596, %parallel_loop3A_1568 : vector<16xi1>, vector<16xi32>
        scf.yield %parallel_loop3A_1602, %parallel_loop3A_1603 : vector<16xf32>, vector<16xi32>
      } {sc.loop_unroll_factor = 4 : i64, sc.parallel_access}
      %rem3A_1521 = arith.constant 2 : i32
      %rem3A_1522 = arith.remsi %scan3A_1492, %rem3A_1521 : i32
      %bitcast3A = vector.bitcast %parallel_loop3A_1520#0 : vector<16xf32> to vector<16xi32>
      %swap3A_1523 = arith.constant 0 : index
      %swap3A_1524 = tpu.vector_load %arg26[%swap3A_1523] {strides = array<i32>} : memref<32xi32, #tpu.memory_space<vmem>>, vector<16xi32>,
      tpu.vector_store %arg26[%swap3A_1523], %bitcast3A {strides = array<i32>} : memref<32xi32, #tpu.memory_space<vmem>>, vector<16xi32>,
      %swap3A_1525 = arith.constant 16 : index
      %swap3A_1526 = tpu.vector_load %arg26[%swap3A_1525] {strides = array<i32>} : memref<32xi32, #tpu.memory_space<vmem>>, vector<16xi32>,
      tpu.vector_store %arg26[%swap3A_1525], %parallel_loop3A_1520#1 {strides = array<i32>} : memref<32xi32, #tpu.memory_space<vmem>>, vector<16xi32>,
      %mul3A_1527 = arith.constant 512 : i32
      %mul3A_1528 = arith.muli %rem3A_1522, %mul3A_1527 : i32
      %mul3A_1529 = arith.constant 32 : i32
      %mul3A_1530 = arith.muli %arg1, %mul3A_1529 : i32
      %add3A_1531 = arith.addi %mul3A_1528, %mul3A_1530 : i32
      "tpu.region"() ({
        %run_scoped3A = tpu.sem_alloc : memref<!tpu.dma_semaphore, #tpu.memory_space<semaphore_mem>>
        %dma_start3A_1566 = tpu.memref_slice %arg28[%add3A_1531] : memref<1024xi32, #tpu.memory_space<vmem_shared>> -> memref<32xi32, #tpu.memory_space<vmem_shared>>
        %dma_start3A_1567 = tpu.memref_slice %arg28[%add3A_1531] : memref<1024xi32, #tpu.memory_space<vmem_shared>> -> memref<32xi32, #tpu.memory_space<vmem_shared>>
        tpu.enqueue_dma source(%arg26 : memref<32xi32, #tpu.memory_space<vmem>>) target(%dma_start3A_1567 : memref<32xi32, #tpu.memory_space<vmem_shared>>) target_semaphore(%run_scoped3A : memref<!tpu.dma_semaphore, #tpu.memory_space<semaphore_mem>>)
        %dma_wait3A_1568 = tpu.memref_slice %arg28[%add3A_1531] : memref<1024xi32, #tpu.memory_space<vmem_shared>> -> memref<32xi32, #tpu.memory_space<vmem_shared>>
        %dma_wait3A_1569 = tpu.memref_slice %arg28[%add3A_1531] : memref<1024xi32, #tpu.memory_space<vmem_shared>> -> memref<32xi32, #tpu.memory_space<vmem_shared>>
        tpu.wait_dma2 semaphore(%run_scoped3A : memref<!tpu.dma_semaphore, #tpu.memory_space<semaphore_mem>>) src(%arg26 : memref<32xi32, #tpu.memory_space<vmem>>) dst(%dma_wait3A_1569 : memref<32xi32, #tpu.memory_space<vmem_shared>>)
        tpu.yield
      }) : () -> ()
      %barrier3A = arith.constant 0 : index
      tpu.barrier barrier_id(%barrier3A)
      %mul3A_1532 = arith.constant 512 : i32
      %mul3A_1533 = arith.muli %rem3A_1522, %mul3A_1532 : i32
      %mul3A_1534 = arith.constant 32 : i32
      %mul3A_1535 = arith.muli %rem3A_8, %mul3A_1534 : i32
      %add3A_1536 = arith.addi %mul3A_1533, %mul3A_1535 : i32
      "tpu.region"() ({
        %run_scoped3A = tpu.sem_alloc : memref<!tpu.dma_semaphore, #tpu.memory_space<semaphore_mem>>
        %dma_start3A_1566 = tpu.memref_slice %arg28[%add3A_1536] : memref<1024xi32, #tpu.memory_space<vmem_shared>> -> memref<32xi32, #tpu.memory_space<vmem_shared>>
        %dma_start3A_1567 = tpu.memref_slice %arg28[%add3A_1536] : memref<1024xi32, #tpu.memory_space<vmem_shared>> -> memref<32xi32, #tpu.memory_space<vmem_shared>>
        tpu.enqueue_dma source(%dma_start3A_1567 : memref<32xi32, #tpu.memory_space<vmem_shared>>) target(%arg27 : memref<32xi32, #tpu.memory_space<vmem>>) target_semaphore(%run_scoped3A : memref<!tpu.dma_semaphore, #tpu.memory_space<semaphore_mem>>)
        %dma_wait3A_1568 = tpu.memref_slice %arg28[%add3A_1536] : memref<1024xi32, #tpu.memory_space<vmem_shared>> -> memref<32xi32, #tpu.memory_space<vmem_shared>>
        %dma_wait3A_1569 = tpu.memref_slice %arg28[%add3A_1536] : memref<1024xi32, #tpu.memory_space<vmem_shared>> -> memref<32xi32, #tpu.memory_space<vmem_shared>>
        tpu.wait_dma2 semaphore(%run_scoped3A : memref<!tpu.dma_semaphore, #tpu.memory_space<semaphore_mem>>) src(%dma_wait3A_1569 : memref<32xi32, #tpu.memory_space<vmem_shared>>) dst(%arg27 : memref<32xi32, #tpu.memory_space<vmem>>)
        tpu.yield
      }) : () -> ()
      %get3A_1537 = arith.constant 0 : index
      %get3A_1538 = tpu.vector_load %arg27[%get3A_1537] {strides = array<i32>} : memref<32xi32, #tpu.memory_space<vmem>>, vector<16xi32>,
      %bitcast3A_1539 = vector.bitcast %get3A_1538 : vector<16xi32> to vector<16xf32>
      %get3A_1540 = arith.constant 16 : index
      %get3A_1541 = tpu.vector_load %arg27[%get3A_1540] {strides = array<i32>} : memref<32xi32, #tpu.memory_space<vmem>>, vector<16xi32>,
      %gt3A = arith.cmpf ogt, %bitcast3A_1539, %parallel_loop3A_1520#0 : vector<16xf32>
      %eq3A_1542 = arith.cmpf oeq, %bitcast3A_1539, %parallel_loop3A_1520#0 : vector<16xf32>
      %lt3A_1543 = arith.cmpi slt, %get3A_1541, %parallel_loop3A_1520#1 : vector<16xi32>
      %and3A_1544 = arith.andi %eq3A_1542, %lt3A_1543 : vector<16xi1>
      %or3A = arith.ori %gt3A, %and3A_1544 : vector<16xi1>
      %select_n3A_1545 = arith.select %or3A, %bitcast3A_1539, %parallel_loop3A_1520#0 : vector<16xi1>, vector<16xf32>
      %select_n3A_1546 = arith.select %or3A, %get3A_1541, %parallel_loop3A_1520#1 : vector<16xi1>, vector<16xi32>
      %reduce_max3A = arith.constant true
      %reduce_max3A_1547 = vector.broadcast %reduce_max3A : i1 to vector<16xi1>
      %reduce_max3A_1548 = tpu.scan <max>, %select_n3A_1545 masked %reduce_max3A_1547 : vector<16xf32>, vector<16xi1> -> vector<16xf32>
      %reduce_max3A_1549 = vector.extract %reduce_max3A_1548[15] : f32 from vector<16xf32>
      %eq3A_1550 = vector.broadcast %reduce_max3A_1549 : f32 to vector<16xf32>
      %eq3A_1551 = arith.cmpf oeq, %select_n3A_1545, %eq3A_1550 : vector<16xf32>
      %select_n3A_1552 = arith.select %eq3A_1551, %select_n3A_1546, %broadcast_in_dim3A_24 : vector<16xi1>, vector<16xi32>
      %reduce_min3A = arith.constant true
      %reduce_min3A_1553 = vector.broadcast %reduce_min3A : i1 to vector<16xi1>
      %reduce_min3A_1554 = arith.constant -2147483648 : i32
      %reduce_min3A_1555 = vector.broadcast %reduce_min3A_1554 : i32 to vector<16xi32>
      %reduce_min3A_1556 = arith.xori %select_n3A_1552, %reduce_min3A_1555 : vector<16xi32>
      %reduce_min3A_1557 = tpu.scan <min>, %reduce_min3A_1556 masked %reduce_min3A_1553 : vector<16xi32>, vector<16xi1> -> vector<16xi32>
      %reduce_min3A_1558 = arith.xori %reduce_min3A_1557, %reduce_min3A_1555 : vector<16xi32>
      %reduce_min3A_1559 = vector.extract %reduce_min3A_1558[15] : i32 from vector<16xi32>
      %eq3A_1560 = arith.constant 15 : i32
      %eq3A_1561 = arith.cmpi eq, %select_n3A_1509, %eq3A_1560 : i32
      %convert_element_type3A_1562 = arith.extui %eq3A_1561 : i1 to i32
      %cond3A_1563 = arith.constant 0 : i32
      %cond3A_1564 = arith.cmpi ne, %convert_element_type3A_1562, %cond3A_1563 : i32
      scf.if %cond3A_1564 {
        %jit3A_1566 = arith.constant 16 : i32
        %div3A_1567 = arith.divsi %scan3A_1492, %jit3A_1566 : i32
        %sign3A_1568 = arith.constant 0 : i32
        %sign3A_1569 = arith.cmpi sgt, %scan3A_1492, %sign3A_1568 : i32
        %sign3A_1570 = arith.extui %sign3A_1569 : i1 to i32
        %sign3A_1571 = arith.constant 0 : i32
        %sign3A_1572 = arith.cmpi slt, %scan3A_1492, %sign3A_1571 : i32
        %sign3A_1573 = arith.extui %sign3A_1572 : i1 to i32
        %sign3A_1574 = arith.subi %sign3A_1570, %sign3A_1573 : i32
        %sign3A_1575 = arith.constant 0 : i32
        %sign3A_1576 = arith.cmpi sgt, %jit3A_1566, %sign3A_1575 : i32
        %sign3A_1577 = arith.extui %sign3A_1576 : i1 to i32
        %sign3A_1578 = arith.constant 0 : i32
        %sign3A_1579 = arith.cmpi slt, %jit3A_1566, %sign3A_1578 : i32
        %sign3A_1580 = arith.extui %sign3A_1579 : i1 to i32
        %sign3A_1581 = arith.subi %sign3A_1577, %sign3A_1580 : i32
        %ne3A_1582 = arith.cmpi ne, %sign3A_1574, %sign3A_1581 : i32
        %rem3A_1583 = arith.remsi %scan3A_1492, %jit3A_1566 : i32
        %ne3A_1584 = arith.constant 0 : i32
        %ne3A_1585 = arith.cmpi ne, %rem3A_1583, %ne3A_1584 : i32
        %and3A_1586 = arith.andi %ne3A_1582, %ne3A_1585 : i1
        %sub3A_1587 = arith.constant 1 : i32
        %sub3A_1588 = arith.subi %div3A_1567, %sub3A_1587 : i32
        %select_n3A_1589 = arith.select %and3A_1586, %sub3A_1588, %div3A_1567 : i32
        %mul3A_1590 = arith.constant 16 : i32
        %mul3A_1591 = arith.muli %select_n3A_1589, %mul3A_1590 : i32
        %swap3A_1592 = arith.index_cast %mul3A_1591 : i32 to index
        %swap3A_1593 = tpu.vector_load %arg19[%swap3A_1592] {strides = array<i32>} : memref<1024xi32, #tpu.memory_space<vmem>>, vector<16xi32>,
        tpu.vector_store %arg19[%swap3A_1592], %select_n3A_1512 {strides = array<i32>} : memref<1024xi32, #tpu.memory_space<vmem>>, vector<16xi32>,
      } else {
      }
      %broadcast_in_dim3A_1565 = vector.broadcast %reduce_min3A_1559 : i32 to vector<16xi32>
      scf.yield %broadcast_in_dim3A_1565, %select_n3A_1512 : vector<16xi32>, vector<16xi32>
    }
    %scan3A_34 = arith.constant 1024 : i32
    %eq3A_35 = arith.constant 0 : i32
    %eq3A_36 = arith.cmpi eq, %div3A_2, %eq3A_35 : i32
    %convert_element_type3A_37 = arith.extui %eq3A_36 : i1 to i32
    %cond3A_38 = arith.constant 0 : i32
    %cond3A_39 = arith.cmpi ne, %convert_element_type3A_37, %cond3A_38 : i32
    scf.if %cond3A_39 {
      %get3A_1492 = arith.constant 0 : index
      %get3A_1493 = tpu.vector_load %arg19[%get3A_1492] {strides = array<i32>} : memref<1024xi32, #tpu.memory_space<vmem>>, vector<16xi32>,
      %gather3A_1494 = tpu.vector_load_idx %arg13[%get3A_1493] : memref<4096xf32, #tpu.memory_space<vmem>>[vector<16xi32>], vector<16xf32>,
      %swap3A_1495 = arith.constant 0 : index
      %swap3A_1496 = tpu.vector_load %arg20[%swap3A_1495] {strides = array<i32>} : memref<1024xf32, #tpu.memory_space<vmem>>, vector<16xf32>,
      tpu.vector_store %arg20[%swap3A_1495], %gather3A_1494 {strides = array<i32>} : memref<1024xf32, #tpu.memory_space<vmem>>, vector<16xf32>,
      %gather3A_1497 = tpu.vector_load_idx %arg14[%get3A_1493] : memref<4096xf32, #tpu.memory_space<vmem>>[vector<16xi32>], vector<16xf32>,
      %swap3A_1498 = arith.constant 0 : index
      %swap3A_1499 = tpu.vector_load %arg21[%swap3A_1498] {strides = array<i32>} : memref<1024xf32, #tpu.memory_space<vmem>>, vector<16xf32>,
      tpu.vector_store %arg21[%swap3A_1498], %gather3A_1497 {strides = array<i32>} : memref<1024xf32, #tpu.memory_space<vmem>>, vector<16xf32>,
      %gather3A_1500 = tpu.vector_load_idx %arg15[%get3A_1493] : memref<4096xf32, #tpu.memory_space<vmem>>[vector<16xi32>], vector<16xf32>,
      %swap3A_1501 = arith.constant 0 : index
      %swap3A_1502 = tpu.vector_load %arg22[%swap3A_1501] {strides = array<i32>} : memref<1024xf32, #tpu.memory_space<vmem>>, vector<16xf32>,
      tpu.vector_store %arg22[%swap3A_1501], %gather3A_1500 {strides = array<i32>} : memref<1024xf32, #tpu.memory_space<vmem>>, vector<16xf32>,
      %gather3A_1503 = tpu.vector_load_idx %arg17[%get3A_1493] : memref<4096xf32, #tpu.memory_space<vmem>>[vector<16xi32>], vector<16xf32>,
      %swap3A_1504 = arith.constant 0 : index
      %swap3A_1505 = tpu.vector_load %arg23[%swap3A_1504] {strides = array<i32>} : memref<1024xf32, #tpu.memory_space<vmem>>, vector<16xf32>,
      tpu.vector_store %arg23[%swap3A_1504], %gather3A_1503 {strides = array<i32>} : memref<1024xf32, #tpu.memory_space<vmem>>, vector<16xf32>,
      %get3A_1506 = arith.constant 16 : index
      %get3A_1507 = tpu.vector_load %arg19[%get3A_1506] {strides = array<i32>} : memref<1024xi32, #tpu.memory_space<vmem>>, vector<16xi32>,
      %gather3A_1508 = tpu.vector_load_idx %arg13[%get3A_1507] : memref<4096xf32, #tpu.memory_space<vmem>>[vector<16xi32>], vector<16xf32>,
      %swap3A_1509 = arith.constant 16 : index
      %swap3A_1510 = tpu.vector_load %arg20[%swap3A_1509] {strides = array<i32>} : memref<1024xf32, #tpu.memory_space<vmem>>, vector<16xf32>,
      tpu.vector_store %arg20[%swap3A_1509], %gather3A_1508 {strides = array<i32>} : memref<1024xf32, #tpu.memory_space<vmem>>, vector<16xf32>,
      %gather3A_1511 = tpu.vector_load_idx %arg14[%get3A_1507] : memref<4096xf32, #tpu.memory_space<vmem>>[vector<16xi32>], vector<16xf32>,
      %swap3A_1512 = arith.constant 16 : index
      %swap3A_1513 = tpu.vector_load %arg21[%swap3A_1512] {strides = array<i32>} : memref<1024xf32, #tpu.memory_space<vmem>>, vector<16xf32>,
      tpu.vector_store %arg21[%swap3A_1512], %gather3A_1511 {strides = array<i32>} : memref<1024xf32, #tpu.memory_space<vmem>>, vector<16xf32>,
      %gather3A_1514 = tpu.vector_load_idx %arg15[%get3A_1507] : memref<4096xf32, #tpu.memory_space<vmem>>[vector<16xi32>], vector<16xf32>,
      %swap3A_1515 = arith.constant 16 : index
      %swap3A_1516 = tpu.vector_load %arg22[%swap3A_1515] {strides = array<i32>} : memref<1024xf32, #tpu.memory_space<vmem>>, vector<16xf32>,
      tpu.vector_store %arg22[%swap3A_1515], %gather3A_1514 {strides = array<i32>} : memref<1024xf32, #tpu.memory_space<vmem>>, vector<16xf32>,
      %gather3A_1517 = tpu.vector_load_idx %arg17[%get3A_1507] : memref<4096xf32, #tpu.memory_space<vmem>>[vector<16xi32>], vector<16xf32>,
      %swap3A_1518 = arith.constant 16 : index
      %swap3A_1519 = tpu.vector_load %arg23[%swap3A_1518] {strides = array<i32>} : memref<1024xf32, #tpu.memory_space<vmem>>, vector<16xf32>,
      tpu.vector_store %arg23[%swap3A_1518], %gather3A_1517 {strides = array<i32>} : memref<1024xf32, #tpu.memory_space<vmem>>, vector<16xf32>,
      %get3A_1520 = arith.constant 32 : index
      %get3A_1521 = tpu.vector_load %arg19[%get3A_1520] {strides = array<i32>} : memref<1024xi32, #tpu.memory_space<vmem>>, vector<16xi32>,
      %gather3A_1522 = tpu.vector_load_idx %arg13[%get3A_1521] : memref<4096xf32, #tpu.memory_space<vmem>>[vector<16xi32>], vector<16xf32>,
      %swap3A_1523 = arith.constant 32 : index
      %swap3A_1524 = tpu.vector_load %arg20[%swap3A_1523] {strides = array<i32>} : memref<1024xf32, #tpu.memory_space<vmem>>, vector<16xf32>,
      tpu.vector_store %arg20[%swap3A_1523], %gather3A_1522 {strides = array<i32>} : memref<1024xf32, #tpu.memory_space<vmem>>, vector<16xf32>,
      %gather3A_1525 = tpu.vector_load_idx %arg14[%get3A_1521] : memref<4096xf32, #tpu.memory_space<vmem>>[vector<16xi32>], vector<16xf32>,
      %swap3A_1526 = arith.constant 32 : index
      %swap3A_1527 = tpu.vector_load %arg21[%swap3A_1526] {strides = array<i32>} : memref<1024xf32, #tpu.memory_space<vmem>>, vector<16xf32>,
      tpu.vector_store %arg21[%swap3A_1526], %gather3A_1525 {strides = array<i32>} : memref<1024xf32, #tpu.memory_space<vmem>>, vector<16xf32>,
      %gather3A_1528 = tpu.vector_load_idx %arg15[%get3A_1521] : memref<4096xf32, #tpu.memory_space<vmem>>[vector<16xi32>], vector<16xf32>,
      %swap3A_1529 = arith.constant 32 : index
      %swap3A_1530 = tpu.vector_load %arg22[%swap3A_1529] {strides = array<i32>} : memref<1024xf32, #tpu.memory_space<vmem>>, vector<16xf32>,
      tpu.vector_store %arg22[%swap3A_1529], %gather3A_1528 {strides = array<i32>} : memref<1024xf32, #tpu.memory_space<vmem>>, vector<16xf32>,
      %gather3A_1531 = tpu.vector_load_idx %arg17[%get3A_1521] : memref<4096xf32, #tpu.memory_space<vmem>>[vector<16xi32>], vector<16xf32>,
      %swap3A_1532 = arith.constant 32 : index
      %swap3A_1533 = tpu.vector_load %arg23[%swap3A_1532] {strides = array<i32>} : memref<1024xf32, #tpu.memory_space<vmem>>, vector<16xf32>,
      tpu.vector_store %arg23[%swap3A_1532], %gather3A_1531 {strides = array<i32>} : memref<1024xf32, #tpu.memory_space<vmem>>, vector<16xf32>,
      %get3A_1534 = arith.constant 48 : index
      %get3A_1535 = tpu.vector_load %arg19[%get3A_1534] {strides = array<i32>} : memref<1024xi32, #tpu.memory_space<vmem>>, vector<16xi32>,
      %gather3A_1536 = tpu.vector_load_idx %arg13[%get3A_1535] : memref<4096xf32, #tpu.memory_space<vmem>>[vector<16xi32>], vector<16xf32>,
      %swap3A_1537 = arith.constant 48 : index
      %swap3A_1538 = tpu.vector_load %arg20[%swap3A_1537] {strides = array<i32>} : memref<1024xf32, #tpu.memory_space<vmem>>, vector<16xf32>,
      tpu.vector_store %arg20[%swap3A_1537], %gather3A_1536 {strides = array<i32>} : memref<1024xf32, #tpu.memory_space<vmem>>, vector<16xf32>,
      %gather3A_1539 = tpu.vector_load_idx %arg14[%get3A_1535] : memref<4096xf32, #tpu.memory_space<vmem>>[vector<16xi32>], vector<16xf32>,
      %swap3A_1540 = arith.constant 48 : index
      %swap3A_1541 = tpu.vector_load %arg21[%swap3A_1540] {strides = array<i32>} : memref<1024xf32, #tpu.memory_space<vmem>>, vector<16xf32>,
      tpu.vector_store %arg21[%swap3A_1540], %gather3A_1539 {strides = array<i32>} : memref<1024xf32, #tpu.memory_space<vmem>>, vector<16xf32>,
      %gather3A_1542 = tpu.vector_load_idx %arg15[%get3A_1535] : memref<4096xf32, #tpu.memory_space<vmem>>[vector<16xi32>], vector<16xf32>,
      %swap3A_1543 = arith.constant 48 : index
      %swap3A_1544 = tpu.vector_load %arg22[%swap3A_1543] {strides = array<i32>} : memref<1024xf32, #tpu.memory_space<vmem>>, vector<16xf32>,
      tpu.vector_store %arg22[%swap3A_1543], %gather3A_1542 {strides = array<i32>} : memref<1024xf32, #tpu.memory_space<vmem>>, vector<16xf32>,
      %gather3A_1545 = tpu.vector_load_idx %arg17[%get3A_1535] : memref<4096xf32, #tpu.memory_space<vmem>>[vector<16xi32>], vector<16xf32>,
      %swap3A_1546 = arith.constant 48 : index
      %swap3A_1547 = tpu.vector_load %arg23[%swap3A_1546] {strides = array<i32>} : memref<1024xf32, #tpu.memory_space<vmem>>, vector<16xf32>,
      tpu.vector_store %arg23[%swap3A_1546], %gather3A_1545 {strides = array<i32>} : memref<1024xf32, #tpu.memory_space<vmem>>, vector<16xf32>,
      %get3A_1548 = arith.constant 64 : index
      %get3A_1549 = tpu.vector_load %arg19[%get3A_1548] {strides = array<i32>} : memref<1024xi32, #tpu.memory_space<vmem>>, vector<16xi32>,
      %gather3A_1550 = tpu.vector_load_idx %arg13[%get3A_1549] : memref<4096xf32, #tpu.memory_space<vmem>>[vector<16xi32>], vector<16xf32>,
      %swap3A_1551 = arith.constant 64 : index
      %swap3A_1552 = tpu.vector_load %arg20[%swap3A_1551] {strides = array<i32>} : memref<1024xf32, #tpu.memory_space<vmem>>, vector<16xf32>,
      tpu.vector_store %arg20[%swap3A_1551], %gather3A_1550 {strides = array<i32>} : memref<1024xf32, #tpu.memory_space<vmem>>, vector<16xf32>,
      %gather3A_1553 = tpu.vector_load_idx %arg14[%get3A_1549] : memref<4096xf32, #tpu.memory_space<vmem>>[vector<16xi32>], vector<16xf32>,
      %swap3A_1554 = arith.constant 64 : index
      %swap3A_1555 = tpu.vector_load %arg21[%swap3A_1554] {strides = array<i32>} : memref<1024xf32, #tpu.memory_space<vmem>>, vector<16xf32>,
      tpu.vector_store %arg21[%swap3A_1554], %gather3A_1553 {strides = array<i32>} : memref<1024xf32, #tpu.memory_space<vmem>>, vector<16xf32>,
      %gather3A_1556 = tpu.vector_load_idx %arg15[%get3A_1549] : memref<4096xf32, #tpu.memory_space<vmem>>[vector<16xi32>], vector<16xf32>,
      %swap3A_1557 = arith.constant 64 : index
      %swap3A_1558 = tpu.vector_load %arg22[%swap3A_1557] {strides = array<i32>} : memref<1024xf32, #tpu.memory_space<vmem>>, vector<16xf32>,
      tpu.vector_store %arg22[%swap3A_1557], %gather3A_1556 {strides = array<i32>} : memref<1024xf32, #tpu.memory_space<vmem>>, vector<16xf32>,
      %gather3A_1559 = tpu.vector_load_idx %arg17[%get3A_1549] : memref<4096xf32, #tpu.memory_space<vmem>>[vector<16xi32>], vector<16xf32>,
      %swap3A_1560 = arith.constant 64 : index
      %swap3A_1561 = tpu.vector_load %arg23[%swap3A_1560] {strides = array<i32>} : memref<1024xf32, #tpu.memory_space<vmem>>, vector<16xf32>,
      tpu.vector_store %arg23[%swap3A_1560], %gather3A_1559 {strides = array<i32>} : memref<1024xf32, #tpu.memory_space<vmem>>, vector<16xf32>,
      %get3A_1562 = arith.constant 80 : index
      %get3A_1563 = tpu.vector_load %arg19[%get3A_1562] {strides = array<i32>} : memref<1024xi32, #tpu.memory_space<vmem>>, vector<16xi32>,
      %gather3A_1564 = tpu.vector_load_idx %arg13[%get3A_1563] : memref<4096xf32, #tpu.memory_space<vmem>>[vector<16xi32>], vector<16xf32>,
      %swap3A_1565 = arith.constant 80 : index
      %swap3A_1566 = tpu.vector_load %arg20[%swap3A_1565] {strides = array<i32>} : memref<1024xf32, #tpu.memory_space<vmem>>, vector<16xf32>,
      tpu.vector_store %arg20[%swap3A_1565], %gather3A_1564 {strides = array<i32>} : memref<1024xf32, #tpu.memory_space<vmem>>, vector<16xf32>,
      %gather3A_1567 = tpu.vector_load_idx %arg14[%get3A_1563] : memref<4096xf32, #tpu.memory_space<vmem>>[vector<16xi32>], vector<16xf32>,
      %swap3A_1568 = arith.constant 80 : index
      %swap3A_1569 = tpu.vector_load %arg21[%swap3A_1568] {strides = array<i32>} : memref<1024xf32, #tpu.memory_space<vmem>>, vector<16xf32>,
      tpu.vector_store %arg21[%swap3A_1568], %gather3A_1567 {strides = array<i32>} : memref<1024xf32, #tpu.memory_space<vmem>>, vector<16xf32>,
      %gather3A_1570 = tpu.vector_load_idx %arg15[%get3A_1563] : memref<4096xf32, #tpu.memory_space<vmem>>[vector<16xi32>], vector<16xf32>,
      %swap3A_1571 = arith.constant 80 : index
      %swap3A_1572 = tpu.vector_load %arg22[%swap3A_1571] {strides = array<i32>} : memref<1024xf32, #tpu.memory_space<vmem>>, vector<16xf32>,
      tpu.vector_store %arg22[%swap3A_1571], %gather3A_1570 {strides = array<i32>} : memref<1024xf32, #tpu.memory_space<vmem>>, vector<16xf32>,
      %gather3A_1573 = tpu.vector_load_idx %arg17[%get3A_1563] : memref<4096xf32, #tpu.memory_space<vmem>>[vector<16xi32>], vector<16xf32>,
      %swap3A_1574 = arith.constant 80 : index
      %swap3A_1575 = tpu.vector_load %arg23[%swap3A_1574] {strides = array<i32>} : memref<1024xf32, #tpu.memory_space<vmem>>, vector<16xf32>,
      tpu.vector_store %arg23[%swap3A_1574], %gather3A_1573 {strides = array<i32>} : memref<1024xf32, #tpu.memory_space<vmem>>, vector<16xf32>,
      %get3A_1576 = arith.constant 96 : index
      %get3A_1577 = tpu.vector_load %arg19[%get3A_1576] {strides = array<i32>} : memref<1024xi32, #tpu.memory_space<vmem>>, vector<16xi32>,
      %gather3A_1578 = tpu.vector_load_idx %arg13[%get3A_1577] : memref<4096xf32, #tpu.memory_space<vmem>>[vector<16xi32>], vector<16xf32>,
      %swap3A_1579 = arith.constant 96 : index
      %swap3A_1580 = tpu.vector_load %arg20[%swap3A_1579] {strides = array<i32>} : memref<1024xf32, #tpu.memory_space<vmem>>, vector<16xf32>,
      tpu.vector_store %arg20[%swap3A_1579], %gather3A_1578 {strides = array<i32>} : memref<1024xf32, #tpu.memory_space<vmem>>, vector<16xf32>,
      %gather3A_1581 = tpu.vector_load_idx %arg14[%get3A_1577] : memref<4096xf32, #tpu.memory_space<vmem>>[vector<16xi32>], vector<16xf32>,
      %swap3A_1582 = arith.constant 96 : index
      %swap3A_1583 = tpu.vector_load %arg21[%swap3A_1582] {strides = array<i32>} : memref<1024xf32, #tpu.memory_space<vmem>>, vector<16xf32>,
      tpu.vector_store %arg21[%swap3A_1582], %gather3A_1581 {strides = array<i32>} : memref<1024xf32, #tpu.memory_space<vmem>>, vector<16xf32>,
      %gather3A_1584 = tpu.vector_load_idx %arg15[%get3A_1577] : memref<4096xf32, #tpu.memory_space<vmem>>[vector<16xi32>], vector<16xf32>,
      %swap3A_1585 = arith.constant 96 : index
      %swap3A_1586 = tpu.vector_load %arg22[%swap3A_1585] {strides = array<i32>} : memref<1024xf32, #tpu.memory_space<vmem>>, vector<16xf32>,
      tpu.vector_store %arg22[%swap3A_1585], %gather3A_1584 {strides = array<i32>} : memref<1024xf32, #tpu.memory_space<vmem>>, vector<16xf32>,
      %gather3A_1587 = tpu.vector_load_idx %arg17[%get3A_1577] : memref<4096xf32, #tpu.memory_space<vmem>>[vector<16xi32>], vector<16xf32>,
      %swap3A_1588 = arith.constant 96 : index
      %swap3A_1589 = tpu.vector_load %arg23[%swap3A_1588] {strides = array<i32>} : memref<1024xf32, #tpu.memory_space<vmem>>, vector<16xf32>,
      tpu.vector_store %arg23[%swap3A_1588], %gather3A_1587 {strides = array<i32>} : memref<1024xf32, #tpu.memory_space<vmem>>, vector<16xf32>,
      %get3A_1590 = arith.constant 112 : index
      %get3A_1591 = tpu.vector_load %arg19[%get3A_1590] {strides = array<i32>} : memref<1024xi32, #tpu.memory_space<vmem>>, vector<16xi32>,
      %gather3A_1592 = tpu.vector_load_idx %arg13[%get3A_1591] : memref<4096xf32, #tpu.memory_space<vmem>>[vector<16xi32>], vector<16xf32>,
      %swap3A_1593 = arith.constant 112 : index
      %swap3A_1594 = tpu.vector_load %arg20[%swap3A_1593] {strides = array<i32>} : memref<1024xf32, #tpu.memory_space<vmem>>, vector<16xf32>,
      tpu.vector_store %arg20[%swap3A_1593], %gather3A_1592 {strides = array<i32>} : memref<1024xf32, #tpu.memory_space<vmem>>, vector<16xf32>,
      %gather3A_1595 = tpu.vector_load_idx %arg14[%get3A_1591] : memref<4096xf32, #tpu.memory_space<vmem>>[vector<16xi32>], vector<16xf32>,
      %swap3A_1596 = arith.constant 112 : index
      %swap3A_1597 = tpu.vector_load %arg21[%swap3A_1596] {strides = array<i32>} : memref<1024xf32, #tpu.memory_space<vmem>>, vector<16xf32>,
      tpu.vector_store %arg21[%swap3A_1596], %gather3A_1595 {strides = array<i32>} : memref<1024xf32, #tpu.memory_space<vmem>>, vector<16xf32>,
      %gather3A_1598 = tpu.vector_load_idx %arg15[%get3A_1591] : memref<4096xf32, #tpu.memory_space<vmem>>[vector<16xi32>], vector<16xf32>,
      %swap3A_1599 = arith.constant 112 : index
      %swap3A_1600 = tpu.vector_load %arg22[%swap3A_1599] {strides = array<i32>} : memref<1024xf32, #tpu.memory_space<vmem>>, vector<16xf32>,
      tpu.vector_store %arg22[%swap3A_1599], %gather3A_1598 {strides = array<i32>} : memref<1024xf32, #tpu.memory_space<vmem>>, vector<16xf32>,
      %gather3A_1601 = tpu.vector_load_idx %arg17[%get3A_1591] : memref<4096xf32, #tpu.memory_space<vmem>>[vector<16xi32>], vector<16xf32>,
      %swap3A_1602 = arith.constant 112 : index
      %swap3A_1603 = tpu.vector_load %arg23[%swap3A_1602] {strides = array<i32>} : memref<1024xf32, #tpu.memory_space<vmem>>, vector<16xf32>,
      tpu.vector_store %arg23[%swap3A_1602], %gather3A_1601 {strides = array<i32>} : memref<1024xf32, #tpu.memory_space<vmem>>, vector<16xf32>,
      %get3A_1604 = arith.constant 128 : index
      %get3A_1605 = tpu.vector_load %arg19[%get3A_1604] {strides = array<i32>} : memref<1024xi32, #tpu.memory_space<vmem>>, vector<16xi32>,
      %gather3A_1606 = tpu.vector_load_idx %arg13[%get3A_1605] : memref<4096xf32, #tpu.memory_space<vmem>>[vector<16xi32>], vector<16xf32>,
      %swap3A_1607 = arith.constant 128 : index
      %swap3A_1608 = tpu.vector_load %arg20[%swap3A_1607] {strides = array<i32>} : memref<1024xf32, #tpu.memory_space<vmem>>, vector<16xf32>,
      tpu.vector_store %arg20[%swap3A_1607], %gather3A_1606 {strides = array<i32>} : memref<1024xf32, #tpu.memory_space<vmem>>, vector<16xf32>,
      %gather3A_1609 = tpu.vector_load_idx %arg14[%get3A_1605] : memref<4096xf32, #tpu.memory_space<vmem>>[vector<16xi32>], vector<16xf32>,
      %swap3A_1610 = arith.constant 128 : index
      %swap3A_1611 = tpu.vector_load %arg21[%swap3A_1610] {strides = array<i32>} : memref<1024xf32, #tpu.memory_space<vmem>>, vector<16xf32>,
      tpu.vector_store %arg21[%swap3A_1610], %gather3A_1609 {strides = array<i32>} : memref<1024xf32, #tpu.memory_space<vmem>>, vector<16xf32>,
      %gather3A_1612 = tpu.vector_load_idx %arg15[%get3A_1605] : memref<4096xf32, #tpu.memory_space<vmem>>[vector<16xi32>], vector<16xf32>,
      %swap3A_1613 = arith.constant 128 : index
      %swap3A_1614 = tpu.vector_load %arg22[%swap3A_1613] {strides = array<i32>} : memref<1024xf32, #tpu.memory_space<vmem>>, vector<16xf32>,
      tpu.vector_store %arg22[%swap3A_1613], %gather3A_1612 {strides = array<i32>} : memref<1024xf32, #tpu.memory_space<vmem>>, vector<16xf32>,
      %gather3A_1615 = tpu.vector_load_idx %arg17[%get3A_1605] : memref<4096xf32, #tpu.memory_space<vmem>>[vector<16xi32>], vector<16xf32>,
      %swap3A_1616 = arith.constant 128 : index
      %swap3A_1617 = tpu.vector_load %arg23[%swap3A_1616] {strides = array<i32>} : memref<1024xf32, #tpu.memory_space<vmem>>, vector<16xf32>,
      tpu.vector_store %arg23[%swap3A_1616], %gather3A_1615 {strides = array<i32>} : memref<1024xf32, #tpu.memory_space<vmem>>, vector<16xf32>,
      %get3A_1618 = arith.constant 144 : index
      %get3A_1619 = tpu.vector_load %arg19[%get3A_1618] {strides = array<i32>} : memref<1024xi32, #tpu.memory_space<vmem>>, vector<16xi32>,
      %gather3A_1620 = tpu.vector_load_idx %arg13[%get3A_1619] : memref<4096xf32, #tpu.memory_space<vmem>>[vector<16xi32>], vector<16xf32>,
      %swap3A_1621 = arith.constant 144 : index
      %swap3A_1622 = tpu.vector_load %arg20[%swap3A_1621] {strides = array<i32>} : memref<1024xf32, #tpu.memory_space<vmem>>, vector<16xf32>,
      tpu.vector_store %arg20[%swap3A_1621], %gather3A_1620 {strides = array<i32>} : memref<1024xf32, #tpu.memory_space<vmem>>, vector<16xf32>,
      %gather3A_1623 = tpu.vector_load_idx %arg14[%get3A_1619] : memref<4096xf32, #tpu.memory_space<vmem>>[vector<16xi32>], vector<16xf32>,
      %swap3A_1624 = arith.constant 144 : index
      %swap3A_1625 = tpu.vector_load %arg21[%swap3A_1624] {strides = array<i32>} : memref<1024xf32, #tpu.memory_space<vmem>>, vector<16xf32>,
      tpu.vector_store %arg21[%swap3A_1624], %gather3A_1623 {strides = array<i32>} : memref<1024xf32, #tpu.memory_space<vmem>>, vector<16xf32>,
      %gather3A_1626 = tpu.vector_load_idx %arg15[%get3A_1619] : memref<4096xf32, #tpu.memory_space<vmem>>[vector<16xi32>], vector<16xf32>,
      %swap3A_1627 = arith.constant 144 : index
      %swap3A_1628 = tpu.vector_load %arg22[%swap3A_1627] {strides = array<i32>} : memref<1024xf32, #tpu.memory_space<vmem>>, vector<16xf32>,
      tpu.vector_store %arg22[%swap3A_1627], %gather3A_1626 {strides = array<i32>} : memref<1024xf32, #tpu.memory_space<vmem>>, vector<16xf32>,
      %gather3A_1629 = tpu.vector_load_idx %arg17[%get3A_1619] : memref<4096xf32, #tpu.memory_space<vmem>>[vector<16xi32>], vector<16xf32>,
      %swap3A_1630 = arith.constant 144 : index
      %swap3A_1631 = tpu.vector_load %arg23[%swap3A_1630] {strides = array<i32>} : memref<1024xf32, #tpu.memory_space<vmem>>, vector<16xf32>,
      tpu.vector_store %arg23[%swap3A_1630], %gather3A_1629 {strides = array<i32>} : memref<1024xf32, #tpu.memory_space<vmem>>, vector<16xf32>,
      %get3A_1632 = arith.constant 160 : index
      %get3A_1633 = tpu.vector_load %arg19[%get3A_1632] {strides = array<i32>} : memref<1024xi32, #tpu.memory_space<vmem>>, vector<16xi32>,
      %gather3A_1634 = tpu.vector_load_idx %arg13[%get3A_1633] : memref<4096xf32, #tpu.memory_space<vmem>>[vector<16xi32>], vector<16xf32>,
      %swap3A_1635 = arith.constant 160 : index
      %swap3A_1636 = tpu.vector_load %arg20[%swap3A_1635] {strides = array<i32>} : memref<1024xf32, #tpu.memory_space<vmem>>, vector<16xf32>,
      tpu.vector_store %arg20[%swap3A_1635], %gather3A_1634 {strides = array<i32>} : memref<1024xf32, #tpu.memory_space<vmem>>, vector<16xf32>,
      %gather3A_1637 = tpu.vector_load_idx %arg14[%get3A_1633] : memref<4096xf32, #tpu.memory_space<vmem>>[vector<16xi32>], vector<16xf32>,
      %swap3A_1638 = arith.constant 160 : index
      %swap3A_1639 = tpu.vector_load %arg21[%swap3A_1638] {strides = array<i32>} : memref<1024xf32, #tpu.memory_space<vmem>>, vector<16xf32>,
      tpu.vector_store %arg21[%swap3A_1638], %gather3A_1637 {strides = array<i32>} : memref<1024xf32, #tpu.memory_space<vmem>>, vector<16xf32>,
      %gather3A_1640 = tpu.vector_load_idx %arg15[%get3A_1633] : memref<4096xf32, #tpu.memory_space<vmem>>[vector<16xi32>], vector<16xf32>,
      %swap3A_1641 = arith.constant 160 : index
      %swap3A_1642 = tpu.vector_load %arg22[%swap3A_1641] {strides = array<i32>} : memref<1024xf32, #tpu.memory_space<vmem>>, vector<16xf32>,
      tpu.vector_store %arg22[%swap3A_1641], %gather3A_1640 {strides = array<i32>} : memref<1024xf32, #tpu.memory_space<vmem>>, vector<16xf32>,
      %gather3A_1643 = tpu.vector_load_idx %arg17[%get3A_1633] : memref<4096xf32, #tpu.memory_space<vmem>>[vector<16xi32>], vector<16xf32>,
      %swap3A_1644 = arith.constant 160 : index
      %swap3A_1645 = tpu.vector_load %arg23[%swap3A_1644] {strides = array<i32>} : memref<1024xf32, #tpu.memory_space<vmem>>, vector<16xf32>,
      tpu.vector_store %arg23[%swap3A_1644], %gather3A_1643 {strides = array<i32>} : memref<1024xf32, #tpu.memory_space<vmem>>, vector<16xf32>,
      %get3A_1646 = arith.constant 176 : index
      %get3A_1647 = tpu.vector_load %arg19[%get3A_1646] {strides = array<i32>} : memref<1024xi32, #tpu.memory_space<vmem>>, vector<16xi32>,
      %gather3A_1648 = tpu.vector_load_idx %arg13[%get3A_1647] : memref<4096xf32, #tpu.memory_space<vmem>>[vector<16xi32>], vector<16xf32>,
      %swap3A_1649 = arith.constant 176 : index
      %swap3A_1650 = tpu.vector_load %arg20[%swap3A_1649] {strides = array<i32>} : memref<1024xf32, #tpu.memory_space<vmem>>, vector<16xf32>,
      tpu.vector_store %arg20[%swap3A_1649], %gather3A_1648 {strides = array<i32>} : memref<1024xf32, #tpu.memory_space<vmem>>, vector<16xf32>,
      %gather3A_1651 = tpu.vector_load_idx %arg14[%get3A_1647] : memref<4096xf32, #tpu.memory_space<vmem>>[vector<16xi32>], vector<16xf32>,
      %swap3A_1652 = arith.constant 176 : index
      %swap3A_1653 = tpu.vector_load %arg21[%swap3A_1652] {strides = array<i32>} : memref<1024xf32, #tpu.memory_space<vmem>>, vector<16xf32>,
      tpu.vector_store %arg21[%swap3A_1652], %gather3A_1651 {strides = array<i32>} : memref<1024xf32, #tpu.memory_space<vmem>>, vector<16xf32>,
      %gather3A_1654 = tpu.vector_load_idx %arg15[%get3A_1647] : memref<4096xf32, #tpu.memory_space<vmem>>[vector<16xi32>], vector<16xf32>,
      %swap3A_1655 = arith.constant 176 : index
      %swap3A_1656 = tpu.vector_load %arg22[%swap3A_1655] {strides = array<i32>} : memref<1024xf32, #tpu.memory_space<vmem>>, vector<16xf32>,
      tpu.vector_store %arg22[%swap3A_1655], %gather3A_1654 {strides = array<i32>} : memref<1024xf32, #tpu.memory_space<vmem>>, vector<16xf32>,
      %gather3A_1657 = tpu.vector_load_idx %arg17[%get3A_1647] : memref<4096xf32, #tpu.memory_space<vmem>>[vector<16xi32>], vector<16xf32>,
      %swap3A_1658 = arith.constant 176 : index
      %swap3A_1659 = tpu.vector_load %arg23[%swap3A_1658] {strides = array<i32>} : memref<1024xf32, #tpu.memory_space<vmem>>, vector<16xf32>,
      tpu.vector_store %arg23[%swap3A_1658], %gather3A_1657 {strides = array<i32>} : memref<1024xf32, #tpu.memory_space<vmem>>, vector<16xf32>,
      %get3A_1660 = arith.constant 192 : index
      %get3A_1661 = tpu.vector_load %arg19[%get3A_1660] {strides = array<i32>} : memref<1024xi32, #tpu.memory_space<vmem>>, vector<16xi32>,
      %gather3A_1662 = tpu.vector_load_idx %arg13[%get3A_1661] : memref<4096xf32, #tpu.memory_space<vmem>>[vector<16xi32>], vector<16xf32>,
      %swap3A_1663 = arith.constant 192 : index
      %swap3A_1664 = tpu.vector_load %arg20[%swap3A_1663] {strides = array<i32>} : memref<1024xf32, #tpu.memory_space<vmem>>, vector<16xf32>,
      tpu.vector_store %arg20[%swap3A_1663], %gather3A_1662 {strides = array<i32>} : memref<1024xf32, #tpu.memory_space<vmem>>, vector<16xf32>,
      %gather3A_1665 = tpu.vector_load_idx %arg14[%get3A_1661] : memref<4096xf32, #tpu.memory_space<vmem>>[vector<16xi32>], vector<16xf32>,
      %swap3A_1666 = arith.constant 192 : index
      %swap3A_1667 = tpu.vector_load %arg21[%swap3A_1666] {strides = array<i32>} : memref<1024xf32, #tpu.memory_space<vmem>>, vector<16xf32>,
      tpu.vector_store %arg21[%swap3A_1666], %gather3A_1665 {strides = array<i32>} : memref<1024xf32, #tpu.memory_space<vmem>>, vector<16xf32>,
      %gather3A_1668 = tpu.vector_load_idx %arg15[%get3A_1661] : memref<4096xf32, #tpu.memory_space<vmem>>[vector<16xi32>], vector<16xf32>,
      %swap3A_1669 = arith.constant 192 : index
      %swap3A_1670 = tpu.vector_load %arg22[%swap3A_1669] {strides = array<i32>} : memref<1024xf32, #tpu.memory_space<vmem>>, vector<16xf32>,
      tpu.vector_store %arg22[%swap3A_1669], %gather3A_1668 {strides = array<i32>} : memref<1024xf32, #tpu.memory_space<vmem>>, vector<16xf32>,
      %gather3A_1671 = tpu.vector_load_idx %arg17[%get3A_1661] : memref<4096xf32, #tpu.memory_space<vmem>>[vector<16xi32>], vector<16xf32>,
      %swap3A_1672 = arith.constant 192 : index
      %swap3A_1673 = tpu.vector_load %arg23[%swap3A_1672] {strides = array<i32>} : memref<1024xf32, #tpu.memory_space<vmem>>, vector<16xf32>,
      tpu.vector_store %arg23[%swap3A_1672], %gather3A_1671 {strides = array<i32>} : memref<1024xf32, #tpu.memory_space<vmem>>, vector<16xf32>,
      %get3A_1674 = arith.constant 208 : index
      %get3A_1675 = tpu.vector_load %arg19[%get3A_1674] {strides = array<i32>} : memref<1024xi32, #tpu.memory_space<vmem>>, vector<16xi32>,
      %gather3A_1676 = tpu.vector_load_idx %arg13[%get3A_1675] : memref<4096xf32, #tpu.memory_space<vmem>>[vector<16xi32>], vector<16xf32>,
      %swap3A_1677 = arith.constant 208 : index
      %swap3A_1678 = tpu.vector_load %arg20[%swap3A_1677] {strides = array<i32>} : memref<1024xf32, #tpu.memory_space<vmem>>, vector<16xf32>,
      tpu.vector_store %arg20[%swap3A_1677], %gather3A_1676 {strides = array<i32>} : memref<1024xf32, #tpu.memory_space<vmem>>, vector<16xf32>,
      %gather3A_1679 = tpu.vector_load_idx %arg14[%get3A_1675] : memref<4096xf32, #tpu.memory_space<vmem>>[vector<16xi32>], vector<16xf32>,
      %swap3A_1680 = arith.constant 208 : index
      %swap3A_1681 = tpu.vector_load %arg21[%swap3A_1680] {strides = array<i32>} : memref<1024xf32, #tpu.memory_space<vmem>>, vector<16xf32>,
      tpu.vector_store %arg21[%swap3A_1680], %gather3A_1679 {strides = array<i32>} : memref<1024xf32, #tpu.memory_space<vmem>>, vector<16xf32>,
      %gather3A_1682 = tpu.vector_load_idx %arg15[%get3A_1675] : memref<4096xf32, #tpu.memory_space<vmem>>[vector<16xi32>], vector<16xf32>,
      %swap3A_1683 = arith.constant 208 : index
      %swap3A_1684 = tpu.vector_load %arg22[%swap3A_1683] {strides = array<i32>} : memref<1024xf32, #tpu.memory_space<vmem>>, vector<16xf32>,
      tpu.vector_store %arg22[%swap3A_1683], %gather3A_1682 {strides = array<i32>} : memref<1024xf32, #tpu.memory_space<vmem>>, vector<16xf32>,
      %gather3A_1685 = tpu.vector_load_idx %arg17[%get3A_1675] : memref<4096xf32, #tpu.memory_space<vmem>>[vector<16xi32>], vector<16xf32>,
      %swap3A_1686 = arith.constant 208 : index
      %swap3A_1687 = tpu.vector_load %arg23[%swap3A_1686] {strides = array<i32>} : memref<1024xf32, #tpu.memory_space<vmem>>, vector<16xf32>,
      tpu.vector_store %arg23[%swap3A_1686], %gather3A_1685 {strides = array<i32>} : memref<1024xf32, #tpu.memory_space<vmem>>, vector<16xf32>,
      %get3A_1688 = arith.constant 224 : index
      %get3A_1689 = tpu.vector_load %arg19[%get3A_1688] {strides = array<i32>} : memref<1024xi32, #tpu.memory_space<vmem>>, vector<16xi32>,
      %gather3A_1690 = tpu.vector_load_idx %arg13[%get3A_1689] : memref<4096xf32, #tpu.memory_space<vmem>>[vector<16xi32>], vector<16xf32>,
      %swap3A_1691 = arith.constant 224 : index
      %swap3A_1692 = tpu.vector_load %arg20[%swap3A_1691] {strides = array<i32>} : memref<1024xf32, #tpu.memory_space<vmem>>, vector<16xf32>,
      tpu.vector_store %arg20[%swap3A_1691], %gather3A_1690 {strides = array<i32>} : memref<1024xf32, #tpu.memory_space<vmem>>, vector<16xf32>,
      %gather3A_1693 = tpu.vector_load_idx %arg14[%get3A_1689] : memref<4096xf32, #tpu.memory_space<vmem>>[vector<16xi32>], vector<16xf32>,
      %swap3A_1694 = arith.constant 224 : index
      %swap3A_1695 = tpu.vector_load %arg21[%swap3A_1694] {strides = array<i32>} : memref<1024xf32, #tpu.memory_space<vmem>>, vector<16xf32>,
      tpu.vector_store %arg21[%swap3A_1694], %gather3A_1693 {strides = array<i32>} : memref<1024xf32, #tpu.memory_space<vmem>>, vector<16xf32>,
      %gather3A_1696 = tpu.vector_load_idx %arg15[%get3A_1689] : memref<4096xf32, #tpu.memory_space<vmem>>[vector<16xi32>], vector<16xf32>,
      %swap3A_1697 = arith.constant 224 : index
      %swap3A_1698 = tpu.vector_load %arg22[%swap3A_1697] {strides = array<i32>} : memref<1024xf32, #tpu.memory_space<vmem>>, vector<16xf32>,
      tpu.vector_store %arg22[%swap3A_1697], %gather3A_1696 {strides = array<i32>} : memref<1024xf32, #tpu.memory_space<vmem>>, vector<16xf32>,
      %gather3A_1699 = tpu.vector_load_idx %arg17[%get3A_1689] : memref<4096xf32, #tpu.memory_space<vmem>>[vector<16xi32>], vector<16xf32>,
      %swap3A_1700 = arith.constant 224 : index
      %swap3A_1701 = tpu.vector_load %arg23[%swap3A_1700] {strides = array<i32>} : memref<1024xf32, #tpu.memory_space<vmem>>, vector<16xf32>,
      tpu.vector_store %arg23[%swap3A_1700], %gather3A_1699 {strides = array<i32>} : memref<1024xf32, #tpu.memory_space<vmem>>, vector<16xf32>,
      %get3A_1702 = arith.constant 240 : index
      %get3A_1703 = tpu.vector_load %arg19[%get3A_1702] {strides = array<i32>} : memref<1024xi32, #tpu.memory_space<vmem>>, vector<16xi32>,
      %gather3A_1704 = tpu.vector_load_idx %arg13[%get3A_1703] : memref<4096xf32, #tpu.memory_space<vmem>>[vector<16xi32>], vector<16xf32>,
      %swap3A_1705 = arith.constant 240 : index
      %swap3A_1706 = tpu.vector_load %arg20[%swap3A_1705] {strides = array<i32>} : memref<1024xf32, #tpu.memory_space<vmem>>, vector<16xf32>,
      tpu.vector_store %arg20[%swap3A_1705], %gather3A_1704 {strides = array<i32>} : memref<1024xf32, #tpu.memory_space<vmem>>, vector<16xf32>,
      %gather3A_1707 = tpu.vector_load_idx %arg14[%get3A_1703] : memref<4096xf32, #tpu.memory_space<vmem>>[vector<16xi32>], vector<16xf32>,
      %swap3A_1708 = arith.constant 240 : index
      %swap3A_1709 = tpu.vector_load %arg21[%swap3A_1708] {strides = array<i32>} : memref<1024xf32, #tpu.memory_space<vmem>>, vector<16xf32>,
      tpu.vector_store %arg21[%swap3A_1708], %gather3A_1707 {strides = array<i32>} : memref<1024xf32, #tpu.memory_space<vmem>>, vector<16xf32>,
      %gather3A_1710 = tpu.vector_load_idx %arg15[%get3A_1703] : memref<4096xf32, #tpu.memory_space<vmem>>[vector<16xi32>], vector<16xf32>,
      %swap3A_1711 = arith.constant 240 : index
      %swap3A_1712 = tpu.vector_load %arg22[%swap3A_1711] {strides = array<i32>} : memref<1024xf32, #tpu.memory_space<vmem>>, vector<16xf32>,
      tpu.vector_store %arg22[%swap3A_1711], %gather3A_1710 {strides = array<i32>} : memref<1024xf32, #tpu.memory_space<vmem>>, vector<16xf32>,
      %gather3A_1713 = tpu.vector_load_idx %arg17[%get3A_1703] : memref<4096xf32, #tpu.memory_space<vmem>>[vector<16xi32>], vector<16xf32>,
      %swap3A_1714 = arith.constant 240 : index
      %swap3A_1715 = tpu.vector_load %arg23[%swap3A_1714] {strides = array<i32>} : memref<1024xf32, #tpu.memory_space<vmem>>, vector<16xf32>,
      tpu.vector_store %arg23[%swap3A_1714], %gather3A_1713 {strides = array<i32>} : memref<1024xf32, #tpu.memory_space<vmem>>, vector<16xf32>,
      %get3A_1716 = arith.constant 256 : index
      %get3A_1717 = tpu.vector_load %arg19[%get3A_1716] {strides = array<i32>} : memref<1024xi32, #tpu.memory_space<vmem>>, vector<16xi32>,
      %gather3A_1718 = tpu.vector_load_idx %arg13[%get3A_1717] : memref<4096xf32, #tpu.memory_space<vmem>>[vector<16xi32>], vector<16xf32>,
      %swap3A_1719 = arith.constant 256 : index
      %swap3A_1720 = tpu.vector_load %arg20[%swap3A_1719] {strides = array<i32>} : memref<1024xf32, #tpu.memory_space<vmem>>, vector<16xf32>,
      tpu.vector_store %arg20[%swap3A_1719], %gather3A_1718 {strides = array<i32>} : memref<1024xf32, #tpu.memory_space<vmem>>, vector<16xf32>,
      %gather3A_1721 = tpu.vector_load_idx %arg14[%get3A_1717] : memref<4096xf32, #tpu.memory_space<vmem>>[vector<16xi32>], vector<16xf32>,
      %swap3A_1722 = arith.constant 256 : index
      %swap3A_1723 = tpu.vector_load %arg21[%swap3A_1722] {strides = array<i32>} : memref<1024xf32, #tpu.memory_space<vmem>>, vector<16xf32>,
      tpu.vector_store %arg21[%swap3A_1722], %gather3A_1721 {strides = array<i32>} : memref<1024xf32, #tpu.memory_space<vmem>>, vector<16xf32>,
      %gather3A_1724 = tpu.vector_load_idx %arg15[%get3A_1717] : memref<4096xf32, #tpu.memory_space<vmem>>[vector<16xi32>], vector<16xf32>,
      %swap3A_1725 = arith.constant 256 : index
      %swap3A_1726 = tpu.vector_load %arg22[%swap3A_1725] {strides = array<i32>} : memref<1024xf32, #tpu.memory_space<vmem>>, vector<16xf32>,
      tpu.vector_store %arg22[%swap3A_1725], %gather3A_1724 {strides = array<i32>} : memref<1024xf32, #tpu.memory_space<vmem>>, vector<16xf32>,
      %gather3A_1727 = tpu.vector_load_idx %arg17[%get3A_1717] : memref<4096xf32, #tpu.memory_space<vmem>>[vector<16xi32>], vector<16xf32>,
      %swap3A_1728 = arith.constant 256 : index
      %swap3A_1729 = tpu.vector_load %arg23[%swap3A_1728] {strides = array<i32>} : memref<1024xf32, #tpu.memory_space<vmem>>, vector<16xf32>,
      tpu.vector_store %arg23[%swap3A_1728], %gather3A_1727 {strides = array<i32>} : memref<1024xf32, #tpu.memory_space<vmem>>, vector<16xf32>,
      %get3A_1730 = arith.constant 272 : index
      %get3A_1731 = tpu.vector_load %arg19[%get3A_1730] {strides = array<i32>} : memref<1024xi32, #tpu.memory_space<vmem>>, vector<16xi32>,
      %gather3A_1732 = tpu.vector_load_idx %arg13[%get3A_1731] : memref<4096xf32, #tpu.memory_space<vmem>>[vector<16xi32>], vector<16xf32>,
      %swap3A_1733 = arith.constant 272 : index
      %swap3A_1734 = tpu.vector_load %arg20[%swap3A_1733] {strides = array<i32>} : memref<1024xf32, #tpu.memory_space<vmem>>, vector<16xf32>,
      tpu.vector_store %arg20[%swap3A_1733], %gather3A_1732 {strides = array<i32>} : memref<1024xf32, #tpu.memory_space<vmem>>, vector<16xf32>,
      %gather3A_1735 = tpu.vector_load_idx %arg14[%get3A_1731] : memref<4096xf32, #tpu.memory_space<vmem>>[vector<16xi32>], vector<16xf32>,
      %swap3A_1736 = arith.constant 272 : index
      %swap3A_1737 = tpu.vector_load %arg21[%swap3A_1736] {strides = array<i32>} : memref<1024xf32, #tpu.memory_space<vmem>>, vector<16xf32>,
      tpu.vector_store %arg21[%swap3A_1736], %gather3A_1735 {strides = array<i32>} : memref<1024xf32, #tpu.memory_space<vmem>>, vector<16xf32>,
      %gather3A_1738 = tpu.vector_load_idx %arg15[%get3A_1731] : memref<4096xf32, #tpu.memory_space<vmem>>[vector<16xi32>], vector<16xf32>,
      %swap3A_1739 = arith.constant 272 : index
      %swap3A_1740 = tpu.vector_load %arg22[%swap3A_1739] {strides = array<i32>} : memref<1024xf32, #tpu.memory_space<vmem>>, vector<16xf32>,
      tpu.vector_store %arg22[%swap3A_1739], %gather3A_1738 {strides = array<i32>} : memref<1024xf32, #tpu.memory_space<vmem>>, vector<16xf32>,
      %gather3A_1741 = tpu.vector_load_idx %arg17[%get3A_1731] : memref<4096xf32, #tpu.memory_space<vmem>>[vector<16xi32>], vector<16xf32>,
      %swap3A_1742 = arith.constant 272 : index
      %swap3A_1743 = tpu.vector_load %arg23[%swap3A_1742] {strides = array<i32>} : memref<1024xf32, #tpu.memory_space<vmem>>, vector<16xf32>,
      tpu.vector_store %arg23[%swap3A_1742], %gather3A_1741 {strides = array<i32>} : memref<1024xf32, #tpu.memory_space<vmem>>, vector<16xf32>,
      %get3A_1744 = arith.constant 288 : index
      %get3A_1745 = tpu.vector_load %arg19[%get3A_1744] {strides = array<i32>} : memref<1024xi32, #tpu.memory_space<vmem>>, vector<16xi32>,
      %gather3A_1746 = tpu.vector_load_idx %arg13[%get3A_1745] : memref<4096xf32, #tpu.memory_space<vmem>>[vector<16xi32>], vector<16xf32>,
      %swap3A_1747 = arith.constant 288 : index
      %swap3A_1748 = tpu.vector_load %arg20[%swap3A_1747] {strides = array<i32>} : memref<1024xf32, #tpu.memory_space<vmem>>, vector<16xf32>,
      tpu.vector_store %arg20[%swap3A_1747], %gather3A_1746 {strides = array<i32>} : memref<1024xf32, #tpu.memory_space<vmem>>, vector<16xf32>,
      %gather3A_1749 = tpu.vector_load_idx %arg14[%get3A_1745] : memref<4096xf32, #tpu.memory_space<vmem>>[vector<16xi32>], vector<16xf32>,
      %swap3A_1750 = arith.constant 288 : index
      %swap3A_1751 = tpu.vector_load %arg21[%swap3A_1750] {strides = array<i32>} : memref<1024xf32, #tpu.memory_space<vmem>>, vector<16xf32>,
      tpu.vector_store %arg21[%swap3A_1750], %gather3A_1749 {strides = array<i32>} : memref<1024xf32, #tpu.memory_space<vmem>>, vector<16xf32>,
      %gather3A_1752 = tpu.vector_load_idx %arg15[%get3A_1745] : memref<4096xf32, #tpu.memory_space<vmem>>[vector<16xi32>], vector<16xf32>,
      %swap3A_1753 = arith.constant 288 : index
      %swap3A_1754 = tpu.vector_load %arg22[%swap3A_1753] {strides = array<i32>} : memref<1024xf32, #tpu.memory_space<vmem>>, vector<16xf32>,
      tpu.vector_store %arg22[%swap3A_1753], %gather3A_1752 {strides = array<i32>} : memref<1024xf32, #tpu.memory_space<vmem>>, vector<16xf32>,
      %gather3A_1755 = tpu.vector_load_idx %arg17[%get3A_1745] : memref<4096xf32, #tpu.memory_space<vmem>>[vector<16xi32>], vector<16xf32>,
      %swap3A_1756 = arith.constant 288 : index
      %swap3A_1757 = tpu.vector_load %arg23[%swap3A_1756] {strides = array<i32>} : memref<1024xf32, #tpu.memory_space<vmem>>, vector<16xf32>,
      tpu.vector_store %arg23[%swap3A_1756], %gather3A_1755 {strides = array<i32>} : memref<1024xf32, #tpu.memory_space<vmem>>, vector<16xf32>,
      %get3A_1758 = arith.constant 304 : index
      %get3A_1759 = tpu.vector_load %arg19[%get3A_1758] {strides = array<i32>} : memref<1024xi32, #tpu.memory_space<vmem>>, vector<16xi32>,
      %gather3A_1760 = tpu.vector_load_idx %arg13[%get3A_1759] : memref<4096xf32, #tpu.memory_space<vmem>>[vector<16xi32>], vector<16xf32>,
      %swap3A_1761 = arith.constant 304 : index
      %swap3A_1762 = tpu.vector_load %arg20[%swap3A_1761] {strides = array<i32>} : memref<1024xf32, #tpu.memory_space<vmem>>, vector<16xf32>,
      tpu.vector_store %arg20[%swap3A_1761], %gather3A_1760 {strides = array<i32>} : memref<1024xf32, #tpu.memory_space<vmem>>, vector<16xf32>,
      %gather3A_1763 = tpu.vector_load_idx %arg14[%get3A_1759] : memref<4096xf32, #tpu.memory_space<vmem>>[vector<16xi32>], vector<16xf32>,
      %swap3A_1764 = arith.constant 304 : index
      %swap3A_1765 = tpu.vector_load %arg21[%swap3A_1764] {strides = array<i32>} : memref<1024xf32, #tpu.memory_space<vmem>>, vector<16xf32>,
      tpu.vector_store %arg21[%swap3A_1764], %gather3A_1763 {strides = array<i32>} : memref<1024xf32, #tpu.memory_space<vmem>>, vector<16xf32>,
      %gather3A_1766 = tpu.vector_load_idx %arg15[%get3A_1759] : memref<4096xf32, #tpu.memory_space<vmem>>[vector<16xi32>], vector<16xf32>,
      %swap3A_1767 = arith.constant 304 : index
      %swap3A_1768 = tpu.vector_load %arg22[%swap3A_1767] {strides = array<i32>} : memref<1024xf32, #tpu.memory_space<vmem>>, vector<16xf32>,
      tpu.vector_store %arg22[%swap3A_1767], %gather3A_1766 {strides = array<i32>} : memref<1024xf32, #tpu.memory_space<vmem>>, vector<16xf32>,
      %gather3A_1769 = tpu.vector_load_idx %arg17[%get3A_1759] : memref<4096xf32, #tpu.memory_space<vmem>>[vector<16xi32>], vector<16xf32>,
      %swap3A_1770 = arith.constant 304 : index
      %swap3A_1771 = tpu.vector_load %arg23[%swap3A_1770] {strides = array<i32>} : memref<1024xf32, #tpu.memory_space<vmem>>, vector<16xf32>,
      tpu.vector_store %arg23[%swap3A_1770], %gather3A_1769 {strides = array<i32>} : memref<1024xf32, #tpu.memory_space<vmem>>, vector<16xf32>,
      %get3A_1772 = arith.constant 320 : index
      %get3A_1773 = tpu.vector_load %arg19[%get3A_1772] {strides = array<i32>} : memref<1024xi32, #tpu.memory_space<vmem>>, vector<16xi32>,
      %gather3A_1774 = tpu.vector_load_idx %arg13[%get3A_1773] : memref<4096xf32, #tpu.memory_space<vmem>>[vector<16xi32>], vector<16xf32>,
      %swap3A_1775 = arith.constant 320 : index
      %swap3A_1776 = tpu.vector_load %arg20[%swap3A_1775] {strides = array<i32>} : memref<1024xf32, #tpu.memory_space<vmem>>, vector<16xf32>,
      tpu.vector_store %arg20[%swap3A_1775], %gather3A_1774 {strides = array<i32>} : memref<1024xf32, #tpu.memory_space<vmem>>, vector<16xf32>,
      %gather3A_1777 = tpu.vector_load_idx %arg14[%get3A_1773] : memref<4096xf32, #tpu.memory_space<vmem>>[vector<16xi32>], vector<16xf32>,
      %swap3A_1778 = arith.constant 320 : index
      %swap3A_1779 = tpu.vector_load %arg21[%swap3A_1778] {strides = array<i32>} : memref<1024xf32, #tpu.memory_space<vmem>>, vector<16xf32>,
      tpu.vector_store %arg21[%swap3A_1778], %gather3A_1777 {strides = array<i32>} : memref<1024xf32, #tpu.memory_space<vmem>>, vector<16xf32>,
      %gather3A_1780 = tpu.vector_load_idx %arg15[%get3A_1773] : memref<4096xf32, #tpu.memory_space<vmem>>[vector<16xi32>], vector<16xf32>,
      %swap3A_1781 = arith.constant 320 : index
      %swap3A_1782 = tpu.vector_load %arg22[%swap3A_1781] {strides = array<i32>} : memref<1024xf32, #tpu.memory_space<vmem>>, vector<16xf32>,
      tpu.vector_store %arg22[%swap3A_1781], %gather3A_1780 {strides = array<i32>} : memref<1024xf32, #tpu.memory_space<vmem>>, vector<16xf32>,
      %gather3A_1783 = tpu.vector_load_idx %arg17[%get3A_1773] : memref<4096xf32, #tpu.memory_space<vmem>>[vector<16xi32>], vector<16xf32>,
      %swap3A_1784 = arith.constant 320 : index
      %swap3A_1785 = tpu.vector_load %arg23[%swap3A_1784] {strides = array<i32>} : memref<1024xf32, #tpu.memory_space<vmem>>, vector<16xf32>,
      tpu.vector_store %arg23[%swap3A_1784], %gather3A_1783 {strides = array<i32>} : memref<1024xf32, #tpu.memory_space<vmem>>, vector<16xf32>,
      %get3A_1786 = arith.constant 336 : index
      %get3A_1787 = tpu.vector_load %arg19[%get3A_1786] {strides = array<i32>} : memref<1024xi32, #tpu.memory_space<vmem>>, vector<16xi32>,
      %gather3A_1788 = tpu.vector_load_idx %arg13[%get3A_1787] : memref<4096xf32, #tpu.memory_space<vmem>>[vector<16xi32>], vector<16xf32>,
      %swap3A_1789 = arith.constant 336 : index
      %swap3A_1790 = tpu.vector_load %arg20[%swap3A_1789] {strides = array<i32>} : memref<1024xf32, #tpu.memory_space<vmem>>, vector<16xf32>,
      tpu.vector_store %arg20[%swap3A_1789], %gather3A_1788 {strides = array<i32>} : memref<1024xf32, #tpu.memory_space<vmem>>, vector<16xf32>,
      %gather3A_1791 = tpu.vector_load_idx %arg14[%get3A_1787] : memref<4096xf32, #tpu.memory_space<vmem>>[vector<16xi32>], vector<16xf32>,
      %swap3A_1792 = arith.constant 336 : index
      %swap3A_1793 = tpu.vector_load %arg21[%swap3A_1792] {strides = array<i32>} : memref<1024xf32, #tpu.memory_space<vmem>>, vector<16xf32>,
      tpu.vector_store %arg21[%swap3A_1792], %gather3A_1791 {strides = array<i32>} : memref<1024xf32, #tpu.memory_space<vmem>>, vector<16xf32>,
      %gather3A_1794 = tpu.vector_load_idx %arg15[%get3A_1787] : memref<4096xf32, #tpu.memory_space<vmem>>[vector<16xi32>], vector<16xf32>,
      %swap3A_1795 = arith.constant 336 : index
      %swap3A_1796 = tpu.vector_load %arg22[%swap3A_1795] {strides = array<i32>} : memref<1024xf32, #tpu.memory_space<vmem>>, vector<16xf32>,
      tpu.vector_store %arg22[%swap3A_1795], %gather3A_1794 {strides = array<i32>} : memref<1024xf32, #tpu.memory_space<vmem>>, vector<16xf32>,
      %gather3A_1797 = tpu.vector_load_idx %arg17[%get3A_1787] : memref<4096xf32, #tpu.memory_space<vmem>>[vector<16xi32>], vector<16xf32>,
      %swap3A_1798 = arith.constant 336 : index
      %swap3A_1799 = tpu.vector_load %arg23[%swap3A_1798] {strides = array<i32>} : memref<1024xf32, #tpu.memory_space<vmem>>, vector<16xf32>,
      tpu.vector_store %arg23[%swap3A_1798], %gather3A_1797 {strides = array<i32>} : memref<1024xf32, #tpu.memory_space<vmem>>, vector<16xf32>,
      %get3A_1800 = arith.constant 352 : index
      %get3A_1801 = tpu.vector_load %arg19[%get3A_1800] {strides = array<i32>} : memref<1024xi32, #tpu.memory_space<vmem>>, vector<16xi32>,
      %gather3A_1802 = tpu.vector_load_idx %arg13[%get3A_1801] : memref<4096xf32, #tpu.memory_space<vmem>>[vector<16xi32>], vector<16xf32>,
      %swap3A_1803 = arith.constant 352 : index
      %swap3A_1804 = tpu.vector_load %arg20[%swap3A_1803] {strides = array<i32>} : memref<1024xf32, #tpu.memory_space<vmem>>, vector<16xf32>,
      tpu.vector_store %arg20[%swap3A_1803], %gather3A_1802 {strides = array<i32>} : memref<1024xf32, #tpu.memory_space<vmem>>, vector<16xf32>,
      %gather3A_1805 = tpu.vector_load_idx %arg14[%get3A_1801] : memref<4096xf32, #tpu.memory_space<vmem>>[vector<16xi32>], vector<16xf32>,
      %swap3A_1806 = arith.constant 352 : index
      %swap3A_1807 = tpu.vector_load %arg21[%swap3A_1806] {strides = array<i32>} : memref<1024xf32, #tpu.memory_space<vmem>>, vector<16xf32>,
      tpu.vector_store %arg21[%swap3A_1806], %gather3A_1805 {strides = array<i32>} : memref<1024xf32, #tpu.memory_space<vmem>>, vector<16xf32>,
      %gather3A_1808 = tpu.vector_load_idx %arg15[%get3A_1801] : memref<4096xf32, #tpu.memory_space<vmem>>[vector<16xi32>], vector<16xf32>,
      %swap3A_1809 = arith.constant 352 : index
      %swap3A_1810 = tpu.vector_load %arg22[%swap3A_1809] {strides = array<i32>} : memref<1024xf32, #tpu.memory_space<vmem>>, vector<16xf32>,
      tpu.vector_store %arg22[%swap3A_1809], %gather3A_1808 {strides = array<i32>} : memref<1024xf32, #tpu.memory_space<vmem>>, vector<16xf32>,
      %gather3A_1811 = tpu.vector_load_idx %arg17[%get3A_1801] : memref<4096xf32, #tpu.memory_space<vmem>>[vector<16xi32>], vector<16xf32>,
      %swap3A_1812 = arith.constant 352 : index
      %swap3A_1813 = tpu.vector_load %arg23[%swap3A_1812] {strides = array<i32>} : memref<1024xf32, #tpu.memory_space<vmem>>, vector<16xf32>,
      tpu.vector_store %arg23[%swap3A_1812], %gather3A_1811 {strides = array<i32>} : memref<1024xf32, #tpu.memory_space<vmem>>, vector<16xf32>,
      %get3A_1814 = arith.constant 368 : index
      %get3A_1815 = tpu.vector_load %arg19[%get3A_1814] {strides = array<i32>} : memref<1024xi32, #tpu.memory_space<vmem>>, vector<16xi32>,
      %gather3A_1816 = tpu.vector_load_idx %arg13[%get3A_1815] : memref<4096xf32, #tpu.memory_space<vmem>>[vector<16xi32>], vector<16xf32>,
      %swap3A_1817 = arith.constant 368 : index
      %swap3A_1818 = tpu.vector_load %arg20[%swap3A_1817] {strides = array<i32>} : memref<1024xf32, #tpu.memory_space<vmem>>, vector<16xf32>,
      tpu.vector_store %arg20[%swap3A_1817], %gather3A_1816 {strides = array<i32>} : memref<1024xf32, #tpu.memory_space<vmem>>, vector<16xf32>,
      %gather3A_1819 = tpu.vector_load_idx %arg14[%get3A_1815] : memref<4096xf32, #tpu.memory_space<vmem>>[vector<16xi32>], vector<16xf32>,
      %swap3A_1820 = arith.constant 368 : index
      %swap3A_1821 = tpu.vector_load %arg21[%swap3A_1820] {strides = array<i32>} : memref<1024xf32, #tpu.memory_space<vmem>>, vector<16xf32>,
      tpu.vector_store %arg21[%swap3A_1820], %gather3A_1819 {strides = array<i32>} : memref<1024xf32, #tpu.memory_space<vmem>>, vector<16xf32>,
      %gather3A_1822 = tpu.vector_load_idx %arg15[%get3A_1815] : memref<4096xf32, #tpu.memory_space<vmem>>[vector<16xi32>], vector<16xf32>,
      %swap3A_1823 = arith.constant 368 : index
      %swap3A_1824 = tpu.vector_load %arg22[%swap3A_1823] {strides = array<i32>} : memref<1024xf32, #tpu.memory_space<vmem>>, vector<16xf32>,
      tpu.vector_store %arg22[%swap3A_1823], %gather3A_1822 {strides = array<i32>} : memref<1024xf32, #tpu.memory_space<vmem>>, vector<16xf32>,
      %gather3A_1825 = tpu.vector_load_idx %arg17[%get3A_1815] : memref<4096xf32, #tpu.memory_space<vmem>>[vector<16xi32>], vector<16xf32>,
      %swap3A_1826 = arith.constant 368 : index
      %swap3A_1827 = tpu.vector_load %arg23[%swap3A_1826] {strides = array<i32>} : memref<1024xf32, #tpu.memory_space<vmem>>, vector<16xf32>,
      tpu.vector_store %arg23[%swap3A_1826], %gather3A_1825 {strides = array<i32>} : memref<1024xf32, #tpu.memory_space<vmem>>, vector<16xf32>,
      %get3A_1828 = arith.constant 384 : index
      %get3A_1829 = tpu.vector_load %arg19[%get3A_1828] {strides = array<i32>} : memref<1024xi32, #tpu.memory_space<vmem>>, vector<16xi32>,
      %gather3A_1830 = tpu.vector_load_idx %arg13[%get3A_1829] : memref<4096xf32, #tpu.memory_space<vmem>>[vector<16xi32>], vector<16xf32>,
      %swap3A_1831 = arith.constant 384 : index
      %swap3A_1832 = tpu.vector_load %arg20[%swap3A_1831] {strides = array<i32>} : memref<1024xf32, #tpu.memory_space<vmem>>, vector<16xf32>,
      tpu.vector_store %arg20[%swap3A_1831], %gather3A_1830 {strides = array<i32>} : memref<1024xf32, #tpu.memory_space<vmem>>, vector<16xf32>,
      %gather3A_1833 = tpu.vector_load_idx %arg14[%get3A_1829] : memref<4096xf32, #tpu.memory_space<vmem>>[vector<16xi32>], vector<16xf32>,
      %swap3A_1834 = arith.constant 384 : index
      %swap3A_1835 = tpu.vector_load %arg21[%swap3A_1834] {strides = array<i32>} : memref<1024xf32, #tpu.memory_space<vmem>>, vector<16xf32>,
      tpu.vector_store %arg21[%swap3A_1834], %gather3A_1833 {strides = array<i32>} : memref<1024xf32, #tpu.memory_space<vmem>>, vector<16xf32>,
      %gather3A_1836 = tpu.vector_load_idx %arg15[%get3A_1829] : memref<4096xf32, #tpu.memory_space<vmem>>[vector<16xi32>], vector<16xf32>,
      %swap3A_1837 = arith.constant 384 : index
      %swap3A_1838 = tpu.vector_load %arg22[%swap3A_1837] {strides = array<i32>} : memref<1024xf32, #tpu.memory_space<vmem>>, vector<16xf32>,
      tpu.vector_store %arg22[%swap3A_1837], %gather3A_1836 {strides = array<i32>} : memref<1024xf32, #tpu.memory_space<vmem>>, vector<16xf32>,
      %gather3A_1839 = tpu.vector_load_idx %arg17[%get3A_1829] : memref<4096xf32, #tpu.memory_space<vmem>>[vector<16xi32>], vector<16xf32>,
      %swap3A_1840 = arith.constant 384 : index
      %swap3A_1841 = tpu.vector_load %arg23[%swap3A_1840] {strides = array<i32>} : memref<1024xf32, #tpu.memory_space<vmem>>, vector<16xf32>,
      tpu.vector_store %arg23[%swap3A_1840], %gather3A_1839 {strides = array<i32>} : memref<1024xf32, #tpu.memory_space<vmem>>, vector<16xf32>,
      %get3A_1842 = arith.constant 400 : index
      %get3A_1843 = tpu.vector_load %arg19[%get3A_1842] {strides = array<i32>} : memref<1024xi32, #tpu.memory_space<vmem>>, vector<16xi32>,
      %gather3A_1844 = tpu.vector_load_idx %arg13[%get3A_1843] : memref<4096xf32, #tpu.memory_space<vmem>>[vector<16xi32>], vector<16xf32>,
      %swap3A_1845 = arith.constant 400 : index
      %swap3A_1846 = tpu.vector_load %arg20[%swap3A_1845] {strides = array<i32>} : memref<1024xf32, #tpu.memory_space<vmem>>, vector<16xf32>,
      tpu.vector_store %arg20[%swap3A_1845], %gather3A_1844 {strides = array<i32>} : memref<1024xf32, #tpu.memory_space<vmem>>, vector<16xf32>,
      %gather3A_1847 = tpu.vector_load_idx %arg14[%get3A_1843] : memref<4096xf32, #tpu.memory_space<vmem>>[vector<16xi32>], vector<16xf32>,
      %swap3A_1848 = arith.constant 400 : index
      %swap3A_1849 = tpu.vector_load %arg21[%swap3A_1848] {strides = array<i32>} : memref<1024xf32, #tpu.memory_space<vmem>>, vector<16xf32>,
      tpu.vector_store %arg21[%swap3A_1848], %gather3A_1847 {strides = array<i32>} : memref<1024xf32, #tpu.memory_space<vmem>>, vector<16xf32>,
      %gather3A_1850 = tpu.vector_load_idx %arg15[%get3A_1843] : memref<4096xf32, #tpu.memory_space<vmem>>[vector<16xi32>], vector<16xf32>,
      %swap3A_1851 = arith.constant 400 : index
      %swap3A_1852 = tpu.vector_load %arg22[%swap3A_1851] {strides = array<i32>} : memref<1024xf32, #tpu.memory_space<vmem>>, vector<16xf32>,
      tpu.vector_store %arg22[%swap3A_1851], %gather3A_1850 {strides = array<i32>} : memref<1024xf32, #tpu.memory_space<vmem>>, vector<16xf32>,
      %gather3A_1853 = tpu.vector_load_idx %arg17[%get3A_1843] : memref<4096xf32, #tpu.memory_space<vmem>>[vector<16xi32>], vector<16xf32>,
      %swap3A_1854 = arith.constant 400 : index
      %swap3A_1855 = tpu.vector_load %arg23[%swap3A_1854] {strides = array<i32>} : memref<1024xf32, #tpu.memory_space<vmem>>, vector<16xf32>,
      tpu.vector_store %arg23[%swap3A_1854], %gather3A_1853 {strides = array<i32>} : memref<1024xf32, #tpu.memory_space<vmem>>, vector<16xf32>,
      %get3A_1856 = arith.constant 416 : index
      %get3A_1857 = tpu.vector_load %arg19[%get3A_1856] {strides = array<i32>} : memref<1024xi32, #tpu.memory_space<vmem>>, vector<16xi32>,
      %gather3A_1858 = tpu.vector_load_idx %arg13[%get3A_1857] : memref<4096xf32, #tpu.memory_space<vmem>>[vector<16xi32>], vector<16xf32>,
      %swap3A_1859 = arith.constant 416 : index
      %swap3A_1860 = tpu.vector_load %arg20[%swap3A_1859] {strides = array<i32>} : memref<1024xf32, #tpu.memory_space<vmem>>, vector<16xf32>,
      tpu.vector_store %arg20[%swap3A_1859], %gather3A_1858 {strides = array<i32>} : memref<1024xf32, #tpu.memory_space<vmem>>, vector<16xf32>,
      %gather3A_1861 = tpu.vector_load_idx %arg14[%get3A_1857] : memref<4096xf32, #tpu.memory_space<vmem>>[vector<16xi32>], vector<16xf32>,
      %swap3A_1862 = arith.constant 416 : index
      %swap3A_1863 = tpu.vector_load %arg21[%swap3A_1862] {strides = array<i32>} : memref<1024xf32, #tpu.memory_space<vmem>>, vector<16xf32>,
      tpu.vector_store %arg21[%swap3A_1862], %gather3A_1861 {strides = array<i32>} : memref<1024xf32, #tpu.memory_space<vmem>>, vector<16xf32>,
      %gather3A_1864 = tpu.vector_load_idx %arg15[%get3A_1857] : memref<4096xf32, #tpu.memory_space<vmem>>[vector<16xi32>], vector<16xf32>,
      %swap3A_1865 = arith.constant 416 : index
      %swap3A_1866 = tpu.vector_load %arg22[%swap3A_1865] {strides = array<i32>} : memref<1024xf32, #tpu.memory_space<vmem>>, vector<16xf32>,
      tpu.vector_store %arg22[%swap3A_1865], %gather3A_1864 {strides = array<i32>} : memref<1024xf32, #tpu.memory_space<vmem>>, vector<16xf32>,
      %gather3A_1867 = tpu.vector_load_idx %arg17[%get3A_1857] : memref<4096xf32, #tpu.memory_space<vmem>>[vector<16xi32>], vector<16xf32>,
      %swap3A_1868 = arith.constant 416 : index
      %swap3A_1869 = tpu.vector_load %arg23[%swap3A_1868] {strides = array<i32>} : memref<1024xf32, #tpu.memory_space<vmem>>, vector<16xf32>,
      tpu.vector_store %arg23[%swap3A_1868], %gather3A_1867 {strides = array<i32>} : memref<1024xf32, #tpu.memory_space<vmem>>, vector<16xf32>,
      %get3A_1870 = arith.constant 432 : index
      %get3A_1871 = tpu.vector_load %arg19[%get3A_1870] {strides = array<i32>} : memref<1024xi32, #tpu.memory_space<vmem>>, vector<16xi32>,
      %gather3A_1872 = tpu.vector_load_idx %arg13[%get3A_1871] : memref<4096xf32, #tpu.memory_space<vmem>>[vector<16xi32>], vector<16xf32>,
      %swap3A_1873 = arith.constant 432 : index
      %swap3A_1874 = tpu.vector_load %arg20[%swap3A_1873] {strides = array<i32>} : memref<1024xf32, #tpu.memory_space<vmem>>, vector<16xf32>,
      tpu.vector_store %arg20[%swap3A_1873], %gather3A_1872 {strides = array<i32>} : memref<1024xf32, #tpu.memory_space<vmem>>, vector<16xf32>,
      %gather3A_1875 = tpu.vector_load_idx %arg14[%get3A_1871] : memref<4096xf32, #tpu.memory_space<vmem>>[vector<16xi32>], vector<16xf32>,
      %swap3A_1876 = arith.constant 432 : index
      %swap3A_1877 = tpu.vector_load %arg21[%swap3A_1876] {strides = array<i32>} : memref<1024xf32, #tpu.memory_space<vmem>>, vector<16xf32>,
      tpu.vector_store %arg21[%swap3A_1876], %gather3A_1875 {strides = array<i32>} : memref<1024xf32, #tpu.memory_space<vmem>>, vector<16xf32>,
      %gather3A_1878 = tpu.vector_load_idx %arg15[%get3A_1871] : memref<4096xf32, #tpu.memory_space<vmem>>[vector<16xi32>], vector<16xf32>,
      %swap3A_1879 = arith.constant 432 : index
      %swap3A_1880 = tpu.vector_load %arg22[%swap3A_1879] {strides = array<i32>} : memref<1024xf32, #tpu.memory_space<vmem>>, vector<16xf32>,
      tpu.vector_store %arg22[%swap3A_1879], %gather3A_1878 {strides = array<i32>} : memref<1024xf32, #tpu.memory_space<vmem>>, vector<16xf32>,
      %gather3A_1881 = tpu.vector_load_idx %arg17[%get3A_1871] : memref<4096xf32, #tpu.memory_space<vmem>>[vector<16xi32>], vector<16xf32>,
      %swap3A_1882 = arith.constant 432 : index
      %swap3A_1883 = tpu.vector_load %arg23[%swap3A_1882] {strides = array<i32>} : memref<1024xf32, #tpu.memory_space<vmem>>, vector<16xf32>,
      tpu.vector_store %arg23[%swap3A_1882], %gather3A_1881 {strides = array<i32>} : memref<1024xf32, #tpu.memory_space<vmem>>, vector<16xf32>,
      %get3A_1884 = arith.constant 448 : index
      %get3A_1885 = tpu.vector_load %arg19[%get3A_1884] {strides = array<i32>} : memref<1024xi32, #tpu.memory_space<vmem>>, vector<16xi32>,
      %gather3A_1886 = tpu.vector_load_idx %arg13[%get3A_1885] : memref<4096xf32, #tpu.memory_space<vmem>>[vector<16xi32>], vector<16xf32>,
      %swap3A_1887 = arith.constant 448 : index
      %swap3A_1888 = tpu.vector_load %arg20[%swap3A_1887] {strides = array<i32>} : memref<1024xf32, #tpu.memory_space<vmem>>, vector<16xf32>,
      tpu.vector_store %arg20[%swap3A_1887], %gather3A_1886 {strides = array<i32>} : memref<1024xf32, #tpu.memory_space<vmem>>, vector<16xf32>,
      %gather3A_1889 = tpu.vector_load_idx %arg14[%get3A_1885] : memref<4096xf32, #tpu.memory_space<vmem>>[vector<16xi32>], vector<16xf32>,
      %swap3A_1890 = arith.constant 448 : index
      %swap3A_1891 = tpu.vector_load %arg21[%swap3A_1890] {strides = array<i32>} : memref<1024xf32, #tpu.memory_space<vmem>>, vector<16xf32>,
      tpu.vector_store %arg21[%swap3A_1890], %gather3A_1889 {strides = array<i32>} : memref<1024xf32, #tpu.memory_space<vmem>>, vector<16xf32>,
      %gather3A_1892 = tpu.vector_load_idx %arg15[%get3A_1885] : memref<4096xf32, #tpu.memory_space<vmem>>[vector<16xi32>], vector<16xf32>,
      %swap3A_1893 = arith.constant 448 : index
      %swap3A_1894 = tpu.vector_load %arg22[%swap3A_1893] {strides = array<i32>} : memref<1024xf32, #tpu.memory_space<vmem>>, vector<16xf32>,
      tpu.vector_store %arg22[%swap3A_1893], %gather3A_1892 {strides = array<i32>} : memref<1024xf32, #tpu.memory_space<vmem>>, vector<16xf32>,
      %gather3A_1895 = tpu.vector_load_idx %arg17[%get3A_1885] : memref<4096xf32, #tpu.memory_space<vmem>>[vector<16xi32>], vector<16xf32>,
      %swap3A_1896 = arith.constant 448 : index
      %swap3A_1897 = tpu.vector_load %arg23[%swap3A_1896] {strides = array<i32>} : memref<1024xf32, #tpu.memory_space<vmem>>, vector<16xf32>,
      tpu.vector_store %arg23[%swap3A_1896], %gather3A_1895 {strides = array<i32>} : memref<1024xf32, #tpu.memory_space<vmem>>, vector<16xf32>,
      %get3A_1898 = arith.constant 464 : index
      %get3A_1899 = tpu.vector_load %arg19[%get3A_1898] {strides = array<i32>} : memref<1024xi32, #tpu.memory_space<vmem>>, vector<16xi32>,
      %gather3A_1900 = tpu.vector_load_idx %arg13[%get3A_1899] : memref<4096xf32, #tpu.memory_space<vmem>>[vector<16xi32>], vector<16xf32>,
      %swap3A_1901 = arith.constant 464 : index
      %swap3A_1902 = tpu.vector_load %arg20[%swap3A_1901] {strides = array<i32>} : memref<1024xf32, #tpu.memory_space<vmem>>, vector<16xf32>,
      tpu.vector_store %arg20[%swap3A_1901], %gather3A_1900 {strides = array<i32>} : memref<1024xf32, #tpu.memory_space<vmem>>, vector<16xf32>,
      %gather3A_1903 = tpu.vector_load_idx %arg14[%get3A_1899] : memref<4096xf32, #tpu.memory_space<vmem>>[vector<16xi32>], vector<16xf32>,
      %swap3A_1904 = arith.constant 464 : index
      %swap3A_1905 = tpu.vector_load %arg21[%swap3A_1904] {strides = array<i32>} : memref<1024xf32, #tpu.memory_space<vmem>>, vector<16xf32>,
      tpu.vector_store %arg21[%swap3A_1904], %gather3A_1903 {strides = array<i32>} : memref<1024xf32, #tpu.memory_space<vmem>>, vector<16xf32>,
      %gather3A_1906 = tpu.vector_load_idx %arg15[%get3A_1899] : memref<4096xf32, #tpu.memory_space<vmem>>[vector<16xi32>], vector<16xf32>,
      %swap3A_1907 = arith.constant 464 : index
      %swap3A_1908 = tpu.vector_load %arg22[%swap3A_1907] {strides = array<i32>} : memref<1024xf32, #tpu.memory_space<vmem>>, vector<16xf32>,
      tpu.vector_store %arg22[%swap3A_1907], %gather3A_1906 {strides = array<i32>} : memref<1024xf32, #tpu.memory_space<vmem>>, vector<16xf32>,
      %gather3A_1909 = tpu.vector_load_idx %arg17[%get3A_1899] : memref<4096xf32, #tpu.memory_space<vmem>>[vector<16xi32>], vector<16xf32>,
      %swap3A_1910 = arith.constant 464 : index
      %swap3A_1911 = tpu.vector_load %arg23[%swap3A_1910] {strides = array<i32>} : memref<1024xf32, #tpu.memory_space<vmem>>, vector<16xf32>,
      tpu.vector_store %arg23[%swap3A_1910], %gather3A_1909 {strides = array<i32>} : memref<1024xf32, #tpu.memory_space<vmem>>, vector<16xf32>,
      %get3A_1912 = arith.constant 480 : index
      %get3A_1913 = tpu.vector_load %arg19[%get3A_1912] {strides = array<i32>} : memref<1024xi32, #tpu.memory_space<vmem>>, vector<16xi32>,
      %gather3A_1914 = tpu.vector_load_idx %arg13[%get3A_1913] : memref<4096xf32, #tpu.memory_space<vmem>>[vector<16xi32>], vector<16xf32>,
      %swap3A_1915 = arith.constant 480 : index
      %swap3A_1916 = tpu.vector_load %arg20[%swap3A_1915] {strides = array<i32>} : memref<1024xf32, #tpu.memory_space<vmem>>, vector<16xf32>,
      tpu.vector_store %arg20[%swap3A_1915], %gather3A_1914 {strides = array<i32>} : memref<1024xf32, #tpu.memory_space<vmem>>, vector<16xf32>,
      %gather3A_1917 = tpu.vector_load_idx %arg14[%get3A_1913] : memref<4096xf32, #tpu.memory_space<vmem>>[vector<16xi32>], vector<16xf32>,
      %swap3A_1918 = arith.constant 480 : index
      %swap3A_1919 = tpu.vector_load %arg21[%swap3A_1918] {strides = array<i32>} : memref<1024xf32, #tpu.memory_space<vmem>>, vector<16xf32>,
      tpu.vector_store %arg21[%swap3A_1918], %gather3A_1917 {strides = array<i32>} : memref<1024xf32, #tpu.memory_space<vmem>>, vector<16xf32>,
      %gather3A_1920 = tpu.vector_load_idx %arg15[%get3A_1913] : memref<4096xf32, #tpu.memory_space<vmem>>[vector<16xi32>], vector<16xf32>,
      %swap3A_1921 = arith.constant 480 : index
      %swap3A_1922 = tpu.vector_load %arg22[%swap3A_1921] {strides = array<i32>} : memref<1024xf32, #tpu.memory_space<vmem>>, vector<16xf32>,
      tpu.vector_store %arg22[%swap3A_1921], %gather3A_1920 {strides = array<i32>} : memref<1024xf32, #tpu.memory_space<vmem>>, vector<16xf32>,
      %gather3A_1923 = tpu.vector_load_idx %arg17[%get3A_1913] : memref<4096xf32, #tpu.memory_space<vmem>>[vector<16xi32>], vector<16xf32>,
      %swap3A_1924 = arith.constant 480 : index
      %swap3A_1925 = tpu.vector_load %arg23[%swap3A_1924] {strides = array<i32>} : memref<1024xf32, #tpu.memory_space<vmem>>, vector<16xf32>,
      tpu.vector_store %arg23[%swap3A_1924], %gather3A_1923 {strides = array<i32>} : memref<1024xf32, #tpu.memory_space<vmem>>, vector<16xf32>,
      %get3A_1926 = arith.constant 496 : index
      %get3A_1927 = tpu.vector_load %arg19[%get3A_1926] {strides = array<i32>} : memref<1024xi32, #tpu.memory_space<vmem>>, vector<16xi32>,
      %gather3A_1928 = tpu.vector_load_idx %arg13[%get3A_1927] : memref<4096xf32, #tpu.memory_space<vmem>>[vector<16xi32>], vector<16xf32>,
      %swap3A_1929 = arith.constant 496 : index
      %swap3A_1930 = tpu.vector_load %arg20[%swap3A_1929] {strides = array<i32>} : memref<1024xf32, #tpu.memory_space<vmem>>, vector<16xf32>,
      tpu.vector_store %arg20[%swap3A_1929], %gather3A_1928 {strides = array<i32>} : memref<1024xf32, #tpu.memory_space<vmem>>, vector<16xf32>,
      %gather3A_1931 = tpu.vector_load_idx %arg14[%get3A_1927] : memref<4096xf32, #tpu.memory_space<vmem>>[vector<16xi32>], vector<16xf32>,
      %swap3A_1932 = arith.constant 496 : index
      %swap3A_1933 = tpu.vector_load %arg21[%swap3A_1932] {strides = array<i32>} : memref<1024xf32, #tpu.memory_space<vmem>>, vector<16xf32>,
      tpu.vector_store %arg21[%swap3A_1932], %gather3A_1931 {strides = array<i32>} : memref<1024xf32, #tpu.memory_space<vmem>>, vector<16xf32>,
      %gather3A_1934 = tpu.vector_load_idx %arg15[%get3A_1927] : memref<4096xf32, #tpu.memory_space<vmem>>[vector<16xi32>], vector<16xf32>,
      %swap3A_1935 = arith.constant 496 : index
      %swap3A_1936 = tpu.vector_load %arg22[%swap3A_1935] {strides = array<i32>} : memref<1024xf32, #tpu.memory_space<vmem>>, vector<16xf32>,
      tpu.vector_store %arg22[%swap3A_1935], %gather3A_1934 {strides = array<i32>} : memref<1024xf32, #tpu.memory_space<vmem>>, vector<16xf32>,
      %gather3A_1937 = tpu.vector_load_idx %arg17[%get3A_1927] : memref<4096xf32, #tpu.memory_space<vmem>>[vector<16xi32>], vector<16xf32>,
      %swap3A_1938 = arith.constant 496 : index
      %swap3A_1939 = tpu.vector_load %arg23[%swap3A_1938] {strides = array<i32>} : memref<1024xf32, #tpu.memory_space<vmem>>, vector<16xf32>,
      tpu.vector_store %arg23[%swap3A_1938], %gather3A_1937 {strides = array<i32>} : memref<1024xf32, #tpu.memory_space<vmem>>, vector<16xf32>,
      %get3A_1940 = arith.constant 512 : index
      %get3A_1941 = tpu.vector_load %arg19[%get3A_1940] {strides = array<i32>} : memref<1024xi32, #tpu.memory_space<vmem>>, vector<16xi32>,
      %gather3A_1942 = tpu.vector_load_idx %arg13[%get3A_1941] : memref<4096xf32, #tpu.memory_space<vmem>>[vector<16xi32>], vector<16xf32>,
      %swap3A_1943 = arith.constant 512 : index
      %swap3A_1944 = tpu.vector_load %arg20[%swap3A_1943] {strides = array<i32>} : memref<1024xf32, #tpu.memory_space<vmem>>, vector<16xf32>,
      tpu.vector_store %arg20[%swap3A_1943], %gather3A_1942 {strides = array<i32>} : memref<1024xf32, #tpu.memory_space<vmem>>, vector<16xf32>,
      %gather3A_1945 = tpu.vector_load_idx %arg14[%get3A_1941] : memref<4096xf32, #tpu.memory_space<vmem>>[vector<16xi32>], vector<16xf32>,
      %swap3A_1946 = arith.constant 512 : index
      %swap3A_1947 = tpu.vector_load %arg21[%swap3A_1946] {strides = array<i32>} : memref<1024xf32, #tpu.memory_space<vmem>>, vector<16xf32>,
      tpu.vector_store %arg21[%swap3A_1946], %gather3A_1945 {strides = array<i32>} : memref<1024xf32, #tpu.memory_space<vmem>>, vector<16xf32>,
      %gather3A_1948 = tpu.vector_load_idx %arg15[%get3A_1941] : memref<4096xf32, #tpu.memory_space<vmem>>[vector<16xi32>], vector<16xf32>,
      %swap3A_1949 = arith.constant 512 : index
      %swap3A_1950 = tpu.vector_load %arg22[%swap3A_1949] {strides = array<i32>} : memref<1024xf32, #tpu.memory_space<vmem>>, vector<16xf32>,
      tpu.vector_store %arg22[%swap3A_1949], %gather3A_1948 {strides = array<i32>} : memref<1024xf32, #tpu.memory_space<vmem>>, vector<16xf32>,
      %gather3A_1951 = tpu.vector_load_idx %arg17[%get3A_1941] : memref<4096xf32, #tpu.memory_space<vmem>>[vector<16xi32>], vector<16xf32>,
      %swap3A_1952 = arith.constant 512 : index
      %swap3A_1953 = tpu.vector_load %arg23[%swap3A_1952] {strides = array<i32>} : memref<1024xf32, #tpu.memory_space<vmem>>, vector<16xf32>,
      tpu.vector_store %arg23[%swap3A_1952], %gather3A_1951 {strides = array<i32>} : memref<1024xf32, #tpu.memory_space<vmem>>, vector<16xf32>,
      %get3A_1954 = arith.constant 528 : index
      %get3A_1955 = tpu.vector_load %arg19[%get3A_1954] {strides = array<i32>} : memref<1024xi32, #tpu.memory_space<vmem>>, vector<16xi32>,
      %gather3A_1956 = tpu.vector_load_idx %arg13[%get3A_1955] : memref<4096xf32, #tpu.memory_space<vmem>>[vector<16xi32>], vector<16xf32>,
      %swap3A_1957 = arith.constant 528 : index
      %swap3A_1958 = tpu.vector_load %arg20[%swap3A_1957] {strides = array<i32>} : memref<1024xf32, #tpu.memory_space<vmem>>, vector<16xf32>,
      tpu.vector_store %arg20[%swap3A_1957], %gather3A_1956 {strides = array<i32>} : memref<1024xf32, #tpu.memory_space<vmem>>, vector<16xf32>,
      %gather3A_1959 = tpu.vector_load_idx %arg14[%get3A_1955] : memref<4096xf32, #tpu.memory_space<vmem>>[vector<16xi32>], vector<16xf32>,
      %swap3A_1960 = arith.constant 528 : index
      %swap3A_1961 = tpu.vector_load %arg21[%swap3A_1960] {strides = array<i32>} : memref<1024xf32, #tpu.memory_space<vmem>>, vector<16xf32>,
      tpu.vector_store %arg21[%swap3A_1960], %gather3A_1959 {strides = array<i32>} : memref<1024xf32, #tpu.memory_space<vmem>>, vector<16xf32>,
      %gather3A_1962 = tpu.vector_load_idx %arg15[%get3A_1955] : memref<4096xf32, #tpu.memory_space<vmem>>[vector<16xi32>], vector<16xf32>,
      %swap3A_1963 = arith.constant 528 : index
      %swap3A_1964 = tpu.vector_load %arg22[%swap3A_1963] {strides = array<i32>} : memref<1024xf32, #tpu.memory_space<vmem>>, vector<16xf32>,
      tpu.vector_store %arg22[%swap3A_1963], %gather3A_1962 {strides = array<i32>} : memref<1024xf32, #tpu.memory_space<vmem>>, vector<16xf32>,
      %gather3A_1965 = tpu.vector_load_idx %arg17[%get3A_1955] : memref<4096xf32, #tpu.memory_space<vmem>>[vector<16xi32>], vector<16xf32>,
      %swap3A_1966 = arith.constant 528 : index
      %swap3A_1967 = tpu.vector_load %arg23[%swap3A_1966] {strides = array<i32>} : memref<1024xf32, #tpu.memory_space<vmem>>, vector<16xf32>,
      tpu.vector_store %arg23[%swap3A_1966], %gather3A_1965 {strides = array<i32>} : memref<1024xf32, #tpu.memory_space<vmem>>, vector<16xf32>,
      %get3A_1968 = arith.constant 544 : index
      %get3A_1969 = tpu.vector_load %arg19[%get3A_1968] {strides = array<i32>} : memref<1024xi32, #tpu.memory_space<vmem>>, vector<16xi32>,
      %gather3A_1970 = tpu.vector_load_idx %arg13[%get3A_1969] : memref<4096xf32, #tpu.memory_space<vmem>>[vector<16xi32>], vector<16xf32>,
      %swap3A_1971 = arith.constant 544 : index
      %swap3A_1972 = tpu.vector_load %arg20[%swap3A_1971] {strides = array<i32>} : memref<1024xf32, #tpu.memory_space<vmem>>, vector<16xf32>,
      tpu.vector_store %arg20[%swap3A_1971], %gather3A_1970 {strides = array<i32>} : memref<1024xf32, #tpu.memory_space<vmem>>, vector<16xf32>,
      %gather3A_1973 = tpu.vector_load_idx %arg14[%get3A_1969] : memref<4096xf32, #tpu.memory_space<vmem>>[vector<16xi32>], vector<16xf32>,
      %swap3A_1974 = arith.constant 544 : index
      %swap3A_1975 = tpu.vector_load %arg21[%swap3A_1974] {strides = array<i32>} : memref<1024xf32, #tpu.memory_space<vmem>>, vector<16xf32>,
      tpu.vector_store %arg21[%swap3A_1974], %gather3A_1973 {strides = array<i32>} : memref<1024xf32, #tpu.memory_space<vmem>>, vector<16xf32>,
      %gather3A_1976 = tpu.vector_load_idx %arg15[%get3A_1969] : memref<4096xf32, #tpu.memory_space<vmem>>[vector<16xi32>], vector<16xf32>,
      %swap3A_1977 = arith.constant 544 : index
      %swap3A_1978 = tpu.vector_load %arg22[%swap3A_1977] {strides = array<i32>} : memref<1024xf32, #tpu.memory_space<vmem>>, vector<16xf32>,
      tpu.vector_store %arg22[%swap3A_1977], %gather3A_1976 {strides = array<i32>} : memref<1024xf32, #tpu.memory_space<vmem>>, vector<16xf32>,
      %gather3A_1979 = tpu.vector_load_idx %arg17[%get3A_1969] : memref<4096xf32, #tpu.memory_space<vmem>>[vector<16xi32>], vector<16xf32>,
      %swap3A_1980 = arith.constant 544 : index
      %swap3A_1981 = tpu.vector_load %arg23[%swap3A_1980] {strides = array<i32>} : memref<1024xf32, #tpu.memory_space<vmem>>, vector<16xf32>,
      tpu.vector_store %arg23[%swap3A_1980], %gather3A_1979 {strides = array<i32>} : memref<1024xf32, #tpu.memory_space<vmem>>, vector<16xf32>,
      %get3A_1982 = arith.constant 560 : index
      %get3A_1983 = tpu.vector_load %arg19[%get3A_1982] {strides = array<i32>} : memref<1024xi32, #tpu.memory_space<vmem>>, vector<16xi32>,
      %gather3A_1984 = tpu.vector_load_idx %arg13[%get3A_1983] : memref<4096xf32, #tpu.memory_space<vmem>>[vector<16xi32>], vector<16xf32>,
      %swap3A_1985 = arith.constant 560 : index
      %swap3A_1986 = tpu.vector_load %arg20[%swap3A_1985] {strides = array<i32>} : memref<1024xf32, #tpu.memory_space<vmem>>, vector<16xf32>,
      tpu.vector_store %arg20[%swap3A_1985], %gather3A_1984 {strides = array<i32>} : memref<1024xf32, #tpu.memory_space<vmem>>, vector<16xf32>,
      %gather3A_1987 = tpu.vector_load_idx %arg14[%get3A_1983] : memref<4096xf32, #tpu.memory_space<vmem>>[vector<16xi32>], vector<16xf32>,
      %swap3A_1988 = arith.constant 560 : index
      %swap3A_1989 = tpu.vector_load %arg21[%swap3A_1988] {strides = array<i32>} : memref<1024xf32, #tpu.memory_space<vmem>>, vector<16xf32>,
      tpu.vector_store %arg21[%swap3A_1988], %gather3A_1987 {strides = array<i32>} : memref<1024xf32, #tpu.memory_space<vmem>>, vector<16xf32>,
      %gather3A_1990 = tpu.vector_load_idx %arg15[%get3A_1983] : memref<4096xf32, #tpu.memory_space<vmem>>[vector<16xi32>], vector<16xf32>,
      %swap3A_1991 = arith.constant 560 : index
      %swap3A_1992 = tpu.vector_load %arg22[%swap3A_1991] {strides = array<i32>} : memref<1024xf32, #tpu.memory_space<vmem>>, vector<16xf32>,
      tpu.vector_store %arg22[%swap3A_1991], %gather3A_1990 {strides = array<i32>} : memref<1024xf32, #tpu.memory_space<vmem>>, vector<16xf32>,
      %gather3A_1993 = tpu.vector_load_idx %arg17[%get3A_1983] : memref<4096xf32, #tpu.memory_space<vmem>>[vector<16xi32>], vector<16xf32>,
      %swap3A_1994 = arith.constant 560 : index
      %swap3A_1995 = tpu.vector_load %arg23[%swap3A_1994] {strides = array<i32>} : memref<1024xf32, #tpu.memory_space<vmem>>, vector<16xf32>,
      tpu.vector_store %arg23[%swap3A_1994], %gather3A_1993 {strides = array<i32>} : memref<1024xf32, #tpu.memory_space<vmem>>, vector<16xf32>,
      %get3A_1996 = arith.constant 576 : index
      %get3A_1997 = tpu.vector_load %arg19[%get3A_1996] {strides = array<i32>} : memref<1024xi32, #tpu.memory_space<vmem>>, vector<16xi32>,
      %gather3A_1998 = tpu.vector_load_idx %arg13[%get3A_1997] : memref<4096xf32, #tpu.memory_space<vmem>>[vector<16xi32>], vector<16xf32>,
      %swap3A_1999 = arith.constant 576 : index
      %swap3A_2000 = tpu.vector_load %arg20[%swap3A_1999] {strides = array<i32>} : memref<1024xf32, #tpu.memory_space<vmem>>, vector<16xf32>,
      tpu.vector_store %arg20[%swap3A_1999], %gather3A_1998 {strides = array<i32>} : memref<1024xf32, #tpu.memory_space<vmem>>, vector<16xf32>,
      %gather3A_2001 = tpu.vector_load_idx %arg14[%get3A_1997] : memref<4096xf32, #tpu.memory_space<vmem>>[vector<16xi32>], vector<16xf32>,
      %swap3A_2002 = arith.constant 576 : index
      %swap3A_2003 = tpu.vector_load %arg21[%swap3A_2002] {strides = array<i32>} : memref<1024xf32, #tpu.memory_space<vmem>>, vector<16xf32>,
      tpu.vector_store %arg21[%swap3A_2002], %gather3A_2001 {strides = array<i32>} : memref<1024xf32, #tpu.memory_space<vmem>>, vector<16xf32>,
      %gather3A_2004 = tpu.vector_load_idx %arg15[%get3A_1997] : memref<4096xf32, #tpu.memory_space<vmem>>[vector<16xi32>], vector<16xf32>,
      %swap3A_2005 = arith.constant 576 : index
      %swap3A_2006 = tpu.vector_load %arg22[%swap3A_2005] {strides = array<i32>} : memref<1024xf32, #tpu.memory_space<vmem>>, vector<16xf32>,
      tpu.vector_store %arg22[%swap3A_2005], %gather3A_2004 {strides = array<i32>} : memref<1024xf32, #tpu.memory_space<vmem>>, vector<16xf32>,
      %gather3A_2007 = tpu.vector_load_idx %arg17[%get3A_1997] : memref<4096xf32, #tpu.memory_space<vmem>>[vector<16xi32>], vector<16xf32>,
      %swap3A_2008 = arith.constant 576 : index
      %swap3A_2009 = tpu.vector_load %arg23[%swap3A_2008] {strides = array<i32>} : memref<1024xf32, #tpu.memory_space<vmem>>, vector<16xf32>,
      tpu.vector_store %arg23[%swap3A_2008], %gather3A_2007 {strides = array<i32>} : memref<1024xf32, #tpu.memory_space<vmem>>, vector<16xf32>,
      %get3A_2010 = arith.constant 592 : index
      %get3A_2011 = tpu.vector_load %arg19[%get3A_2010] {strides = array<i32>} : memref<1024xi32, #tpu.memory_space<vmem>>, vector<16xi32>,
      %gather3A_2012 = tpu.vector_load_idx %arg13[%get3A_2011] : memref<4096xf32, #tpu.memory_space<vmem>>[vector<16xi32>], vector<16xf32>,
      %swap3A_2013 = arith.constant 592 : index
      %swap3A_2014 = tpu.vector_load %arg20[%swap3A_2013] {strides = array<i32>} : memref<1024xf32, #tpu.memory_space<vmem>>, vector<16xf32>,
      tpu.vector_store %arg20[%swap3A_2013], %gather3A_2012 {strides = array<i32>} : memref<1024xf32, #tpu.memory_space<vmem>>, vector<16xf32>,
      %gather3A_2015 = tpu.vector_load_idx %arg14[%get3A_2011] : memref<4096xf32, #tpu.memory_space<vmem>>[vector<16xi32>], vector<16xf32>,
      %swap3A_2016 = arith.constant 592 : index
      %swap3A_2017 = tpu.vector_load %arg21[%swap3A_2016] {strides = array<i32>} : memref<1024xf32, #tpu.memory_space<vmem>>, vector<16xf32>,
      tpu.vector_store %arg21[%swap3A_2016], %gather3A_2015 {strides = array<i32>} : memref<1024xf32, #tpu.memory_space<vmem>>, vector<16xf32>,
      %gather3A_2018 = tpu.vector_load_idx %arg15[%get3A_2011] : memref<4096xf32, #tpu.memory_space<vmem>>[vector<16xi32>], vector<16xf32>,
      %swap3A_2019 = arith.constant 592 : index
      %swap3A_2020 = tpu.vector_load %arg22[%swap3A_2019] {strides = array<i32>} : memref<1024xf32, #tpu.memory_space<vmem>>, vector<16xf32>,
      tpu.vector_store %arg22[%swap3A_2019], %gather3A_2018 {strides = array<i32>} : memref<1024xf32, #tpu.memory_space<vmem>>, vector<16xf32>,
      %gather3A_2021 = tpu.vector_load_idx %arg17[%get3A_2011] : memref<4096xf32, #tpu.memory_space<vmem>>[vector<16xi32>], vector<16xf32>,
      %swap3A_2022 = arith.constant 592 : index
      %swap3A_2023 = tpu.vector_load %arg23[%swap3A_2022] {strides = array<i32>} : memref<1024xf32, #tpu.memory_space<vmem>>, vector<16xf32>,
      tpu.vector_store %arg23[%swap3A_2022], %gather3A_2021 {strides = array<i32>} : memref<1024xf32, #tpu.memory_space<vmem>>, vector<16xf32>,
      %get3A_2024 = arith.constant 608 : index
      %get3A_2025 = tpu.vector_load %arg19[%get3A_2024] {strides = array<i32>} : memref<1024xi32, #tpu.memory_space<vmem>>, vector<16xi32>,
      %gather3A_2026 = tpu.vector_load_idx %arg13[%get3A_2025] : memref<4096xf32, #tpu.memory_space<vmem>>[vector<16xi32>], vector<16xf32>,
      %swap3A_2027 = arith.constant 608 : index
      %swap3A_2028 = tpu.vector_load %arg20[%swap3A_2027] {strides = array<i32>} : memref<1024xf32, #tpu.memory_space<vmem>>, vector<16xf32>,
      tpu.vector_store %arg20[%swap3A_2027], %gather3A_2026 {strides = array<i32>} : memref<1024xf32, #tpu.memory_space<vmem>>, vector<16xf32>,
      %gather3A_2029 = tpu.vector_load_idx %arg14[%get3A_2025] : memref<4096xf32, #tpu.memory_space<vmem>>[vector<16xi32>], vector<16xf32>,
      %swap3A_2030 = arith.constant 608 : index
      %swap3A_2031 = tpu.vector_load %arg21[%swap3A_2030] {strides = array<i32>} : memref<1024xf32, #tpu.memory_space<vmem>>, vector<16xf32>,
      tpu.vector_store %arg21[%swap3A_2030], %gather3A_2029 {strides = array<i32>} : memref<1024xf32, #tpu.memory_space<vmem>>, vector<16xf32>,
      %gather3A_2032 = tpu.vector_load_idx %arg15[%get3A_2025] : memref<4096xf32, #tpu.memory_space<vmem>>[vector<16xi32>], vector<16xf32>,
      %swap3A_2033 = arith.constant 608 : index
      %swap3A_2034 = tpu.vector_load %arg22[%swap3A_2033] {strides = array<i32>} : memref<1024xf32, #tpu.memory_space<vmem>>, vector<16xf32>,
      tpu.vector_store %arg22[%swap3A_2033], %gather3A_2032 {strides = array<i32>} : memref<1024xf32, #tpu.memory_space<vmem>>, vector<16xf32>,
      %gather3A_2035 = tpu.vector_load_idx %arg17[%get3A_2025] : memref<4096xf32, #tpu.memory_space<vmem>>[vector<16xi32>], vector<16xf32>,
      %swap3A_2036 = arith.constant 608 : index
      %swap3A_2037 = tpu.vector_load %arg23[%swap3A_2036] {strides = array<i32>} : memref<1024xf32, #tpu.memory_space<vmem>>, vector<16xf32>,
      tpu.vector_store %arg23[%swap3A_2036], %gather3A_2035 {strides = array<i32>} : memref<1024xf32, #tpu.memory_space<vmem>>, vector<16xf32>,
      %get3A_2038 = arith.constant 624 : index
      %get3A_2039 = tpu.vector_load %arg19[%get3A_2038] {strides = array<i32>} : memref<1024xi32, #tpu.memory_space<vmem>>, vector<16xi32>,
      %gather3A_2040 = tpu.vector_load_idx %arg13[%get3A_2039] : memref<4096xf32, #tpu.memory_space<vmem>>[vector<16xi32>], vector<16xf32>,
      %swap3A_2041 = arith.constant 624 : index
      %swap3A_2042 = tpu.vector_load %arg20[%swap3A_2041] {strides = array<i32>} : memref<1024xf32, #tpu.memory_space<vmem>>, vector<16xf32>,
      tpu.vector_store %arg20[%swap3A_2041], %gather3A_2040 {strides = array<i32>} : memref<1024xf32, #tpu.memory_space<vmem>>, vector<16xf32>,
      %gather3A_2043 = tpu.vector_load_idx %arg14[%get3A_2039] : memref<4096xf32, #tpu.memory_space<vmem>>[vector<16xi32>], vector<16xf32>,
      %swap3A_2044 = arith.constant 624 : index
      %swap3A_2045 = tpu.vector_load %arg21[%swap3A_2044] {strides = array<i32>} : memref<1024xf32, #tpu.memory_space<vmem>>, vector<16xf32>,
      tpu.vector_store %arg21[%swap3A_2044], %gather3A_2043 {strides = array<i32>} : memref<1024xf32, #tpu.memory_space<vmem>>, vector<16xf32>,
      %gather3A_2046 = tpu.vector_load_idx %arg15[%get3A_2039] : memref<4096xf32, #tpu.memory_space<vmem>>[vector<16xi32>], vector<16xf32>,
      %swap3A_2047 = arith.constant 624 : index
      %swap3A_2048 = tpu.vector_load %arg22[%swap3A_2047] {strides = array<i32>} : memref<1024xf32, #tpu.memory_space<vmem>>, vector<16xf32>,
      tpu.vector_store %arg22[%swap3A_2047], %gather3A_2046 {strides = array<i32>} : memref<1024xf32, #tpu.memory_space<vmem>>, vector<16xf32>,
      %gather3A_2049 = tpu.vector_load_idx %arg17[%get3A_2039] : memref<4096xf32, #tpu.memory_space<vmem>>[vector<16xi32>], vector<16xf32>,
      %swap3A_2050 = arith.constant 624 : index
      %swap3A_2051 = tpu.vector_load %arg23[%swap3A_2050] {strides = array<i32>} : memref<1024xf32, #tpu.memory_space<vmem>>, vector<16xf32>,
      tpu.vector_store %arg23[%swap3A_2050], %gather3A_2049 {strides = array<i32>} : memref<1024xf32, #tpu.memory_space<vmem>>, vector<16xf32>,
      %get3A_2052 = arith.constant 640 : index
      %get3A_2053 = tpu.vector_load %arg19[%get3A_2052] {strides = array<i32>} : memref<1024xi32, #tpu.memory_space<vmem>>, vector<16xi32>,
      %gather3A_2054 = tpu.vector_load_idx %arg13[%get3A_2053] : memref<4096xf32, #tpu.memory_space<vmem>>[vector<16xi32>], vector<16xf32>,
      %swap3A_2055 = arith.constant 640 : index
      %swap3A_2056 = tpu.vector_load %arg20[%swap3A_2055] {strides = array<i32>} : memref<1024xf32, #tpu.memory_space<vmem>>, vector<16xf32>,
      tpu.vector_store %arg20[%swap3A_2055], %gather3A_2054 {strides = array<i32>} : memref<1024xf32, #tpu.memory_space<vmem>>, vector<16xf32>,
      %gather3A_2057 = tpu.vector_load_idx %arg14[%get3A_2053] : memref<4096xf32, #tpu.memory_space<vmem>>[vector<16xi32>], vector<16xf32>,
      %swap3A_2058 = arith.constant 640 : index
      %swap3A_2059 = tpu.vector_load %arg21[%swap3A_2058] {strides = array<i32>} : memref<1024xf32, #tpu.memory_space<vmem>>, vector<16xf32>,
      tpu.vector_store %arg21[%swap3A_2058], %gather3A_2057 {strides = array<i32>} : memref<1024xf32, #tpu.memory_space<vmem>>, vector<16xf32>,
      %gather3A_2060 = tpu.vector_load_idx %arg15[%get3A_2053] : memref<4096xf32, #tpu.memory_space<vmem>>[vector<16xi32>], vector<16xf32>,
      %swap3A_2061 = arith.constant 640 : index
      %swap3A_2062 = tpu.vector_load %arg22[%swap3A_2061] {strides = array<i32>} : memref<1024xf32, #tpu.memory_space<vmem>>, vector<16xf32>,
      tpu.vector_store %arg22[%swap3A_2061], %gather3A_2060 {strides = array<i32>} : memref<1024xf32, #tpu.memory_space<vmem>>, vector<16xf32>,
      %gather3A_2063 = tpu.vector_load_idx %arg17[%get3A_2053] : memref<4096xf32, #tpu.memory_space<vmem>>[vector<16xi32>], vector<16xf32>,
      %swap3A_2064 = arith.constant 640 : index
      %swap3A_2065 = tpu.vector_load %arg23[%swap3A_2064] {strides = array<i32>} : memref<1024xf32, #tpu.memory_space<vmem>>, vector<16xf32>,
      tpu.vector_store %arg23[%swap3A_2064], %gather3A_2063 {strides = array<i32>} : memref<1024xf32, #tpu.memory_space<vmem>>, vector<16xf32>,
      %get3A_2066 = arith.constant 656 : index
      %get3A_2067 = tpu.vector_load %arg19[%get3A_2066] {strides = array<i32>} : memref<1024xi32, #tpu.memory_space<vmem>>, vector<16xi32>,
      %gather3A_2068 = tpu.vector_load_idx %arg13[%get3A_2067] : memref<4096xf32, #tpu.memory_space<vmem>>[vector<16xi32>], vector<16xf32>,
      %swap3A_2069 = arith.constant 656 : index
      %swap3A_2070 = tpu.vector_load %arg20[%swap3A_2069] {strides = array<i32>} : memref<1024xf32, #tpu.memory_space<vmem>>, vector<16xf32>,
      tpu.vector_store %arg20[%swap3A_2069], %gather3A_2068 {strides = array<i32>} : memref<1024xf32, #tpu.memory_space<vmem>>, vector<16xf32>,
      %gather3A_2071 = tpu.vector_load_idx %arg14[%get3A_2067] : memref<4096xf32, #tpu.memory_space<vmem>>[vector<16xi32>], vector<16xf32>,
      %swap3A_2072 = arith.constant 656 : index
      %swap3A_2073 = tpu.vector_load %arg21[%swap3A_2072] {strides = array<i32>} : memref<1024xf32, #tpu.memory_space<vmem>>, vector<16xf32>,
      tpu.vector_store %arg21[%swap3A_2072], %gather3A_2071 {strides = array<i32>} : memref<1024xf32, #tpu.memory_space<vmem>>, vector<16xf32>,
      %gather3A_2074 = tpu.vector_load_idx %arg15[%get3A_2067] : memref<4096xf32, #tpu.memory_space<vmem>>[vector<16xi32>], vector<16xf32>,
      %swap3A_2075 = arith.constant 656 : index
      %swap3A_2076 = tpu.vector_load %arg22[%swap3A_2075] {strides = array<i32>} : memref<1024xf32, #tpu.memory_space<vmem>>, vector<16xf32>,
      tpu.vector_store %arg22[%swap3A_2075], %gather3A_2074 {strides = array<i32>} : memref<1024xf32, #tpu.memory_space<vmem>>, vector<16xf32>,
      %gather3A_2077 = tpu.vector_load_idx %arg17[%get3A_2067] : memref<4096xf32, #tpu.memory_space<vmem>>[vector<16xi32>], vector<16xf32>,
      %swap3A_2078 = arith.constant 656 : index
      %swap3A_2079 = tpu.vector_load %arg23[%swap3A_2078] {strides = array<i32>} : memref<1024xf32, #tpu.memory_space<vmem>>, vector<16xf32>,
      tpu.vector_store %arg23[%swap3A_2078], %gather3A_2077 {strides = array<i32>} : memref<1024xf32, #tpu.memory_space<vmem>>, vector<16xf32>,
      %get3A_2080 = arith.constant 672 : index
      %get3A_2081 = tpu.vector_load %arg19[%get3A_2080] {strides = array<i32>} : memref<1024xi32, #tpu.memory_space<vmem>>, vector<16xi32>,
      %gather3A_2082 = tpu.vector_load_idx %arg13[%get3A_2081] : memref<4096xf32, #tpu.memory_space<vmem>>[vector<16xi32>], vector<16xf32>,
      %swap3A_2083 = arith.constant 672 : index
      %swap3A_2084 = tpu.vector_load %arg20[%swap3A_2083] {strides = array<i32>} : memref<1024xf32, #tpu.memory_space<vmem>>, vector<16xf32>,
      tpu.vector_store %arg20[%swap3A_2083], %gather3A_2082 {strides = array<i32>} : memref<1024xf32, #tpu.memory_space<vmem>>, vector<16xf32>,
      %gather3A_2085 = tpu.vector_load_idx %arg14[%get3A_2081] : memref<4096xf32, #tpu.memory_space<vmem>>[vector<16xi32>], vector<16xf32>,
      %swap3A_2086 = arith.constant 672 : index
      %swap3A_2087 = tpu.vector_load %arg21[%swap3A_2086] {strides = array<i32>} : memref<1024xf32, #tpu.memory_space<vmem>>, vector<16xf32>,
      tpu.vector_store %arg21[%swap3A_2086], %gather3A_2085 {strides = array<i32>} : memref<1024xf32, #tpu.memory_space<vmem>>, vector<16xf32>,
      %gather3A_2088 = tpu.vector_load_idx %arg15[%get3A_2081] : memref<4096xf32, #tpu.memory_space<vmem>>[vector<16xi32>], vector<16xf32>,
      %swap3A_2089 = arith.constant 672 : index
      %swap3A_2090 = tpu.vector_load %arg22[%swap3A_2089] {strides = array<i32>} : memref<1024xf32, #tpu.memory_space<vmem>>, vector<16xf32>,
      tpu.vector_store %arg22[%swap3A_2089], %gather3A_2088 {strides = array<i32>} : memref<1024xf32, #tpu.memory_space<vmem>>, vector<16xf32>,
      %gather3A_2091 = tpu.vector_load_idx %arg17[%get3A_2081] : memref<4096xf32, #tpu.memory_space<vmem>>[vector<16xi32>], vector<16xf32>,
      %swap3A_2092 = arith.constant 672 : index
      %swap3A_2093 = tpu.vector_load %arg23[%swap3A_2092] {strides = array<i32>} : memref<1024xf32, #tpu.memory_space<vmem>>, vector<16xf32>,
      tpu.vector_store %arg23[%swap3A_2092], %gather3A_2091 {strides = array<i32>} : memref<1024xf32, #tpu.memory_space<vmem>>, vector<16xf32>,
      %get3A_2094 = arith.constant 688 : index
      %get3A_2095 = tpu.vector_load %arg19[%get3A_2094] {strides = array<i32>} : memref<1024xi32, #tpu.memory_space<vmem>>, vector<16xi32>,
      %gather3A_2096 = tpu.vector_load_idx %arg13[%get3A_2095] : memref<4096xf32, #tpu.memory_space<vmem>>[vector<16xi32>], vector<16xf32>,
      %swap3A_2097 = arith.constant 688 : index
      %swap3A_2098 = tpu.vector_load %arg20[%swap3A_2097] {strides = array<i32>} : memref<1024xf32, #tpu.memory_space<vmem>>, vector<16xf32>,
      tpu.vector_store %arg20[%swap3A_2097], %gather3A_2096 {strides = array<i32>} : memref<1024xf32, #tpu.memory_space<vmem>>, vector<16xf32>,
      %gather3A_2099 = tpu.vector_load_idx %arg14[%get3A_2095] : memref<4096xf32, #tpu.memory_space<vmem>>[vector<16xi32>], vector<16xf32>,
      %swap3A_2100 = arith.constant 688 : index
      %swap3A_2101 = tpu.vector_load %arg21[%swap3A_2100] {strides = array<i32>} : memref<1024xf32, #tpu.memory_space<vmem>>, vector<16xf32>,
      tpu.vector_store %arg21[%swap3A_2100], %gather3A_2099 {strides = array<i32>} : memref<1024xf32, #tpu.memory_space<vmem>>, vector<16xf32>,
      %gather3A_2102 = tpu.vector_load_idx %arg15[%get3A_2095] : memref<4096xf32, #tpu.memory_space<vmem>>[vector<16xi32>], vector<16xf32>,
      %swap3A_2103 = arith.constant 688 : index
      %swap3A_2104 = tpu.vector_load %arg22[%swap3A_2103] {strides = array<i32>} : memref<1024xf32, #tpu.memory_space<vmem>>, vector<16xf32>,
      tpu.vector_store %arg22[%swap3A_2103], %gather3A_2102 {strides = array<i32>} : memref<1024xf32, #tpu.memory_space<vmem>>, vector<16xf32>,
      %gather3A_2105 = tpu.vector_load_idx %arg17[%get3A_2095] : memref<4096xf32, #tpu.memory_space<vmem>>[vector<16xi32>], vector<16xf32>,
      %swap3A_2106 = arith.constant 688 : index
      %swap3A_2107 = tpu.vector_load %arg23[%swap3A_2106] {strides = array<i32>} : memref<1024xf32, #tpu.memory_space<vmem>>, vector<16xf32>,
      tpu.vector_store %arg23[%swap3A_2106], %gather3A_2105 {strides = array<i32>} : memref<1024xf32, #tpu.memory_space<vmem>>, vector<16xf32>,
      %get3A_2108 = arith.constant 704 : index
      %get3A_2109 = tpu.vector_load %arg19[%get3A_2108] {strides = array<i32>} : memref<1024xi32, #tpu.memory_space<vmem>>, vector<16xi32>,
      %gather3A_2110 = tpu.vector_load_idx %arg13[%get3A_2109] : memref<4096xf32, #tpu.memory_space<vmem>>[vector<16xi32>], vector<16xf32>,
      %swap3A_2111 = arith.constant 704 : index
      %swap3A_2112 = tpu.vector_load %arg20[%swap3A_2111] {strides = array<i32>} : memref<1024xf32, #tpu.memory_space<vmem>>, vector<16xf32>,
      tpu.vector_store %arg20[%swap3A_2111], %gather3A_2110 {strides = array<i32>} : memref<1024xf32, #tpu.memory_space<vmem>>, vector<16xf32>,
      %gather3A_2113 = tpu.vector_load_idx %arg14[%get3A_2109] : memref<4096xf32, #tpu.memory_space<vmem>>[vector<16xi32>], vector<16xf32>,
      %swap3A_2114 = arith.constant 704 : index
      %swap3A_2115 = tpu.vector_load %arg21[%swap3A_2114] {strides = array<i32>} : memref<1024xf32, #tpu.memory_space<vmem>>, vector<16xf32>,
      tpu.vector_store %arg21[%swap3A_2114], %gather3A_2113 {strides = array<i32>} : memref<1024xf32, #tpu.memory_space<vmem>>, vector<16xf32>,
      %gather3A_2116 = tpu.vector_load_idx %arg15[%get3A_2109] : memref<4096xf32, #tpu.memory_space<vmem>>[vector<16xi32>], vector<16xf32>,
      %swap3A_2117 = arith.constant 704 : index
      %swap3A_2118 = tpu.vector_load %arg22[%swap3A_2117] {strides = array<i32>} : memref<1024xf32, #tpu.memory_space<vmem>>, vector<16xf32>,
      tpu.vector_store %arg22[%swap3A_2117], %gather3A_2116 {strides = array<i32>} : memref<1024xf32, #tpu.memory_space<vmem>>, vector<16xf32>,
      %gather3A_2119 = tpu.vector_load_idx %arg17[%get3A_2109] : memref<4096xf32, #tpu.memory_space<vmem>>[vector<16xi32>], vector<16xf32>,
      %swap3A_2120 = arith.constant 704 : index
      %swap3A_2121 = tpu.vector_load %arg23[%swap3A_2120] {strides = array<i32>} : memref<1024xf32, #tpu.memory_space<vmem>>, vector<16xf32>,
      tpu.vector_store %arg23[%swap3A_2120], %gather3A_2119 {strides = array<i32>} : memref<1024xf32, #tpu.memory_space<vmem>>, vector<16xf32>,
      %get3A_2122 = arith.constant 720 : index
      %get3A_2123 = tpu.vector_load %arg19[%get3A_2122] {strides = array<i32>} : memref<1024xi32, #tpu.memory_space<vmem>>, vector<16xi32>,
      %gather3A_2124 = tpu.vector_load_idx %arg13[%get3A_2123] : memref<4096xf32, #tpu.memory_space<vmem>>[vector<16xi32>], vector<16xf32>,
      %swap3A_2125 = arith.constant 720 : index
      %swap3A_2126 = tpu.vector_load %arg20[%swap3A_2125] {strides = array<i32>} : memref<1024xf32, #tpu.memory_space<vmem>>, vector<16xf32>,
      tpu.vector_store %arg20[%swap3A_2125], %gather3A_2124 {strides = array<i32>} : memref<1024xf32, #tpu.memory_space<vmem>>, vector<16xf32>,
      %gather3A_2127 = tpu.vector_load_idx %arg14[%get3A_2123] : memref<4096xf32, #tpu.memory_space<vmem>>[vector<16xi32>], vector<16xf32>,
      %swap3A_2128 = arith.constant 720 : index
      %swap3A_2129 = tpu.vector_load %arg21[%swap3A_2128] {strides = array<i32>} : memref<1024xf32, #tpu.memory_space<vmem>>, vector<16xf32>,
      tpu.vector_store %arg21[%swap3A_2128], %gather3A_2127 {strides = array<i32>} : memref<1024xf32, #tpu.memory_space<vmem>>, vector<16xf32>,
      %gather3A_2130 = tpu.vector_load_idx %arg15[%get3A_2123] : memref<4096xf32, #tpu.memory_space<vmem>>[vector<16xi32>], vector<16xf32>,
      %swap3A_2131 = arith.constant 720 : index
      %swap3A_2132 = tpu.vector_load %arg22[%swap3A_2131] {strides = array<i32>} : memref<1024xf32, #tpu.memory_space<vmem>>, vector<16xf32>,
      tpu.vector_store %arg22[%swap3A_2131], %gather3A_2130 {strides = array<i32>} : memref<1024xf32, #tpu.memory_space<vmem>>, vector<16xf32>,
      %gather3A_2133 = tpu.vector_load_idx %arg17[%get3A_2123] : memref<4096xf32, #tpu.memory_space<vmem>>[vector<16xi32>], vector<16xf32>,
      %swap3A_2134 = arith.constant 720 : index
      %swap3A_2135 = tpu.vector_load %arg23[%swap3A_2134] {strides = array<i32>} : memref<1024xf32, #tpu.memory_space<vmem>>, vector<16xf32>,
      tpu.vector_store %arg23[%swap3A_2134], %gather3A_2133 {strides = array<i32>} : memref<1024xf32, #tpu.memory_space<vmem>>, vector<16xf32>,
      %get3A_2136 = arith.constant 736 : index
      %get3A_2137 = tpu.vector_load %arg19[%get3A_2136] {strides = array<i32>} : memref<1024xi32, #tpu.memory_space<vmem>>, vector<16xi32>,
      %gather3A_2138 = tpu.vector_load_idx %arg13[%get3A_2137] : memref<4096xf32, #tpu.memory_space<vmem>>[vector<16xi32>], vector<16xf32>,
      %swap3A_2139 = arith.constant 736 : index
      %swap3A_2140 = tpu.vector_load %arg20[%swap3A_2139] {strides = array<i32>} : memref<1024xf32, #tpu.memory_space<vmem>>, vector<16xf32>,
      tpu.vector_store %arg20[%swap3A_2139], %gather3A_2138 {strides = array<i32>} : memref<1024xf32, #tpu.memory_space<vmem>>, vector<16xf32>,
      %gather3A_2141 = tpu.vector_load_idx %arg14[%get3A_2137] : memref<4096xf32, #tpu.memory_space<vmem>>[vector<16xi32>], vector<16xf32>,
      %swap3A_2142 = arith.constant 736 : index
      %swap3A_2143 = tpu.vector_load %arg21[%swap3A_2142] {strides = array<i32>} : memref<1024xf32, #tpu.memory_space<vmem>>, vector<16xf32>,
      tpu.vector_store %arg21[%swap3A_2142], %gather3A_2141 {strides = array<i32>} : memref<1024xf32, #tpu.memory_space<vmem>>, vector<16xf32>,
      %gather3A_2144 = tpu.vector_load_idx %arg15[%get3A_2137] : memref<4096xf32, #tpu.memory_space<vmem>>[vector<16xi32>], vector<16xf32>,
      %swap3A_2145 = arith.constant 736 : index
      %swap3A_2146 = tpu.vector_load %arg22[%swap3A_2145] {strides = array<i32>} : memref<1024xf32, #tpu.memory_space<vmem>>, vector<16xf32>,
      tpu.vector_store %arg22[%swap3A_2145], %gather3A_2144 {strides = array<i32>} : memref<1024xf32, #tpu.memory_space<vmem>>, vector<16xf32>,
      %gather3A_2147 = tpu.vector_load_idx %arg17[%get3A_2137] : memref<4096xf32, #tpu.memory_space<vmem>>[vector<16xi32>], vector<16xf32>,
      %swap3A_2148 = arith.constant 736 : index
      %swap3A_2149 = tpu.vector_load %arg23[%swap3A_2148] {strides = array<i32>} : memref<1024xf32, #tpu.memory_space<vmem>>, vector<16xf32>,
      tpu.vector_store %arg23[%swap3A_2148], %gather3A_2147 {strides = array<i32>} : memref<1024xf32, #tpu.memory_space<vmem>>, vector<16xf32>,
      %get3A_2150 = arith.constant 752 : index
      %get3A_2151 = tpu.vector_load %arg19[%get3A_2150] {strides = array<i32>} : memref<1024xi32, #tpu.memory_space<vmem>>, vector<16xi32>,
      %gather3A_2152 = tpu.vector_load_idx %arg13[%get3A_2151] : memref<4096xf32, #tpu.memory_space<vmem>>[vector<16xi32>], vector<16xf32>,
      %swap3A_2153 = arith.constant 752 : index
      %swap3A_2154 = tpu.vector_load %arg20[%swap3A_2153] {strides = array<i32>} : memref<1024xf32, #tpu.memory_space<vmem>>, vector<16xf32>,
      tpu.vector_store %arg20[%swap3A_2153], %gather3A_2152 {strides = array<i32>} : memref<1024xf32, #tpu.memory_space<vmem>>, vector<16xf32>,
      %gather3A_2155 = tpu.vector_load_idx %arg14[%get3A_2151] : memref<4096xf32, #tpu.memory_space<vmem>>[vector<16xi32>], vector<16xf32>,
      %swap3A_2156 = arith.constant 752 : index
      %swap3A_2157 = tpu.vector_load %arg21[%swap3A_2156] {strides = array<i32>} : memref<1024xf32, #tpu.memory_space<vmem>>, vector<16xf32>,
      tpu.vector_store %arg21[%swap3A_2156], %gather3A_2155 {strides = array<i32>} : memref<1024xf32, #tpu.memory_space<vmem>>, vector<16xf32>,
      %gather3A_2158 = tpu.vector_load_idx %arg15[%get3A_2151] : memref<4096xf32, #tpu.memory_space<vmem>>[vector<16xi32>], vector<16xf32>,
      %swap3A_2159 = arith.constant 752 : index
      %swap3A_2160 = tpu.vector_load %arg22[%swap3A_2159] {strides = array<i32>} : memref<1024xf32, #tpu.memory_space<vmem>>, vector<16xf32>,
      tpu.vector_store %arg22[%swap3A_2159], %gather3A_2158 {strides = array<i32>} : memref<1024xf32, #tpu.memory_space<vmem>>, vector<16xf32>,
      %gather3A_2161 = tpu.vector_load_idx %arg17[%get3A_2151] : memref<4096xf32, #tpu.memory_space<vmem>>[vector<16xi32>], vector<16xf32>,
      %swap3A_2162 = arith.constant 752 : index
      %swap3A_2163 = tpu.vector_load %arg23[%swap3A_2162] {strides = array<i32>} : memref<1024xf32, #tpu.memory_space<vmem>>, vector<16xf32>,
      tpu.vector_store %arg23[%swap3A_2162], %gather3A_2161 {strides = array<i32>} : memref<1024xf32, #tpu.memory_space<vmem>>, vector<16xf32>,
      %get3A_2164 = arith.constant 768 : index
      %get3A_2165 = tpu.vector_load %arg19[%get3A_2164] {strides = array<i32>} : memref<1024xi32, #tpu.memory_space<vmem>>, vector<16xi32>,
      %gather3A_2166 = tpu.vector_load_idx %arg13[%get3A_2165] : memref<4096xf32, #tpu.memory_space<vmem>>[vector<16xi32>], vector<16xf32>,
      %swap3A_2167 = arith.constant 768 : index
      %swap3A_2168 = tpu.vector_load %arg20[%swap3A_2167] {strides = array<i32>} : memref<1024xf32, #tpu.memory_space<vmem>>, vector<16xf32>,
      tpu.vector_store %arg20[%swap3A_2167], %gather3A_2166 {strides = array<i32>} : memref<1024xf32, #tpu.memory_space<vmem>>, vector<16xf32>,
      %gather3A_2169 = tpu.vector_load_idx %arg14[%get3A_2165] : memref<4096xf32, #tpu.memory_space<vmem>>[vector<16xi32>], vector<16xf32>,
      %swap3A_2170 = arith.constant 768 : index
      %swap3A_2171 = tpu.vector_load %arg21[%swap3A_2170] {strides = array<i32>} : memref<1024xf32, #tpu.memory_space<vmem>>, vector<16xf32>,
      tpu.vector_store %arg21[%swap3A_2170], %gather3A_2169 {strides = array<i32>} : memref<1024xf32, #tpu.memory_space<vmem>>, vector<16xf32>,
      %gather3A_2172 = tpu.vector_load_idx %arg15[%get3A_2165] : memref<4096xf32, #tpu.memory_space<vmem>>[vector<16xi32>], vector<16xf32>,
      %swap3A_2173 = arith.constant 768 : index
      %swap3A_2174 = tpu.vector_load %arg22[%swap3A_2173] {strides = array<i32>} : memref<1024xf32, #tpu.memory_space<vmem>>, vector<16xf32>,
      tpu.vector_store %arg22[%swap3A_2173], %gather3A_2172 {strides = array<i32>} : memref<1024xf32, #tpu.memory_space<vmem>>, vector<16xf32>,
      %gather3A_2175 = tpu.vector_load_idx %arg17[%get3A_2165] : memref<4096xf32, #tpu.memory_space<vmem>>[vector<16xi32>], vector<16xf32>,
      %swap3A_2176 = arith.constant 768 : index
      %swap3A_2177 = tpu.vector_load %arg23[%swap3A_2176] {strides = array<i32>} : memref<1024xf32, #tpu.memory_space<vmem>>, vector<16xf32>,
      tpu.vector_store %arg23[%swap3A_2176], %gather3A_2175 {strides = array<i32>} : memref<1024xf32, #tpu.memory_space<vmem>>, vector<16xf32>,
      %get3A_2178 = arith.constant 784 : index
      %get3A_2179 = tpu.vector_load %arg19[%get3A_2178] {strides = array<i32>} : memref<1024xi32, #tpu.memory_space<vmem>>, vector<16xi32>,
      %gather3A_2180 = tpu.vector_load_idx %arg13[%get3A_2179] : memref<4096xf32, #tpu.memory_space<vmem>>[vector<16xi32>], vector<16xf32>,
      %swap3A_2181 = arith.constant 784 : index
      %swap3A_2182 = tpu.vector_load %arg20[%swap3A_2181] {strides = array<i32>} : memref<1024xf32, #tpu.memory_space<vmem>>, vector<16xf32>,
      tpu.vector_store %arg20[%swap3A_2181], %gather3A_2180 {strides = array<i32>} : memref<1024xf32, #tpu.memory_space<vmem>>, vector<16xf32>,
      %gather3A_2183 = tpu.vector_load_idx %arg14[%get3A_2179] : memref<4096xf32, #tpu.memory_space<vmem>>[vector<16xi32>], vector<16xf32>,
      %swap3A_2184 = arith.constant 784 : index
      %swap3A_2185 = tpu.vector_load %arg21[%swap3A_2184] {strides = array<i32>} : memref<1024xf32, #tpu.memory_space<vmem>>, vector<16xf32>,
      tpu.vector_store %arg21[%swap3A_2184], %gather3A_2183 {strides = array<i32>} : memref<1024xf32, #tpu.memory_space<vmem>>, vector<16xf32>,
      %gather3A_2186 = tpu.vector_load_idx %arg15[%get3A_2179] : memref<4096xf32, #tpu.memory_space<vmem>>[vector<16xi32>], vector<16xf32>,
      %swap3A_2187 = arith.constant 784 : index
      %swap3A_2188 = tpu.vector_load %arg22[%swap3A_2187] {strides = array<i32>} : memref<1024xf32, #tpu.memory_space<vmem>>, vector<16xf32>,
      tpu.vector_store %arg22[%swap3A_2187], %gather3A_2186 {strides = array<i32>} : memref<1024xf32, #tpu.memory_space<vmem>>, vector<16xf32>,
      %gather3A_2189 = tpu.vector_load_idx %arg17[%get3A_2179] : memref<4096xf32, #tpu.memory_space<vmem>>[vector<16xi32>], vector<16xf32>,
      %swap3A_2190 = arith.constant 784 : index
      %swap3A_2191 = tpu.vector_load %arg23[%swap3A_2190] {strides = array<i32>} : memref<1024xf32, #tpu.memory_space<vmem>>, vector<16xf32>,
      tpu.vector_store %arg23[%swap3A_2190], %gather3A_2189 {strides = array<i32>} : memref<1024xf32, #tpu.memory_space<vmem>>, vector<16xf32>,
      %get3A_2192 = arith.constant 800 : index
      %get3A_2193 = tpu.vector_load %arg19[%get3A_2192] {strides = array<i32>} : memref<1024xi32, #tpu.memory_space<vmem>>, vector<16xi32>,
      %gather3A_2194 = tpu.vector_load_idx %arg13[%get3A_2193] : memref<4096xf32, #tpu.memory_space<vmem>>[vector<16xi32>], vector<16xf32>,
      %swap3A_2195 = arith.constant 800 : index
      %swap3A_2196 = tpu.vector_load %arg20[%swap3A_2195] {strides = array<i32>} : memref<1024xf32, #tpu.memory_space<vmem>>, vector<16xf32>,
      tpu.vector_store %arg20[%swap3A_2195], %gather3A_2194 {strides = array<i32>} : memref<1024xf32, #tpu.memory_space<vmem>>, vector<16xf32>,
      %gather3A_2197 = tpu.vector_load_idx %arg14[%get3A_2193] : memref<4096xf32, #tpu.memory_space<vmem>>[vector<16xi32>], vector<16xf32>,
      %swap3A_2198 = arith.constant 800 : index
      %swap3A_2199 = tpu.vector_load %arg21[%swap3A_2198] {strides = array<i32>} : memref<1024xf32, #tpu.memory_space<vmem>>, vector<16xf32>,
      tpu.vector_store %arg21[%swap3A_2198], %gather3A_2197 {strides = array<i32>} : memref<1024xf32, #tpu.memory_space<vmem>>, vector<16xf32>,
      %gather3A_2200 = tpu.vector_load_idx %arg15[%get3A_2193] : memref<4096xf32, #tpu.memory_space<vmem>>[vector<16xi32>], vector<16xf32>,
      %swap3A_2201 = arith.constant 800 : index
      %swap3A_2202 = tpu.vector_load %arg22[%swap3A_2201] {strides = array<i32>} : memref<1024xf32, #tpu.memory_space<vmem>>, vector<16xf32>,
      tpu.vector_store %arg22[%swap3A_2201], %gather3A_2200 {strides = array<i32>} : memref<1024xf32, #tpu.memory_space<vmem>>, vector<16xf32>,
      %gather3A_2203 = tpu.vector_load_idx %arg17[%get3A_2193] : memref<4096xf32, #tpu.memory_space<vmem>>[vector<16xi32>], vector<16xf32>,
      %swap3A_2204 = arith.constant 800 : index
      %swap3A_2205 = tpu.vector_load %arg23[%swap3A_2204] {strides = array<i32>} : memref<1024xf32, #tpu.memory_space<vmem>>, vector<16xf32>,
      tpu.vector_store %arg23[%swap3A_2204], %gather3A_2203 {strides = array<i32>} : memref<1024xf32, #tpu.memory_space<vmem>>, vector<16xf32>,
      %get3A_2206 = arith.constant 816 : index
      %get3A_2207 = tpu.vector_load %arg19[%get3A_2206] {strides = array<i32>} : memref<1024xi32, #tpu.memory_space<vmem>>, vector<16xi32>,
      %gather3A_2208 = tpu.vector_load_idx %arg13[%get3A_2207] : memref<4096xf32, #tpu.memory_space<vmem>>[vector<16xi32>], vector<16xf32>,
      %swap3A_2209 = arith.constant 816 : index
      %swap3A_2210 = tpu.vector_load %arg20[%swap3A_2209] {strides = array<i32>} : memref<1024xf32, #tpu.memory_space<vmem>>, vector<16xf32>,
      tpu.vector_store %arg20[%swap3A_2209], %gather3A_2208 {strides = array<i32>} : memref<1024xf32, #tpu.memory_space<vmem>>, vector<16xf32>,
      %gather3A_2211 = tpu.vector_load_idx %arg14[%get3A_2207] : memref<4096xf32, #tpu.memory_space<vmem>>[vector<16xi32>], vector<16xf32>,
      %swap3A_2212 = arith.constant 816 : index
      %swap3A_2213 = tpu.vector_load %arg21[%swap3A_2212] {strides = array<i32>} : memref<1024xf32, #tpu.memory_space<vmem>>, vector<16xf32>,
      tpu.vector_store %arg21[%swap3A_2212], %gather3A_2211 {strides = array<i32>} : memref<1024xf32, #tpu.memory_space<vmem>>, vector<16xf32>,
      %gather3A_2214 = tpu.vector_load_idx %arg15[%get3A_2207] : memref<4096xf32, #tpu.memory_space<vmem>>[vector<16xi32>], vector<16xf32>,
      %swap3A_2215 = arith.constant 816 : index
      %swap3A_2216 = tpu.vector_load %arg22[%swap3A_2215] {strides = array<i32>} : memref<1024xf32, #tpu.memory_space<vmem>>, vector<16xf32>,
      tpu.vector_store %arg22[%swap3A_2215], %gather3A_2214 {strides = array<i32>} : memref<1024xf32, #tpu.memory_space<vmem>>, vector<16xf32>,
      %gather3A_2217 = tpu.vector_load_idx %arg17[%get3A_2207] : memref<4096xf32, #tpu.memory_space<vmem>>[vector<16xi32>], vector<16xf32>,
      %swap3A_2218 = arith.constant 816 : index
      %swap3A_2219 = tpu.vector_load %arg23[%swap3A_2218] {strides = array<i32>} : memref<1024xf32, #tpu.memory_space<vmem>>, vector<16xf32>,
      tpu.vector_store %arg23[%swap3A_2218], %gather3A_2217 {strides = array<i32>} : memref<1024xf32, #tpu.memory_space<vmem>>, vector<16xf32>,
      %get3A_2220 = arith.constant 832 : index
      %get3A_2221 = tpu.vector_load %arg19[%get3A_2220] {strides = array<i32>} : memref<1024xi32, #tpu.memory_space<vmem>>, vector<16xi32>,
      %gather3A_2222 = tpu.vector_load_idx %arg13[%get3A_2221] : memref<4096xf32, #tpu.memory_space<vmem>>[vector<16xi32>], vector<16xf32>,
      %swap3A_2223 = arith.constant 832 : index
      %swap3A_2224 = tpu.vector_load %arg20[%swap3A_2223] {strides = array<i32>} : memref<1024xf32, #tpu.memory_space<vmem>>, vector<16xf32>,
      tpu.vector_store %arg20[%swap3A_2223], %gather3A_2222 {strides = array<i32>} : memref<1024xf32, #tpu.memory_space<vmem>>, vector<16xf32>,
      %gather3A_2225 = tpu.vector_load_idx %arg14[%get3A_2221] : memref<4096xf32, #tpu.memory_space<vmem>>[vector<16xi32>], vector<16xf32>,
      %swap3A_2226 = arith.constant 832 : index
      %swap3A_2227 = tpu.vector_load %arg21[%swap3A_2226] {strides = array<i32>} : memref<1024xf32, #tpu.memory_space<vmem>>, vector<16xf32>,
      tpu.vector_store %arg21[%swap3A_2226], %gather3A_2225 {strides = array<i32>} : memref<1024xf32, #tpu.memory_space<vmem>>, vector<16xf32>,
      %gather3A_2228 = tpu.vector_load_idx %arg15[%get3A_2221] : memref<4096xf32, #tpu.memory_space<vmem>>[vector<16xi32>], vector<16xf32>,
      %swap3A_2229 = arith.constant 832 : index
      %swap3A_2230 = tpu.vector_load %arg22[%swap3A_2229] {strides = array<i32>} : memref<1024xf32, #tpu.memory_space<vmem>>, vector<16xf32>,
      tpu.vector_store %arg22[%swap3A_2229], %gather3A_2228 {strides = array<i32>} : memref<1024xf32, #tpu.memory_space<vmem>>, vector<16xf32>,
      %gather3A_2231 = tpu.vector_load_idx %arg17[%get3A_2221] : memref<4096xf32, #tpu.memory_space<vmem>>[vector<16xi32>], vector<16xf32>,
      %swap3A_2232 = arith.constant 832 : index
      %swap3A_2233 = tpu.vector_load %arg23[%swap3A_2232] {strides = array<i32>} : memref<1024xf32, #tpu.memory_space<vmem>>, vector<16xf32>,
      tpu.vector_store %arg23[%swap3A_2232], %gather3A_2231 {strides = array<i32>} : memref<1024xf32, #tpu.memory_space<vmem>>, vector<16xf32>,
      %get3A_2234 = arith.constant 848 : index
      %get3A_2235 = tpu.vector_load %arg19[%get3A_2234] {strides = array<i32>} : memref<1024xi32, #tpu.memory_space<vmem>>, vector<16xi32>,
      %gather3A_2236 = tpu.vector_load_idx %arg13[%get3A_2235] : memref<4096xf32, #tpu.memory_space<vmem>>[vector<16xi32>], vector<16xf32>,
      %swap3A_2237 = arith.constant 848 : index
      %swap3A_2238 = tpu.vector_load %arg20[%swap3A_2237] {strides = array<i32>} : memref<1024xf32, #tpu.memory_space<vmem>>, vector<16xf32>,
      tpu.vector_store %arg20[%swap3A_2237], %gather3A_2236 {strides = array<i32>} : memref<1024xf32, #tpu.memory_space<vmem>>, vector<16xf32>,
      %gather3A_2239 = tpu.vector_load_idx %arg14[%get3A_2235] : memref<4096xf32, #tpu.memory_space<vmem>>[vector<16xi32>], vector<16xf32>,
      %swap3A_2240 = arith.constant 848 : index
      %swap3A_2241 = tpu.vector_load %arg21[%swap3A_2240] {strides = array<i32>} : memref<1024xf32, #tpu.memory_space<vmem>>, vector<16xf32>,
      tpu.vector_store %arg21[%swap3A_2240], %gather3A_2239 {strides = array<i32>} : memref<1024xf32, #tpu.memory_space<vmem>>, vector<16xf32>,
      %gather3A_2242 = tpu.vector_load_idx %arg15[%get3A_2235] : memref<4096xf32, #tpu.memory_space<vmem>>[vector<16xi32>], vector<16xf32>,
      %swap3A_2243 = arith.constant 848 : index
      %swap3A_2244 = tpu.vector_load %arg22[%swap3A_2243] {strides = array<i32>} : memref<1024xf32, #tpu.memory_space<vmem>>, vector<16xf32>,
      tpu.vector_store %arg22[%swap3A_2243], %gather3A_2242 {strides = array<i32>} : memref<1024xf32, #tpu.memory_space<vmem>>, vector<16xf32>,
      %gather3A_2245 = tpu.vector_load_idx %arg17[%get3A_2235] : memref<4096xf32, #tpu.memory_space<vmem>>[vector<16xi32>], vector<16xf32>,
      %swap3A_2246 = arith.constant 848 : index
      %swap3A_2247 = tpu.vector_load %arg23[%swap3A_2246] {strides = array<i32>} : memref<1024xf32, #tpu.memory_space<vmem>>, vector<16xf32>,
      tpu.vector_store %arg23[%swap3A_2246], %gather3A_2245 {strides = array<i32>} : memref<1024xf32, #tpu.memory_space<vmem>>, vector<16xf32>,
      %get3A_2248 = arith.constant 864 : index
      %get3A_2249 = tpu.vector_load %arg19[%get3A_2248] {strides = array<i32>} : memref<1024xi32, #tpu.memory_space<vmem>>, vector<16xi32>,
      %gather3A_2250 = tpu.vector_load_idx %arg13[%get3A_2249] : memref<4096xf32, #tpu.memory_space<vmem>>[vector<16xi32>], vector<16xf32>,
      %swap3A_2251 = arith.constant 864 : index
      %swap3A_2252 = tpu.vector_load %arg20[%swap3A_2251] {strides = array<i32>} : memref<1024xf32, #tpu.memory_space<vmem>>, vector<16xf32>,
      tpu.vector_store %arg20[%swap3A_2251], %gather3A_2250 {strides = array<i32>} : memref<1024xf32, #tpu.memory_space<vmem>>, vector<16xf32>,
      %gather3A_2253 = tpu.vector_load_idx %arg14[%get3A_2249] : memref<4096xf32, #tpu.memory_space<vmem>>[vector<16xi32>], vector<16xf32>,
      %swap3A_2254 = arith.constant 864 : index
      %swap3A_2255 = tpu.vector_load %arg21[%swap3A_2254] {strides = array<i32>} : memref<1024xf32, #tpu.memory_space<vmem>>, vector<16xf32>,
      tpu.vector_store %arg21[%swap3A_2254], %gather3A_2253 {strides = array<i32>} : memref<1024xf32, #tpu.memory_space<vmem>>, vector<16xf32>,
      %gather3A_2256 = tpu.vector_load_idx %arg15[%get3A_2249] : memref<4096xf32, #tpu.memory_space<vmem>>[vector<16xi32>], vector<16xf32>,
      %swap3A_2257 = arith.constant 864 : index
      %swap3A_2258 = tpu.vector_load %arg22[%swap3A_2257] {strides = array<i32>} : memref<1024xf32, #tpu.memory_space<vmem>>, vector<16xf32>,
      tpu.vector_store %arg22[%swap3A_2257], %gather3A_2256 {strides = array<i32>} : memref<1024xf32, #tpu.memory_space<vmem>>, vector<16xf32>,
      %gather3A_2259 = tpu.vector_load_idx %arg17[%get3A_2249] : memref<4096xf32, #tpu.memory_space<vmem>>[vector<16xi32>], vector<16xf32>,
      %swap3A_2260 = arith.constant 864 : index
      %swap3A_2261 = tpu.vector_load %arg23[%swap3A_2260] {strides = array<i32>} : memref<1024xf32, #tpu.memory_space<vmem>>, vector<16xf32>,
      tpu.vector_store %arg23[%swap3A_2260], %gather3A_2259 {strides = array<i32>} : memref<1024xf32, #tpu.memory_space<vmem>>, vector<16xf32>,
      %get3A_2262 = arith.constant 880 : index
      %get3A_2263 = tpu.vector_load %arg19[%get3A_2262] {strides = array<i32>} : memref<1024xi32, #tpu.memory_space<vmem>>, vector<16xi32>,
      %gather3A_2264 = tpu.vector_load_idx %arg13[%get3A_2263] : memref<4096xf32, #tpu.memory_space<vmem>>[vector<16xi32>], vector<16xf32>,
      %swap3A_2265 = arith.constant 880 : index
      %swap3A_2266 = tpu.vector_load %arg20[%swap3A_2265] {strides = array<i32>} : memref<1024xf32, #tpu.memory_space<vmem>>, vector<16xf32>,
      tpu.vector_store %arg20[%swap3A_2265], %gather3A_2264 {strides = array<i32>} : memref<1024xf32, #tpu.memory_space<vmem>>, vector<16xf32>,
      %gather3A_2267 = tpu.vector_load_idx %arg14[%get3A_2263] : memref<4096xf32, #tpu.memory_space<vmem>>[vector<16xi32>], vector<16xf32>,
      %swap3A_2268 = arith.constant 880 : index
      %swap3A_2269 = tpu.vector_load %arg21[%swap3A_2268] {strides = array<i32>} : memref<1024xf32, #tpu.memory_space<vmem>>, vector<16xf32>,
      tpu.vector_store %arg21[%swap3A_2268], %gather3A_2267 {strides = array<i32>} : memref<1024xf32, #tpu.memory_space<vmem>>, vector<16xf32>,
      %gather3A_2270 = tpu.vector_load_idx %arg15[%get3A_2263] : memref<4096xf32, #tpu.memory_space<vmem>>[vector<16xi32>], vector<16xf32>,
      %swap3A_2271 = arith.constant 880 : index
      %swap3A_2272 = tpu.vector_load %arg22[%swap3A_2271] {strides = array<i32>} : memref<1024xf32, #tpu.memory_space<vmem>>, vector<16xf32>,
      tpu.vector_store %arg22[%swap3A_2271], %gather3A_2270 {strides = array<i32>} : memref<1024xf32, #tpu.memory_space<vmem>>, vector<16xf32>,
      %gather3A_2273 = tpu.vector_load_idx %arg17[%get3A_2263] : memref<4096xf32, #tpu.memory_space<vmem>>[vector<16xi32>], vector<16xf32>,
      %swap3A_2274 = arith.constant 880 : index
      %swap3A_2275 = tpu.vector_load %arg23[%swap3A_2274] {strides = array<i32>} : memref<1024xf32, #tpu.memory_space<vmem>>, vector<16xf32>,
      tpu.vector_store %arg23[%swap3A_2274], %gather3A_2273 {strides = array<i32>} : memref<1024xf32, #tpu.memory_space<vmem>>, vector<16xf32>,
      %get3A_2276 = arith.constant 896 : index
      %get3A_2277 = tpu.vector_load %arg19[%get3A_2276] {strides = array<i32>} : memref<1024xi32, #tpu.memory_space<vmem>>, vector<16xi32>,
      %gather3A_2278 = tpu.vector_load_idx %arg13[%get3A_2277] : memref<4096xf32, #tpu.memory_space<vmem>>[vector<16xi32>], vector<16xf32>,
      %swap3A_2279 = arith.constant 896 : index
      %swap3A_2280 = tpu.vector_load %arg20[%swap3A_2279] {strides = array<i32>} : memref<1024xf32, #tpu.memory_space<vmem>>, vector<16xf32>,
      tpu.vector_store %arg20[%swap3A_2279], %gather3A_2278 {strides = array<i32>} : memref<1024xf32, #tpu.memory_space<vmem>>, vector<16xf32>,
      %gather3A_2281 = tpu.vector_load_idx %arg14[%get3A_2277] : memref<4096xf32, #tpu.memory_space<vmem>>[vector<16xi32>], vector<16xf32>,
      %swap3A_2282 = arith.constant 896 : index
      %swap3A_2283 = tpu.vector_load %arg21[%swap3A_2282] {strides = array<i32>} : memref<1024xf32, #tpu.memory_space<vmem>>, vector<16xf32>,
      tpu.vector_store %arg21[%swap3A_2282], %gather3A_2281 {strides = array<i32>} : memref<1024xf32, #tpu.memory_space<vmem>>, vector<16xf32>,
      %gather3A_2284 = tpu.vector_load_idx %arg15[%get3A_2277] : memref<4096xf32, #tpu.memory_space<vmem>>[vector<16xi32>], vector<16xf32>,
      %swap3A_2285 = arith.constant 896 : index
      %swap3A_2286 = tpu.vector_load %arg22[%swap3A_2285] {strides = array<i32>} : memref<1024xf32, #tpu.memory_space<vmem>>, vector<16xf32>,
      tpu.vector_store %arg22[%swap3A_2285], %gather3A_2284 {strides = array<i32>} : memref<1024xf32, #tpu.memory_space<vmem>>, vector<16xf32>,
      %gather3A_2287 = tpu.vector_load_idx %arg17[%get3A_2277] : memref<4096xf32, #tpu.memory_space<vmem>>[vector<16xi32>], vector<16xf32>,
      %swap3A_2288 = arith.constant 896 : index
      %swap3A_2289 = tpu.vector_load %arg23[%swap3A_2288] {strides = array<i32>} : memref<1024xf32, #tpu.memory_space<vmem>>, vector<16xf32>,
      tpu.vector_store %arg23[%swap3A_2288], %gather3A_2287 {strides = array<i32>} : memref<1024xf32, #tpu.memory_space<vmem>>, vector<16xf32>,
      %get3A_2290 = arith.constant 912 : index
      %get3A_2291 = tpu.vector_load %arg19[%get3A_2290] {strides = array<i32>} : memref<1024xi32, #tpu.memory_space<vmem>>, vector<16xi32>,
      %gather3A_2292 = tpu.vector_load_idx %arg13[%get3A_2291] : memref<4096xf32, #tpu.memory_space<vmem>>[vector<16xi32>], vector<16xf32>,
      %swap3A_2293 = arith.constant 912 : index
      %swap3A_2294 = tpu.vector_load %arg20[%swap3A_2293] {strides = array<i32>} : memref<1024xf32, #tpu.memory_space<vmem>>, vector<16xf32>,
      tpu.vector_store %arg20[%swap3A_2293], %gather3A_2292 {strides = array<i32>} : memref<1024xf32, #tpu.memory_space<vmem>>, vector<16xf32>,
      %gather3A_2295 = tpu.vector_load_idx %arg14[%get3A_2291] : memref<4096xf32, #tpu.memory_space<vmem>>[vector<16xi32>], vector<16xf32>,
      %swap3A_2296 = arith.constant 912 : index
      %swap3A_2297 = tpu.vector_load %arg21[%swap3A_2296] {strides = array<i32>} : memref<1024xf32, #tpu.memory_space<vmem>>, vector<16xf32>,
      tpu.vector_store %arg21[%swap3A_2296], %gather3A_2295 {strides = array<i32>} : memref<1024xf32, #tpu.memory_space<vmem>>, vector<16xf32>,
      %gather3A_2298 = tpu.vector_load_idx %arg15[%get3A_2291] : memref<4096xf32, #tpu.memory_space<vmem>>[vector<16xi32>], vector<16xf32>,
      %swap3A_2299 = arith.constant 912 : index
      %swap3A_2300 = tpu.vector_load %arg22[%swap3A_2299] {strides = array<i32>} : memref<1024xf32, #tpu.memory_space<vmem>>, vector<16xf32>,
      tpu.vector_store %arg22[%swap3A_2299], %gather3A_2298 {strides = array<i32>} : memref<1024xf32, #tpu.memory_space<vmem>>, vector<16xf32>,
      %gather3A_2301 = tpu.vector_load_idx %arg17[%get3A_2291] : memref<4096xf32, #tpu.memory_space<vmem>>[vector<16xi32>], vector<16xf32>,
      %swap3A_2302 = arith.constant 912 : index
      %swap3A_2303 = tpu.vector_load %arg23[%swap3A_2302] {strides = array<i32>} : memref<1024xf32, #tpu.memory_space<vmem>>, vector<16xf32>,
      tpu.vector_store %arg23[%swap3A_2302], %gather3A_2301 {strides = array<i32>} : memref<1024xf32, #tpu.memory_space<vmem>>, vector<16xf32>,
      %get3A_2304 = arith.constant 928 : index
      %get3A_2305 = tpu.vector_load %arg19[%get3A_2304] {strides = array<i32>} : memref<1024xi32, #tpu.memory_space<vmem>>, vector<16xi32>,
      %gather3A_2306 = tpu.vector_load_idx %arg13[%get3A_2305] : memref<4096xf32, #tpu.memory_space<vmem>>[vector<16xi32>], vector<16xf32>,
      %swap3A_2307 = arith.constant 928 : index
      %swap3A_2308 = tpu.vector_load %arg20[%swap3A_2307] {strides = array<i32>} : memref<1024xf32, #tpu.memory_space<vmem>>, vector<16xf32>,
      tpu.vector_store %arg20[%swap3A_2307], %gather3A_2306 {strides = array<i32>} : memref<1024xf32, #tpu.memory_space<vmem>>, vector<16xf32>,
      %gather3A_2309 = tpu.vector_load_idx %arg14[%get3A_2305] : memref<4096xf32, #tpu.memory_space<vmem>>[vector<16xi32>], vector<16xf32>,
      %swap3A_2310 = arith.constant 928 : index
      %swap3A_2311 = tpu.vector_load %arg21[%swap3A_2310] {strides = array<i32>} : memref<1024xf32, #tpu.memory_space<vmem>>, vector<16xf32>,
      tpu.vector_store %arg21[%swap3A_2310], %gather3A_2309 {strides = array<i32>} : memref<1024xf32, #tpu.memory_space<vmem>>, vector<16xf32>,
      %gather3A_2312 = tpu.vector_load_idx %arg15[%get3A_2305] : memref<4096xf32, #tpu.memory_space<vmem>>[vector<16xi32>], vector<16xf32>,
      %swap3A_2313 = arith.constant 928 : index
      %swap3A_2314 = tpu.vector_load %arg22[%swap3A_2313] {strides = array<i32>} : memref<1024xf32, #tpu.memory_space<vmem>>, vector<16xf32>,
      tpu.vector_store %arg22[%swap3A_2313], %gather3A_2312 {strides = array<i32>} : memref<1024xf32, #tpu.memory_space<vmem>>, vector<16xf32>,
      %gather3A_2315 = tpu.vector_load_idx %arg17[%get3A_2305] : memref<4096xf32, #tpu.memory_space<vmem>>[vector<16xi32>], vector<16xf32>,
      %swap3A_2316 = arith.constant 928 : index
      %swap3A_2317 = tpu.vector_load %arg23[%swap3A_2316] {strides = array<i32>} : memref<1024xf32, #tpu.memory_space<vmem>>, vector<16xf32>,
      tpu.vector_store %arg23[%swap3A_2316], %gather3A_2315 {strides = array<i32>} : memref<1024xf32, #tpu.memory_space<vmem>>, vector<16xf32>,
      %get3A_2318 = arith.constant 944 : index
      %get3A_2319 = tpu.vector_load %arg19[%get3A_2318] {strides = array<i32>} : memref<1024xi32, #tpu.memory_space<vmem>>, vector<16xi32>,
      %gather3A_2320 = tpu.vector_load_idx %arg13[%get3A_2319] : memref<4096xf32, #tpu.memory_space<vmem>>[vector<16xi32>], vector<16xf32>,
      %swap3A_2321 = arith.constant 944 : index
      %swap3A_2322 = tpu.vector_load %arg20[%swap3A_2321] {strides = array<i32>} : memref<1024xf32, #tpu.memory_space<vmem>>, vector<16xf32>,
      tpu.vector_store %arg20[%swap3A_2321], %gather3A_2320 {strides = array<i32>} : memref<1024xf32, #tpu.memory_space<vmem>>, vector<16xf32>,
      %gather3A_2323 = tpu.vector_load_idx %arg14[%get3A_2319] : memref<4096xf32, #tpu.memory_space<vmem>>[vector<16xi32>], vector<16xf32>,
      %swap3A_2324 = arith.constant 944 : index
      %swap3A_2325 = tpu.vector_load %arg21[%swap3A_2324] {strides = array<i32>} : memref<1024xf32, #tpu.memory_space<vmem>>, vector<16xf32>,
      tpu.vector_store %arg21[%swap3A_2324], %gather3A_2323 {strides = array<i32>} : memref<1024xf32, #tpu.memory_space<vmem>>, vector<16xf32>,
      %gather3A_2326 = tpu.vector_load_idx %arg15[%get3A_2319] : memref<4096xf32, #tpu.memory_space<vmem>>[vector<16xi32>], vector<16xf32>,
      %swap3A_2327 = arith.constant 944 : index
      %swap3A_2328 = tpu.vector_load %arg22[%swap3A_2327] {strides = array<i32>} : memref<1024xf32, #tpu.memory_space<vmem>>, vector<16xf32>,
      tpu.vector_store %arg22[%swap3A_2327], %gather3A_2326 {strides = array<i32>} : memref<1024xf32, #tpu.memory_space<vmem>>, vector<16xf32>,
      %gather3A_2329 = tpu.vector_load_idx %arg17[%get3A_2319] : memref<4096xf32, #tpu.memory_space<vmem>>[vector<16xi32>], vector<16xf32>,
      %swap3A_2330 = arith.constant 944 : index
      %swap3A_2331 = tpu.vector_load %arg23[%swap3A_2330] {strides = array<i32>} : memref<1024xf32, #tpu.memory_space<vmem>>, vector<16xf32>,
      tpu.vector_store %arg23[%swap3A_2330], %gather3A_2329 {strides = array<i32>} : memref<1024xf32, #tpu.memory_space<vmem>>, vector<16xf32>,
      %get3A_2332 = arith.constant 960 : index
      %get3A_2333 = tpu.vector_load %arg19[%get3A_2332] {strides = array<i32>} : memref<1024xi32, #tpu.memory_space<vmem>>, vector<16xi32>,
      %gather3A_2334 = tpu.vector_load_idx %arg13[%get3A_2333] : memref<4096xf32, #tpu.memory_space<vmem>>[vector<16xi32>], vector<16xf32>,
      %swap3A_2335 = arith.constant 960 : index
      %swap3A_2336 = tpu.vector_load %arg20[%swap3A_2335] {strides = array<i32>} : memref<1024xf32, #tpu.memory_space<vmem>>, vector<16xf32>,
      tpu.vector_store %arg20[%swap3A_2335], %gather3A_2334 {strides = array<i32>} : memref<1024xf32, #tpu.memory_space<vmem>>, vector<16xf32>,
      %gather3A_2337 = tpu.vector_load_idx %arg14[%get3A_2333] : memref<4096xf32, #tpu.memory_space<vmem>>[vector<16xi32>], vector<16xf32>,
      %swap3A_2338 = arith.constant 960 : index
      %swap3A_2339 = tpu.vector_load %arg21[%swap3A_2338] {strides = array<i32>} : memref<1024xf32, #tpu.memory_space<vmem>>, vector<16xf32>,
      tpu.vector_store %arg21[%swap3A_2338], %gather3A_2337 {strides = array<i32>} : memref<1024xf32, #tpu.memory_space<vmem>>, vector<16xf32>,
      %gather3A_2340 = tpu.vector_load_idx %arg15[%get3A_2333] : memref<4096xf32, #tpu.memory_space<vmem>>[vector<16xi32>], vector<16xf32>,
      %swap3A_2341 = arith.constant 960 : index
      %swap3A_2342 = tpu.vector_load %arg22[%swap3A_2341] {strides = array<i32>} : memref<1024xf32, #tpu.memory_space<vmem>>, vector<16xf32>,
      tpu.vector_store %arg22[%swap3A_2341], %gather3A_2340 {strides = array<i32>} : memref<1024xf32, #tpu.memory_space<vmem>>, vector<16xf32>,
      %gather3A_2343 = tpu.vector_load_idx %arg17[%get3A_2333] : memref<4096xf32, #tpu.memory_space<vmem>>[vector<16xi32>], vector<16xf32>,
      %swap3A_2344 = arith.constant 960 : index
      %swap3A_2345 = tpu.vector_load %arg23[%swap3A_2344] {strides = array<i32>} : memref<1024xf32, #tpu.memory_space<vmem>>, vector<16xf32>,
      tpu.vector_store %arg23[%swap3A_2344], %gather3A_2343 {strides = array<i32>} : memref<1024xf32, #tpu.memory_space<vmem>>, vector<16xf32>,
      %get3A_2346 = arith.constant 976 : index
      %get3A_2347 = tpu.vector_load %arg19[%get3A_2346] {strides = array<i32>} : memref<1024xi32, #tpu.memory_space<vmem>>, vector<16xi32>,
      %gather3A_2348 = tpu.vector_load_idx %arg13[%get3A_2347] : memref<4096xf32, #tpu.memory_space<vmem>>[vector<16xi32>], vector<16xf32>,
      %swap3A_2349 = arith.constant 976 : index
      %swap3A_2350 = tpu.vector_load %arg20[%swap3A_2349] {strides = array<i32>} : memref<1024xf32, #tpu.memory_space<vmem>>, vector<16xf32>,
      tpu.vector_store %arg20[%swap3A_2349], %gather3A_2348 {strides = array<i32>} : memref<1024xf32, #tpu.memory_space<vmem>>, vector<16xf32>,
      %gather3A_2351 = tpu.vector_load_idx %arg14[%get3A_2347] : memref<4096xf32, #tpu.memory_space<vmem>>[vector<16xi32>], vector<16xf32>,
      %swap3A_2352 = arith.constant 976 : index
      %swap3A_2353 = tpu.vector_load %arg21[%swap3A_2352] {strides = array<i32>} : memref<1024xf32, #tpu.memory_space<vmem>>, vector<16xf32>,
      tpu.vector_store %arg21[%swap3A_2352], %gather3A_2351 {strides = array<i32>} : memref<1024xf32, #tpu.memory_space<vmem>>, vector<16xf32>,
      %gather3A_2354 = tpu.vector_load_idx %arg15[%get3A_2347] : memref<4096xf32, #tpu.memory_space<vmem>>[vector<16xi32>], vector<16xf32>,
      %swap3A_2355 = arith.constant 976 : index
      %swap3A_2356 = tpu.vector_load %arg22[%swap3A_2355] {strides = array<i32>} : memref<1024xf32, #tpu.memory_space<vmem>>, vector<16xf32>,
      tpu.vector_store %arg22[%swap3A_2355], %gather3A_2354 {strides = array<i32>} : memref<1024xf32, #tpu.memory_space<vmem>>, vector<16xf32>,
      %gather3A_2357 = tpu.vector_load_idx %arg17[%get3A_2347] : memref<4096xf32, #tpu.memory_space<vmem>>[vector<16xi32>], vector<16xf32>,
      %swap3A_2358 = arith.constant 976 : index
      %swap3A_2359 = tpu.vector_load %arg23[%swap3A_2358] {strides = array<i32>} : memref<1024xf32, #tpu.memory_space<vmem>>, vector<16xf32>,
      tpu.vector_store %arg23[%swap3A_2358], %gather3A_2357 {strides = array<i32>} : memref<1024xf32, #tpu.memory_space<vmem>>, vector<16xf32>,
      %get3A_2360 = arith.constant 992 : index
      %get3A_2361 = tpu.vector_load %arg19[%get3A_2360] {strides = array<i32>} : memref<1024xi32, #tpu.memory_space<vmem>>, vector<16xi32>,
      %gather3A_2362 = tpu.vector_load_idx %arg13[%get3A_2361] : memref<4096xf32, #tpu.memory_space<vmem>>[vector<16xi32>], vector<16xf32>,
      %swap3A_2363 = arith.constant 992 : index
      %swap3A_2364 = tpu.vector_load %arg20[%swap3A_2363] {strides = array<i32>} : memref<1024xf32, #tpu.memory_space<vmem>>, vector<16xf32>,
      tpu.vector_store %arg20[%swap3A_2363], %gather3A_2362 {strides = array<i32>} : memref<1024xf32, #tpu.memory_space<vmem>>, vector<16xf32>,
      %gather3A_2365 = tpu.vector_load_idx %arg14[%get3A_2361] : memref<4096xf32, #tpu.memory_space<vmem>>[vector<16xi32>], vector<16xf32>,
      %swap3A_2366 = arith.constant 992 : index
      %swap3A_2367 = tpu.vector_load %arg21[%swap3A_2366] {strides = array<i32>} : memref<1024xf32, #tpu.memory_space<vmem>>, vector<16xf32>,
      tpu.vector_store %arg21[%swap3A_2366], %gather3A_2365 {strides = array<i32>} : memref<1024xf32, #tpu.memory_space<vmem>>, vector<16xf32>,
      %gather3A_2368 = tpu.vector_load_idx %arg15[%get3A_2361] : memref<4096xf32, #tpu.memory_space<vmem>>[vector<16xi32>], vector<16xf32>,
      %swap3A_2369 = arith.constant 992 : index
      %swap3A_2370 = tpu.vector_load %arg22[%swap3A_2369] {strides = array<i32>} : memref<1024xf32, #tpu.memory_space<vmem>>, vector<16xf32>,
      tpu.vector_store %arg22[%swap3A_2369], %gather3A_2368 {strides = array<i32>} : memref<1024xf32, #tpu.memory_space<vmem>>, vector<16xf32>,
      %gather3A_2371 = tpu.vector_load_idx %arg17[%get3A_2361] : memref<4096xf32, #tpu.memory_space<vmem>>[vector<16xi32>], vector<16xf32>,
      %swap3A_2372 = arith.constant 992 : index
      %swap3A_2373 = tpu.vector_load %arg23[%swap3A_2372] {strides = array<i32>} : memref<1024xf32, #tpu.memory_space<vmem>>, vector<16xf32>,
      tpu.vector_store %arg23[%swap3A_2372], %gather3A_2371 {strides = array<i32>} : memref<1024xf32, #tpu.memory_space<vmem>>, vector<16xf32>,
      %get3A_2374 = arith.constant 1008 : index
      %get3A_2375 = tpu.vector_load %arg19[%get3A_2374] {strides = array<i32>} : memref<1024xi32, #tpu.memory_space<vmem>>, vector<16xi32>,
      %gather3A_2376 = tpu.vector_load_idx %arg13[%get3A_2375] : memref<4096xf32, #tpu.memory_space<vmem>>[vector<16xi32>], vector<16xf32>,
      %swap3A_2377 = arith.constant 1008 : index
      %swap3A_2378 = tpu.vector_load %arg20[%swap3A_2377] {strides = array<i32>} : memref<1024xf32, #tpu.memory_space<vmem>>, vector<16xf32>,
      tpu.vector_store %arg20[%swap3A_2377], %gather3A_2376 {strides = array<i32>} : memref<1024xf32, #tpu.memory_space<vmem>>, vector<16xf32>,
      %gather3A_2379 = tpu.vector_load_idx %arg14[%get3A_2375] : memref<4096xf32, #tpu.memory_space<vmem>>[vector<16xi32>], vector<16xf32>,
      %swap3A_2380 = arith.constant 1008 : index
      %swap3A_2381 = tpu.vector_load %arg21[%swap3A_2380] {strides = array<i32>} : memref<1024xf32, #tpu.memory_space<vmem>>, vector<16xf32>,
      tpu.vector_store %arg21[%swap3A_2380], %gather3A_2379 {strides = array<i32>} : memref<1024xf32, #tpu.memory_space<vmem>>, vector<16xf32>,
      %gather3A_2382 = tpu.vector_load_idx %arg15[%get3A_2375] : memref<4096xf32, #tpu.memory_space<vmem>>[vector<16xi32>], vector<16xf32>,
      %swap3A_2383 = arith.constant 1008 : index
      %swap3A_2384 = tpu.vector_load %arg22[%swap3A_2383] {strides = array<i32>} : memref<1024xf32, #tpu.memory_space<vmem>>, vector<16xf32>,
      tpu.vector_store %arg22[%swap3A_2383], %gather3A_2382 {strides = array<i32>} : memref<1024xf32, #tpu.memory_space<vmem>>, vector<16xf32>,
      %gather3A_2385 = tpu.vector_load_idx %arg17[%get3A_2375] : memref<4096xf32, #tpu.memory_space<vmem>>[vector<16xi32>], vector<16xf32>,
      %swap3A_2386 = arith.constant 1008 : index
      %swap3A_2387 = tpu.vector_load %arg23[%swap3A_2386] {strides = array<i32>} : memref<1024xf32, #tpu.memory_space<vmem>>, vector<16xf32>,
      tpu.vector_store %arg23[%swap3A_2386], %gather3A_2385 {strides = array<i32>} : memref<1024xf32, #tpu.memory_space<vmem>>, vector<16xf32>,
      %mul3A_2388 = arith.constant 1024 : i32
      %mul3A_2389 = arith.muli %add3A, %mul3A_2388 : i32
      "tpu.region"() ({
        %run_scoped3A = tpu.sem_alloc : memref<!tpu.dma_semaphore, #tpu.memory_space<semaphore_mem>>
        %dma_start3A_2396 = tpu.memref_slice %arg8[%mul3A_2389] : memref<16384xf32, #tpu.memory_space<hbm>> -> memref<1024xf32, #tpu.memory_space<hbm>>
        %dma_start3A_2397 = tpu.memref_slice %arg8[%mul3A_2389] : memref<16384xf32, #tpu.memory_space<hbm>> -> memref<1024xf32, #tpu.memory_space<hbm>>
        tpu.enqueue_dma source(%arg20 : memref<1024xf32, #tpu.memory_space<vmem>>) target(%dma_start3A_2397 : memref<1024xf32, #tpu.memory_space<hbm>>) target_semaphore(%run_scoped3A : memref<!tpu.dma_semaphore, #tpu.memory_space<semaphore_mem>>)
        %dma_wait3A_2398 = tpu.memref_slice %arg8[%mul3A_2389] : memref<16384xf32, #tpu.memory_space<hbm>> -> memref<1024xf32, #tpu.memory_space<hbm>>
        %dma_wait3A_2399 = tpu.memref_slice %arg8[%mul3A_2389] : memref<16384xf32, #tpu.memory_space<hbm>> -> memref<1024xf32, #tpu.memory_space<hbm>>
        tpu.wait_dma2 semaphore(%run_scoped3A : memref<!tpu.dma_semaphore, #tpu.memory_space<semaphore_mem>>) src(%arg20 : memref<1024xf32, #tpu.memory_space<vmem>>) dst(%dma_wait3A_2399 : memref<1024xf32, #tpu.memory_space<hbm>>)
        tpu.yield
      }) : () -> ()
      %mul3A_2390 = arith.constant 1024 : i32
      %mul3A_2391 = arith.muli %add3A, %mul3A_2390 : i32
      "tpu.region"() ({
        %run_scoped3A = tpu.sem_alloc : memref<!tpu.dma_semaphore, #tpu.memory_space<semaphore_mem>>
        %dma_start3A_2396 = tpu.memref_slice %arg9[%mul3A_2391] : memref<16384xf32, #tpu.memory_space<hbm>> -> memref<1024xf32, #tpu.memory_space<hbm>>
        %dma_start3A_2397 = tpu.memref_slice %arg9[%mul3A_2391] : memref<16384xf32, #tpu.memory_space<hbm>> -> memref<1024xf32, #tpu.memory_space<hbm>>
        tpu.enqueue_dma source(%arg21 : memref<1024xf32, #tpu.memory_space<vmem>>) target(%dma_start3A_2397 : memref<1024xf32, #tpu.memory_space<hbm>>) target_semaphore(%run_scoped3A : memref<!tpu.dma_semaphore, #tpu.memory_space<semaphore_mem>>)
        %dma_wait3A_2398 = tpu.memref_slice %arg9[%mul3A_2391] : memref<16384xf32, #tpu.memory_space<hbm>> -> memref<1024xf32, #tpu.memory_space<hbm>>
        %dma_wait3A_2399 = tpu.memref_slice %arg9[%mul3A_2391] : memref<16384xf32, #tpu.memory_space<hbm>> -> memref<1024xf32, #tpu.memory_space<hbm>>
        tpu.wait_dma2 semaphore(%run_scoped3A : memref<!tpu.dma_semaphore, #tpu.memory_space<semaphore_mem>>) src(%arg21 : memref<1024xf32, #tpu.memory_space<vmem>>) dst(%dma_wait3A_2399 : memref<1024xf32, #tpu.memory_space<hbm>>)
        tpu.yield
      }) : () -> ()
      %mul3A_2392 = arith.constant 1024 : i32
      %mul3A_2393 = arith.muli %add3A, %mul3A_2392 : i32
      "tpu.region"() ({
        %run_scoped3A = tpu.sem_alloc : memref<!tpu.dma_semaphore, #tpu.memory_space<semaphore_mem>>
        %dma_start3A_2396 = tpu.memref_slice %arg10[%mul3A_2393] : memref<16384xf32, #tpu.memory_space<hbm>> -> memref<1024xf32, #tpu.memory_space<hbm>>
        %dma_start3A_2397 = tpu.memref_slice %arg10[%mul3A_2393] : memref<16384xf32, #tpu.memory_space<hbm>> -> memref<1024xf32, #tpu.memory_space<hbm>>
        tpu.enqueue_dma source(%arg22 : memref<1024xf32, #tpu.memory_space<vmem>>) target(%dma_start3A_2397 : memref<1024xf32, #tpu.memory_space<hbm>>) target_semaphore(%run_scoped3A : memref<!tpu.dma_semaphore, #tpu.memory_space<semaphore_mem>>)
        %dma_wait3A_2398 = tpu.memref_slice %arg10[%mul3A_2393] : memref<16384xf32, #tpu.memory_space<hbm>> -> memref<1024xf32, #tpu.memory_space<hbm>>
        %dma_wait3A_2399 = tpu.memref_slice %arg10[%mul3A_2393] : memref<16384xf32, #tpu.memory_space<hbm>> -> memref<1024xf32, #tpu.memory_space<hbm>>
        tpu.wait_dma2 semaphore(%run_scoped3A : memref<!tpu.dma_semaphore, #tpu.memory_space<semaphore_mem>>) src(%arg22 : memref<1024xf32, #tpu.memory_space<vmem>>) dst(%dma_wait3A_2399 : memref<1024xf32, #tpu.memory_space<hbm>>)
        tpu.yield
      }) : () -> ()
      %mul3A_2394 = arith.constant 1024 : i32
      %mul3A_2395 = arith.muli %add3A, %mul3A_2394 : i32
      "tpu.region"() ({
        %run_scoped3A = tpu.sem_alloc : memref<!tpu.dma_semaphore, #tpu.memory_space<semaphore_mem>>
        %dma_start3A_2396 = tpu.memref_slice %arg12[%mul3A_2395] : memref<16384xf32, #tpu.memory_space<hbm>> -> memref<1024xf32, #tpu.memory_space<hbm>>
        %dma_start3A_2397 = tpu.memref_slice %arg12[%mul3A_2395] : memref<16384xf32, #tpu.memory_space<hbm>> -> memref<1024xf32, #tpu.memory_space<hbm>>
        tpu.enqueue_dma source(%arg23 : memref<1024xf32, #tpu.memory_space<vmem>>) target(%dma_start3A_2397 : memref<1024xf32, #tpu.memory_space<hbm>>) target_semaphore(%run_scoped3A : memref<!tpu.dma_semaphore, #tpu.memory_space<semaphore_mem>>)
        %dma_wait3A_2398 = tpu.memref_slice %arg12[%mul3A_2395] : memref<16384xf32, #tpu.memory_space<hbm>> -> memref<1024xf32, #tpu.memory_space<hbm>>
        %dma_wait3A_2399 = tpu.memref_slice %arg12[%mul3A_2395] : memref<16384xf32, #tpu.memory_space<hbm>> -> memref<1024xf32, #tpu.memory_space<hbm>>
        tpu.wait_dma2 semaphore(%run_scoped3A : memref<!tpu.dma_semaphore, #tpu.memory_space<semaphore_mem>>) src(%arg23 : memref<1024xf32, #tpu.memory_space<vmem>>) dst(%dma_wait3A_2399 : memref<1024xf32, #tpu.memory_space<hbm>>)
        tpu.yield
      }) : () -> ()
    } else {
    }
    %mul3A_40 = arith.constant 32 : i32
    %mul3A_41 = arith.muli %div3A_2, %mul3A_40 : i32
    %add3A_42 = arith.constant 0 : i32
    %add3A_43 = arith.addi %add3A_42, %mul3A_41 : i32
    %mul3A_44 = arith.constant 16 : i32
    %mul3A_45 = arith.muli %add3A_43, %mul3A_44 : i32
    %get3A = arith.index_cast %mul3A_45 : i32 to index
    %get3A_46 = tpu.vector_load %arg19[%get3A] {strides = array<i32>} : memref<1024xi32, #tpu.memory_space<vmem>>, vector<16xi32>,
    %jit3A = arith.constant 8 : i32
    %div3A_47 = arith.divsi %add3A_43, %jit3A : i32
    %sign3A = arith.constant 0 : i32
    %sign3A_48 = arith.cmpi sgt, %add3A_43, %sign3A : i32
    %sign3A_49 = arith.extui %sign3A_48 : i1 to i32
    %sign3A_50 = arith.constant 0 : i32
    %sign3A_51 = arith.cmpi slt, %add3A_43, %sign3A_50 : i32
    %sign3A_52 = arith.extui %sign3A_51 : i1 to i32
    %sign3A_53 = arith.subi %sign3A_49, %sign3A_52 : i32
    %sign3A_54 = arith.constant 0 : i32
    %sign3A_55 = arith.cmpi sgt, %jit3A, %sign3A_54 : i32
    %sign3A_56 = arith.extui %sign3A_55 : i1 to i32
    %sign3A_57 = arith.constant 0 : i32
    %sign3A_58 = arith.cmpi slt, %jit3A, %sign3A_57 : i32
    %sign3A_59 = arith.extui %sign3A_58 : i1 to i32
    %sign3A_60 = arith.subi %sign3A_56, %sign3A_59 : i32
    %ne3A = arith.cmpi ne, %sign3A_53, %sign3A_60 : i32
    %rem3A_61 = arith.remsi %add3A_43, %jit3A : i32
    %ne3A_62 = arith.constant 0 : i32
    %ne3A_63 = arith.cmpi ne, %rem3A_61, %ne3A_62 : i32
    %and3A = arith.andi %ne3A, %ne3A_63 : i1
    %sub3A = arith.constant 1 : i32
    %sub3A_64 = arith.subi %div3A_47, %sub3A : i32
    %select_n3A = arith.select %and3A, %sub3A_64, %div3A_47 : i32
    %rem3A_65 = arith.constant 8 : i32
    %rem3A_66 = arith.remsi %add3A_43, %rem3A_65 : i32
    %mul3A_67 = arith.constant 16 : i32
    %mul3A_68 = arith.muli %rem3A_66, %mul3A_67 : i32
    %mul3A_69 = arith.constant 4096 : i32
    %mul3A_70 = arith.muli %add3A, %mul3A_69 : i32
    %add3A_71 = vector.broadcast %mul3A_70 : i32 to vector<16xi32>
    %add3A_72 = arith.addi %get3A_46, %add3A_71 : vector<16xi32>
    %swap3A = arith.index_cast %select_n3A : i32 to index
    %swap3A_73 = arith.index_cast %mul3A_68 : i32 to index
    %swap3A_74 = tpu.vector_load %arg24[%swap3A, %swap3A_73] {strides = array<i32>} : memref<8x128xi32, #tpu.memory_space<vmem>>, vector<16xi32>,
    tpu.vector_store %arg24[%swap3A, %swap3A_73], %add3A_72 {strides = array<i32>} : memref<8x128xi32, #tpu.memory_space<vmem>>, vector<16xi32>,
    %mul3A_75 = arith.constant 32 : i32
    %mul3A_76 = arith.muli %div3A_2, %mul3A_75 : i32
    %add3A_77 = arith.constant 1 : i32
    %add3A_78 = arith.addi %add3A_77, %mul3A_76 : i32
    %mul3A_79 = arith.constant 16 : i32
    %mul3A_80 = arith.muli %add3A_78, %mul3A_79 : i32
    %get3A_81 = arith.index_cast %mul3A_80 : i32 to index
    %get3A_82 = tpu.vector_load %arg19[%get3A_81] {strides = array<i32>} : memref<1024xi32, #tpu.memory_space<vmem>>, vector<16xi32>,
    %jit3A_83 = arith.constant 8 : i32
    %div3A_84 = arith.divsi %add3A_78, %jit3A_83 : i32
    %sign3A_85 = arith.constant 0 : i32
    %sign3A_86 = arith.cmpi sgt, %add3A_78, %sign3A_85 : i32
    %sign3A_87 = arith.extui %sign3A_86 : i1 to i32
    %sign3A_88 = arith.constant 0 : i32
    %sign3A_89 = arith.cmpi slt, %add3A_78, %sign3A_88 : i32
    %sign3A_90 = arith.extui %sign3A_89 : i1 to i32
    %sign3A_91 = arith.subi %sign3A_87, %sign3A_90 : i32
    %sign3A_92 = arith.constant 0 : i32
    %sign3A_93 = arith.cmpi sgt, %jit3A_83, %sign3A_92 : i32
    %sign3A_94 = arith.extui %sign3A_93 : i1 to i32
    %sign3A_95 = arith.constant 0 : i32
    %sign3A_96 = arith.cmpi slt, %jit3A_83, %sign3A_95 : i32
    %sign3A_97 = arith.extui %sign3A_96 : i1 to i32
    %sign3A_98 = arith.subi %sign3A_94, %sign3A_97 : i32
    %ne3A_99 = arith.cmpi ne, %sign3A_91, %sign3A_98 : i32
    %rem3A_100 = arith.remsi %add3A_78, %jit3A_83 : i32
    %ne3A_101 = arith.constant 0 : i32
    %ne3A_102 = arith.cmpi ne, %rem3A_100, %ne3A_101 : i32
    %and3A_103 = arith.andi %ne3A_99, %ne3A_102 : i1
    %sub3A_104 = arith.constant 1 : i32
    %sub3A_105 = arith.subi %div3A_84, %sub3A_104 : i32
    %select_n3A_106 = arith.select %and3A_103, %sub3A_105, %div3A_84 : i32
    %rem3A_107 = arith.constant 8 : i32
    %rem3A_108 = arith.remsi %add3A_78, %rem3A_107 : i32
    %mul3A_109 = arith.constant 16 : i32
    %mul3A_110 = arith.muli %rem3A_108, %mul3A_109 : i32
    %mul3A_111 = arith.constant 4096 : i32
    %mul3A_112 = arith.muli %add3A, %mul3A_111 : i32
    %add3A_113 = vector.broadcast %mul3A_112 : i32 to vector<16xi32>
    %add3A_114 = arith.addi %get3A_82, %add3A_113 : vector<16xi32>
    %swap3A_115 = arith.index_cast %select_n3A_106 : i32 to index
    %swap3A_116 = arith.index_cast %mul3A_110 : i32 to index
    %swap3A_117 = tpu.vector_load %arg24[%swap3A_115, %swap3A_116] {strides = array<i32>} : memref<8x128xi32, #tpu.memory_space<vmem>>, vector<16xi32>,
    tpu.vector_store %arg24[%swap3A_115, %swap3A_116], %add3A_114 {strides = array<i32>} : memref<8x128xi32, #tpu.memory_space<vmem>>, vector<16xi32>,
    %mul3A_118 = arith.constant 32 : i32
    %mul3A_119 = arith.muli %div3A_2, %mul3A_118 : i32
    %add3A_120 = arith.constant 2 : i32
    %add3A_121 = arith.addi %add3A_120, %mul3A_119 : i32
    %mul3A_122 = arith.constant 16 : i32
    %mul3A_123 = arith.muli %add3A_121, %mul3A_122 : i32
    %get3A_124 = arith.index_cast %mul3A_123 : i32 to index
    %get3A_125 = tpu.vector_load %arg19[%get3A_124] {strides = array<i32>} : memref<1024xi32, #tpu.memory_space<vmem>>, vector<16xi32>,
    %jit3A_126 = arith.constant 8 : i32
    %div3A_127 = arith.divsi %add3A_121, %jit3A_126 : i32
    %sign3A_128 = arith.constant 0 : i32
    %sign3A_129 = arith.cmpi sgt, %add3A_121, %sign3A_128 : i32
    %sign3A_130 = arith.extui %sign3A_129 : i1 to i32
    %sign3A_131 = arith.constant 0 : i32
    %sign3A_132 = arith.cmpi slt, %add3A_121, %sign3A_131 : i32
    %sign3A_133 = arith.extui %sign3A_132 : i1 to i32
    %sign3A_134 = arith.subi %sign3A_130, %sign3A_133 : i32
    %sign3A_135 = arith.constant 0 : i32
    %sign3A_136 = arith.cmpi sgt, %jit3A_126, %sign3A_135 : i32
    %sign3A_137 = arith.extui %sign3A_136 : i1 to i32
    %sign3A_138 = arith.constant 0 : i32
    %sign3A_139 = arith.cmpi slt, %jit3A_126, %sign3A_138 : i32
    %sign3A_140 = arith.extui %sign3A_139 : i1 to i32
    %sign3A_141 = arith.subi %sign3A_137, %sign3A_140 : i32
    %ne3A_142 = arith.cmpi ne, %sign3A_134, %sign3A_141 : i32
    %rem3A_143 = arith.remsi %add3A_121, %jit3A_126 : i32
    %ne3A_144 = arith.constant 0 : i32
    %ne3A_145 = arith.cmpi ne, %rem3A_143, %ne3A_144 : i32
    %and3A_146 = arith.andi %ne3A_142, %ne3A_145 : i1
    %sub3A_147 = arith.constant 1 : i32
    %sub3A_148 = arith.subi %div3A_127, %sub3A_147 : i32
    %select_n3A_149 = arith.select %and3A_146, %sub3A_148, %div3A_127 : i32
    %rem3A_150 = arith.constant 8 : i32
    %rem3A_151 = arith.remsi %add3A_121, %rem3A_150 : i32
    %mul3A_152 = arith.constant 16 : i32
    %mul3A_153 = arith.muli %rem3A_151, %mul3A_152 : i32
    %mul3A_154 = arith.constant 4096 : i32
    %mul3A_155 = arith.muli %add3A, %mul3A_154 : i32
    %add3A_156 = vector.broadcast %mul3A_155 : i32 to vector<16xi32>
    %add3A_157 = arith.addi %get3A_125, %add3A_156 : vector<16xi32>
    %swap3A_158 = arith.index_cast %select_n3A_149 : i32 to index
    %swap3A_159 = arith.index_cast %mul3A_153 : i32 to index
    %swap3A_160 = tpu.vector_load %arg24[%swap3A_158, %swap3A_159] {strides = array<i32>} : memref<8x128xi32, #tpu.memory_space<vmem>>, vector<16xi32>,
    tpu.vector_store %arg24[%swap3A_158, %swap3A_159], %add3A_157 {strides = array<i32>} : memref<8x128xi32, #tpu.memory_space<vmem>>, vector<16xi32>,
    %mul3A_161 = arith.constant 32 : i32
    %mul3A_162 = arith.muli %div3A_2, %mul3A_161 : i32
    %add3A_163 = arith.constant 3 : i32
    %add3A_164 = arith.addi %add3A_163, %mul3A_162 : i32
    %mul3A_165 = arith.constant 16 : i32
    %mul3A_166 = arith.muli %add3A_164, %mul3A_165 : i32
    %get3A_167 = arith.index_cast %mul3A_166 : i32 to index
    %get3A_168 = tpu.vector_load %arg19[%get3A_167] {strides = array<i32>} : memref<1024xi32, #tpu.memory_space<vmem>>, vector<16xi32>,
    %jit3A_169 = arith.constant 8 : i32
    %div3A_170 = arith.divsi %add3A_164, %jit3A_169 : i32
    %sign3A_171 = arith.constant 0 : i32
    %sign3A_172 = arith.cmpi sgt, %add3A_164, %sign3A_171 : i32
    %sign3A_173 = arith.extui %sign3A_172 : i1 to i32
    %sign3A_174 = arith.constant 0 : i32
    %sign3A_175 = arith.cmpi slt, %add3A_164, %sign3A_174 : i32
    %sign3A_176 = arith.extui %sign3A_175 : i1 to i32
    %sign3A_177 = arith.subi %sign3A_173, %sign3A_176 : i32
    %sign3A_178 = arith.constant 0 : i32
    %sign3A_179 = arith.cmpi sgt, %jit3A_169, %sign3A_178 : i32
    %sign3A_180 = arith.extui %sign3A_179 : i1 to i32
    %sign3A_181 = arith.constant 0 : i32
    %sign3A_182 = arith.cmpi slt, %jit3A_169, %sign3A_181 : i32
    %sign3A_183 = arith.extui %sign3A_182 : i1 to i32
    %sign3A_184 = arith.subi %sign3A_180, %sign3A_183 : i32
    %ne3A_185 = arith.cmpi ne, %sign3A_177, %sign3A_184 : i32
    %rem3A_186 = arith.remsi %add3A_164, %jit3A_169 : i32
    %ne3A_187 = arith.constant 0 : i32
    %ne3A_188 = arith.cmpi ne, %rem3A_186, %ne3A_187 : i32
    %and3A_189 = arith.andi %ne3A_185, %ne3A_188 : i1
    %sub3A_190 = arith.constant 1 : i32
    %sub3A_191 = arith.subi %div3A_170, %sub3A_190 : i32
    %select_n3A_192 = arith.select %and3A_189, %sub3A_191, %div3A_170 : i32
    %rem3A_193 = arith.constant 8 : i32
    %rem3A_194 = arith.remsi %add3A_164, %rem3A_193 : i32
    %mul3A_195 = arith.constant 16 : i32
    %mul3A_196 = arith.muli %rem3A_194, %mul3A_195 : i32
    %mul3A_197 = arith.constant 4096 : i32
    %mul3A_198 = arith.muli %add3A, %mul3A_197 : i32
    %add3A_199 = vector.broadcast %mul3A_198 : i32 to vector<16xi32>
    %add3A_200 = arith.addi %get3A_168, %add3A_199 : vector<16xi32>
    %swap3A_201 = arith.index_cast %select_n3A_192 : i32 to index
    %swap3A_202 = arith.index_cast %mul3A_196 : i32 to index
    %swap3A_203 = tpu.vector_load %arg24[%swap3A_201, %swap3A_202] {strides = array<i32>} : memref<8x128xi32, #tpu.memory_space<vmem>>, vector<16xi32>,
    tpu.vector_store %arg24[%swap3A_201, %swap3A_202], %add3A_200 {strides = array<i32>} : memref<8x128xi32, #tpu.memory_space<vmem>>, vector<16xi32>,
    %mul3A_204 = arith.constant 32 : i32
    %mul3A_205 = arith.muli %div3A_2, %mul3A_204 : i32
    %add3A_206 = arith.constant 4 : i32
    %add3A_207 = arith.addi %add3A_206, %mul3A_205 : i32
    %mul3A_208 = arith.constant 16 : i32
    %mul3A_209 = arith.muli %add3A_207, %mul3A_208 : i32
    %get3A_210 = arith.index_cast %mul3A_209 : i32 to index
    %get3A_211 = tpu.vector_load %arg19[%get3A_210] {strides = array<i32>} : memref<1024xi32, #tpu.memory_space<vmem>>, vector<16xi32>,
    %jit3A_212 = arith.constant 8 : i32
    %div3A_213 = arith.divsi %add3A_207, %jit3A_212 : i32
    %sign3A_214 = arith.constant 0 : i32
    %sign3A_215 = arith.cmpi sgt, %add3A_207, %sign3A_214 : i32
    %sign3A_216 = arith.extui %sign3A_215 : i1 to i32
    %sign3A_217 = arith.constant 0 : i32
    %sign3A_218 = arith.cmpi slt, %add3A_207, %sign3A_217 : i32
    %sign3A_219 = arith.extui %sign3A_218 : i1 to i32
    %sign3A_220 = arith.subi %sign3A_216, %sign3A_219 : i32
    %sign3A_221 = arith.constant 0 : i32
    %sign3A_222 = arith.cmpi sgt, %jit3A_212, %sign3A_221 : i32
    %sign3A_223 = arith.extui %sign3A_222 : i1 to i32
    %sign3A_224 = arith.constant 0 : i32
    %sign3A_225 = arith.cmpi slt, %jit3A_212, %sign3A_224 : i32
    %sign3A_226 = arith.extui %sign3A_225 : i1 to i32
    %sign3A_227 = arith.subi %sign3A_223, %sign3A_226 : i32
    %ne3A_228 = arith.cmpi ne, %sign3A_220, %sign3A_227 : i32
    %rem3A_229 = arith.remsi %add3A_207, %jit3A_212 : i32
    %ne3A_230 = arith.constant 0 : i32
    %ne3A_231 = arith.cmpi ne, %rem3A_229, %ne3A_230 : i32
    %and3A_232 = arith.andi %ne3A_228, %ne3A_231 : i1
    %sub3A_233 = arith.constant 1 : i32
    %sub3A_234 = arith.subi %div3A_213, %sub3A_233 : i32
    %select_n3A_235 = arith.select %and3A_232, %sub3A_234, %div3A_213 : i32
    %rem3A_236 = arith.constant 8 : i32
    %rem3A_237 = arith.remsi %add3A_207, %rem3A_236 : i32
    %mul3A_238 = arith.constant 16 : i32
    %mul3A_239 = arith.muli %rem3A_237, %mul3A_238 : i32
    %mul3A_240 = arith.constant 4096 : i32
    %mul3A_241 = arith.muli %add3A, %mul3A_240 : i32
    %add3A_242 = vector.broadcast %mul3A_241 : i32 to vector<16xi32>
    %add3A_243 = arith.addi %get3A_211, %add3A_242 : vector<16xi32>
    %swap3A_244 = arith.index_cast %select_n3A_235 : i32 to index
    %swap3A_245 = arith.index_cast %mul3A_239 : i32 to index
    %swap3A_246 = tpu.vector_load %arg24[%swap3A_244, %swap3A_245] {strides = array<i32>} : memref<8x128xi32, #tpu.memory_space<vmem>>, vector<16xi32>,
    tpu.vector_store %arg24[%swap3A_244, %swap3A_245], %add3A_243 {strides = array<i32>} : memref<8x128xi32, #tpu.memory_space<vmem>>, vector<16xi32>,
    %mul3A_247 = arith.constant 32 : i32
    %mul3A_248 = arith.muli %div3A_2, %mul3A_247 : i32
    %add3A_249 = arith.constant 5 : i32
    %add3A_250 = arith.addi %add3A_249, %mul3A_248 : i32
    %mul3A_251 = arith.constant 16 : i32
    %mul3A_252 = arith.muli %add3A_250, %mul3A_251 : i32
    %get3A_253 = arith.index_cast %mul3A_252 : i32 to index
    %get3A_254 = tpu.vector_load %arg19[%get3A_253] {strides = array<i32>} : memref<1024xi32, #tpu.memory_space<vmem>>, vector<16xi32>,
    %jit3A_255 = arith.constant 8 : i32
    %div3A_256 = arith.divsi %add3A_250, %jit3A_255 : i32
    %sign3A_257 = arith.constant 0 : i32
    %sign3A_258 = arith.cmpi sgt, %add3A_250, %sign3A_257 : i32
    %sign3A_259 = arith.extui %sign3A_258 : i1 to i32
    %sign3A_260 = arith.constant 0 : i32
    %sign3A_261 = arith.cmpi slt, %add3A_250, %sign3A_260 : i32
    %sign3A_262 = arith.extui %sign3A_261 : i1 to i32
    %sign3A_263 = arith.subi %sign3A_259, %sign3A_262 : i32
    %sign3A_264 = arith.constant 0 : i32
    %sign3A_265 = arith.cmpi sgt, %jit3A_255, %sign3A_264 : i32
    %sign3A_266 = arith.extui %sign3A_265 : i1 to i32
    %sign3A_267 = arith.constant 0 : i32
    %sign3A_268 = arith.cmpi slt, %jit3A_255, %sign3A_267 : i32
    %sign3A_269 = arith.extui %sign3A_268 : i1 to i32
    %sign3A_270 = arith.subi %sign3A_266, %sign3A_269 : i32
    %ne3A_271 = arith.cmpi ne, %sign3A_263, %sign3A_270 : i32
    %rem3A_272 = arith.remsi %add3A_250, %jit3A_255 : i32
    %ne3A_273 = arith.constant 0 : i32
    %ne3A_274 = arith.cmpi ne, %rem3A_272, %ne3A_273 : i32
    %and3A_275 = arith.andi %ne3A_271, %ne3A_274 : i1
    %sub3A_276 = arith.constant 1 : i32
    %sub3A_277 = arith.subi %div3A_256, %sub3A_276 : i32
    %select_n3A_278 = arith.select %and3A_275, %sub3A_277, %div3A_256 : i32
    %rem3A_279 = arith.constant 8 : i32
    %rem3A_280 = arith.remsi %add3A_250, %rem3A_279 : i32
    %mul3A_281 = arith.constant 16 : i32
    %mul3A_282 = arith.muli %rem3A_280, %mul3A_281 : i32
    %mul3A_283 = arith.constant 4096 : i32
    %mul3A_284 = arith.muli %add3A, %mul3A_283 : i32
    %add3A_285 = vector.broadcast %mul3A_284 : i32 to vector<16xi32>
    %add3A_286 = arith.addi %get3A_254, %add3A_285 : vector<16xi32>
    %swap3A_287 = arith.index_cast %select_n3A_278 : i32 to index
    %swap3A_288 = arith.index_cast %mul3A_282 : i32 to index
    %swap3A_289 = tpu.vector_load %arg24[%swap3A_287, %swap3A_288] {strides = array<i32>} : memref<8x128xi32, #tpu.memory_space<vmem>>, vector<16xi32>,
    tpu.vector_store %arg24[%swap3A_287, %swap3A_288], %add3A_286 {strides = array<i32>} : memref<8x128xi32, #tpu.memory_space<vmem>>, vector<16xi32>,
    %mul3A_290 = arith.constant 32 : i32
    %mul3A_291 = arith.muli %div3A_2, %mul3A_290 : i32
    %add3A_292 = arith.constant 6 : i32
    %add3A_293 = arith.addi %add3A_292, %mul3A_291 : i32
    %mul3A_294 = arith.constant 16 : i32
    %mul3A_295 = arith.muli %add3A_293, %mul3A_294 : i32
    %get3A_296 = arith.index_cast %mul3A_295 : i32 to index
    %get3A_297 = tpu.vector_load %arg19[%get3A_296] {strides = array<i32>} : memref<1024xi32, #tpu.memory_space<vmem>>, vector<16xi32>,
    %jit3A_298 = arith.constant 8 : i32
    %div3A_299 = arith.divsi %add3A_293, %jit3A_298 : i32
    %sign3A_300 = arith.constant 0 : i32
    %sign3A_301 = arith.cmpi sgt, %add3A_293, %sign3A_300 : i32
    %sign3A_302 = arith.extui %sign3A_301 : i1 to i32
    %sign3A_303 = arith.constant 0 : i32
    %sign3A_304 = arith.cmpi slt, %add3A_293, %sign3A_303 : i32
    %sign3A_305 = arith.extui %sign3A_304 : i1 to i32
    %sign3A_306 = arith.subi %sign3A_302, %sign3A_305 : i32
    %sign3A_307 = arith.constant 0 : i32
    %sign3A_308 = arith.cmpi sgt, %jit3A_298, %sign3A_307 : i32
    %sign3A_309 = arith.extui %sign3A_308 : i1 to i32
    %sign3A_310 = arith.constant 0 : i32
    %sign3A_311 = arith.cmpi slt, %jit3A_298, %sign3A_310 : i32
    %sign3A_312 = arith.extui %sign3A_311 : i1 to i32
    %sign3A_313 = arith.subi %sign3A_309, %sign3A_312 : i32
    %ne3A_314 = arith.cmpi ne, %sign3A_306, %sign3A_313 : i32
    %rem3A_315 = arith.remsi %add3A_293, %jit3A_298 : i32
    %ne3A_316 = arith.constant 0 : i32
    %ne3A_317 = arith.cmpi ne, %rem3A_315, %ne3A_316 : i32
    %and3A_318 = arith.andi %ne3A_314, %ne3A_317 : i1
    %sub3A_319 = arith.constant 1 : i32
    %sub3A_320 = arith.subi %div3A_299, %sub3A_319 : i32
    %select_n3A_321 = arith.select %and3A_318, %sub3A_320, %div3A_299 : i32
    %rem3A_322 = arith.constant 8 : i32
    %rem3A_323 = arith.remsi %add3A_293, %rem3A_322 : i32
    %mul3A_324 = arith.constant 16 : i32
    %mul3A_325 = arith.muli %rem3A_323, %mul3A_324 : i32
    %mul3A_326 = arith.constant 4096 : i32
    %mul3A_327 = arith.muli %add3A, %mul3A_326 : i32
    %add3A_328 = vector.broadcast %mul3A_327 : i32 to vector<16xi32>
    %add3A_329 = arith.addi %get3A_297, %add3A_328 : vector<16xi32>
    %swap3A_330 = arith.index_cast %select_n3A_321 : i32 to index
    %swap3A_331 = arith.index_cast %mul3A_325 : i32 to index
    %swap3A_332 = tpu.vector_load %arg24[%swap3A_330, %swap3A_331] {strides = array<i32>} : memref<8x128xi32, #tpu.memory_space<vmem>>, vector<16xi32>,
    tpu.vector_store %arg24[%swap3A_330, %swap3A_331], %add3A_329 {strides = array<i32>} : memref<8x128xi32, #tpu.memory_space<vmem>>, vector<16xi32>,
    %mul3A_333 = arith.constant 32 : i32
    %mul3A_334 = arith.muli %div3A_2, %mul3A_333 : i32
    %add3A_335 = arith.constant 7 : i32
    %add3A_336 = arith.addi %add3A_335, %mul3A_334 : i32
    %mul3A_337 = arith.constant 16 : i32
    %mul3A_338 = arith.muli %add3A_336, %mul3A_337 : i32
    %get3A_339 = arith.index_cast %mul3A_338 : i32 to index
    %get3A_340 = tpu.vector_load %arg19[%get3A_339] {strides = array<i32>} : memref<1024xi32, #tpu.memory_space<vmem>>, vector<16xi32>,
    %jit3A_341 = arith.constant 8 : i32
    %div3A_342 = arith.divsi %add3A_336, %jit3A_341 : i32
    %sign3A_343 = arith.constant 0 : i32
    %sign3A_344 = arith.cmpi sgt, %add3A_336, %sign3A_343 : i32
    %sign3A_345 = arith.extui %sign3A_344 : i1 to i32
    %sign3A_346 = arith.constant 0 : i32
    %sign3A_347 = arith.cmpi slt, %add3A_336, %sign3A_346 : i32
    %sign3A_348 = arith.extui %sign3A_347 : i1 to i32
    %sign3A_349 = arith.subi %sign3A_345, %sign3A_348 : i32
    %sign3A_350 = arith.constant 0 : i32
    %sign3A_351 = arith.cmpi sgt, %jit3A_341, %sign3A_350 : i32
    %sign3A_352 = arith.extui %sign3A_351 : i1 to i32
    %sign3A_353 = arith.constant 0 : i32
    %sign3A_354 = arith.cmpi slt, %jit3A_341, %sign3A_353 : i32
    %sign3A_355 = arith.extui %sign3A_354 : i1 to i32
    %sign3A_356 = arith.subi %sign3A_352, %sign3A_355 : i32
    %ne3A_357 = arith.cmpi ne, %sign3A_349, %sign3A_356 : i32
    %rem3A_358 = arith.remsi %add3A_336, %jit3A_341 : i32
    %ne3A_359 = arith.constant 0 : i32
    %ne3A_360 = arith.cmpi ne, %rem3A_358, %ne3A_359 : i32
    %and3A_361 = arith.andi %ne3A_357, %ne3A_360 : i1
    %sub3A_362 = arith.constant 1 : i32
    %sub3A_363 = arith.subi %div3A_342, %sub3A_362 : i32
    %select_n3A_364 = arith.select %and3A_361, %sub3A_363, %div3A_342 : i32
    %rem3A_365 = arith.constant 8 : i32
    %rem3A_366 = arith.remsi %add3A_336, %rem3A_365 : i32
    %mul3A_367 = arith.constant 16 : i32
    %mul3A_368 = arith.muli %rem3A_366, %mul3A_367 : i32
    %mul3A_369 = arith.constant 4096 : i32
    %mul3A_370 = arith.muli %add3A, %mul3A_369 : i32
    %add3A_371 = vector.broadcast %mul3A_370 : i32 to vector<16xi32>
    %add3A_372 = arith.addi %get3A_340, %add3A_371 : vector<16xi32>
    %swap3A_373 = arith.index_cast %select_n3A_364 : i32 to index
    %swap3A_374 = arith.index_cast %mul3A_368 : i32 to index
    %swap3A_375 = tpu.vector_load %arg24[%swap3A_373, %swap3A_374] {strides = array<i32>} : memref<8x128xi32, #tpu.memory_space<vmem>>, vector<16xi32>,
    tpu.vector_store %arg24[%swap3A_373, %swap3A_374], %add3A_372 {strides = array<i32>} : memref<8x128xi32, #tpu.memory_space<vmem>>, vector<16xi32>,
    %mul3A_376 = arith.constant 32 : i32
    %mul3A_377 = arith.muli %div3A_2, %mul3A_376 : i32
    %add3A_378 = arith.constant 8 : i32
    %add3A_379 = arith.addi %add3A_378, %mul3A_377 : i32
    %mul3A_380 = arith.constant 16 : i32
    %mul3A_381 = arith.muli %add3A_379, %mul3A_380 : i32
    %get3A_382 = arith.index_cast %mul3A_381 : i32 to index
    %get3A_383 = tpu.vector_load %arg19[%get3A_382] {strides = array<i32>} : memref<1024xi32, #tpu.memory_space<vmem>>, vector<16xi32>,
    %jit3A_384 = arith.constant 8 : i32
    %div3A_385 = arith.divsi %add3A_379, %jit3A_384 : i32
    %sign3A_386 = arith.constant 0 : i32
    %sign3A_387 = arith.cmpi sgt, %add3A_379, %sign3A_386 : i32
    %sign3A_388 = arith.extui %sign3A_387 : i1 to i32
    %sign3A_389 = arith.constant 0 : i32
    %sign3A_390 = arith.cmpi slt, %add3A_379, %sign3A_389 : i32
    %sign3A_391 = arith.extui %sign3A_390 : i1 to i32
    %sign3A_392 = arith.subi %sign3A_388, %sign3A_391 : i32
    %sign3A_393 = arith.constant 0 : i32
    %sign3A_394 = arith.cmpi sgt, %jit3A_384, %sign3A_393 : i32
    %sign3A_395 = arith.extui %sign3A_394 : i1 to i32
    %sign3A_396 = arith.constant 0 : i32
    %sign3A_397 = arith.cmpi slt, %jit3A_384, %sign3A_396 : i32
    %sign3A_398 = arith.extui %sign3A_397 : i1 to i32
    %sign3A_399 = arith.subi %sign3A_395, %sign3A_398 : i32
    %ne3A_400 = arith.cmpi ne, %sign3A_392, %sign3A_399 : i32
    %rem3A_401 = arith.remsi %add3A_379, %jit3A_384 : i32
    %ne3A_402 = arith.constant 0 : i32
    %ne3A_403 = arith.cmpi ne, %rem3A_401, %ne3A_402 : i32
    %and3A_404 = arith.andi %ne3A_400, %ne3A_403 : i1
    %sub3A_405 = arith.constant 1 : i32
    %sub3A_406 = arith.subi %div3A_385, %sub3A_405 : i32
    %select_n3A_407 = arith.select %and3A_404, %sub3A_406, %div3A_385 : i32
    %rem3A_408 = arith.constant 8 : i32
    %rem3A_409 = arith.remsi %add3A_379, %rem3A_408 : i32
    %mul3A_410 = arith.constant 16 : i32
    %mul3A_411 = arith.muli %rem3A_409, %mul3A_410 : i32
    %mul3A_412 = arith.constant 4096 : i32
    %mul3A_413 = arith.muli %add3A, %mul3A_412 : i32
    %add3A_414 = vector.broadcast %mul3A_413 : i32 to vector<16xi32>
    %add3A_415 = arith.addi %get3A_383, %add3A_414 : vector<16xi32>
    %swap3A_416 = arith.index_cast %select_n3A_407 : i32 to index
    %swap3A_417 = arith.index_cast %mul3A_411 : i32 to index
    %swap3A_418 = tpu.vector_load %arg24[%swap3A_416, %swap3A_417] {strides = array<i32>} : memref<8x128xi32, #tpu.memory_space<vmem>>, vector<16xi32>,
    tpu.vector_store %arg24[%swap3A_416, %swap3A_417], %add3A_415 {strides = array<i32>} : memref<8x128xi32, #tpu.memory_space<vmem>>, vector<16xi32>,
    %mul3A_419 = arith.constant 32 : i32
    %mul3A_420 = arith.muli %div3A_2, %mul3A_419 : i32
    %add3A_421 = arith.constant 9 : i32
    %add3A_422 = arith.addi %add3A_421, %mul3A_420 : i32
    %mul3A_423 = arith.constant 16 : i32
    %mul3A_424 = arith.muli %add3A_422, %mul3A_423 : i32
    %get3A_425 = arith.index_cast %mul3A_424 : i32 to index
    %get3A_426 = tpu.vector_load %arg19[%get3A_425] {strides = array<i32>} : memref<1024xi32, #tpu.memory_space<vmem>>, vector<16xi32>,
    %jit3A_427 = arith.constant 8 : i32
    %div3A_428 = arith.divsi %add3A_422, %jit3A_427 : i32
    %sign3A_429 = arith.constant 0 : i32
    %sign3A_430 = arith.cmpi sgt, %add3A_422, %sign3A_429 : i32
    %sign3A_431 = arith.extui %sign3A_430 : i1 to i32
    %sign3A_432 = arith.constant 0 : i32
    %sign3A_433 = arith.cmpi slt, %add3A_422, %sign3A_432 : i32
    %sign3A_434 = arith.extui %sign3A_433 : i1 to i32
    %sign3A_435 = arith.subi %sign3A_431, %sign3A_434 : i32
    %sign3A_436 = arith.constant 0 : i32
    %sign3A_437 = arith.cmpi sgt, %jit3A_427, %sign3A_436 : i32
    %sign3A_438 = arith.extui %sign3A_437 : i1 to i32
    %sign3A_439 = arith.constant 0 : i32
    %sign3A_440 = arith.cmpi slt, %jit3A_427, %sign3A_439 : i32
    %sign3A_441 = arith.extui %sign3A_440 : i1 to i32
    %sign3A_442 = arith.subi %sign3A_438, %sign3A_441 : i32
    %ne3A_443 = arith.cmpi ne, %sign3A_435, %sign3A_442 : i32
    %rem3A_444 = arith.remsi %add3A_422, %jit3A_427 : i32
    %ne3A_445 = arith.constant 0 : i32
    %ne3A_446 = arith.cmpi ne, %rem3A_444, %ne3A_445 : i32
    %and3A_447 = arith.andi %ne3A_443, %ne3A_446 : i1
    %sub3A_448 = arith.constant 1 : i32
    %sub3A_449 = arith.subi %div3A_428, %sub3A_448 : i32
    %select_n3A_450 = arith.select %and3A_447, %sub3A_449, %div3A_428 : i32
    %rem3A_451 = arith.constant 8 : i32
    %rem3A_452 = arith.remsi %add3A_422, %rem3A_451 : i32
    %mul3A_453 = arith.constant 16 : i32
    %mul3A_454 = arith.muli %rem3A_452, %mul3A_453 : i32
    %mul3A_455 = arith.constant 4096 : i32
    %mul3A_456 = arith.muli %add3A, %mul3A_455 : i32
    %add3A_457 = vector.broadcast %mul3A_456 : i32 to vector<16xi32>
    %add3A_458 = arith.addi %get3A_426, %add3A_457 : vector<16xi32>
    %swap3A_459 = arith.index_cast %select_n3A_450 : i32 to index
    %swap3A_460 = arith.index_cast %mul3A_454 : i32 to index
    %swap3A_461 = tpu.vector_load %arg24[%swap3A_459, %swap3A_460] {strides = array<i32>} : memref<8x128xi32, #tpu.memory_space<vmem>>, vector<16xi32>,
    tpu.vector_store %arg24[%swap3A_459, %swap3A_460], %add3A_458 {strides = array<i32>} : memref<8x128xi32, #tpu.memory_space<vmem>>, vector<16xi32>,
    %mul3A_462 = arith.constant 32 : i32
    %mul3A_463 = arith.muli %div3A_2, %mul3A_462 : i32
    %add3A_464 = arith.constant 10 : i32
    %add3A_465 = arith.addi %add3A_464, %mul3A_463 : i32
    %mul3A_466 = arith.constant 16 : i32
    %mul3A_467 = arith.muli %add3A_465, %mul3A_466 : i32
    %get3A_468 = arith.index_cast %mul3A_467 : i32 to index
    %get3A_469 = tpu.vector_load %arg19[%get3A_468] {strides = array<i32>} : memref<1024xi32, #tpu.memory_space<vmem>>, vector<16xi32>,
    %jit3A_470 = arith.constant 8 : i32
    %div3A_471 = arith.divsi %add3A_465, %jit3A_470 : i32
    %sign3A_472 = arith.constant 0 : i32
    %sign3A_473 = arith.cmpi sgt, %add3A_465, %sign3A_472 : i32
    %sign3A_474 = arith.extui %sign3A_473 : i1 to i32
    %sign3A_475 = arith.constant 0 : i32
    %sign3A_476 = arith.cmpi slt, %add3A_465, %sign3A_475 : i32
    %sign3A_477 = arith.extui %sign3A_476 : i1 to i32
    %sign3A_478 = arith.subi %sign3A_474, %sign3A_477 : i32
    %sign3A_479 = arith.constant 0 : i32
    %sign3A_480 = arith.cmpi sgt, %jit3A_470, %sign3A_479 : i32
    %sign3A_481 = arith.extui %sign3A_480 : i1 to i32
    %sign3A_482 = arith.constant 0 : i32
    %sign3A_483 = arith.cmpi slt, %jit3A_470, %sign3A_482 : i32
    %sign3A_484 = arith.extui %sign3A_483 : i1 to i32
    %sign3A_485 = arith.subi %sign3A_481, %sign3A_484 : i32
    %ne3A_486 = arith.cmpi ne, %sign3A_478, %sign3A_485 : i32
    %rem3A_487 = arith.remsi %add3A_465, %jit3A_470 : i32
    %ne3A_488 = arith.constant 0 : i32
    %ne3A_489 = arith.cmpi ne, %rem3A_487, %ne3A_488 : i32
    %and3A_490 = arith.andi %ne3A_486, %ne3A_489 : i1
    %sub3A_491 = arith.constant 1 : i32
    %sub3A_492 = arith.subi %div3A_471, %sub3A_491 : i32
    %select_n3A_493 = arith.select %and3A_490, %sub3A_492, %div3A_471 : i32
    %rem3A_494 = arith.constant 8 : i32
    %rem3A_495 = arith.remsi %add3A_465, %rem3A_494 : i32
    %mul3A_496 = arith.constant 16 : i32
    %mul3A_497 = arith.muli %rem3A_495, %mul3A_496 : i32
    %mul3A_498 = arith.constant 4096 : i32
    %mul3A_499 = arith.muli %add3A, %mul3A_498 : i32
    %add3A_500 = vector.broadcast %mul3A_499 : i32 to vector<16xi32>
    %add3A_501 = arith.addi %get3A_469, %add3A_500 : vector<16xi32>
    %swap3A_502 = arith.index_cast %select_n3A_493 : i32 to index
    %swap3A_503 = arith.index_cast %mul3A_497 : i32 to index
    %swap3A_504 = tpu.vector_load %arg24[%swap3A_502, %swap3A_503] {strides = array<i32>} : memref<8x128xi32, #tpu.memory_space<vmem>>, vector<16xi32>,
    tpu.vector_store %arg24[%swap3A_502, %swap3A_503], %add3A_501 {strides = array<i32>} : memref<8x128xi32, #tpu.memory_space<vmem>>, vector<16xi32>,
    %mul3A_505 = arith.constant 32 : i32
    %mul3A_506 = arith.muli %div3A_2, %mul3A_505 : i32
    %add3A_507 = arith.constant 11 : i32
    %add3A_508 = arith.addi %add3A_507, %mul3A_506 : i32
    %mul3A_509 = arith.constant 16 : i32
    %mul3A_510 = arith.muli %add3A_508, %mul3A_509 : i32
    %get3A_511 = arith.index_cast %mul3A_510 : i32 to index
    %get3A_512 = tpu.vector_load %arg19[%get3A_511] {strides = array<i32>} : memref<1024xi32, #tpu.memory_space<vmem>>, vector<16xi32>,
    %jit3A_513 = arith.constant 8 : i32
    %div3A_514 = arith.divsi %add3A_508, %jit3A_513 : i32
    %sign3A_515 = arith.constant 0 : i32
    %sign3A_516 = arith.cmpi sgt, %add3A_508, %sign3A_515 : i32
    %sign3A_517 = arith.extui %sign3A_516 : i1 to i32
    %sign3A_518 = arith.constant 0 : i32
    %sign3A_519 = arith.cmpi slt, %add3A_508, %sign3A_518 : i32
    %sign3A_520 = arith.extui %sign3A_519 : i1 to i32
    %sign3A_521 = arith.subi %sign3A_517, %sign3A_520 : i32
    %sign3A_522 = arith.constant 0 : i32
    %sign3A_523 = arith.cmpi sgt, %jit3A_513, %sign3A_522 : i32
    %sign3A_524 = arith.extui %sign3A_523 : i1 to i32
    %sign3A_525 = arith.constant 0 : i32
    %sign3A_526 = arith.cmpi slt, %jit3A_513, %sign3A_525 : i32
    %sign3A_527 = arith.extui %sign3A_526 : i1 to i32
    %sign3A_528 = arith.subi %sign3A_524, %sign3A_527 : i32
    %ne3A_529 = arith.cmpi ne, %sign3A_521, %sign3A_528 : i32
    %rem3A_530 = arith.remsi %add3A_508, %jit3A_513 : i32
    %ne3A_531 = arith.constant 0 : i32
    %ne3A_532 = arith.cmpi ne, %rem3A_530, %ne3A_531 : i32
    %and3A_533 = arith.andi %ne3A_529, %ne3A_532 : i1
    %sub3A_534 = arith.constant 1 : i32
    %sub3A_535 = arith.subi %div3A_514, %sub3A_534 : i32
    %select_n3A_536 = arith.select %and3A_533, %sub3A_535, %div3A_514 : i32
    %rem3A_537 = arith.constant 8 : i32
    %rem3A_538 = arith.remsi %add3A_508, %rem3A_537 : i32
    %mul3A_539 = arith.constant 16 : i32
    %mul3A_540 = arith.muli %rem3A_538, %mul3A_539 : i32
    %mul3A_541 = arith.constant 4096 : i32
    %mul3A_542 = arith.muli %add3A, %mul3A_541 : i32
    %add3A_543 = vector.broadcast %mul3A_542 : i32 to vector<16xi32>
    %add3A_544 = arith.addi %get3A_512, %add3A_543 : vector<16xi32>
    %swap3A_545 = arith.index_cast %select_n3A_536 : i32 to index
    %swap3A_546 = arith.index_cast %mul3A_540 : i32 to index
    %swap3A_547 = tpu.vector_load %arg24[%swap3A_545, %swap3A_546] {strides = array<i32>} : memref<8x128xi32, #tpu.memory_space<vmem>>, vector<16xi32>,
    tpu.vector_store %arg24[%swap3A_545, %swap3A_546], %add3A_544 {strides = array<i32>} : memref<8x128xi32, #tpu.memory_space<vmem>>, vector<16xi32>,
    %mul3A_548 = arith.constant 32 : i32
    %mul3A_549 = arith.muli %div3A_2, %mul3A_548 : i32
    %add3A_550 = arith.constant 12 : i32
    %add3A_551 = arith.addi %add3A_550, %mul3A_549 : i32
    %mul3A_552 = arith.constant 16 : i32
    %mul3A_553 = arith.muli %add3A_551, %mul3A_552 : i32
    %get3A_554 = arith.index_cast %mul3A_553 : i32 to index
    %get3A_555 = tpu.vector_load %arg19[%get3A_554] {strides = array<i32>} : memref<1024xi32, #tpu.memory_space<vmem>>, vector<16xi32>,
    %jit3A_556 = arith.constant 8 : i32
    %div3A_557 = arith.divsi %add3A_551, %jit3A_556 : i32
    %sign3A_558 = arith.constant 0 : i32
    %sign3A_559 = arith.cmpi sgt, %add3A_551, %sign3A_558 : i32
    %sign3A_560 = arith.extui %sign3A_559 : i1 to i32
    %sign3A_561 = arith.constant 0 : i32
    %sign3A_562 = arith.cmpi slt, %add3A_551, %sign3A_561 : i32
    %sign3A_563 = arith.extui %sign3A_562 : i1 to i32
    %sign3A_564 = arith.subi %sign3A_560, %sign3A_563 : i32
    %sign3A_565 = arith.constant 0 : i32
    %sign3A_566 = arith.cmpi sgt, %jit3A_556, %sign3A_565 : i32
    %sign3A_567 = arith.extui %sign3A_566 : i1 to i32
    %sign3A_568 = arith.constant 0 : i32
    %sign3A_569 = arith.cmpi slt, %jit3A_556, %sign3A_568 : i32
    %sign3A_570 = arith.extui %sign3A_569 : i1 to i32
    %sign3A_571 = arith.subi %sign3A_567, %sign3A_570 : i32
    %ne3A_572 = arith.cmpi ne, %sign3A_564, %sign3A_571 : i32
    %rem3A_573 = arith.remsi %add3A_551, %jit3A_556 : i32
    %ne3A_574 = arith.constant 0 : i32
    %ne3A_575 = arith.cmpi ne, %rem3A_573, %ne3A_574 : i32
    %and3A_576 = arith.andi %ne3A_572, %ne3A_575 : i1
    %sub3A_577 = arith.constant 1 : i32
    %sub3A_578 = arith.subi %div3A_557, %sub3A_577 : i32
    %select_n3A_579 = arith.select %and3A_576, %sub3A_578, %div3A_557 : i32
    %rem3A_580 = arith.constant 8 : i32
    %rem3A_581 = arith.remsi %add3A_551, %rem3A_580 : i32
    %mul3A_582 = arith.constant 16 : i32
    %mul3A_583 = arith.muli %rem3A_581, %mul3A_582 : i32
    %mul3A_584 = arith.constant 4096 : i32
    %mul3A_585 = arith.muli %add3A, %mul3A_584 : i32
    %add3A_586 = vector.broadcast %mul3A_585 : i32 to vector<16xi32>
    %add3A_587 = arith.addi %get3A_555, %add3A_586 : vector<16xi32>
    %swap3A_588 = arith.index_cast %select_n3A_579 : i32 to index
    %swap3A_589 = arith.index_cast %mul3A_583 : i32 to index
    %swap3A_590 = tpu.vector_load %arg24[%swap3A_588, %swap3A_589] {strides = array<i32>} : memref<8x128xi32, #tpu.memory_space<vmem>>, vector<16xi32>,
    tpu.vector_store %arg24[%swap3A_588, %swap3A_589], %add3A_587 {strides = array<i32>} : memref<8x128xi32, #tpu.memory_space<vmem>>, vector<16xi32>,
    %mul3A_591 = arith.constant 32 : i32
    %mul3A_592 = arith.muli %div3A_2, %mul3A_591 : i32
    %add3A_593 = arith.constant 13 : i32
    %add3A_594 = arith.addi %add3A_593, %mul3A_592 : i32
    %mul3A_595 = arith.constant 16 : i32
    %mul3A_596 = arith.muli %add3A_594, %mul3A_595 : i32
    %get3A_597 = arith.index_cast %mul3A_596 : i32 to index
    %get3A_598 = tpu.vector_load %arg19[%get3A_597] {strides = array<i32>} : memref<1024xi32, #tpu.memory_space<vmem>>, vector<16xi32>,
    %jit3A_599 = arith.constant 8 : i32
    %div3A_600 = arith.divsi %add3A_594, %jit3A_599 : i32
    %sign3A_601 = arith.constant 0 : i32
    %sign3A_602 = arith.cmpi sgt, %add3A_594, %sign3A_601 : i32
    %sign3A_603 = arith.extui %sign3A_602 : i1 to i32
    %sign3A_604 = arith.constant 0 : i32
    %sign3A_605 = arith.cmpi slt, %add3A_594, %sign3A_604 : i32
    %sign3A_606 = arith.extui %sign3A_605 : i1 to i32
    %sign3A_607 = arith.subi %sign3A_603, %sign3A_606 : i32
    %sign3A_608 = arith.constant 0 : i32
    %sign3A_609 = arith.cmpi sgt, %jit3A_599, %sign3A_608 : i32
    %sign3A_610 = arith.extui %sign3A_609 : i1 to i32
    %sign3A_611 = arith.constant 0 : i32
    %sign3A_612 = arith.cmpi slt, %jit3A_599, %sign3A_611 : i32
    %sign3A_613 = arith.extui %sign3A_612 : i1 to i32
    %sign3A_614 = arith.subi %sign3A_610, %sign3A_613 : i32
    %ne3A_615 = arith.cmpi ne, %sign3A_607, %sign3A_614 : i32
    %rem3A_616 = arith.remsi %add3A_594, %jit3A_599 : i32
    %ne3A_617 = arith.constant 0 : i32
    %ne3A_618 = arith.cmpi ne, %rem3A_616, %ne3A_617 : i32
    %and3A_619 = arith.andi %ne3A_615, %ne3A_618 : i1
    %sub3A_620 = arith.constant 1 : i32
    %sub3A_621 = arith.subi %div3A_600, %sub3A_620 : i32
    %select_n3A_622 = arith.select %and3A_619, %sub3A_621, %div3A_600 : i32
    %rem3A_623 = arith.constant 8 : i32
    %rem3A_624 = arith.remsi %add3A_594, %rem3A_623 : i32
    %mul3A_625 = arith.constant 16 : i32
    %mul3A_626 = arith.muli %rem3A_624, %mul3A_625 : i32
    %mul3A_627 = arith.constant 4096 : i32
    %mul3A_628 = arith.muli %add3A, %mul3A_627 : i32
    %add3A_629 = vector.broadcast %mul3A_628 : i32 to vector<16xi32>
    %add3A_630 = arith.addi %get3A_598, %add3A_629 : vector<16xi32>
    %swap3A_631 = arith.index_cast %select_n3A_622 : i32 to index
    %swap3A_632 = arith.index_cast %mul3A_626 : i32 to index
    %swap3A_633 = tpu.vector_load %arg24[%swap3A_631, %swap3A_632] {strides = array<i32>} : memref<8x128xi32, #tpu.memory_space<vmem>>, vector<16xi32>,
    tpu.vector_store %arg24[%swap3A_631, %swap3A_632], %add3A_630 {strides = array<i32>} : memref<8x128xi32, #tpu.memory_space<vmem>>, vector<16xi32>,
    %mul3A_634 = arith.constant 32 : i32
    %mul3A_635 = arith.muli %div3A_2, %mul3A_634 : i32
    %add3A_636 = arith.constant 14 : i32
    %add3A_637 = arith.addi %add3A_636, %mul3A_635 : i32
    %mul3A_638 = arith.constant 16 : i32
    %mul3A_639 = arith.muli %add3A_637, %mul3A_638 : i32
    %get3A_640 = arith.index_cast %mul3A_639 : i32 to index
    %get3A_641 = tpu.vector_load %arg19[%get3A_640] {strides = array<i32>} : memref<1024xi32, #tpu.memory_space<vmem>>, vector<16xi32>,
    %jit3A_642 = arith.constant 8 : i32
    %div3A_643 = arith.divsi %add3A_637, %jit3A_642 : i32
    %sign3A_644 = arith.constant 0 : i32
    %sign3A_645 = arith.cmpi sgt, %add3A_637, %sign3A_644 : i32
    %sign3A_646 = arith.extui %sign3A_645 : i1 to i32
    %sign3A_647 = arith.constant 0 : i32
    %sign3A_648 = arith.cmpi slt, %add3A_637, %sign3A_647 : i32
    %sign3A_649 = arith.extui %sign3A_648 : i1 to i32
    %sign3A_650 = arith.subi %sign3A_646, %sign3A_649 : i32
    %sign3A_651 = arith.constant 0 : i32
    %sign3A_652 = arith.cmpi sgt, %jit3A_642, %sign3A_651 : i32
    %sign3A_653 = arith.extui %sign3A_652 : i1 to i32
    %sign3A_654 = arith.constant 0 : i32
    %sign3A_655 = arith.cmpi slt, %jit3A_642, %sign3A_654 : i32
    %sign3A_656 = arith.extui %sign3A_655 : i1 to i32
    %sign3A_657 = arith.subi %sign3A_653, %sign3A_656 : i32
    %ne3A_658 = arith.cmpi ne, %sign3A_650, %sign3A_657 : i32
    %rem3A_659 = arith.remsi %add3A_637, %jit3A_642 : i32
    %ne3A_660 = arith.constant 0 : i32
    %ne3A_661 = arith.cmpi ne, %rem3A_659, %ne3A_660 : i32
    %and3A_662 = arith.andi %ne3A_658, %ne3A_661 : i1
    %sub3A_663 = arith.constant 1 : i32
    %sub3A_664 = arith.subi %div3A_643, %sub3A_663 : i32
    %select_n3A_665 = arith.select %and3A_662, %sub3A_664, %div3A_643 : i32
    %rem3A_666 = arith.constant 8 : i32
    %rem3A_667 = arith.remsi %add3A_637, %rem3A_666 : i32
    %mul3A_668 = arith.constant 16 : i32
    %mul3A_669 = arith.muli %rem3A_667, %mul3A_668 : i32
    %mul3A_670 = arith.constant 4096 : i32
    %mul3A_671 = arith.muli %add3A, %mul3A_670 : i32
    %add3A_672 = vector.broadcast %mul3A_671 : i32 to vector<16xi32>
    %add3A_673 = arith.addi %get3A_641, %add3A_672 : vector<16xi32>
    %swap3A_674 = arith.index_cast %select_n3A_665 : i32 to index
    %swap3A_675 = arith.index_cast %mul3A_669 : i32 to index
    %swap3A_676 = tpu.vector_load %arg24[%swap3A_674, %swap3A_675] {strides = array<i32>} : memref<8x128xi32, #tpu.memory_space<vmem>>, vector<16xi32>,
    tpu.vector_store %arg24[%swap3A_674, %swap3A_675], %add3A_673 {strides = array<i32>} : memref<8x128xi32, #tpu.memory_space<vmem>>, vector<16xi32>,
    %mul3A_677 = arith.constant 32 : i32
    %mul3A_678 = arith.muli %div3A_2, %mul3A_677 : i32
    %add3A_679 = arith.constant 15 : i32
    %add3A_680 = arith.addi %add3A_679, %mul3A_678 : i32
    %mul3A_681 = arith.constant 16 : i32
    %mul3A_682 = arith.muli %add3A_680, %mul3A_681 : i32
    %get3A_683 = arith.index_cast %mul3A_682 : i32 to index
    %get3A_684 = tpu.vector_load %arg19[%get3A_683] {strides = array<i32>} : memref<1024xi32, #tpu.memory_space<vmem>>, vector<16xi32>,
    %jit3A_685 = arith.constant 8 : i32
    %div3A_686 = arith.divsi %add3A_680, %jit3A_685 : i32
    %sign3A_687 = arith.constant 0 : i32
    %sign3A_688 = arith.cmpi sgt, %add3A_680, %sign3A_687 : i32
    %sign3A_689 = arith.extui %sign3A_688 : i1 to i32
    %sign3A_690 = arith.constant 0 : i32
    %sign3A_691 = arith.cmpi slt, %add3A_680, %sign3A_690 : i32
    %sign3A_692 = arith.extui %sign3A_691 : i1 to i32
    %sign3A_693 = arith.subi %sign3A_689, %sign3A_692 : i32
    %sign3A_694 = arith.constant 0 : i32
    %sign3A_695 = arith.cmpi sgt, %jit3A_685, %sign3A_694 : i32
    %sign3A_696 = arith.extui %sign3A_695 : i1 to i32
    %sign3A_697 = arith.constant 0 : i32
    %sign3A_698 = arith.cmpi slt, %jit3A_685, %sign3A_697 : i32
    %sign3A_699 = arith.extui %sign3A_698 : i1 to i32
    %sign3A_700 = arith.subi %sign3A_696, %sign3A_699 : i32
    %ne3A_701 = arith.cmpi ne, %sign3A_693, %sign3A_700 : i32
    %rem3A_702 = arith.remsi %add3A_680, %jit3A_685 : i32
    %ne3A_703 = arith.constant 0 : i32
    %ne3A_704 = arith.cmpi ne, %rem3A_702, %ne3A_703 : i32
    %and3A_705 = arith.andi %ne3A_701, %ne3A_704 : i1
    %sub3A_706 = arith.constant 1 : i32
    %sub3A_707 = arith.subi %div3A_686, %sub3A_706 : i32
    %select_n3A_708 = arith.select %and3A_705, %sub3A_707, %div3A_686 : i32
    %rem3A_709 = arith.constant 8 : i32
    %rem3A_710 = arith.remsi %add3A_680, %rem3A_709 : i32
    %mul3A_711 = arith.constant 16 : i32
    %mul3A_712 = arith.muli %rem3A_710, %mul3A_711 : i32
    %mul3A_713 = arith.constant 4096 : i32
    %mul3A_714 = arith.muli %add3A, %mul3A_713 : i32
    %add3A_715 = vector.broadcast %mul3A_714 : i32 to vector<16xi32>
    %add3A_716 = arith.addi %get3A_684, %add3A_715 : vector<16xi32>
    %swap3A_717 = arith.index_cast %select_n3A_708 : i32 to index
    %swap3A_718 = arith.index_cast %mul3A_712 : i32 to index
    %swap3A_719 = tpu.vector_load %arg24[%swap3A_717, %swap3A_718] {strides = array<i32>} : memref<8x128xi32, #tpu.memory_space<vmem>>, vector<16xi32>,
    tpu.vector_store %arg24[%swap3A_717, %swap3A_718], %add3A_716 {strides = array<i32>} : memref<8x128xi32, #tpu.memory_space<vmem>>, vector<16xi32>,
    %mul3A_720 = arith.constant 32 : i32
    %mul3A_721 = arith.muli %div3A_2, %mul3A_720 : i32
    %add3A_722 = arith.constant 16 : i32
    %add3A_723 = arith.addi %add3A_722, %mul3A_721 : i32
    %mul3A_724 = arith.constant 16 : i32
    %mul3A_725 = arith.muli %add3A_723, %mul3A_724 : i32
    %get3A_726 = arith.index_cast %mul3A_725 : i32 to index
    %get3A_727 = tpu.vector_load %arg19[%get3A_726] {strides = array<i32>} : memref<1024xi32, #tpu.memory_space<vmem>>, vector<16xi32>,
    %jit3A_728 = arith.constant 8 : i32
    %div3A_729 = arith.divsi %add3A_723, %jit3A_728 : i32
    %sign3A_730 = arith.constant 0 : i32
    %sign3A_731 = arith.cmpi sgt, %add3A_723, %sign3A_730 : i32
    %sign3A_732 = arith.extui %sign3A_731 : i1 to i32
    %sign3A_733 = arith.constant 0 : i32
    %sign3A_734 = arith.cmpi slt, %add3A_723, %sign3A_733 : i32
    %sign3A_735 = arith.extui %sign3A_734 : i1 to i32
    %sign3A_736 = arith.subi %sign3A_732, %sign3A_735 : i32
    %sign3A_737 = arith.constant 0 : i32
    %sign3A_738 = arith.cmpi sgt, %jit3A_728, %sign3A_737 : i32
    %sign3A_739 = arith.extui %sign3A_738 : i1 to i32
    %sign3A_740 = arith.constant 0 : i32
    %sign3A_741 = arith.cmpi slt, %jit3A_728, %sign3A_740 : i32
    %sign3A_742 = arith.extui %sign3A_741 : i1 to i32
    %sign3A_743 = arith.subi %sign3A_739, %sign3A_742 : i32
    %ne3A_744 = arith.cmpi ne, %sign3A_736, %sign3A_743 : i32
    %rem3A_745 = arith.remsi %add3A_723, %jit3A_728 : i32
    %ne3A_746 = arith.constant 0 : i32
    %ne3A_747 = arith.cmpi ne, %rem3A_745, %ne3A_746 : i32
    %and3A_748 = arith.andi %ne3A_744, %ne3A_747 : i1
    %sub3A_749 = arith.constant 1 : i32
    %sub3A_750 = arith.subi %div3A_729, %sub3A_749 : i32
    %select_n3A_751 = arith.select %and3A_748, %sub3A_750, %div3A_729 : i32
    %rem3A_752 = arith.constant 8 : i32
    %rem3A_753 = arith.remsi %add3A_723, %rem3A_752 : i32
    %mul3A_754 = arith.constant 16 : i32
    %mul3A_755 = arith.muli %rem3A_753, %mul3A_754 : i32
    %mul3A_756 = arith.constant 4096 : i32
    %mul3A_757 = arith.muli %add3A, %mul3A_756 : i32
    %add3A_758 = vector.broadcast %mul3A_757 : i32 to vector<16xi32>
    %add3A_759 = arith.addi %get3A_727, %add3A_758 : vector<16xi32>
    %swap3A_760 = arith.index_cast %select_n3A_751 : i32 to index
    %swap3A_761 = arith.index_cast %mul3A_755 : i32 to index
    %swap3A_762 = tpu.vector_load %arg24[%swap3A_760, %swap3A_761] {strides = array<i32>} : memref<8x128xi32, #tpu.memory_space<vmem>>, vector<16xi32>,
    tpu.vector_store %arg24[%swap3A_760, %swap3A_761], %add3A_759 {strides = array<i32>} : memref<8x128xi32, #tpu.memory_space<vmem>>, vector<16xi32>,
    %mul3A_763 = arith.constant 32 : i32
    %mul3A_764 = arith.muli %div3A_2, %mul3A_763 : i32
    %add3A_765 = arith.constant 17 : i32
    %add3A_766 = arith.addi %add3A_765, %mul3A_764 : i32
    %mul3A_767 = arith.constant 16 : i32
    %mul3A_768 = arith.muli %add3A_766, %mul3A_767 : i32
    %get3A_769 = arith.index_cast %mul3A_768 : i32 to index
    %get3A_770 = tpu.vector_load %arg19[%get3A_769] {strides = array<i32>} : memref<1024xi32, #tpu.memory_space<vmem>>, vector<16xi32>,
    %jit3A_771 = arith.constant 8 : i32
    %div3A_772 = arith.divsi %add3A_766, %jit3A_771 : i32
    %sign3A_773 = arith.constant 0 : i32
    %sign3A_774 = arith.cmpi sgt, %add3A_766, %sign3A_773 : i32
    %sign3A_775 = arith.extui %sign3A_774 : i1 to i32
    %sign3A_776 = arith.constant 0 : i32
    %sign3A_777 = arith.cmpi slt, %add3A_766, %sign3A_776 : i32
    %sign3A_778 = arith.extui %sign3A_777 : i1 to i32
    %sign3A_779 = arith.subi %sign3A_775, %sign3A_778 : i32
    %sign3A_780 = arith.constant 0 : i32
    %sign3A_781 = arith.cmpi sgt, %jit3A_771, %sign3A_780 : i32
    %sign3A_782 = arith.extui %sign3A_781 : i1 to i32
    %sign3A_783 = arith.constant 0 : i32
    %sign3A_784 = arith.cmpi slt, %jit3A_771, %sign3A_783 : i32
    %sign3A_785 = arith.extui %sign3A_784 : i1 to i32
    %sign3A_786 = arith.subi %sign3A_782, %sign3A_785 : i32
    %ne3A_787 = arith.cmpi ne, %sign3A_779, %sign3A_786 : i32
    %rem3A_788 = arith.remsi %add3A_766, %jit3A_771 : i32
    %ne3A_789 = arith.constant 0 : i32
    %ne3A_790 = arith.cmpi ne, %rem3A_788, %ne3A_789 : i32
    %and3A_791 = arith.andi %ne3A_787, %ne3A_790 : i1
    %sub3A_792 = arith.constant 1 : i32
    %sub3A_793 = arith.subi %div3A_772, %sub3A_792 : i32
    %select_n3A_794 = arith.select %and3A_791, %sub3A_793, %div3A_772 : i32
    %rem3A_795 = arith.constant 8 : i32
    %rem3A_796 = arith.remsi %add3A_766, %rem3A_795 : i32
    %mul3A_797 = arith.constant 16 : i32
    %mul3A_798 = arith.muli %rem3A_796, %mul3A_797 : i32
    %mul3A_799 = arith.constant 4096 : i32
    %mul3A_800 = arith.muli %add3A, %mul3A_799 : i32
    %add3A_801 = vector.broadcast %mul3A_800 : i32 to vector<16xi32>
    %add3A_802 = arith.addi %get3A_770, %add3A_801 : vector<16xi32>
    %swap3A_803 = arith.index_cast %select_n3A_794 : i32 to index
    %swap3A_804 = arith.index_cast %mul3A_798 : i32 to index
    %swap3A_805 = tpu.vector_load %arg24[%swap3A_803, %swap3A_804] {strides = array<i32>} : memref<8x128xi32, #tpu.memory_space<vmem>>, vector<16xi32>,
    tpu.vector_store %arg24[%swap3A_803, %swap3A_804], %add3A_802 {strides = array<i32>} : memref<8x128xi32, #tpu.memory_space<vmem>>, vector<16xi32>,
    %mul3A_806 = arith.constant 32 : i32
    %mul3A_807 = arith.muli %div3A_2, %mul3A_806 : i32
    %add3A_808 = arith.constant 18 : i32
    %add3A_809 = arith.addi %add3A_808, %mul3A_807 : i32
    %mul3A_810 = arith.constant 16 : i32
    %mul3A_811 = arith.muli %add3A_809, %mul3A_810 : i32
    %get3A_812 = arith.index_cast %mul3A_811 : i32 to index
    %get3A_813 = tpu.vector_load %arg19[%get3A_812] {strides = array<i32>} : memref<1024xi32, #tpu.memory_space<vmem>>, vector<16xi32>,
    %jit3A_814 = arith.constant 8 : i32
    %div3A_815 = arith.divsi %add3A_809, %jit3A_814 : i32
    %sign3A_816 = arith.constant 0 : i32
    %sign3A_817 = arith.cmpi sgt, %add3A_809, %sign3A_816 : i32
    %sign3A_818 = arith.extui %sign3A_817 : i1 to i32
    %sign3A_819 = arith.constant 0 : i32
    %sign3A_820 = arith.cmpi slt, %add3A_809, %sign3A_819 : i32
    %sign3A_821 = arith.extui %sign3A_820 : i1 to i32
    %sign3A_822 = arith.subi %sign3A_818, %sign3A_821 : i32
    %sign3A_823 = arith.constant 0 : i32
    %sign3A_824 = arith.cmpi sgt, %jit3A_814, %sign3A_823 : i32
    %sign3A_825 = arith.extui %sign3A_824 : i1 to i32
    %sign3A_826 = arith.constant 0 : i32
    %sign3A_827 = arith.cmpi slt, %jit3A_814, %sign3A_826 : i32
    %sign3A_828 = arith.extui %sign3A_827 : i1 to i32
    %sign3A_829 = arith.subi %sign3A_825, %sign3A_828 : i32
    %ne3A_830 = arith.cmpi ne, %sign3A_822, %sign3A_829 : i32
    %rem3A_831 = arith.remsi %add3A_809, %jit3A_814 : i32
    %ne3A_832 = arith.constant 0 : i32
    %ne3A_833 = arith.cmpi ne, %rem3A_831, %ne3A_832 : i32
    %and3A_834 = arith.andi %ne3A_830, %ne3A_833 : i1
    %sub3A_835 = arith.constant 1 : i32
    %sub3A_836 = arith.subi %div3A_815, %sub3A_835 : i32
    %select_n3A_837 = arith.select %and3A_834, %sub3A_836, %div3A_815 : i32
    %rem3A_838 = arith.constant 8 : i32
    %rem3A_839 = arith.remsi %add3A_809, %rem3A_838 : i32
    %mul3A_840 = arith.constant 16 : i32
    %mul3A_841 = arith.muli %rem3A_839, %mul3A_840 : i32
    %mul3A_842 = arith.constant 4096 : i32
    %mul3A_843 = arith.muli %add3A, %mul3A_842 : i32
    %add3A_844 = vector.broadcast %mul3A_843 : i32 to vector<16xi32>
    %add3A_845 = arith.addi %get3A_813, %add3A_844 : vector<16xi32>
    %swap3A_846 = arith.index_cast %select_n3A_837 : i32 to index
    %swap3A_847 = arith.index_cast %mul3A_841 : i32 to index
    %swap3A_848 = tpu.vector_load %arg24[%swap3A_846, %swap3A_847] {strides = array<i32>} : memref<8x128xi32, #tpu.memory_space<vmem>>, vector<16xi32>,
    tpu.vector_store %arg24[%swap3A_846, %swap3A_847], %add3A_845 {strides = array<i32>} : memref<8x128xi32, #tpu.memory_space<vmem>>, vector<16xi32>,
    %mul3A_849 = arith.constant 32 : i32
    %mul3A_850 = arith.muli %div3A_2, %mul3A_849 : i32
    %add3A_851 = arith.constant 19 : i32
    %add3A_852 = arith.addi %add3A_851, %mul3A_850 : i32
    %mul3A_853 = arith.constant 16 : i32
    %mul3A_854 = arith.muli %add3A_852, %mul3A_853 : i32
    %get3A_855 = arith.index_cast %mul3A_854 : i32 to index
    %get3A_856 = tpu.vector_load %arg19[%get3A_855] {strides = array<i32>} : memref<1024xi32, #tpu.memory_space<vmem>>, vector<16xi32>,
    %jit3A_857 = arith.constant 8 : i32
    %div3A_858 = arith.divsi %add3A_852, %jit3A_857 : i32
    %sign3A_859 = arith.constant 0 : i32
    %sign3A_860 = arith.cmpi sgt, %add3A_852, %sign3A_859 : i32
    %sign3A_861 = arith.extui %sign3A_860 : i1 to i32
    %sign3A_862 = arith.constant 0 : i32
    %sign3A_863 = arith.cmpi slt, %add3A_852, %sign3A_862 : i32
    %sign3A_864 = arith.extui %sign3A_863 : i1 to i32
    %sign3A_865 = arith.subi %sign3A_861, %sign3A_864 : i32
    %sign3A_866 = arith.constant 0 : i32
    %sign3A_867 = arith.cmpi sgt, %jit3A_857, %sign3A_866 : i32
    %sign3A_868 = arith.extui %sign3A_867 : i1 to i32
    %sign3A_869 = arith.constant 0 : i32
    %sign3A_870 = arith.cmpi slt, %jit3A_857, %sign3A_869 : i32
    %sign3A_871 = arith.extui %sign3A_870 : i1 to i32
    %sign3A_872 = arith.subi %sign3A_868, %sign3A_871 : i32
    %ne3A_873 = arith.cmpi ne, %sign3A_865, %sign3A_872 : i32
    %rem3A_874 = arith.remsi %add3A_852, %jit3A_857 : i32
    %ne3A_875 = arith.constant 0 : i32
    %ne3A_876 = arith.cmpi ne, %rem3A_874, %ne3A_875 : i32
    %and3A_877 = arith.andi %ne3A_873, %ne3A_876 : i1
    %sub3A_878 = arith.constant 1 : i32
    %sub3A_879 = arith.subi %div3A_858, %sub3A_878 : i32
    %select_n3A_880 = arith.select %and3A_877, %sub3A_879, %div3A_858 : i32
    %rem3A_881 = arith.constant 8 : i32
    %rem3A_882 = arith.remsi %add3A_852, %rem3A_881 : i32
    %mul3A_883 = arith.constant 16 : i32
    %mul3A_884 = arith.muli %rem3A_882, %mul3A_883 : i32
    %mul3A_885 = arith.constant 4096 : i32
    %mul3A_886 = arith.muli %add3A, %mul3A_885 : i32
    %add3A_887 = vector.broadcast %mul3A_886 : i32 to vector<16xi32>
    %add3A_888 = arith.addi %get3A_856, %add3A_887 : vector<16xi32>
    %swap3A_889 = arith.index_cast %select_n3A_880 : i32 to index
    %swap3A_890 = arith.index_cast %mul3A_884 : i32 to index
    %swap3A_891 = tpu.vector_load %arg24[%swap3A_889, %swap3A_890] {strides = array<i32>} : memref<8x128xi32, #tpu.memory_space<vmem>>, vector<16xi32>,
    tpu.vector_store %arg24[%swap3A_889, %swap3A_890], %add3A_888 {strides = array<i32>} : memref<8x128xi32, #tpu.memory_space<vmem>>, vector<16xi32>,
    %mul3A_892 = arith.constant 32 : i32
    %mul3A_893 = arith.muli %div3A_2, %mul3A_892 : i32
    %add3A_894 = arith.constant 20 : i32
    %add3A_895 = arith.addi %add3A_894, %mul3A_893 : i32
    %mul3A_896 = arith.constant 16 : i32
    %mul3A_897 = arith.muli %add3A_895, %mul3A_896 : i32
    %get3A_898 = arith.index_cast %mul3A_897 : i32 to index
    %get3A_899 = tpu.vector_load %arg19[%get3A_898] {strides = array<i32>} : memref<1024xi32, #tpu.memory_space<vmem>>, vector<16xi32>,
    %jit3A_900 = arith.constant 8 : i32
    %div3A_901 = arith.divsi %add3A_895, %jit3A_900 : i32
    %sign3A_902 = arith.constant 0 : i32
    %sign3A_903 = arith.cmpi sgt, %add3A_895, %sign3A_902 : i32
    %sign3A_904 = arith.extui %sign3A_903 : i1 to i32
    %sign3A_905 = arith.constant 0 : i32
    %sign3A_906 = arith.cmpi slt, %add3A_895, %sign3A_905 : i32
    %sign3A_907 = arith.extui %sign3A_906 : i1 to i32
    %sign3A_908 = arith.subi %sign3A_904, %sign3A_907 : i32
    %sign3A_909 = arith.constant 0 : i32
    %sign3A_910 = arith.cmpi sgt, %jit3A_900, %sign3A_909 : i32
    %sign3A_911 = arith.extui %sign3A_910 : i1 to i32
    %sign3A_912 = arith.constant 0 : i32
    %sign3A_913 = arith.cmpi slt, %jit3A_900, %sign3A_912 : i32
    %sign3A_914 = arith.extui %sign3A_913 : i1 to i32
    %sign3A_915 = arith.subi %sign3A_911, %sign3A_914 : i32
    %ne3A_916 = arith.cmpi ne, %sign3A_908, %sign3A_915 : i32
    %rem3A_917 = arith.remsi %add3A_895, %jit3A_900 : i32
    %ne3A_918 = arith.constant 0 : i32
    %ne3A_919 = arith.cmpi ne, %rem3A_917, %ne3A_918 : i32
    %and3A_920 = arith.andi %ne3A_916, %ne3A_919 : i1
    %sub3A_921 = arith.constant 1 : i32
    %sub3A_922 = arith.subi %div3A_901, %sub3A_921 : i32
    %select_n3A_923 = arith.select %and3A_920, %sub3A_922, %div3A_901 : i32
    %rem3A_924 = arith.constant 8 : i32
    %rem3A_925 = arith.remsi %add3A_895, %rem3A_924 : i32
    %mul3A_926 = arith.constant 16 : i32
    %mul3A_927 = arith.muli %rem3A_925, %mul3A_926 : i32
    %mul3A_928 = arith.constant 4096 : i32
    %mul3A_929 = arith.muli %add3A, %mul3A_928 : i32
    %add3A_930 = vector.broadcast %mul3A_929 : i32 to vector<16xi32>
    %add3A_931 = arith.addi %get3A_899, %add3A_930 : vector<16xi32>
    %swap3A_932 = arith.index_cast %select_n3A_923 : i32 to index
    %swap3A_933 = arith.index_cast %mul3A_927 : i32 to index
    %swap3A_934 = tpu.vector_load %arg24[%swap3A_932, %swap3A_933] {strides = array<i32>} : memref<8x128xi32, #tpu.memory_space<vmem>>, vector<16xi32>,
    tpu.vector_store %arg24[%swap3A_932, %swap3A_933], %add3A_931 {strides = array<i32>} : memref<8x128xi32, #tpu.memory_space<vmem>>, vector<16xi32>,
    %mul3A_935 = arith.constant 32 : i32
    %mul3A_936 = arith.muli %div3A_2, %mul3A_935 : i32
    %add3A_937 = arith.constant 21 : i32
    %add3A_938 = arith.addi %add3A_937, %mul3A_936 : i32
    %mul3A_939 = arith.constant 16 : i32
    %mul3A_940 = arith.muli %add3A_938, %mul3A_939 : i32
    %get3A_941 = arith.index_cast %mul3A_940 : i32 to index
    %get3A_942 = tpu.vector_load %arg19[%get3A_941] {strides = array<i32>} : memref<1024xi32, #tpu.memory_space<vmem>>, vector<16xi32>,
    %jit3A_943 = arith.constant 8 : i32
    %div3A_944 = arith.divsi %add3A_938, %jit3A_943 : i32
    %sign3A_945 = arith.constant 0 : i32
    %sign3A_946 = arith.cmpi sgt, %add3A_938, %sign3A_945 : i32
    %sign3A_947 = arith.extui %sign3A_946 : i1 to i32
    %sign3A_948 = arith.constant 0 : i32
    %sign3A_949 = arith.cmpi slt, %add3A_938, %sign3A_948 : i32
    %sign3A_950 = arith.extui %sign3A_949 : i1 to i32
    %sign3A_951 = arith.subi %sign3A_947, %sign3A_950 : i32
    %sign3A_952 = arith.constant 0 : i32
    %sign3A_953 = arith.cmpi sgt, %jit3A_943, %sign3A_952 : i32
    %sign3A_954 = arith.extui %sign3A_953 : i1 to i32
    %sign3A_955 = arith.constant 0 : i32
    %sign3A_956 = arith.cmpi slt, %jit3A_943, %sign3A_955 : i32
    %sign3A_957 = arith.extui %sign3A_956 : i1 to i32
    %sign3A_958 = arith.subi %sign3A_954, %sign3A_957 : i32
    %ne3A_959 = arith.cmpi ne, %sign3A_951, %sign3A_958 : i32
    %rem3A_960 = arith.remsi %add3A_938, %jit3A_943 : i32
    %ne3A_961 = arith.constant 0 : i32
    %ne3A_962 = arith.cmpi ne, %rem3A_960, %ne3A_961 : i32
    %and3A_963 = arith.andi %ne3A_959, %ne3A_962 : i1
    %sub3A_964 = arith.constant 1 : i32
    %sub3A_965 = arith.subi %div3A_944, %sub3A_964 : i32
    %select_n3A_966 = arith.select %and3A_963, %sub3A_965, %div3A_944 : i32
    %rem3A_967 = arith.constant 8 : i32
    %rem3A_968 = arith.remsi %add3A_938, %rem3A_967 : i32
    %mul3A_969 = arith.constant 16 : i32
    %mul3A_970 = arith.muli %rem3A_968, %mul3A_969 : i32
    %mul3A_971 = arith.constant 4096 : i32
    %mul3A_972 = arith.muli %add3A, %mul3A_971 : i32
    %add3A_973 = vector.broadcast %mul3A_972 : i32 to vector<16xi32>
    %add3A_974 = arith.addi %get3A_942, %add3A_973 : vector<16xi32>
    %swap3A_975 = arith.index_cast %select_n3A_966 : i32 to index
    %swap3A_976 = arith.index_cast %mul3A_970 : i32 to index
    %swap3A_977 = tpu.vector_load %arg24[%swap3A_975, %swap3A_976] {strides = array<i32>} : memref<8x128xi32, #tpu.memory_space<vmem>>, vector<16xi32>,
    tpu.vector_store %arg24[%swap3A_975, %swap3A_976], %add3A_974 {strides = array<i32>} : memref<8x128xi32, #tpu.memory_space<vmem>>, vector<16xi32>,
    %mul3A_978 = arith.constant 32 : i32
    %mul3A_979 = arith.muli %div3A_2, %mul3A_978 : i32
    %add3A_980 = arith.constant 22 : i32
    %add3A_981 = arith.addi %add3A_980, %mul3A_979 : i32
    %mul3A_982 = arith.constant 16 : i32
    %mul3A_983 = arith.muli %add3A_981, %mul3A_982 : i32
    %get3A_984 = arith.index_cast %mul3A_983 : i32 to index
    %get3A_985 = tpu.vector_load %arg19[%get3A_984] {strides = array<i32>} : memref<1024xi32, #tpu.memory_space<vmem>>, vector<16xi32>,
    %jit3A_986 = arith.constant 8 : i32
    %div3A_987 = arith.divsi %add3A_981, %jit3A_986 : i32
    %sign3A_988 = arith.constant 0 : i32
    %sign3A_989 = arith.cmpi sgt, %add3A_981, %sign3A_988 : i32
    %sign3A_990 = arith.extui %sign3A_989 : i1 to i32
    %sign3A_991 = arith.constant 0 : i32
    %sign3A_992 = arith.cmpi slt, %add3A_981, %sign3A_991 : i32
    %sign3A_993 = arith.extui %sign3A_992 : i1 to i32
    %sign3A_994 = arith.subi %sign3A_990, %sign3A_993 : i32
    %sign3A_995 = arith.constant 0 : i32
    %sign3A_996 = arith.cmpi sgt, %jit3A_986, %sign3A_995 : i32
    %sign3A_997 = arith.extui %sign3A_996 : i1 to i32
    %sign3A_998 = arith.constant 0 : i32
    %sign3A_999 = arith.cmpi slt, %jit3A_986, %sign3A_998 : i32
    %sign3A_1000 = arith.extui %sign3A_999 : i1 to i32
    %sign3A_1001 = arith.subi %sign3A_997, %sign3A_1000 : i32
    %ne3A_1002 = arith.cmpi ne, %sign3A_994, %sign3A_1001 : i32
    %rem3A_1003 = arith.remsi %add3A_981, %jit3A_986 : i32
    %ne3A_1004 = arith.constant 0 : i32
    %ne3A_1005 = arith.cmpi ne, %rem3A_1003, %ne3A_1004 : i32
    %and3A_1006 = arith.andi %ne3A_1002, %ne3A_1005 : i1
    %sub3A_1007 = arith.constant 1 : i32
    %sub3A_1008 = arith.subi %div3A_987, %sub3A_1007 : i32
    %select_n3A_1009 = arith.select %and3A_1006, %sub3A_1008, %div3A_987 : i32
    %rem3A_1010 = arith.constant 8 : i32
    %rem3A_1011 = arith.remsi %add3A_981, %rem3A_1010 : i32
    %mul3A_1012 = arith.constant 16 : i32
    %mul3A_1013 = arith.muli %rem3A_1011, %mul3A_1012 : i32
    %mul3A_1014 = arith.constant 4096 : i32
    %mul3A_1015 = arith.muli %add3A, %mul3A_1014 : i32
    %add3A_1016 = vector.broadcast %mul3A_1015 : i32 to vector<16xi32>
    %add3A_1017 = arith.addi %get3A_985, %add3A_1016 : vector<16xi32>
    %swap3A_1018 = arith.index_cast %select_n3A_1009 : i32 to index
    %swap3A_1019 = arith.index_cast %mul3A_1013 : i32 to index
    %swap3A_1020 = tpu.vector_load %arg24[%swap3A_1018, %swap3A_1019] {strides = array<i32>} : memref<8x128xi32, #tpu.memory_space<vmem>>, vector<16xi32>,
    tpu.vector_store %arg24[%swap3A_1018, %swap3A_1019], %add3A_1017 {strides = array<i32>} : memref<8x128xi32, #tpu.memory_space<vmem>>, vector<16xi32>,
    %mul3A_1021 = arith.constant 32 : i32
    %mul3A_1022 = arith.muli %div3A_2, %mul3A_1021 : i32
    %add3A_1023 = arith.constant 23 : i32
    %add3A_1024 = arith.addi %add3A_1023, %mul3A_1022 : i32
    %mul3A_1025 = arith.constant 16 : i32
    %mul3A_1026 = arith.muli %add3A_1024, %mul3A_1025 : i32
    %get3A_1027 = arith.index_cast %mul3A_1026 : i32 to index
    %get3A_1028 = tpu.vector_load %arg19[%get3A_1027] {strides = array<i32>} : memref<1024xi32, #tpu.memory_space<vmem>>, vector<16xi32>,
    %jit3A_1029 = arith.constant 8 : i32
    %div3A_1030 = arith.divsi %add3A_1024, %jit3A_1029 : i32
    %sign3A_1031 = arith.constant 0 : i32
    %sign3A_1032 = arith.cmpi sgt, %add3A_1024, %sign3A_1031 : i32
    %sign3A_1033 = arith.extui %sign3A_1032 : i1 to i32
    %sign3A_1034 = arith.constant 0 : i32
    %sign3A_1035 = arith.cmpi slt, %add3A_1024, %sign3A_1034 : i32
    %sign3A_1036 = arith.extui %sign3A_1035 : i1 to i32
    %sign3A_1037 = arith.subi %sign3A_1033, %sign3A_1036 : i32
    %sign3A_1038 = arith.constant 0 : i32
    %sign3A_1039 = arith.cmpi sgt, %jit3A_1029, %sign3A_1038 : i32
    %sign3A_1040 = arith.extui %sign3A_1039 : i1 to i32
    %sign3A_1041 = arith.constant 0 : i32
    %sign3A_1042 = arith.cmpi slt, %jit3A_1029, %sign3A_1041 : i32
    %sign3A_1043 = arith.extui %sign3A_1042 : i1 to i32
    %sign3A_1044 = arith.subi %sign3A_1040, %sign3A_1043 : i32
    %ne3A_1045 = arith.cmpi ne, %sign3A_1037, %sign3A_1044 : i32
    %rem3A_1046 = arith.remsi %add3A_1024, %jit3A_1029 : i32
    %ne3A_1047 = arith.constant 0 : i32
    %ne3A_1048 = arith.cmpi ne, %rem3A_1046, %ne3A_1047 : i32
    %and3A_1049 = arith.andi %ne3A_1045, %ne3A_1048 : i1
    %sub3A_1050 = arith.constant 1 : i32
    %sub3A_1051 = arith.subi %div3A_1030, %sub3A_1050 : i32
    %select_n3A_1052 = arith.select %and3A_1049, %sub3A_1051, %div3A_1030 : i32
    %rem3A_1053 = arith.constant 8 : i32
    %rem3A_1054 = arith.remsi %add3A_1024, %rem3A_1053 : i32
    %mul3A_1055 = arith.constant 16 : i32
    %mul3A_1056 = arith.muli %rem3A_1054, %mul3A_1055 : i32
    %mul3A_1057 = arith.constant 4096 : i32
    %mul3A_1058 = arith.muli %add3A, %mul3A_1057 : i32
    %add3A_1059 = vector.broadcast %mul3A_1058 : i32 to vector<16xi32>
    %add3A_1060 = arith.addi %get3A_1028, %add3A_1059 : vector<16xi32>
    %swap3A_1061 = arith.index_cast %select_n3A_1052 : i32 to index
    %swap3A_1062 = arith.index_cast %mul3A_1056 : i32 to index
    %swap3A_1063 = tpu.vector_load %arg24[%swap3A_1061, %swap3A_1062] {strides = array<i32>} : memref<8x128xi32, #tpu.memory_space<vmem>>, vector<16xi32>,
    tpu.vector_store %arg24[%swap3A_1061, %swap3A_1062], %add3A_1060 {strides = array<i32>} : memref<8x128xi32, #tpu.memory_space<vmem>>, vector<16xi32>,
    %mul3A_1064 = arith.constant 32 : i32
    %mul3A_1065 = arith.muli %div3A_2, %mul3A_1064 : i32
    %add3A_1066 = arith.constant 24 : i32
    %add3A_1067 = arith.addi %add3A_1066, %mul3A_1065 : i32
    %mul3A_1068 = arith.constant 16 : i32
    %mul3A_1069 = arith.muli %add3A_1067, %mul3A_1068 : i32
    %get3A_1070 = arith.index_cast %mul3A_1069 : i32 to index
    %get3A_1071 = tpu.vector_load %arg19[%get3A_1070] {strides = array<i32>} : memref<1024xi32, #tpu.memory_space<vmem>>, vector<16xi32>,
    %jit3A_1072 = arith.constant 8 : i32
    %div3A_1073 = arith.divsi %add3A_1067, %jit3A_1072 : i32
    %sign3A_1074 = arith.constant 0 : i32
    %sign3A_1075 = arith.cmpi sgt, %add3A_1067, %sign3A_1074 : i32
    %sign3A_1076 = arith.extui %sign3A_1075 : i1 to i32
    %sign3A_1077 = arith.constant 0 : i32
    %sign3A_1078 = arith.cmpi slt, %add3A_1067, %sign3A_1077 : i32
    %sign3A_1079 = arith.extui %sign3A_1078 : i1 to i32
    %sign3A_1080 = arith.subi %sign3A_1076, %sign3A_1079 : i32
    %sign3A_1081 = arith.constant 0 : i32
    %sign3A_1082 = arith.cmpi sgt, %jit3A_1072, %sign3A_1081 : i32
    %sign3A_1083 = arith.extui %sign3A_1082 : i1 to i32
    %sign3A_1084 = arith.constant 0 : i32
    %sign3A_1085 = arith.cmpi slt, %jit3A_1072, %sign3A_1084 : i32
    %sign3A_1086 = arith.extui %sign3A_1085 : i1 to i32
    %sign3A_1087 = arith.subi %sign3A_1083, %sign3A_1086 : i32
    %ne3A_1088 = arith.cmpi ne, %sign3A_1080, %sign3A_1087 : i32
    %rem3A_1089 = arith.remsi %add3A_1067, %jit3A_1072 : i32
    %ne3A_1090 = arith.constant 0 : i32
    %ne3A_1091 = arith.cmpi ne, %rem3A_1089, %ne3A_1090 : i32
    %and3A_1092 = arith.andi %ne3A_1088, %ne3A_1091 : i1
    %sub3A_1093 = arith.constant 1 : i32
    %sub3A_1094 = arith.subi %div3A_1073, %sub3A_1093 : i32
    %select_n3A_1095 = arith.select %and3A_1092, %sub3A_1094, %div3A_1073 : i32
    %rem3A_1096 = arith.constant 8 : i32
    %rem3A_1097 = arith.remsi %add3A_1067, %rem3A_1096 : i32
    %mul3A_1098 = arith.constant 16 : i32
    %mul3A_1099 = arith.muli %rem3A_1097, %mul3A_1098 : i32
    %mul3A_1100 = arith.constant 4096 : i32
    %mul3A_1101 = arith.muli %add3A, %mul3A_1100 : i32
    %add3A_1102 = vector.broadcast %mul3A_1101 : i32 to vector<16xi32>
    %add3A_1103 = arith.addi %get3A_1071, %add3A_1102 : vector<16xi32>
    %swap3A_1104 = arith.index_cast %select_n3A_1095 : i32 to index
    %swap3A_1105 = arith.index_cast %mul3A_1099 : i32 to index
    %swap3A_1106 = tpu.vector_load %arg24[%swap3A_1104, %swap3A_1105] {strides = array<i32>} : memref<8x128xi32, #tpu.memory_space<vmem>>, vector<16xi32>,
    tpu.vector_store %arg24[%swap3A_1104, %swap3A_1105], %add3A_1103 {strides = array<i32>} : memref<8x128xi32, #tpu.memory_space<vmem>>, vector<16xi32>,
    %mul3A_1107 = arith.constant 32 : i32
    %mul3A_1108 = arith.muli %div3A_2, %mul3A_1107 : i32
    %add3A_1109 = arith.constant 25 : i32
    %add3A_1110 = arith.addi %add3A_1109, %mul3A_1108 : i32
    %mul3A_1111 = arith.constant 16 : i32
    %mul3A_1112 = arith.muli %add3A_1110, %mul3A_1111 : i32
    %get3A_1113 = arith.index_cast %mul3A_1112 : i32 to index
    %get3A_1114 = tpu.vector_load %arg19[%get3A_1113] {strides = array<i32>} : memref<1024xi32, #tpu.memory_space<vmem>>, vector<16xi32>,
    %jit3A_1115 = arith.constant 8 : i32
    %div3A_1116 = arith.divsi %add3A_1110, %jit3A_1115 : i32
    %sign3A_1117 = arith.constant 0 : i32
    %sign3A_1118 = arith.cmpi sgt, %add3A_1110, %sign3A_1117 : i32
    %sign3A_1119 = arith.extui %sign3A_1118 : i1 to i32
    %sign3A_1120 = arith.constant 0 : i32
    %sign3A_1121 = arith.cmpi slt, %add3A_1110, %sign3A_1120 : i32
    %sign3A_1122 = arith.extui %sign3A_1121 : i1 to i32
    %sign3A_1123 = arith.subi %sign3A_1119, %sign3A_1122 : i32
    %sign3A_1124 = arith.constant 0 : i32
    %sign3A_1125 = arith.cmpi sgt, %jit3A_1115, %sign3A_1124 : i32
    %sign3A_1126 = arith.extui %sign3A_1125 : i1 to i32
    %sign3A_1127 = arith.constant 0 : i32
    %sign3A_1128 = arith.cmpi slt, %jit3A_1115, %sign3A_1127 : i32
    %sign3A_1129 = arith.extui %sign3A_1128 : i1 to i32
    %sign3A_1130 = arith.subi %sign3A_1126, %sign3A_1129 : i32
    %ne3A_1131 = arith.cmpi ne, %sign3A_1123, %sign3A_1130 : i32
    %rem3A_1132 = arith.remsi %add3A_1110, %jit3A_1115 : i32
    %ne3A_1133 = arith.constant 0 : i32
    %ne3A_1134 = arith.cmpi ne, %rem3A_1132, %ne3A_1133 : i32
    %and3A_1135 = arith.andi %ne3A_1131, %ne3A_1134 : i1
    %sub3A_1136 = arith.constant 1 : i32
    %sub3A_1137 = arith.subi %div3A_1116, %sub3A_1136 : i32
    %select_n3A_1138 = arith.select %and3A_1135, %sub3A_1137, %div3A_1116 : i32
    %rem3A_1139 = arith.constant 8 : i32
    %rem3A_1140 = arith.remsi %add3A_1110, %rem3A_1139 : i32
    %mul3A_1141 = arith.constant 16 : i32
    %mul3A_1142 = arith.muli %rem3A_1140, %mul3A_1141 : i32
    %mul3A_1143 = arith.constant 4096 : i32
    %mul3A_1144 = arith.muli %add3A, %mul3A_1143 : i32
    %add3A_1145 = vector.broadcast %mul3A_1144 : i32 to vector<16xi32>
    %add3A_1146 = arith.addi %get3A_1114, %add3A_1145 : vector<16xi32>
    %swap3A_1147 = arith.index_cast %select_n3A_1138 : i32 to index
    %swap3A_1148 = arith.index_cast %mul3A_1142 : i32 to index
    %swap3A_1149 = tpu.vector_load %arg24[%swap3A_1147, %swap3A_1148] {strides = array<i32>} : memref<8x128xi32, #tpu.memory_space<vmem>>, vector<16xi32>,
    tpu.vector_store %arg24[%swap3A_1147, %swap3A_1148], %add3A_1146 {strides = array<i32>} : memref<8x128xi32, #tpu.memory_space<vmem>>, vector<16xi32>,
    %mul3A_1150 = arith.constant 32 : i32
    %mul3A_1151 = arith.muli %div3A_2, %mul3A_1150 : i32
    %add3A_1152 = arith.constant 26 : i32
    %add3A_1153 = arith.addi %add3A_1152, %mul3A_1151 : i32
    %mul3A_1154 = arith.constant 16 : i32
    %mul3A_1155 = arith.muli %add3A_1153, %mul3A_1154 : i32
    %get3A_1156 = arith.index_cast %mul3A_1155 : i32 to index
    %get3A_1157 = tpu.vector_load %arg19[%get3A_1156] {strides = array<i32>} : memref<1024xi32, #tpu.memory_space<vmem>>, vector<16xi32>,
    %jit3A_1158 = arith.constant 8 : i32
    %div3A_1159 = arith.divsi %add3A_1153, %jit3A_1158 : i32
    %sign3A_1160 = arith.constant 0 : i32
    %sign3A_1161 = arith.cmpi sgt, %add3A_1153, %sign3A_1160 : i32
    %sign3A_1162 = arith.extui %sign3A_1161 : i1 to i32
    %sign3A_1163 = arith.constant 0 : i32
    %sign3A_1164 = arith.cmpi slt, %add3A_1153, %sign3A_1163 : i32
    %sign3A_1165 = arith.extui %sign3A_1164 : i1 to i32
    %sign3A_1166 = arith.subi %sign3A_1162, %sign3A_1165 : i32
    %sign3A_1167 = arith.constant 0 : i32
    %sign3A_1168 = arith.cmpi sgt, %jit3A_1158, %sign3A_1167 : i32
    %sign3A_1169 = arith.extui %sign3A_1168 : i1 to i32
    %sign3A_1170 = arith.constant 0 : i32
    %sign3A_1171 = arith.cmpi slt, %jit3A_1158, %sign3A_1170 : i32
    %sign3A_1172 = arith.extui %sign3A_1171 : i1 to i32
    %sign3A_1173 = arith.subi %sign3A_1169, %sign3A_1172 : i32
    %ne3A_1174 = arith.cmpi ne, %sign3A_1166, %sign3A_1173 : i32
    %rem3A_1175 = arith.remsi %add3A_1153, %jit3A_1158 : i32
    %ne3A_1176 = arith.constant 0 : i32
    %ne3A_1177 = arith.cmpi ne, %rem3A_1175, %ne3A_1176 : i32
    %and3A_1178 = arith.andi %ne3A_1174, %ne3A_1177 : i1
    %sub3A_1179 = arith.constant 1 : i32
    %sub3A_1180 = arith.subi %div3A_1159, %sub3A_1179 : i32
    %select_n3A_1181 = arith.select %and3A_1178, %sub3A_1180, %div3A_1159 : i32
    %rem3A_1182 = arith.constant 8 : i32
    %rem3A_1183 = arith.remsi %add3A_1153, %rem3A_1182 : i32
    %mul3A_1184 = arith.constant 16 : i32
    %mul3A_1185 = arith.muli %rem3A_1183, %mul3A_1184 : i32
    %mul3A_1186 = arith.constant 4096 : i32
    %mul3A_1187 = arith.muli %add3A, %mul3A_1186 : i32
    %add3A_1188 = vector.broadcast %mul3A_1187 : i32 to vector<16xi32>
    %add3A_1189 = arith.addi %get3A_1157, %add3A_1188 : vector<16xi32>
    %swap3A_1190 = arith.index_cast %select_n3A_1181 : i32 to index
    %swap3A_1191 = arith.index_cast %mul3A_1185 : i32 to index
    %swap3A_1192 = tpu.vector_load %arg24[%swap3A_1190, %swap3A_1191] {strides = array<i32>} : memref<8x128xi32, #tpu.memory_space<vmem>>, vector<16xi32>,
    tpu.vector_store %arg24[%swap3A_1190, %swap3A_1191], %add3A_1189 {strides = array<i32>} : memref<8x128xi32, #tpu.memory_space<vmem>>, vector<16xi32>,
    %mul3A_1193 = arith.constant 32 : i32
    %mul3A_1194 = arith.muli %div3A_2, %mul3A_1193 : i32
    %add3A_1195 = arith.constant 27 : i32
    %add3A_1196 = arith.addi %add3A_1195, %mul3A_1194 : i32
    %mul3A_1197 = arith.constant 16 : i32
    %mul3A_1198 = arith.muli %add3A_1196, %mul3A_1197 : i32
    %get3A_1199 = arith.index_cast %mul3A_1198 : i32 to index
    %get3A_1200 = tpu.vector_load %arg19[%get3A_1199] {strides = array<i32>} : memref<1024xi32, #tpu.memory_space<vmem>>, vector<16xi32>,
    %jit3A_1201 = arith.constant 8 : i32
    %div3A_1202 = arith.divsi %add3A_1196, %jit3A_1201 : i32
    %sign3A_1203 = arith.constant 0 : i32
    %sign3A_1204 = arith.cmpi sgt, %add3A_1196, %sign3A_1203 : i32
    %sign3A_1205 = arith.extui %sign3A_1204 : i1 to i32
    %sign3A_1206 = arith.constant 0 : i32
    %sign3A_1207 = arith.cmpi slt, %add3A_1196, %sign3A_1206 : i32
    %sign3A_1208 = arith.extui %sign3A_1207 : i1 to i32
    %sign3A_1209 = arith.subi %sign3A_1205, %sign3A_1208 : i32
    %sign3A_1210 = arith.constant 0 : i32
    %sign3A_1211 = arith.cmpi sgt, %jit3A_1201, %sign3A_1210 : i32
    %sign3A_1212 = arith.extui %sign3A_1211 : i1 to i32
    %sign3A_1213 = arith.constant 0 : i32
    %sign3A_1214 = arith.cmpi slt, %jit3A_1201, %sign3A_1213 : i32
    %sign3A_1215 = arith.extui %sign3A_1214 : i1 to i32
    %sign3A_1216 = arith.subi %sign3A_1212, %sign3A_1215 : i32
    %ne3A_1217 = arith.cmpi ne, %sign3A_1209, %sign3A_1216 : i32
    %rem3A_1218 = arith.remsi %add3A_1196, %jit3A_1201 : i32
    %ne3A_1219 = arith.constant 0 : i32
    %ne3A_1220 = arith.cmpi ne, %rem3A_1218, %ne3A_1219 : i32
    %and3A_1221 = arith.andi %ne3A_1217, %ne3A_1220 : i1
    %sub3A_1222 = arith.constant 1 : i32
    %sub3A_1223 = arith.subi %div3A_1202, %sub3A_1222 : i32
    %select_n3A_1224 = arith.select %and3A_1221, %sub3A_1223, %div3A_1202 : i32
    %rem3A_1225 = arith.constant 8 : i32
    %rem3A_1226 = arith.remsi %add3A_1196, %rem3A_1225 : i32
    %mul3A_1227 = arith.constant 16 : i32
    %mul3A_1228 = arith.muli %rem3A_1226, %mul3A_1227 : i32
    %mul3A_1229 = arith.constant 4096 : i32
    %mul3A_1230 = arith.muli %add3A, %mul3A_1229 : i32
    %add3A_1231 = vector.broadcast %mul3A_1230 : i32 to vector<16xi32>
    %add3A_1232 = arith.addi %get3A_1200, %add3A_1231 : vector<16xi32>
    %swap3A_1233 = arith.index_cast %select_n3A_1224 : i32 to index
    %swap3A_1234 = arith.index_cast %mul3A_1228 : i32 to index
    %swap3A_1235 = tpu.vector_load %arg24[%swap3A_1233, %swap3A_1234] {strides = array<i32>} : memref<8x128xi32, #tpu.memory_space<vmem>>, vector<16xi32>,
    tpu.vector_store %arg24[%swap3A_1233, %swap3A_1234], %add3A_1232 {strides = array<i32>} : memref<8x128xi32, #tpu.memory_space<vmem>>, vector<16xi32>,
    %mul3A_1236 = arith.constant 32 : i32
    %mul3A_1237 = arith.muli %div3A_2, %mul3A_1236 : i32
    %add3A_1238 = arith.constant 28 : i32
    %add3A_1239 = arith.addi %add3A_1238, %mul3A_1237 : i32
    %mul3A_1240 = arith.constant 16 : i32
    %mul3A_1241 = arith.muli %add3A_1239, %mul3A_1240 : i32
    %get3A_1242 = arith.index_cast %mul3A_1241 : i32 to index
    %get3A_1243 = tpu.vector_load %arg19[%get3A_1242] {strides = array<i32>} : memref<1024xi32, #tpu.memory_space<vmem>>, vector<16xi32>,
    %jit3A_1244 = arith.constant 8 : i32
    %div3A_1245 = arith.divsi %add3A_1239, %jit3A_1244 : i32
    %sign3A_1246 = arith.constant 0 : i32
    %sign3A_1247 = arith.cmpi sgt, %add3A_1239, %sign3A_1246 : i32
    %sign3A_1248 = arith.extui %sign3A_1247 : i1 to i32
    %sign3A_1249 = arith.constant 0 : i32
    %sign3A_1250 = arith.cmpi slt, %add3A_1239, %sign3A_1249 : i32
    %sign3A_1251 = arith.extui %sign3A_1250 : i1 to i32
    %sign3A_1252 = arith.subi %sign3A_1248, %sign3A_1251 : i32
    %sign3A_1253 = arith.constant 0 : i32
    %sign3A_1254 = arith.cmpi sgt, %jit3A_1244, %sign3A_1253 : i32
    %sign3A_1255 = arith.extui %sign3A_1254 : i1 to i32
    %sign3A_1256 = arith.constant 0 : i32
    %sign3A_1257 = arith.cmpi slt, %jit3A_1244, %sign3A_1256 : i32
    %sign3A_1258 = arith.extui %sign3A_1257 : i1 to i32
    %sign3A_1259 = arith.subi %sign3A_1255, %sign3A_1258 : i32
    %ne3A_1260 = arith.cmpi ne, %sign3A_1252, %sign3A_1259 : i32
    %rem3A_1261 = arith.remsi %add3A_1239, %jit3A_1244 : i32
    %ne3A_1262 = arith.constant 0 : i32
    %ne3A_1263 = arith.cmpi ne, %rem3A_1261, %ne3A_1262 : i32
    %and3A_1264 = arith.andi %ne3A_1260, %ne3A_1263 : i1
    %sub3A_1265 = arith.constant 1 : i32
    %sub3A_1266 = arith.subi %div3A_1245, %sub3A_1265 : i32
    %select_n3A_1267 = arith.select %and3A_1264, %sub3A_1266, %div3A_1245 : i32
    %rem3A_1268 = arith.constant 8 : i32
    %rem3A_1269 = arith.remsi %add3A_1239, %rem3A_1268 : i32
    %mul3A_1270 = arith.constant 16 : i32
    %mul3A_1271 = arith.muli %rem3A_1269, %mul3A_1270 : i32
    %mul3A_1272 = arith.constant 4096 : i32
    %mul3A_1273 = arith.muli %add3A, %mul3A_1272 : i32
    %add3A_1274 = vector.broadcast %mul3A_1273 : i32 to vector<16xi32>
    %add3A_1275 = arith.addi %get3A_1243, %add3A_1274 : vector<16xi32>
    %swap3A_1276 = arith.index_cast %select_n3A_1267 : i32 to index
    %swap3A_1277 = arith.index_cast %mul3A_1271 : i32 to index
    %swap3A_1278 = tpu.vector_load %arg24[%swap3A_1276, %swap3A_1277] {strides = array<i32>} : memref<8x128xi32, #tpu.memory_space<vmem>>, vector<16xi32>,
    tpu.vector_store %arg24[%swap3A_1276, %swap3A_1277], %add3A_1275 {strides = array<i32>} : memref<8x128xi32, #tpu.memory_space<vmem>>, vector<16xi32>,
    %mul3A_1279 = arith.constant 32 : i32
    %mul3A_1280 = arith.muli %div3A_2, %mul3A_1279 : i32
    %add3A_1281 = arith.constant 29 : i32
    %add3A_1282 = arith.addi %add3A_1281, %mul3A_1280 : i32
    %mul3A_1283 = arith.constant 16 : i32
    %mul3A_1284 = arith.muli %add3A_1282, %mul3A_1283 : i32
    %get3A_1285 = arith.index_cast %mul3A_1284 : i32 to index
    %get3A_1286 = tpu.vector_load %arg19[%get3A_1285] {strides = array<i32>} : memref<1024xi32, #tpu.memory_space<vmem>>, vector<16xi32>,
    %jit3A_1287 = arith.constant 8 : i32
    %div3A_1288 = arith.divsi %add3A_1282, %jit3A_1287 : i32
    %sign3A_1289 = arith.constant 0 : i32
    %sign3A_1290 = arith.cmpi sgt, %add3A_1282, %sign3A_1289 : i32
    %sign3A_1291 = arith.extui %sign3A_1290 : i1 to i32
    %sign3A_1292 = arith.constant 0 : i32
    %sign3A_1293 = arith.cmpi slt, %add3A_1282, %sign3A_1292 : i32
    %sign3A_1294 = arith.extui %sign3A_1293 : i1 to i32
    %sign3A_1295 = arith.subi %sign3A_1291, %sign3A_1294 : i32
    %sign3A_1296 = arith.constant 0 : i32
    %sign3A_1297 = arith.cmpi sgt, %jit3A_1287, %sign3A_1296 : i32
    %sign3A_1298 = arith.extui %sign3A_1297 : i1 to i32
    %sign3A_1299 = arith.constant 0 : i32
    %sign3A_1300 = arith.cmpi slt, %jit3A_1287, %sign3A_1299 : i32
    %sign3A_1301 = arith.extui %sign3A_1300 : i1 to i32
    %sign3A_1302 = arith.subi %sign3A_1298, %sign3A_1301 : i32
    %ne3A_1303 = arith.cmpi ne, %sign3A_1295, %sign3A_1302 : i32
    %rem3A_1304 = arith.remsi %add3A_1282, %jit3A_1287 : i32
    %ne3A_1305 = arith.constant 0 : i32
    %ne3A_1306 = arith.cmpi ne, %rem3A_1304, %ne3A_1305 : i32
    %and3A_1307 = arith.andi %ne3A_1303, %ne3A_1306 : i1
    %sub3A_1308 = arith.constant 1 : i32
    %sub3A_1309 = arith.subi %div3A_1288, %sub3A_1308 : i32
    %select_n3A_1310 = arith.select %and3A_1307, %sub3A_1309, %div3A_1288 : i32
    %rem3A_1311 = arith.constant 8 : i32
    %rem3A_1312 = arith.remsi %add3A_1282, %rem3A_1311 : i32
    %mul3A_1313 = arith.constant 16 : i32
    %mul3A_1314 = arith.muli %rem3A_1312, %mul3A_1313 : i32
    %mul3A_1315 = arith.constant 4096 : i32
    %mul3A_1316 = arith.muli %add3A, %mul3A_1315 : i32
    %add3A_1317 = vector.broadcast %mul3A_1316 : i32 to vector<16xi32>
    %add3A_1318 = arith.addi %get3A_1286, %add3A_1317 : vector<16xi32>
    %swap3A_1319 = arith.index_cast %select_n3A_1310 : i32 to index
    %swap3A_1320 = arith.index_cast %mul3A_1314 : i32 to index
    %swap3A_1321 = tpu.vector_load %arg24[%swap3A_1319, %swap3A_1320] {strides = array<i32>} : memref<8x128xi32, #tpu.memory_space<vmem>>, vector<16xi32>,
    tpu.vector_store %arg24[%swap3A_1319, %swap3A_1320], %add3A_1318 {strides = array<i32>} : memref<8x128xi32, #tpu.memory_space<vmem>>, vector<16xi32>,
    %mul3A_1322 = arith.constant 32 : i32
    %mul3A_1323 = arith.muli %div3A_2, %mul3A_1322 : i32
    %add3A_1324 = arith.constant 30 : i32
    %add3A_1325 = arith.addi %add3A_1324, %mul3A_1323 : i32
    %mul3A_1326 = arith.constant 16 : i32
    %mul3A_1327 = arith.muli %add3A_1325, %mul3A_1326 : i32
    %get3A_1328 = arith.index_cast %mul3A_1327 : i32 to index
    %get3A_1329 = tpu.vector_load %arg19[%get3A_1328] {strides = array<i32>} : memref<1024xi32, #tpu.memory_space<vmem>>, vector<16xi32>,
    %jit3A_1330 = arith.constant 8 : i32
    %div3A_1331 = arith.divsi %add3A_1325, %jit3A_1330 : i32
    %sign3A_1332 = arith.constant 0 : i32
    %sign3A_1333 = arith.cmpi sgt, %add3A_1325, %sign3A_1332 : i32
    %sign3A_1334 = arith.extui %sign3A_1333 : i1 to i32
    %sign3A_1335 = arith.constant 0 : i32
    %sign3A_1336 = arith.cmpi slt, %add3A_1325, %sign3A_1335 : i32
    %sign3A_1337 = arith.extui %sign3A_1336 : i1 to i32
    %sign3A_1338 = arith.subi %sign3A_1334, %sign3A_1337 : i32
    %sign3A_1339 = arith.constant 0 : i32
    %sign3A_1340 = arith.cmpi sgt, %jit3A_1330, %sign3A_1339 : i32
    %sign3A_1341 = arith.extui %sign3A_1340 : i1 to i32
    %sign3A_1342 = arith.constant 0 : i32
    %sign3A_1343 = arith.cmpi slt, %jit3A_1330, %sign3A_1342 : i32
    %sign3A_1344 = arith.extui %sign3A_1343 : i1 to i32
    %sign3A_1345 = arith.subi %sign3A_1341, %sign3A_1344 : i32
    %ne3A_1346 = arith.cmpi ne, %sign3A_1338, %sign3A_1345 : i32
    %rem3A_1347 = arith.remsi %add3A_1325, %jit3A_1330 : i32
    %ne3A_1348 = arith.constant 0 : i32
    %ne3A_1349 = arith.cmpi ne, %rem3A_1347, %ne3A_1348 : i32
    %and3A_1350 = arith.andi %ne3A_1346, %ne3A_1349 : i1
    %sub3A_1351 = arith.constant 1 : i32
    %sub3A_1352 = arith.subi %div3A_1331, %sub3A_1351 : i32
    %select_n3A_1353 = arith.select %and3A_1350, %sub3A_1352, %div3A_1331 : i32
    %rem3A_1354 = arith.constant 8 : i32
    %rem3A_1355 = arith.remsi %add3A_1325, %rem3A_1354 : i32
    %mul3A_1356 = arith.constant 16 : i32
    %mul3A_1357 = arith.muli %rem3A_1355, %mul3A_1356 : i32
    %mul3A_1358 = arith.constant 4096 : i32
    %mul3A_1359 = arith.muli %add3A, %mul3A_1358 : i32
    %add3A_1360 = vector.broadcast %mul3A_1359 : i32 to vector<16xi32>
    %add3A_1361 = arith.addi %get3A_1329, %add3A_1360 : vector<16xi32>
    %swap3A_1362 = arith.index_cast %select_n3A_1353 : i32 to index
    %swap3A_1363 = arith.index_cast %mul3A_1357 : i32 to index
    %swap3A_1364 = tpu.vector_load %arg24[%swap3A_1362, %swap3A_1363] {strides = array<i32>} : memref<8x128xi32, #tpu.memory_space<vmem>>, vector<16xi32>,
    tpu.vector_store %arg24[%swap3A_1362, %swap3A_1363], %add3A_1361 {strides = array<i32>} : memref<8x128xi32, #tpu.memory_space<vmem>>, vector<16xi32>,
    %mul3A_1365 = arith.constant 32 : i32
    %mul3A_1366 = arith.muli %div3A_2, %mul3A_1365 : i32
    %add3A_1367 = arith.constant 31 : i32
    %add3A_1368 = arith.addi %add3A_1367, %mul3A_1366 : i32
    %mul3A_1369 = arith.constant 16 : i32
    %mul3A_1370 = arith.muli %add3A_1368, %mul3A_1369 : i32
    %get3A_1371 = arith.index_cast %mul3A_1370 : i32 to index
    %get3A_1372 = tpu.vector_load %arg19[%get3A_1371] {strides = array<i32>} : memref<1024xi32, #tpu.memory_space<vmem>>, vector<16xi32>,
    %jit3A_1373 = arith.constant 8 : i32
    %div3A_1374 = arith.divsi %add3A_1368, %jit3A_1373 : i32
    %sign3A_1375 = arith.constant 0 : i32
    %sign3A_1376 = arith.cmpi sgt, %add3A_1368, %sign3A_1375 : i32
    %sign3A_1377 = arith.extui %sign3A_1376 : i1 to i32
    %sign3A_1378 = arith.constant 0 : i32
    %sign3A_1379 = arith.cmpi slt, %add3A_1368, %sign3A_1378 : i32
    %sign3A_1380 = arith.extui %sign3A_1379 : i1 to i32
    %sign3A_1381 = arith.subi %sign3A_1377, %sign3A_1380 : i32
    %sign3A_1382 = arith.constant 0 : i32
    %sign3A_1383 = arith.cmpi sgt, %jit3A_1373, %sign3A_1382 : i32
    %sign3A_1384 = arith.extui %sign3A_1383 : i1 to i32
    %sign3A_1385 = arith.constant 0 : i32
    %sign3A_1386 = arith.cmpi slt, %jit3A_1373, %sign3A_1385 : i32
    %sign3A_1387 = arith.extui %sign3A_1386 : i1 to i32
    %sign3A_1388 = arith.subi %sign3A_1384, %sign3A_1387 : i32
    %ne3A_1389 = arith.cmpi ne, %sign3A_1381, %sign3A_1388 : i32
    %rem3A_1390 = arith.remsi %add3A_1368, %jit3A_1373 : i32
    %ne3A_1391 = arith.constant 0 : i32
    %ne3A_1392 = arith.cmpi ne, %rem3A_1390, %ne3A_1391 : i32
    %and3A_1393 = arith.andi %ne3A_1389, %ne3A_1392 : i1
    %sub3A_1394 = arith.constant 1 : i32
    %sub3A_1395 = arith.subi %div3A_1374, %sub3A_1394 : i32
    %select_n3A_1396 = arith.select %and3A_1393, %sub3A_1395, %div3A_1374 : i32
    %rem3A_1397 = arith.constant 8 : i32
    %rem3A_1398 = arith.remsi %add3A_1368, %rem3A_1397 : i32
    %mul3A_1399 = arith.constant 16 : i32
    %mul3A_1400 = arith.muli %rem3A_1398, %mul3A_1399 : i32
    %mul3A_1401 = arith.constant 4096 : i32
    %mul3A_1402 = arith.muli %add3A, %mul3A_1401 : i32
    %add3A_1403 = vector.broadcast %mul3A_1402 : i32 to vector<16xi32>
    %add3A_1404 = arith.addi %get3A_1372, %add3A_1403 : vector<16xi32>
    %swap3A_1405 = arith.index_cast %select_n3A_1396 : i32 to index
    %swap3A_1406 = arith.index_cast %mul3A_1400 : i32 to index
    %swap3A_1407 = tpu.vector_load %arg24[%swap3A_1405, %swap3A_1406] {strides = array<i32>} : memref<8x128xi32, #tpu.memory_space<vmem>>, vector<16xi32>,
    tpu.vector_store %arg24[%swap3A_1405, %swap3A_1406], %add3A_1404 {strides = array<i32>} : memref<8x128xi32, #tpu.memory_space<vmem>>, vector<16xi32>,
    %mul3A_1408 = arith.constant 4 : i32
    %mul3A_1409 = arith.muli %div3A_2, %mul3A_1408 : i32
    %add3A_1410 = arith.constant 0 : i32
    %add3A_1411 = arith.addi %mul3A_1409, %add3A_1410 : i32
    %dma_start3A = arith.constant 0 : i32
    %dma_start3A_1412 = tpu.memref_slice %arg24[%add3A_1411, %dma_start3A] : memref<8x128xi32, #tpu.memory_space<vmem>> -> memref<1x128xi32, #tpu.memory_space<vmem>>
    %dma_start3A_1413 = tpu.memref_squeeze %dma_start3A_1412 : memref<1x128xi32, #tpu.memory_space<vmem>> -> memref<128xi32, #tpu.memory_space<vmem>>
    %dma_start3A_1414 = arith.constant 0 : i32
    %dma_start3A_1415 = arith.constant 0 : i32
    %dma_start3A_1416 = tpu.memref_slice %arg7[%dma_start3A_1414, %dma_start3A_1415] : memref<65536x128xf32, #tpu.memory_space<hbm>> -> memref<65536x128xf32, #tpu.memory_space<hbm>>
    tpu.enqueue_indirect_dma source(%dma_start3A_1416 : memref<65536x128xf32, #tpu.memory_space<hbm>>) target(%arg25 : memref<128x128xf32, #tpu.memory_space<vmem>>) offsets(%dma_start3A_1413 : memref<128xi32, #tpu.memory_space<vmem>>) semaphore(%arg29 : memref<!tpu.dma_semaphore, #tpu.memory_space<semaphore_mem>>)
    %dma_wait3A = arith.constant 0 : i32
    %dma_wait3A_1417 = tpu.memref_slice %arg24[%add3A_1411, %dma_wait3A] : memref<8x128xi32, #tpu.memory_space<vmem>> -> memref<1x128xi32, #tpu.memory_space<vmem>>
    %dma_wait3A_1418 = tpu.memref_squeeze %dma_wait3A_1417 : memref<1x128xi32, #tpu.memory_space<vmem>> -> memref<128xi32, #tpu.memory_space<vmem>>
    %dma_wait3A_1419 = arith.constant 0 : i32
    %dma_wait3A_1420 = arith.constant 0 : i32
    %dma_wait3A_1421 = tpu.memref_slice %arg7[%dma_wait3A_1419, %dma_wait3A_1420] : memref<65536x128xf32, #tpu.memory_space<hbm>> -> memref<65536x128xf32, #tpu.memory_space<hbm>>
    tpu.wait_indirect_dma semaphore(%arg29 : memref<!tpu.dma_semaphore, #tpu.memory_space<semaphore_mem>>) src(%dma_wait3A_1421 : memref<65536x128xf32, #tpu.memory_space<hbm>>) dst(%arg25 : memref<128x128xf32, #tpu.memory_space<vmem>>)
    %mul3A_1422 = arith.constant 1024 : i32
    %mul3A_1423 = arith.muli %add3A, %mul3A_1422 : i32
    %mul3A_1424 = arith.constant 128 : i32
    %mul3A_1425 = arith.muli %add3A_1411, %mul3A_1424 : i32
    %add3A_1426 = arith.addi %mul3A_1423, %mul3A_1425 : i32
    %mul3A_1427 = arith.constant 1 : i32
    %mul3A_1428 = arith.muli %add3A_1426, %mul3A_1427 : i32
    "tpu.region"() ({
      %run_scoped3A = tpu.sem_alloc : memref<!tpu.dma_semaphore, #tpu.memory_space<semaphore_mem>>
      %dma_start3A_1492 = arith.constant 0 : i32
      %dma_start3A_1493 = tpu.memref_slice %arg11[%mul3A_1428, %dma_start3A_1492] : memref<16384x128xf32, #tpu.memory_space<hbm>> -> memref<128x128xf32, #tpu.memory_space<hbm>>
      %dma_start3A_1494 = arith.constant 0 : i32
      %dma_start3A_1495 = tpu.memref_slice %arg11[%mul3A_1428, %dma_start3A_1494] : memref<16384x128xf32, #tpu.memory_space<hbm>> -> memref<128x128xf32, #tpu.memory_space<hbm>>
      tpu.enqueue_dma source(%arg25 : memref<128x128xf32, #tpu.memory_space<vmem>>) target(%dma_start3A_1495 : memref<128x128xf32, #tpu.memory_space<hbm>>) target_semaphore(%run_scoped3A : memref<!tpu.dma_semaphore, #tpu.memory_space<semaphore_mem>>)
      %dma_wait3A_1496 = arith.constant 0 : i32
      %dma_wait3A_1497 = tpu.memref_slice %arg11[%mul3A_1428, %dma_wait3A_1496] : memref<16384x128xf32, #tpu.memory_space<hbm>> -> memref<128x128xf32, #tpu.memory_space<hbm>>
      %dma_wait3A_1498 = arith.constant 0 : i32
      %dma_wait3A_1499 = tpu.memref_slice %arg11[%mul3A_1428, %dma_wait3A_1498] : memref<16384x128xf32, #tpu.memory_space<hbm>> -> memref<128x128xf32, #tpu.memory_space<hbm>>
      tpu.wait_dma2 semaphore(%run_scoped3A : memref<!tpu.dma_semaphore, #tpu.memory_space<semaphore_mem>>) src(%arg25 : memref<128x128xf32, #tpu.memory_space<vmem>>) dst(%dma_wait3A_1499 : memref<128x128xf32, #tpu.memory_space<hbm>>)
      tpu.yield
    }) : () -> ()
    %add3A_1429 = arith.constant 1 : i32
    %add3A_1430 = arith.addi %mul3A_1409, %add3A_1429 : i32
    %dma_start3A_1431 = arith.constant 0 : i32
    %dma_start3A_1432 = tpu.memref_slice %arg24[%add3A_1430, %dma_start3A_1431] : memref<8x128xi32, #tpu.memory_space<vmem>> -> memref<1x128xi32, #tpu.memory_space<vmem>>
    %dma_start3A_1433 = tpu.memref_squeeze %dma_start3A_1432 : memref<1x128xi32, #tpu.memory_space<vmem>> -> memref<128xi32, #tpu.memory_space<vmem>>
    %dma_start3A_1434 = arith.constant 0 : i32
    %dma_start3A_1435 = arith.constant 0 : i32
    %dma_start3A_1436 = tpu.memref_slice %arg7[%dma_start3A_1434, %dma_start3A_1435] : memref<65536x128xf32, #tpu.memory_space<hbm>> -> memref<65536x128xf32, #tpu.memory_space<hbm>>
    tpu.enqueue_indirect_dma source(%dma_start3A_1436 : memref<65536x128xf32, #tpu.memory_space<hbm>>) target(%arg25 : memref<128x128xf32, #tpu.memory_space<vmem>>) offsets(%dma_start3A_1433 : memref<128xi32, #tpu.memory_space<vmem>>) semaphore(%arg29 : memref<!tpu.dma_semaphore, #tpu.memory_space<semaphore_mem>>)
    %dma_wait3A_1437 = arith.constant 0 : i32
    %dma_wait3A_1438 = tpu.memref_slice %arg24[%add3A_1430, %dma_wait3A_1437] : memref<8x128xi32, #tpu.memory_space<vmem>> -> memref<1x128xi32, #tpu.memory_space<vmem>>
    %dma_wait3A_1439 = tpu.memref_squeeze %dma_wait3A_1438 : memref<1x128xi32, #tpu.memory_space<vmem>> -> memref<128xi32, #tpu.memory_space<vmem>>
    %dma_wait3A_1440 = arith.constant 0 : i32
    %dma_wait3A_1441 = arith.constant 0 : i32
    %dma_wait3A_1442 = tpu.memref_slice %arg7[%dma_wait3A_1440, %dma_wait3A_1441] : memref<65536x128xf32, #tpu.memory_space<hbm>> -> memref<65536x128xf32, #tpu.memory_space<hbm>>
    tpu.wait_indirect_dma semaphore(%arg29 : memref<!tpu.dma_semaphore, #tpu.memory_space<semaphore_mem>>) src(%dma_wait3A_1442 : memref<65536x128xf32, #tpu.memory_space<hbm>>) dst(%arg25 : memref<128x128xf32, #tpu.memory_space<vmem>>)
    %mul3A_1443 = arith.constant 1024 : i32
    %mul3A_1444 = arith.muli %add3A, %mul3A_1443 : i32
    %mul3A_1445 = arith.constant 128 : i32
    %mul3A_1446 = arith.muli %add3A_1430, %mul3A_1445 : i32
    %add3A_1447 = arith.addi %mul3A_1444, %mul3A_1446 : i32
    %mul3A_1448 = arith.constant 1 : i32
    %mul3A_1449 = arith.muli %add3A_1447, %mul3A_1448 : i32
    "tpu.region"() ({
      %run_scoped3A = tpu.sem_alloc : memref<!tpu.dma_semaphore, #tpu.memory_space<semaphore_mem>>
      %dma_start3A_1492 = arith.constant 0 : i32
      %dma_start3A_1493 = tpu.memref_slice %arg11[%mul3A_1449, %dma_start3A_1492] : memref<16384x128xf32, #tpu.memory_space<hbm>> -> memref<128x128xf32, #tpu.memory_space<hbm>>
      %dma_start3A_1494 = arith.constant 0 : i32
      %dma_start3A_1495 = tpu.memref_slice %arg11[%mul3A_1449, %dma_start3A_1494] : memref<16384x128xf32, #tpu.memory_space<hbm>> -> memref<128x128xf32, #tpu.memory_space<hbm>>
      tpu.enqueue_dma source(%arg25 : memref<128x128xf32, #tpu.memory_space<vmem>>) target(%dma_start3A_1495 : memref<128x128xf32, #tpu.memory_space<hbm>>) target_semaphore(%run_scoped3A : memref<!tpu.dma_semaphore, #tpu.memory_space<semaphore_mem>>)
      %dma_wait3A_1496 = arith.constant 0 : i32
      %dma_wait3A_1497 = tpu.memref_slice %arg11[%mul3A_1449, %dma_wait3A_1496] : memref<16384x128xf32, #tpu.memory_space<hbm>> -> memref<128x128xf32, #tpu.memory_space<hbm>>
      %dma_wait3A_1498 = arith.constant 0 : i32
      %dma_wait3A_1499 = tpu.memref_slice %arg11[%mul3A_1449, %dma_wait3A_1498] : memref<16384x128xf32, #tpu.memory_space<hbm>> -> memref<128x128xf32, #tpu.memory_space<hbm>>
      tpu.wait_dma2 semaphore(%run_scoped3A : memref<!tpu.dma_semaphore, #tpu.memory_space<semaphore_mem>>) src(%arg25 : memref<128x128xf32, #tpu.memory_space<vmem>>) dst(%dma_wait3A_1499 : memref<128x128xf32, #tpu.memory_space<hbm>>)
      tpu.yield
    }) : () -> ()
    %add3A_1450 = arith.constant 2 : i32
    %add3A_1451 = arith.addi %mul3A_1409, %add3A_1450 : i32
    %dma_start3A_1452 = arith.constant 0 : i32
    %dma_start3A_1453 = tpu.memref_slice %arg24[%add3A_1451, %dma_start3A_1452] : memref<8x128xi32, #tpu.memory_space<vmem>> -> memref<1x128xi32, #tpu.memory_space<vmem>>
    %dma_start3A_1454 = tpu.memref_squeeze %dma_start3A_1453 : memref<1x128xi32, #tpu.memory_space<vmem>> -> memref<128xi32, #tpu.memory_space<vmem>>
    %dma_start3A_1455 = arith.constant 0 : i32
    %dma_start3A_1456 = arith.constant 0 : i32
    %dma_start3A_1457 = tpu.memref_slice %arg7[%dma_start3A_1455, %dma_start3A_1456] : memref<65536x128xf32, #tpu.memory_space<hbm>> -> memref<65536x128xf32, #tpu.memory_space<hbm>>
    tpu.enqueue_indirect_dma source(%dma_start3A_1457 : memref<65536x128xf32, #tpu.memory_space<hbm>>) target(%arg25 : memref<128x128xf32, #tpu.memory_space<vmem>>) offsets(%dma_start3A_1454 : memref<128xi32, #tpu.memory_space<vmem>>) semaphore(%arg29 : memref<!tpu.dma_semaphore, #tpu.memory_space<semaphore_mem>>)
    %dma_wait3A_1458 = arith.constant 0 : i32
    %dma_wait3A_1459 = tpu.memref_slice %arg24[%add3A_1451, %dma_wait3A_1458] : memref<8x128xi32, #tpu.memory_space<vmem>> -> memref<1x128xi32, #tpu.memory_space<vmem>>
    %dma_wait3A_1460 = tpu.memref_squeeze %dma_wait3A_1459 : memref<1x128xi32, #tpu.memory_space<vmem>> -> memref<128xi32, #tpu.memory_space<vmem>>
    %dma_wait3A_1461 = arith.constant 0 : i32
    %dma_wait3A_1462 = arith.constant 0 : i32
    %dma_wait3A_1463 = tpu.memref_slice %arg7[%dma_wait3A_1461, %dma_wait3A_1462] : memref<65536x128xf32, #tpu.memory_space<hbm>> -> memref<65536x128xf32, #tpu.memory_space<hbm>>
    tpu.wait_indirect_dma semaphore(%arg29 : memref<!tpu.dma_semaphore, #tpu.memory_space<semaphore_mem>>) src(%dma_wait3A_1463 : memref<65536x128xf32, #tpu.memory_space<hbm>>) dst(%arg25 : memref<128x128xf32, #tpu.memory_space<vmem>>)
    %mul3A_1464 = arith.constant 1024 : i32
    %mul3A_1465 = arith.muli %add3A, %mul3A_1464 : i32
    %mul3A_1466 = arith.constant 128 : i32
    %mul3A_1467 = arith.muli %add3A_1451, %mul3A_1466 : i32
    %add3A_1468 = arith.addi %mul3A_1465, %mul3A_1467 : i32
    %mul3A_1469 = arith.constant 1 : i32
    %mul3A_1470 = arith.muli %add3A_1468, %mul3A_1469 : i32
    "tpu.region"() ({
      %run_scoped3A = tpu.sem_alloc : memref<!tpu.dma_semaphore, #tpu.memory_space<semaphore_mem>>
      %dma_start3A_1492 = arith.constant 0 : i32
      %dma_start3A_1493 = tpu.memref_slice %arg11[%mul3A_1470, %dma_start3A_1492] : memref<16384x128xf32, #tpu.memory_space<hbm>> -> memref<128x128xf32, #tpu.memory_space<hbm>>
      %dma_start3A_1494 = arith.constant 0 : i32
      %dma_start3A_1495 = tpu.memref_slice %arg11[%mul3A_1470, %dma_start3A_1494] : memref<16384x128xf32, #tpu.memory_space<hbm>> -> memref<128x128xf32, #tpu.memory_space<hbm>>
      tpu.enqueue_dma source(%arg25 : memref<128x128xf32, #tpu.memory_space<vmem>>) target(%dma_start3A_1495 : memref<128x128xf32, #tpu.memory_space<hbm>>) target_semaphore(%run_scoped3A : memref<!tpu.dma_semaphore, #tpu.memory_space<semaphore_mem>>)
      %dma_wait3A_1496 = arith.constant 0 : i32
      %dma_wait3A_1497 = tpu.memref_slice %arg11[%mul3A_1470, %dma_wait3A_1496] : memref<16384x128xf32, #tpu.memory_space<hbm>> -> memref<128x128xf32, #tpu.memory_space<hbm>>
      %dma_wait3A_1498 = arith.constant 0 : i32
      %dma_wait3A_1499 = tpu.memref_slice %arg11[%mul3A_1470, %dma_wait3A_1498] : memref<16384x128xf32, #tpu.memory_space<hbm>> -> memref<128x128xf32, #tpu.memory_space<hbm>>
      tpu.wait_dma2 semaphore(%run_scoped3A : memref<!tpu.dma_semaphore, #tpu.memory_space<semaphore_mem>>) src(%arg25 : memref<128x128xf32, #tpu.memory_space<vmem>>) dst(%dma_wait3A_1499 : memref<128x128xf32, #tpu.memory_space<hbm>>)
      tpu.yield
    }) : () -> ()
    %add3A_1471 = arith.constant 3 : i32
    %add3A_1472 = arith.addi %mul3A_1409, %add3A_1471 : i32
    %dma_start3A_1473 = arith.constant 0 : i32
    %dma_start3A_1474 = tpu.memref_slice %arg24[%add3A_1472, %dma_start3A_1473] : memref<8x128xi32, #tpu.memory_space<vmem>> -> memref<1x128xi32, #tpu.memory_space<vmem>>
    %dma_start3A_1475 = tpu.memref_squeeze %dma_start3A_1474 : memref<1x128xi32, #tpu.memory_space<vmem>> -> memref<128xi32, #tpu.memory_space<vmem>>
    %dma_start3A_1476 = arith.constant 0 : i32
    %dma_start3A_1477 = arith.constant 0 : i32
    %dma_start3A_1478 = tpu.memref_slice %arg7[%dma_start3A_1476, %dma_start3A_1477] : memref<65536x128xf32, #tpu.memory_space<hbm>> -> memref<65536x128xf32, #tpu.memory_space<hbm>>
    tpu.enqueue_indirect_dma source(%dma_start3A_1478 : memref<65536x128xf32, #tpu.memory_space<hbm>>) target(%arg25 : memref<128x128xf32, #tpu.memory_space<vmem>>) offsets(%dma_start3A_1475 : memref<128xi32, #tpu.memory_space<vmem>>) semaphore(%arg29 : memref<!tpu.dma_semaphore, #tpu.memory_space<semaphore_mem>>)
    %dma_wait3A_1479 = arith.constant 0 : i32
    %dma_wait3A_1480 = tpu.memref_slice %arg24[%add3A_1472, %dma_wait3A_1479] : memref<8x128xi32, #tpu.memory_space<vmem>> -> memref<1x128xi32, #tpu.memory_space<vmem>>
    %dma_wait3A_1481 = tpu.memref_squeeze %dma_wait3A_1480 : memref<1x128xi32, #tpu.memory_space<vmem>> -> memref<128xi32, #tpu.memory_space<vmem>>
    %dma_wait3A_1482 = arith.constant 0 : i32
    %dma_wait3A_1483 = arith.constant 0 : i32
    %dma_wait3A_1484 = tpu.memref_slice %arg7[%dma_wait3A_1482, %dma_wait3A_1483] : memref<65536x128xf32, #tpu.memory_space<hbm>> -> memref<65536x128xf32, #tpu.memory_space<hbm>>
    tpu.wait_indirect_dma semaphore(%arg29 : memref<!tpu.dma_semaphore, #tpu.memory_space<semaphore_mem>>) src(%dma_wait3A_1484 : memref<65536x128xf32, #tpu.memory_space<hbm>>) dst(%arg25 : memref<128x128xf32, #tpu.memory_space<vmem>>)
    %mul3A_1485 = arith.constant 1024 : i32
    %mul3A_1486 = arith.muli %add3A, %mul3A_1485 : i32
    %mul3A_1487 = arith.constant 128 : i32
    %mul3A_1488 = arith.muli %add3A_1472, %mul3A_1487 : i32
    %add3A_1489 = arith.addi %mul3A_1486, %mul3A_1488 : i32
    %mul3A_1490 = arith.constant 1 : i32
    %mul3A_1491 = arith.muli %add3A_1489, %mul3A_1490 : i32
    "tpu.region"() ({
      %run_scoped3A = tpu.sem_alloc : memref<!tpu.dma_semaphore, #tpu.memory_space<semaphore_mem>>
      %dma_start3A_1492 = arith.constant 0 : i32
      %dma_start3A_1493 = tpu.memref_slice %arg11[%mul3A_1491, %dma_start3A_1492] : memref<16384x128xf32, #tpu.memory_space<hbm>> -> memref<128x128xf32, #tpu.memory_space<hbm>>
      %dma_start3A_1494 = arith.constant 0 : i32
      %dma_start3A_1495 = tpu.memref_slice %arg11[%mul3A_1491, %dma_start3A_1494] : memref<16384x128xf32, #tpu.memory_space<hbm>> -> memref<128x128xf32, #tpu.memory_space<hbm>>
      tpu.enqueue_dma source(%arg25 : memref<128x128xf32, #tpu.memory_space<vmem>>) target(%dma_start3A_1495 : memref<128x128xf32, #tpu.memory_space<hbm>>) target_semaphore(%run_scoped3A : memref<!tpu.dma_semaphore, #tpu.memory_space<semaphore_mem>>)
      %dma_wait3A_1496 = arith.constant 0 : i32
      %dma_wait3A_1497 = tpu.memref_slice %arg11[%mul3A_1491, %dma_wait3A_1496] : memref<16384x128xf32, #tpu.memory_space<hbm>> -> memref<128x128xf32, #tpu.memory_space<hbm>>
      %dma_wait3A_1498 = arith.constant 0 : i32
      %dma_wait3A_1499 = tpu.memref_slice %arg11[%mul3A_1491, %dma_wait3A_1498] : memref<16384x128xf32, #tpu.memory_space<hbm>> -> memref<128x128xf32, #tpu.memory_space<hbm>>
      tpu.wait_dma2 semaphore(%run_scoped3A : memref<!tpu.dma_semaphore, #tpu.memory_space<semaphore_mem>>) src(%arg25 : memref<128x128xf32, #tpu.memory_space<vmem>>) dst(%dma_wait3A_1499 : memref<128x128xf32, #tpu.memory_space<hbm>>)
      tpu.yield
    }) : () -> ()
    return
  }
}

</mosaic_0001>

<sc_bundles>
// kernel: kernel.3.cloned.1.call-start
scs
__scs_entry_jumppad:
0x0: {  	(pc) =	sbr.rel $0x88, $3  }
0x1: {  	(tag) =	ssettag $0x0;
	lr =	simm.s32 $0x1  }
0x2: {  	[smem:$0x3F9E] =	sst lr;
	_ =	strace $0xD0000000  }
0x3: {  	_ = 	snop  }
0x4: {  	_ = 	snop  }
0x5: {  	_ = 	snop  }
0x6: {  	_ = 	snop  }
0x7: {  	_ = 	snop  }
__scs_overlays_trampoline_lowered:
0x8: {  	[smem:$0x3FAD] =	sst s0  }
0x9: {  	[smem:$0x3FAE] =	sst s1  }
0xa: {  	[smem:$0x3FAF] =	sst s2  }
0xb: {  	[smem:$0x3FB0] =	sst s3  }
0xc: {  	[smem:$0x3FB1] =	sst s4  }
0xd: {  	[smem:$0x3FB2] =	sst s5  }
0xe: {  	[smem:$0x3FB3] =	sst s6  }
0xf: {  	[smem:$0x3FB4] =	sst s7  }
0x10: {  	[smem:$0x3FB5] =	sst s8  }
0x11: {  	[smem:$0x3FB6] =	sst s9;
	s0 =	simm.s32 @!p0 $0x0  }
0x12: {  	s1 =	sld [smem:$0x3F9C];
	s0 =	simm.s32 @p0 $0x1  }
0x13: {  	[smem:$0x3FB7] =	sst s0;
	s0 =	simm.s32 @!p1 $0x0  }
0x14: {  	s2 =	sld [smem:$0x3F9B];
	s0 =	simm.s32 @p1 $0x1  }
0x15: {  	[smem:$0x3FB8] =	sst s0;
	s0 =	simm.s32 @!p2 $0x0  }
0x16: {  	s3 =	sld [smem:$0x3FDB];
	s0 =	simm.s32 @p2 $0x1  }
0x17: {  	s4 =	simm.s32 $0x1BF5;
	[smem:$0x3FBA] =	sst s0  }
0x18: {  	s0 =	sld [smem:$0x3F9D];
	_ =	swait.ge [sflag:s4], $0x0  }
0x19: {  	s7 =	sld [smem:$0x3F9E]  }
0x1a: {  	s8 =	sadd.s32 $0xFFFFE003, lr  }
0x1b: {  	s9 =	sadd.s32 $0xFFFFFEF7, lr;
	s5 =	simm.s32 $0xFFFFFFFF;
	p2 =	slt.u32 s8, $0xFFFFF086  }
0x1c: {  	p1 =	slt.u32 s9, $0xF7A;
	s5 =	simm.s32 @!p2 $0x0  }
0x1d: {  	s5 =	simm.s32 @p1 $0x1;
	p0 =	seq.s32 s7, s2  }
0x1e: {  	s7 =	smul.u32 @!p0 $0xF7A, s2;
	p2 =	seq.s32 @!p0 s5, $0x0  }
0x1f: {  	s9 =	smul.u32 $0xF7A, s1;
	s8 =	simm.s32 @!p0 $0x1BF5;
	p2 =	por !p2, p0  }
0x20: {  	[sflag:s8] =	ssyncset.s32 @!p0 $0xFFFFF086;
	s6 =	sadd.s32 @!p0 s3, s7;
	s7 =	simm.s32 @!p0 $0x108  }
0x21: {  	s3 =	sadd.s32 s3, s9;
	s6 =	sadd.s32 @!p0 $0x88, s6;
	s7 =	simm.s32 @p2 $0x1082  }
0x22: {  	[simem:s7], [sflag:s8] =	dma.local @!p0 [hbm:s6], $0xF7A  }
0x23: {  	s9 =	sor.u32 $0xD0000000, s2;
	s6 =	simm.s32 $0x108;
	_ =	swait.ge @!p0 [sflag:s8], $0x0  }
0x24: {  	s3 =	sadd.s32 $0x88, s3;
	s6 =	simm.s32 @!p1 $0x1082;
	[sflag:s4] =	ssyncset.s32 $0xFFFFF086  }
0x25: {  	[simem:s6], [sflag:s4] =	dma.local [hbm:s3], $0xF7A  }
0x26: {  	[smem:$0x3F9E] =	sst s1;
	(tag) =	ssettag s2;
	_ =	strace s9  }
0x27: {  	s1 =	sld [smem:$0x3FAE]  }
0x28: {  	s2 =	sld [smem:$0x3FAF]  }
0x29: {  	s4 =	sld [smem:$0x3FB1]  }
0x2a: {  	p0 =	seq.s32 s5, $0x0;
	s5 =	sld [smem:$0x3FB2]  }
0x2b: {  	s6 =	sld [smem:$0x3FB3]  }
0x2c: {  	s7 =	sld [smem:$0x3FB4]  }
0x2d: {  	s3 =	simm.s32 $0x108;
	s8 =	sld [smem:$0x3FB5]  }
0x2e: {  	s3 =	simm.s32 @!p0 $0x1082;
	s9 =	sld [smem:$0x3FB6]  }
0x2f: {  	lr =	sadd.s32 s0, s3;
	s0 =	sld [smem:$0x3FAD]  }
0x30: {  	s3 =	sld [smem:$0x3FB0]  }
0x31: {  	[smem:$0x3FB9] =	sst s10  }
0x32: {  	s10 =	sld [smem:$0x3FB7];
	_ =	sdelay $0x3  }
0x33: {  	p0 =	seq.s32 s10, $0x1;
	s10 =	sld [smem:$0x3FB9];
	_ =	sdelay $0x3  }
0x34: {  	[smem:$0x3FB9] =	sst s10  }
0x35: {  	s10 =	sld [smem:$0x3FB8];
	_ =	sdelay $0x3  }
0x36: {  	p1 =	seq.s32 s10, $0x1;
	s10 =	sld [smem:$0x3FB9];
	_ =	sdelay $0x3  }
0x37: {  	[smem:$0x3FB9] =	sst s10  }
0x38: {  	s10 =	sld [smem:$0x3FBA]  }
0x39: {  	_ = 	snop;
	(pc) =	sbr.ind lr, $3  }
0x3a: {  	_ = 	snop  }
0x3b: {  	_ = 	snop  }
0x3c: {  	p2 =	seq.s32 s10, $0x1;
	s10 =	sld [smem:$0x3FB9]  }
0x3d: {  	_ =	shalt  }
0x3e: {  	_ =	shalt  }
0x3f: {  	_ =	shalt  }
0x40: {  	_ =	shalt  }
0x41: {  	_ =	shalt  }
0x42: {  	_ =	shalt  }
0x43: {  	_ =	shalt  }
0x44: {  	_ =	shalt  }
0x45: {  	_ =	shalt  }
0x46: {  	_ =	shalt  }
0x47: {  	_ =	shalt  }
0x48: {  	_ =	shalt  }
0x49: {  	_ =	shalt  }
0x4a: {  	_ =	shalt  }
0x4b: {  	_ =	shalt  }
0x4c: {  	_ =	shalt  }
0x4d: {  	_ =	shalt  }
0x4e: {  	_ =	shalt  }
0x4f: {  	_ =	shalt  }
0x50: {  	_ =	shalt  }
0x51: {  	_ =	shalt  }
0x52: {  	_ =	shalt  }
0x53: {  	_ =	shalt  }
0x54: {  	_ =	shalt  }
0x55: {  	_ =	shalt  }
0x56: {  	_ =	shalt  }
0x57: {  	_ =	shalt  }
0x58: {  	_ =	shalt  }
0x59: {  	_ =	shalt  }
0x5a: {  	_ =	shalt  }
0x5b: {  	_ =	shalt  }
0x5c: {  	_ =	shalt  }
0x5d: {  	_ =	shalt  }
0x5e: {  	_ =	shalt  }
0x5f: {  	_ =	shalt  }
0x60: {  	_ =	shalt  }
0x61: {  	_ =	shalt  }
0x62: {  	_ =	shalt  }
0x63: {  	_ =	shalt  }
0x64: {  	_ =	shalt  }
0x65: {  	_ =	shalt  }
0x66: {  	_ =	shalt  }
0x67: {  	_ =	shalt  }
0x68: {  	_ =	shalt  }
0x69: {  	_ =	shalt  }
0x6a: {  	_ =	shalt  }
0x6b: {  	_ =	shalt  }
0x6c: {  	_ =	shalt  }
0x6d: {  	_ =	shalt  }
0x6e: {  	_ =	shalt  }
0x6f: {  	_ =	shalt  }
0x70: {  	_ =	shalt  }
0x71: {  	_ =	shalt  }
0x72: {  	_ =	shalt  }
0x73: {  	_ =	shalt  }
0x74: {  	_ =	shalt  }
0x75: {  	_ =	shalt  }
0x76: {  	_ =	shalt  }
0x77: {  	_ =	shalt  }
0x78: {  	_ =	shalt  }
0x79: {  	_ =	shalt  }
0x7a: {  	_ =	shalt  }
0x7b: {  	_ =	shalt  }
0x7c: {  	_ =	shalt  }
0x7d: {  	_ =	shalt  }
0x7e: {  	_ =	shalt  }
0x7f: {  	_ =	shalt  }
0x80: {  	_ =	shalt  }
0x81: {  	_ =	shalt  }
0x82: {  	_ =	shalt  }
0x83: {  	_ =	shalt  }
0x84: {  	_ =	shalt  }
0x85: {  	_ =	shalt  }
0x86: {  	_ =	shalt  }
0x87: {  	_ =	shalt  }
.Lfunc_end0:
.L_simem_size_0:
called_computation_lowered:
.L_overlay_start_0:
0x88: {  	s2 =	sld [smem:$0x3FD9]  }
0x89: {  	s3 =	sld [smem:$0x3FFE];
	_ =	sdelay $0x1  }
0x8a: {  	s1 =	srdreg.scid  }
0x8b: {  	s0 =	sand.u32 $0x1, s1  }
0x8c: {  	s14 =	sshll.u32 s0, $0xA;
	s2 =	sadd.s32 s3, s2  }
0x8d: {  	s2 =	sadd.s32 s2, s14  }
0x8e: {  	[smem:$0x3FC5] =	sst s2  }
0x8f: {  	_ = 	snop  }
0x90: {  	s2 =	sld [smem:$0x3FD0];
	_ =	sdelay $0x2  }
0x91: {  	s4 =	simm.s32 $0xA;
	s5 =	simm.s32 $0x10;
	s15 =	sld [smem:$0x3FC8]  }
0x92: {  	[smem:s5], [sflag:s4] =	dma.local [hbm:s2], $0x1  }
0x93: {  	_ =	swait.eq [sflag:s4], $0x1  }
0x94: {  	s16 =	sld [smem:$0x10];
	[sflag:s4] =	ssyncset.done $0x0  }
0x95: {  	s17 =	sld [smem:$0x11];
	[sflag:s4] =	ssyncadd.s32 $0xFFFFFFFF  }
0x96: {  	s18 =	sld [smem:$0x12];
	(tm) =	ssettm $0x1  }
0x97: {  	s6 =	sld [smem:$0x3FFB];
	_ =	sdelay $0x3  }
0x98: {  	_ =	strace s6  }
0x99: {  	s6 =	sld [smem:$0x3FFC];
	_ =	sdelay $0x3  }
0x9a: {  	_ =	strace s6  }
0x9b: {  	s6 =	sld [smem:$0x3FFD];
	_ =	sdelay $0x3  }
0x9c: {  	_ =	strace s6  }
0x9d: {  	_ =	strace $0x8FFFFFFF  }
0x9e: {  	s19 =	sld [smem:$0x3FDB];
	_ =	sdelay $0x1  }
0x9f: {  	s7 =	simm.s32 $_scs_section_size  }
0xa0: {  	s8 =	simm.s32 $_size__tile_overlayer_lowered;
	s9 =	simm.s32 $_tile_overlayer_lowered  }
0xa1: {  	s22 =	simm.s32 $0x1BFF;
	s21 =	sshll.u32 s9, $0x1;
	s6 =	sadd.s32 s7, s19  }
0xa2: {  	s10 =	simm.s32 $0x0;
	s20 =	sshll.u32 s8, $0x1;
	s8 =	sadd.s32 s21, s6  }
0xa3: {  	[timem:s10], [sflag:s22] =	dma.local [hbm:s8], s20  }
0xa4: {  	_ =	swait.ge [sflag:s22], s20  }
0xa5: {  	s7 =	ssub.s32 $0x0, s20;
	[sflag:s22] =	ssyncset.done $0x0  }
0xa6: {  	[sflag:s22] =	ssyncadd.s32 s7;
	_ =	sdelay $0x1  }
0xa7: {  	s23 =	simm.s32 $0x1B8B  }
0xa8: {  	_ =	swait.ge [sflag:s23], $0x1  }
0xa9: {  	[sflag:s23] =	ssyncset.done $0x0  }
0xaa: {  	s25 =	simm.s32 $0x1B8E;
	s24 =	sld [smem:$0x3FFE];
	[sflag:s23] =	ssyncadd.s32 $0xFFFFFFFF  }
0xab: {  	s26 =	simm.s32 $execute0_lowered;
	[smem:$0x3FD2] =	sst s25  }
0xac: {  	s8 =	sshll.u32 s26, $0x1;
	_ =	strace $0x80000046;
	[dreg:$0x1] =	wrdreg $0xFFFFFFFF  }
0xad: {  	s28 =	simm.s32 $_size_execute0_lowered;
	s6 =	sadd.s32 s6, s8;
	[dreg:$0x0] =	wrdreg $0x0  }
0xae: {  	s8 =	sshll.u32 s28, $0x1;
	[dreg:$0x2] =	wrdreg s6  }
0xaf: {  	[dreg:$0x3] =	wrdreg s8  }
0xb0: {  	[dreg:$0x4] =	wrdreg $0xC0  }
0xb1: {  	_ =	task [dreg:s10], $0x5FFFF  }
0xb2: {  	[dreg:$0x1] =	wrdreg $0xFFFFFFFF  }
0xb3: {  	[dreg:$0x0] =	wrdreg $0x60  }
0xb4: {  	[dreg:$0x2] =	wrdreg s24  }
0xb5: {  	[dreg:$0x3] =	wrdreg s15  }
0xb6: {  	[dreg:$0x4] =	wrdreg s18  }
0xb7: {  	[dreg:$0x5] =	wrdreg s16  }
0xb8: {  	[dreg:$0x6] =	wrdreg s17  }
0xb9: {  	[dreg:$0x7] =	wrdreg $0xA1800  }
0xba: {  	[dreg:$0x8] =	wrdreg $0x9  }
0xbb: {  	_ =	task.clear_ibuf [dreg:s10], $0x9FFFF;
	_ =	strace $0x90000046  }
0xbc: {  	s29 =	simm.s32 $0x9;
	_ =	strace $0x80000048  }
0xbd: {  	_ =	swait.ge [sflag:s29], $0x1  }
0xbe: {  	[sflag:s29] =	ssyncadd.s32 $0xFFFFFFFF  }
0xbf: {  	_ =	strace $0x90000048  }
0xc0: {  	_ =	sfence  }
0xc1: {  	s30 =	sld [smem:$0x0];
	_ =	sdelay $0x2  }
0xc2: {  	s31 =	sshll.u32 s1, $0xD;
	s1 =	sshrl.u32 s1, $0x2  }
0xc3: {  	s3 =	sand.u32 $0x4000, s31;
	s1 =	sadd.s32 s1, s30  }
0xc4: {  	s0 =	sor.u32 s3, s0;
	s1 =	sshll.u32 s1, $0x11  }
0xc5: {  	s0 =	sor.u32 s1, s0  }
0xc6: {  	s0 =	sadd.s32 $0x8F2B, s0  }
0xc7: {  	[sflag:s0] =	ssyncadd.remote.s32 $0x1  }
0xc8: {  	_ =	sfence.sel $0xFFFF  }
0xc9: {  	[dreg:$0x0] =	wrdreg $0xFFFFFFFF;
	(pc) =	sbr.abs _section_cstart, $3  }
0xca: {  	[dreg:$0x1] =	wrdreg $0xFFFFFFFF  }
0xcb: {  	_ =	task.clear_ibuf [dreg:s10], $0x2FFFF;
	_ =	strace $0x9FFFFFFF  }
0xcc: {  	(tm) =	ssettm $0x7FFFFFFF  }
0xcd: {  	_ =	shalt  }
tec
execute0_lowered:
.L_overlay_start_1:
0x0: {  	(tag) =	ssettag $0x1  }
0x1: {  	s2 =	rddreg [dreg:$0x0]  }
0x2: {  	s1 =	rddreg [dreg:$0x1]  }
0x3: {  	s6 =	rddreg [dreg:$0x2]  }
0x4: {  	s7 =	rddreg [dreg:$0x3]  }
0x5: {  	s8 =	rddreg [dreg:$0x4]  }
0x6: {  	s3 =	rddreg [dreg:$0x5]  }
0x7: {  	s0 =	srdreg.scid;
	s14 =	stileid.u32;
	s4 =	simm.s32 $0x0  }
0x8: {  	s5 =	sand.u32 $0x1, s0;
	s9 =	sand.u32 $0x7, s14;
	[smem:$0x7FF] =	sst s4  }
0x9: {  	s10 =	sadd.s32 $0xC00, s2;
	s12 =	sshrl.u32 s14, $0x3;
	s0 =	sshll.u32 s5, $0x3  }
0xa: {  	_ =	strace $0x80000047;
	[dreg:$0x7] =	wrdreg s10;
	s0 =	sor.u32 s9, s0  }
0xb: {  	s5 =	ssub.s32 $0x2, s5;
	s9 =	sshll.u32 s0, $0x9;
	s15 =	sshll.u32 s0, $0x7  }
0xc: {  	s11 =	sshrl.u32 s5, $0x1;
	s9 =	sadd.s32 s9, s2;
	s6 =	sadd.s32 s6, s15  }
0xd: {  	s13 =	sadd.s32 s15, s2;
	s19 =	sadd.s32 s7, s15;
	[dreg:$0xc] =	wrdreg s6  }
0xe: {  	s2 =	ssub.s32 s5, s11;
	s11 =	sshll.u32 s12, $0x9;
	[dreg:$0xd] =	wrdreg s19  }
0xf: {  	s16 =	sadd.s32 $0x6E00, s9;
	[dreg:$0x11] =	wrdreg s11  }
0x10: {  	s17 =	sadd.s32 $0x4E00, s9;
	[dreg:$0x8] =	wrdreg s16  }
0x11: {  	s18 =	sadd.s32 $0x2E00, s9;
	[dreg:$0x9] =	wrdreg s17  }
0x12: {  	s9 =	sadd.s32 $0xE00, s9;
	[dreg:$0xa] =	wrdreg s18  }
0x13: {  	s20 =	sadd.s32 $0x8E00, s13;
	[dreg:$0xb] =	wrdreg s9  }
0x14: {  	s5 =	sshll.u32 s12, $0xB;
	s21 =	sadd.s32 $0x9600, s13;
	[dreg:$0xe] =	wrdreg s20  }
0x15: {  	s22 =	sor.u32 $0x240, s5;
	[dreg:$0xf] =	wrdreg s21  }
0x16: {  	s23 =	sor.u32 $0x280, s5;
	[dreg:$0x10] =	wrdreg s22  }
0x17: {  	s26 =	sshll.u32 s12, $0xD;
	s24 =	sor.u32 $0x2C0, s5;
	[dreg:$0x12] =	wrdreg s23  }
0x18: {  	s25 =	sshll.u32 s0, $0xE;
	s15 =	sor.u32 $0x300, s5;
	[dreg:$0x13] =	wrdreg s24  }
0x19: {  	s7 =	sor.u32 s26, s25;
	s25 =	sor.u32 $0x4C0, s5;
	[dreg:$0x18] =	wrdreg s15  }
0x1a: {  	s26 =	sor.u32 $0x500, s5;
	[smem:$0x7DE] =	sst s25  }
0x1b: {  	s2 =	smax.u32 s2, $0x1;
	[smem:$0x7DF] =	sst s26  }
0x1c: {  	s8 =	sadd.s32 s8, s7;
	[smem:$0x7F6] =	sst s2  }
0x1d: {  	s16 =	sor.u32 $0x340, s5;
	[dreg:$0x17] =	wrdreg s8  }
0x1e: {  	s17 =	sor.u32 $0x380, s5;
	[dreg:$0x19] =	wrdreg s16  }
0x1f: {  	s20 =	sor.u32 $0x3C0, s5;
	[dreg:$0x1a] =	wrdreg s17  }
0x20: {  	s29 =	simm.s32 $0xA100;
	s21 =	sor.u32 $0x440, s5;
	[dreg:$0x1e] =	wrdreg s20  }
0x21: {  	s6 =	sand.u32 $0xA00, s22;
	s22 =	sor.u32 $0x480, s5;
	[dreg:$0x1f] =	wrdreg s21  }
0x22: {  	s10 =	sand.u32 $0xA00, s23;
	s6 =	sshrl.u32 s6, $0x2;
	[smem:$0x7DC] =	sst s22  }
0x23: {  	s28 =	sand.u32 $0xA00, s24;
	s12 =	sshrl.u32 s10, $0x2;
	[dreg:$0x14] =	wrdreg s6  }
0x24: {  	s30 =	simm.s32 $0x80;
	s13 =	sshrl.u32 s28, $0x2;
	[dreg:$0x15] =	wrdreg s12  }
0x25: {  	s7 =	sand.u32 $0xA00, s16;
	s28 =	sor.u32 $0x540, s5;
	[dreg:$0x16] =	wrdreg s13  }
0x26: {  	s31 =	simm.s32 $0x6080;
	s18 =	sshrl.u32 s7, $0x2;
	[smem:$0x7E2] =	sst s28  }
0x27: {  	p0 =	sgt.u32 s14, $0x7;
	s12 =	sor.u32 $0x580, s5;
	[dreg:$0x1c] =	wrdreg s18  }
0x28: {  	s9 =	sor.u32 $0x400, s5;
	s13 =	sor.u32 $0x5C0, s5;
	[smem:$0x7E4] =	sst s12  }
0x29: {  	s6 =	sand.u32 $0xA00, s15;
	s15 =	sor.u32 $0x640, s5;
	[smem:$0x7E5] =	sst s13  }
0x2a: {  	s7 =	sand.u32 $0xC00, s21;
	s6 =	sshrl.u32 s6, $0x2;
	[smem:$0x7E8] =	sst s15  }
0x2b: {  	s2 =	sshrl.u32 s5, $0x2;
	s23 =	sshrl.u32 s7, $0x2;
	[dreg:$0x1b] =	wrdreg s6  }
0x2c: {  	s19 =	sand.u32 $0xA00, s17;
	s18 =	sor.u32 $0x680, s5;
	[smem:$0x7DB] =	sst s23  }
0x2d: {  	s7 =	sand.u32 $0xC00, s26;
	s6 =	sshrl.u32 s19, $0x2;
	[smem:$0x7EA] =	sst s18  }
0x2e: {  	s24 =	sand.u32 $0xC00, s22;
	s7 =	sshrl.u32 s7, $0x2;
	[dreg:$0x1d] =	wrdreg s6  }
0x2f: {  	s10 =	sand.u32 $0xC00, s28;
	s19 =	sor.u32 $0x6C0, s5;
	[smem:$0x7E1] =	sst s7  }
0x30: {  	s17 =	sand.u32 $0xE00, s15;
	s23 =	sor.u32 $0x740, s5;
	[smem:$0x7EB] =	sst s19  }
0x31: {  	s6 =	sand.u32 $0xA00, s20;
	s20 =	sor.u32 $0x700, s5;
	[smem:$0x7F0] =	sst s23  }
0x32: {  	s7 =	sand.u32 $0xC00, s13;
	s6 =	sshrl.u32 s6, $0x2;
	[smem:$0x7EE] =	sst s20  }
0x33: {  	s15 =	sor.u32 $0x2020, s5;
	s16 =	sshrl.u32 s7, $0x2;
	[smem:$0x7DA] =	sst s6  }
0x34: {  	s7 =	sand.u32 $0xE00, s19;
	s19 =	sadd.s32 $0x800, s8;
	[smem:$0x7E7] =	sst s16  }
0x35: {  	s22 =	sand.u32 $0xE00, s20;
	s20 =	sor.u32 $0x5D80, s11;
	[smem:$0x7F9] =	sst s19  }
0x36: {  	s13 =	simm.s32 $0x2;
	s6 =	sshrl.u32 s24, $0x2;
	[smem:$0x7FA] =	sst s20  }
0x37: {  	s21 =	sshrl.u32 s7, $0x2;
	s24 =	sor.u32 $0x780, s5;
	[smem:$0x7DD] =	sst s6  }
0x38: {  	s16 =	sor.u32 $0x20, s5;
	s20 =	sor.u32 $0x1020, s5;
	[smem:$0x7ED] =	sst s21  }
0x39: {  	s6 =	sand.u32 $0xC00, s25;
	[smem:$0x7F1] =	sst s24;
	s7 =	sand.u32 $0xE00, s24  }
0x3a: {  	s25 =	sor.u32 $0x7C0, s5;
	s24 =	sshrl.u32 s9, $0x2;
	s21 =	sadd.s32 $0x1000, s8  }
0x3b: {  	s9 =	simm.s32 $0x2000;
	s6 =	sshrl.u32 s6, $0x2;
	[smem:$0x7F4] =	sst s25  }
0x3c: {  	s26 =	sshrl.u32 s7, $0x2;
	s28 =	sand.u32 $0xE00, s25;
	[smem:$0x7FB] =	sst s21  }
0x3d: {  	s25 =	sshll.u32 s14, $0x7;
	s7 =	sor.u32 $0x200, s5;
	[smem:$0x7E0] =	sst s6  }
0x3e: {  	s14 =	simm.s32 $0x3800;
	s6 =	sshrl.u32 s10, $0x2;
	[smem:$0x7F3] =	sst s26  }
0x3f: {  	s26 =	sadd.s32 $0x5E00, s11;
	[smem:$0x7E3] =	sst s6;
	s6 =	sand.u32 $0xC00, s12  }
0x40: {  	s10 =	sor.u32 $0x600, s5;
	[smem:$0x7FC] =	sst s26;
	s6 =	sshrl.u32 s6, $0x2  }
0x41: {  	s10 =	sshrl.u32 s10, $0x2;
	[smem:$0x7E6] =	sst s6;
	s6 =	sshrl.u32 s17, $0x2  }
0x42: {  	s12 =	sshll.u32 s0, $0xC;
	s17 =	sor.u32 $0x5C80, s2;
	[smem:$0x7E9] =	sst s6  }
0x43: {  	s6 =	sand.u32 $0xE00, s18;
	[smem:$0x7F7] =	sst s17;
	s18 =	sor.u32 $0x5D00, s11  }
0x44: {  	s26 =	simm.s32 $0x1;
	s6 =	sshrl.u32 s6, $0x2;
	[smem:$0x7F8] =	sst s18  }
0x45: {  	s17 =	simm.s32 $0x0;
	[smem:$0x7EC] =	sst s6;
	s6 =	sshrl.u32 s22, $0x2  }
.Ltmp0:
0x46: {  	[smem:$0x7EF] =	sst s6;
	s6 =	sand.u32 $0xE00, s23;
	(pc) =	sbr.rel .LBB2_1-.Ltmp0, $4  }
0x47: {  	s18 =	simm.s32 $0xA080;
	s23 =	sshrl.u32 s7, $0x2;
	s6 =	sshrl.u32 s6, $0x2  }
0x48: {  	s7 =	simm.s32 $0x4800;
	[smem:$0x7F2] =	sst s6;
	s6 =	sshrl.u32 s28, $0x2  }
0x49: {  	v1 =	vlaneseq.u32;
	v4 =	vimm.f32 $1.000000000e+08;
	s28 =	sadd.s32 $0x1800, s8;
	[smem:$0x7F5] =	sst s6;
	s6 =	sxor.u32 $0x400, s25  }
0x4a: {  	v0 =	vmov s0;
	v2 =	vor.u32 s5, v1;
	v3 =	vmov s12;
	s8 =	simm.s32 $0x1000;
	[smem:$0x7FD] =	sst s28;
	s22 =	sshrl.u32 s6, $0x2  }
.LBB2_9:
0x4b: {  	s0 =	rddreg [dreg:$0x11]  }
0x4c: {  	v5 =	vld [tilespmem:s0+$0x4880]  }
0x4d: {  	v6 =	vld [tilespmem:s2+$0x4890]  }
0x4e: {  	v7 =	vld [tilespmem:s2+$0x48A0]  }
0x4f: {  	v8 =	vld [tilespmem:s2+$0x48B0]  }
0x50: {  	v9 =	vld [tilespmem:s2+$0x48C0]  }
0x51: {  	v10 =	vld [tilespmem:s2+$0x48D0];
	v5 =	vadd.s32 v3, v5  }
0x52: {  	[tilespmem:s2+$0x5C80] =	vst v5;
	v5 =	vadd.s32 v3, v6;
	v6 =	vld [tilespmem:s2+$0x48E0]  }
0x53: {  	[tilespmem:s2+$0x5C90] =	vst v5;
	v5 =	vadd.s32 v3, v7;
	v7 =	vld [tilespmem:s2+$0x48F0]  }
0x54: {  	[tilespmem:s2+$0x5CA0] =	vst v5;
	v5 =	vadd.s32 v3, v8  }
0x55: {  	[tilespmem:s2+$0x5CB0] =	vst v5;
	v5 =	vadd.s32 v3, v9  }
0x56: {  	[tilespmem:s2+$0x5CC0] =	vst v5;
	v5 =	vadd.s32 v3, v10  }
0x57: {  	[tilespmem:s2+$0x5CD0] =	vst v5;
	v5 =	vadd.s32 v3, v6  }
0x58: {  	[tilespmem:s2+$0x5CE0] =	vst v5;
	v5 =	vadd.s32 v3, v7  }
0x59: {  	[tilespmem:s2+$0x5CF0] =	vst v5  }
0x5a: {  	v5 =	vld [tilespmem:s23+$0x4880];
	_ =	sdelay $0x4  }
0x5b: {  	s19 =	rddreg [dreg:$0x10];
	v5 =	vadd.s32 v3, v5  }
0x5c: {  	s0 =	sshrl.u32 s19, $0x2;
	[tilespmem:s23+$0x5C80] =	vst v5  }
0x5d: {  	v5 =	vld [tilespmem:s0+$0x4880];
	_ =	sdelay $0x3  }
0x5e: {  	s21 =	rddreg [dreg:$0x14]  }
0x5f: {  	s28 =	rddreg [dreg:$0x12];
	v5 =	vadd.s32 v3, v5  }
0x60: {  	s0 =	sshrl.u32 s28, $0x2;
	[tilespmem:s21+$0x5C90] =	vst v5  }
0x61: {  	v5 =	vld [tilespmem:s0+$0x4880];
	_ =	sdelay $0x3  }
0x62: {  	s5 =	rddreg [dreg:$0x15]  }
0x63: {  	s6 =	rddreg [dreg:$0x13];
	v5 =	vadd.s32 v3, v5  }
0x64: {  	s0 =	sshrl.u32 s6, $0x2;
	[tilespmem:s5+$0x5CA0] =	vst v5  }
0x65: {  	v5 =	vld [tilespmem:s0+$0x4880];
	_ =	sdelay $0x3  }
0x66: {  	s7 =	rddreg [dreg:$0x16]  }
0x67: {  	s11 =	rddreg [dreg:$0x18];
	v5 =	vadd.s32 v3, v5  }
0x68: {  	s0 =	sshrl.u32 s11, $0x2;
	[tilespmem:s7+$0x5CB0] =	vst v5  }
0x69: {  	v5 =	vld [tilespmem:s0+$0x4880];
	_ =	sdelay $0x3  }
0x6a: {  	s12 =	rddreg [dreg:$0x1b]  }
0x6b: {  	s19 =	rddreg [dreg:$0x19];
	v5 =	vadd.s32 v3, v5  }
0x6c: {  	s0 =	sshrl.u32 s19, $0x2;
	[tilespmem:s12+$0x5CC0] =	vst v5  }
0x6d: {  	v5 =	vld [tilespmem:s0+$0x4880];
	_ =	sdelay $0x3  }
0x6e: {  	s28 =	rddreg [dreg:$0x1a]  }
0x6f: {  	s21 =	rddreg [dreg:$0x1c];
	v5 =	vadd.s32 v3, v5  }
0x70: {  	s0 =	sshrl.u32 s28, $0x2;
	[tilespmem:s21+$0x5CD0] =	vst v5  }
0x71: {  	v5 =	vld [tilespmem:s0+$0x4880];
	_ =	sdelay $0x3  }
0x72: {  	s6 =	rddreg [dreg:$0x1e]  }
0x73: {  	s5 =	rddreg [dreg:$0x1d];
	v5 =	vadd.s32 v3, v5  }
0x74: {  	s0 =	sshrl.u32 s6, $0x2;
	[tilespmem:s5+$0x5CE0] =	vst v5  }
0x75: {  	v5 =	vld [tilespmem:s0+$0x4880];
	_ =	sdelay $0x2  }
0x76: {  	s7 =	sld [smem:$0x7DA];
	_ =	sdelay $0x1  }
0x77: {  	v5 =	vadd.s32 v3, v5  }
0x78: {  	[tilespmem:s7+$0x5CF0] =	vst v5  }
0x79: {  	v5 =	vld [tilespmem:s24+$0x4880];
	_ =	sdelay $0x4  }
0x7a: {  	s11 =	rddreg [dreg:$0x1f];
	v5 =	vadd.s32 v3, v5  }
0x7b: {  	s0 =	sshrl.u32 s11, $0x2;
	[tilespmem:s24+$0x5C80] =	vst v5  }
0x7c: {  	v5 =	vld [tilespmem:s0+$0x4880];
	_ =	sdelay $0x1  }
0x7d: {  	s19 =	sld [smem:$0x7DC]  }
0x7e: {  	s12 =	sld [smem:$0x7DB];
	_ =	sdelay $0x1  }
0x7f: {  	v5 =	vadd.s32 v3, v5  }
0x80: {  	s0 =	sshrl.u32 s19, $0x2;
	[tilespmem:s12+$0x5C90] =	vst v5  }
0x81: {  	v5 =	vld [tilespmem:s0+$0x4880];
	_ =	sdelay $0x1  }
0x82: {  	s28 =	sld [smem:$0x7DE]  }
0x83: {  	s21 =	sld [smem:$0x7DD];
	_ =	sdelay $0x1  }
0x84: {  	v5 =	vadd.s32 v3, v5  }
0x85: {  	s0 =	sshrl.u32 s28, $0x2;
	[tilespmem:s21+$0x5CA0] =	vst v5  }
0x86: {  	v5 =	vld [tilespmem:s0+$0x4880];
	_ =	sdelay $0x1  }
0x87: {  	s6 =	sld [smem:$0x7DF]  }
0x88: {  	s5 =	sld [smem:$0x7E0];
	_ =	sdelay $0x1  }
0x89: {  	v5 =	vadd.s32 v3, v5  }
0x8a: {  	s0 =	sshrl.u32 s6, $0x2;
	[tilespmem:s5+$0x5CB0] =	vst v5  }
0x8b: {  	v5 =	vld [tilespmem:s0+$0x4880];
	_ =	sdelay $0x1  }
0x8c: {  	s11 =	sld [smem:$0x7E2]  }
0x8d: {  	s7 =	sld [smem:$0x7E1];
	_ =	sdelay $0x1  }
0x8e: {  	v5 =	vadd.s32 v3, v5  }
0x8f: {  	s0 =	sshrl.u32 s11, $0x2;
	[tilespmem:s7+$0x5CC0] =	vst v5  }
0x90: {  	v5 =	vld [tilespmem:s0+$0x4880];
	_ =	sdelay $0x1  }
0x91: {  	s19 =	sld [smem:$0x7E4]  }
0x92: {  	s12 =	sld [smem:$0x7E3];
	_ =	sdelay $0x1  }
0x93: {  	v5 =	vadd.s32 v3, v5  }
0x94: {  	s0 =	sshrl.u32 s19, $0x2;
	[tilespmem:s12+$0x5CD0] =	vst v5  }
0x95: {  	v5 =	vld [tilespmem:s0+$0x4880];
	_ =	sdelay $0x1  }
0x96: {  	s28 =	sld [smem:$0x7E5]  }
0x97: {  	s21 =	sld [smem:$0x7E6];
	_ =	sdelay $0x1  }
0x98: {  	v5 =	vadd.s32 v3, v5  }
0x99: {  	s0 =	sshrl.u32 s28, $0x2;
	[tilespmem:s21+$0x5CE0] =	vst v5  }
0x9a: {  	v5 =	vld [tilespmem:s0+$0x4880];
	_ =	sdelay $0x2  }
0x9b: {  	s5 =	sld [smem:$0x7E7];
	_ =	sdelay $0x1  }
0x9c: {  	v5 =	vadd.s32 v3, v5  }
0x9d: {  	[tilespmem:s5+$0x5CF0] =	vst v5  }
0x9e: {  	v5 =	vld [tilespmem:s10+$0x4880];
	_ =	sdelay $0x2  }
0x9f: {  	s6 =	sld [smem:$0x7E8];
	_ =	sdelay $0x1  }
0xa0: {  	v5 =	vadd.s32 v3, v5  }
0xa1: {  	s0 =	sshrl.u32 s6, $0x2;
	[tilespmem:s10+$0x5C80] =	vst v5  }
0xa2: {  	v5 =	vld [tilespmem:s0+$0x4880];
	_ =	sdelay $0x1  }
0xa3: {  	s11 =	sld [smem:$0x7EA]  }
0xa4: {  	s7 =	sld [smem:$0x7E9];
	_ =	sdelay $0x1  }
0xa5: {  	v5 =	vadd.s32 v3, v5  }
0xa6: {  	s0 =	sshrl.u32 s11, $0x2;
	[tilespmem:s7+$0x5C90] =	vst v5  }
0xa7: {  	v5 =	vld [tilespmem:s0+$0x4880];
	_ =	sdelay $0x1  }
0xa8: {  	s19 =	sld [smem:$0x7EB]  }
0xa9: {  	s12 =	sld [smem:$0x7EC];
	_ =	sdelay $0x1  }
0xaa: {  	v5 =	vadd.s32 v3, v5  }
0xab: {  	s0 =	sshrl.u32 s19, $0x2;
	[tilespmem:s12+$0x5CA0] =	vst v5  }
0xac: {  	v5 =	vld [tilespmem:s0+$0x4880];
	_ =	sdelay $0x1  }
0xad: {  	s28 =	sld [smem:$0x7EE]  }
0xae: {  	s21 =	sld [smem:$0x7ED];
	_ =	sdelay $0x1  }
0xaf: {  	v5 =	vadd.s32 v3, v5  }
0xb0: {  	s0 =	sshrl.u32 s28, $0x2;
	[tilespmem:s21+$0x5CB0] =	vst v5  }
0xb1: {  	v5 =	vld [tilespmem:s0+$0x4880];
	_ =	sdelay $0x1  }
0xb2: {  	s6 =	sld [smem:$0x7F0]  }
0xb3: {  	s5 =	sld [smem:$0x7EF];
	_ =	sdelay $0x1  }
0xb4: {  	v5 =	vadd.s32 v3, v5  }
0xb5: {  	s0 =	sshrl.u32 s6, $0x2;
	[tilespmem:s5+$0x5CC0] =	vst v5  }
0xb6: {  	v5 =	vld [tilespmem:s0+$0x4880];
	_ =	sdelay $0x1  }
0xb7: {  	s11 =	sld [smem:$0x7F1]  }
0xb8: {  	s7 =	sld [smem:$0x7F2];
	_ =	sdelay $0x1  }
0xb9: {  	v5 =	vadd.s32 v3, v5  }
0xba: {  	s0 =	sshrl.u32 s11, $0x2;
	[tilespmem:s7+$0x5CD0] =	vst v5  }
0xbb: {  	v5 =	vld [tilespmem:s0+$0x4880];
	_ =	sdelay $0x1  }
0xbc: {  	s19 =	sld [smem:$0x7F4]  }
0xbd: {  	s12 =	sld [smem:$0x7F3];
	_ =	sdelay $0x1  }
0xbe: {  	v5 =	vadd.s32 v3, v5  }
0xbf: {  	s0 =	sshrl.u32 s19, $0x2;
	[tilespmem:s12+$0x5CE0] =	vst v5  }
0xc0: {  	v5 =	vld [tilespmem:s0+$0x4880];
	_ =	sdelay $0x2  }
0xc1: {  	s21 =	sld [smem:$0x7F5]  }
0xc2: {  	s28 =	sld [smem:$0x7F7]  }
0xc3: {  	v5 =	vadd.s32 v3, v5  }
0xc4: {  	[tilespmem:s21+$0x5CF0] =	vst v5  }
0xc5: {  	[tilespmem:s31], [sflag:$0x1] =	stream.indirect.gather [hbm4b:s1+s30], $0x80, s28, s30, $0xb8;
	[tilespmem:$0xA1C0] =	vst v63  }
0xc6: {  	_ =	swait.ge [sflag:s26], $0x4000  }
0xc7: {  	[sflag:s26] =	ssyncset.done $0x0  }
0xc8: {  	s5 =	rddreg [dreg:$0x17];
	[sflag:s26] =	ssyncadd.s32 $0xFFFFC000  }
0xc9: {  	[hbm4b:s5+s4] =	stream.linear.scatter [tilespmem:s31], [sflag:$0x2], $0x4000, $0x38;
	[tilespmem:$0xA1C0] =	vst v63  }
0xca: {  	_ =	swait.ge [sflag:s13], $0x4000  }
0xcb: {  	s6 =	sld [smem:$0x7F8]  }
0xcc: {  	[sflag:s13] =	ssyncset.done $0x0  }
0xcd: {  	[sflag:s13] =	ssyncadd.s32 $0xFFFFC000  }
0xce: {  	[tilespmem:s31], [sflag:$0x1] =	stream.indirect.gather [hbm4b:s1+s30], $0x80, s6, s30, $0xb8;
	[tilespmem:$0xA1C0] =	vst v63  }
0xcf: {  	_ =	swait.ge [sflag:s26], $0x4000  }
0xd0: {  	s7 =	sld [smem:$0x7F9]  }
0xd1: {  	[sflag:s26] =	ssyncset.done $0x0  }
0xd2: {  	[sflag:s26] =	ssyncadd.s32 $0xFFFFC000  }
0xd3: {  	[hbm4b:s7+s4] =	stream.linear.scatter [tilespmem:s31], [sflag:$0x2], $0x4000, $0x38;
	[tilespmem:$0xA1C0] =	vst v63  }
0xd4: {  	_ =	swait.ge [sflag:s13], $0x4000  }
0xd5: {  	s11 =	sld [smem:$0x7FA]  }
0xd6: {  	[sflag:s13] =	ssyncset.done $0x0  }
0xd7: {  	[sflag:s13] =	ssyncadd.s32 $0xFFFFC000  }
0xd8: {  	[tilespmem:s31], [sflag:$0x1] =	stream.indirect.gather [hbm4b:s1+s30], $0x80, s11, s30, $0xb8;
	[tilespmem:$0xA1C0] =	vst v63  }
0xd9: {  	_ =	swait.ge [sflag:s26], $0x4000  }
0xda: {  	s12 =	sld [smem:$0x7FB]  }
0xdb: {  	[sflag:s26] =	ssyncset.done $0x0  }
0xdc: {  	[sflag:s26] =	ssyncadd.s32 $0xFFFFC000  }
0xdd: {  	[hbm4b:s12+s4] =	stream.linear.scatter [tilespmem:s31], [sflag:$0x2], $0x4000, $0x38;
	[tilespmem:$0xA1C0] =	vst v63  }
0xde: {  	_ =	swait.ge [sflag:s13], $0x4000  }
0xdf: {  	s19 =	sld [smem:$0x7FC]  }
0xe0: {  	[sflag:s13] =	ssyncset.done $0x0  }
0xe1: {  	[sflag:s13] =	ssyncadd.s32 $0xFFFFC000  }
0xe2: {  	[tilespmem:s31], [sflag:$0x1] =	stream.indirect.gather [hbm4b:s1+s30], $0x80, s19, s30, $0xb8;
	[tilespmem:$0xA1C0] =	vst v63  }
0xe3: {  	_ =	swait.ge [sflag:s26], $0x4000  }
0xe4: {  	s21 =	sld [smem:$0x7FD]  }
0xe5: {  	[sflag:s26] =	ssyncset.done $0x0  }
0xe6: {  	[sflag:s26] =	ssyncadd.s32 $0xFFFFC000  }
0xe7: {  	[hbm4b:s21+s4] =	stream.linear.scatter [tilespmem:s31], [sflag:$0x2], $0x4000, $0x38;
	[tilespmem:$0xA1C0] =	vst v63  }
0xe8: {  	_ =	swait.ge [sflag:s13], $0x4000  }
0xe9: {  	s28 =	sld [smem:$0x7F6];
	_ =	sdelay $0x1  }
0xea: {  	s17 =	sadd.s32 $0x1, s17  }
0xeb: {  	p1 =	sne.s32 s17, s28  }
.Ltmp1:
0xec: {  	_ = 	snop;
	(pc) =	sbr.rel @!p1 .LBB2_10-.Ltmp1, $3  }
0xed: {  	_ =	sdelay $0x1  }
0xee: {  	[sflag:s13] =	ssyncset.done $0x0  }
0xef: {  	s7 =	simm.s32 $0x4800;
	[sflag:s13] =	ssyncadd.s32 $0xFFFFC000  }
.LBB2_1:
0xf0: {  	s0 =	rddreg [dreg:$0x8]  }
0xf1: {  	[tilespmem:s4], [sflag:$0x2] =	stream.linear.gather [hbm4b:s0+s4], $0x1000, $0x38;
	[tilespmem:$0xA1C0] =	vst v63  }
0xf2: {  	_ =	swait.ge [sflag:s13], $0x1000  }
0xf3: {  	[sflag:s13] =	ssyncset.done $0x0  }
0xf4: {  	s19 =	rddreg [dreg:$0x9];
	[sflag:s13] =	ssyncadd.s32 $0xFFFFF000  }
0xf5: {  	[tilespmem:s8], [sflag:$0x2] =	stream.linear.gather [hbm4b:s19+s4], $0x1000, $0x38;
	[tilespmem:$0xA1C0] =	vst v63  }
0xf6: {  	_ =	swait.ge [sflag:s13], $0x1000  }
0xf7: {  	[sflag:s13] =	ssyncset.done $0x0  }
0xf8: {  	s21 =	rddreg [dreg:$0xa];
	[sflag:s13] =	ssyncadd.s32 $0xFFFFF000  }
0xf9: {  	[tilespmem:s9], [sflag:$0x2] =	stream.linear.gather [hbm4b:s21+s4], $0x1000, $0x38;
	[tilespmem:$0xA1C0] =	vst v63  }
0xfa: {  	_ =	swait.ge [sflag:s13], $0x1000  }
0xfb: {  	[sflag:s13] =	ssyncset.done $0x0  }
0xfc: {  	s28 =	rddreg [dreg:$0x7];
	[sflag:s13] =	ssyncadd.s32 $0xFFFFF000  }
0xfd: {  	[tilespmem:s7], [sflag:$0x2] =	stream.linear.gather [hbm4b:s28+s4], $0x80, $0x38;
	[tilespmem:$0xA1C0] =	vst v63  }
0xfe: {  	_ =	swait.ge [sflag:s13], $0x80  }
0xff: {  	s5 =	simm.s32 @!p0 $0x3800;
	[sflag:s13] =	ssyncset.done $0x0  }
0x100: {  	s0 =	simm.s32 @!p0 $0x0;
	s6 =	rddreg [dreg:$0xb];
	[sflag:s13] =	ssyncadd.s32 $0xFFFFFF80  }
0x101: {  	[tilespmem:s5], [sflag:$0x2] =	stream.linear.gather @!p0 [hbm4b:s6+s0], $0x1000, $0x38;
	[tilespmem:$0xA1C0] =	vst v63  }
0x102: {  	s0 =	simm.s32 @!p0 $0x2  }
0x103: {  	_ =	swait.ge @!p0 [sflag:s0], $0x1000  }
0x104: {  	[sflag:s0] =	ssyncset.done @!p0 $0x0  }
0x105: {  	s5 =	simm.s32 $0x0;
	[sflag:s0] =	ssyncadd.s32 @!p0 $0xFFFFF000;
	s0 =	simm.s32 $0x40  }
.LBB2_2:
0x106: {  	p1 =	sne.s32 s0, $0x1FC0;
	[tilespmem:s5+$0x3000] =	vst v4;
	s5 =	smov.u32 s0;
	s0 =	sadd.s32 $0x40, s0  }
.Ltmp2:
0x107: {  	(pc) =	sbr.rel @p1 .LBB2_2-.Ltmp2, $2  }
0x108: {  	_ =	sdelay $0x2  }
0x109: {  	s5 =	sshra.s32 s5, $0x2  }
0x10a: {  	_ =	sdelay $0x2  }
0x10b: {  	[tilespmem:s5+$0x3000] =	vst v4  }
0x10c: {  	s28 =	simm.s32 $0x0;
	v5 =	vimm.s32 $0x0;
	v6 =	vld.idx.msk [tilespmem:v0+s7+$0x0], $0xffff  }
.LBB2_4:
0x10d: {  	_ =	sdelay $0x1  }
0x10e: {  	v8 =	vld [tilespmem:s20+$0x10]  }
0x10f: {  	v12 =	vld [tilespmem:s16+$0x10]  }
0x110: {  	v13 =	vld [tilespmem:s15+$0x10]  }
0x111: {  	v14 =	vld [tilespmem:s20+$0x0]  }
0x112: {  	v15 =	vld [tilespmem:s16+$0xFFFFFFE0]  }
0x113: {  	v16 =	vld [tilespmem:s15+$0xFFFFFFE0]  }
0x114: {  	v7 =	vld.idx.msk [tilespmem:v6+s4+$0x0], $0xffff  }
0x115: {  	v10 =	vld.idx.msk [tilespmem:v6+s9+$0x0], $0xffff  }
0x116: {  	v9 =	vld.idx.msk [tilespmem:v6+s8+$0x0], $0xffff  }
0x117: {  	v18 =	vld [tilespmem:s20+$0xFFFFFFE0]  }
0x118: {  	v19 =	vld [tilespmem:s16+$0xFFFFFFF0]  }
0x119: {  	v22 =	vimm.f32 $-1.000000000e+00;
	v20 =	vld [tilespmem:s15+$0xFFFFFFF0];
	v23 =	vimm.s32 $0x7FFFFFFF;
	s21 =	simm.s32 $0x0  }
0x11a: {  	v17 =	vld [tilespmem:s15+$0x0];
	v27 =	vor.u32 s21, v2;
	v15 =	vsub.f32 v15, v7;
	v16 =	vsub.f32 v16, v10  }
0x11b: {  	v21 =	vld [tilespmem:s20+$0xFFFFFFF0];
	vm1 =	vlt.s32 v27, v23;
	v11 =	vsub.f32 v8, v9;
	v12 =	vsub.f32 v12, v7  }
0x11c: {  	s0 =	simm.s32 $0x20;
	s7 =	simm.s32 $0x3020;
	v25 =	vld [tilespmem:s16+$0x0];
	v18 =	vsub.f32 v18, v9;
	v16 =	vmul.f32 v16, v16;
	v15 =	vmul.f32 v15, v15  }
0x11d: {  	v26 =	vld [tilespmem:s7+$0xFFFFFFE0];
	v8 =	vor.u32 s0, v2;
	v24 =	vsub.f32 v13, v10;
	v19 =	vsub.f32 v19, v7  }
0x11e: {  	s19 =	simm.s32 $0x10;
	v15 =	vadd.f32 v16, v15;
	v16 =	vmul.f32 v18, v18;
	v18 =	vsub.f32 v20, v10  }
0x11f: {  	v13 =	vor.u32 s19, v2;
	v17 =	vsub.f32 v17, v10;
	v19 =	vmul.f32 v19, v19  }
0x120: {  	v20 =	vsub.f32 v21, v9;
	v16 =	vadd.f32 v15, v16;
	v18 =	vmul.f32 v18, v18  }
0x121: {  	v28 =	vld [tilespmem:s7+$0xFFFFFFF0];
	v14 =	vsub.f32 v14, v9;
	v17 =	vmul.f32 v17, v17;
	v21 =	vsub.f32 v25, v7  }
0x122: {  	v16 =	vmin.f32 v16, v26;
	v18 =	vadd.f32 v18, v19;
	v19 =	vmul.f32 v20, v20  }
0x123: {  	v15 =	vmul.f32 v24, v24;
	v20 =	vmul.f32 v21, v21;
	vm0 =	veq.f32 v16, v22  }
0x124: {  	vm2 =	vgt.f32 v16, v22;
	vm0 =	vmand vm1, vm0;
	v63 =	vadd.f32 v18, v19  }
0x125: {  	s5 =	simm.s32 $0x0;
	s6 =	sadd.s32 $0x40, s20;
	s12 =	smov.u32 s15;
	v21 =	vmul.f32 v14, v14;
	v20 =	vadd.f32 v17, v20;
	v17 =	vld [tilespmem:s7+$0x0];
	vm0 =	vmor vm2, vm0  }
0x126: {  	s11 =	simm.s32 $0x30;
	s0 =	simm.s32 $0x30;
	s19 =	smov.u32 s16;
	v14 =	vld [tilespmem:s7+$0x10];
	[tilespmem:s7+$0xFFFFFFE0] =	vst v16;
	v18 =	vsel vm0, v16, v22;
	v19 =	vsel vm0, v27, v23;
	v16 =	vmin.f32 v63, v28  }
.LBB2_5:
0x127: {  	v22 =	vld [tilespmem:s6+$0x10];
	[tilespmem:s7+$0xFFFFFFF0] =	vst v16;
	vm0 =	veq.f32 v16, v18;
	vm1 =	vlt.s32 v13, v19;
	v12 =	vmul.f32 v12, v12;
	s19 =	sadd.s32 $0x40, s19  }
0x128: {  	vm2 =	vgt.f32 v16, v18;
	v20 =	vadd.f32 v20, v21;
	s12 =	sadd.s32 $0x40, s12;
	v23 =	vld [tilespmem:s19+$0x10];
	vm0 =	vmand vm1, vm0  }
0x129: {  	v11 =	vmul.f32 v11, v11;
	v21 =	vld [tilespmem:s12+$0x10];
	vm0 =	vmor vm2, vm0;
	v12 =	vadd.f32 v15, v12  }
0x12a: {  	v15 =	vld [tilespmem:s6+$0x0];
	v16 =	vsel vm0, v16, v18;
	v13 =	vsel vm0, v13, v19;
	v17 =	vmin.f32 v20, v17  }
0x12b: {  	s0 =	sadd.s32 $0x40, s0;
	v18 =	vld [tilespmem:s19+$0xFFFFFFE0];
	[tilespmem:s7+$0x0] =	vst v17;
	vm0 =	veq.f32 v17, v16;
	vm1 =	vlt.s32 v8, v13  }
0x12c: {  	s5 =	sadd.s32 $0x4, s5;
	s21 =	sadd.s32 $0xFFFFFFF0, s0;
	vm2 =	vgt.f32 v17, v16;
	v11 =	vadd.f32 v12, v11;
	v19 =	vld [tilespmem:s12+$0xFFFFFFE0];
	vm0 =	vmand vm1, vm0  }
0x12d: {  	v24 =	vor.u32 s11, v2;
	p1 =	slt.u32 s5, $0x7C;
	s11 =	smov.u32 s0;
	v12 =	vor.u32 s21, v2;
	v20 =	vld [tilespmem:s12+$0x0];
	vm0 =	vmor vm2, vm0  }
0x12e: {  	v14 =	vmin.f32 v11, v14;
	v25 =	vld [tilespmem:s6+$0xFFFFFFE0];
	v16 =	vsel vm0, v17, v16;
	v13 =	vsel vm0, v8, v13;
	v8 =	vmovc v12  }
0x12f: {  	v11 =	vsub.f32 v22, v9;
	v17 =	vld [tilespmem:s19+$0xFFFFFFF0];
	[tilespmem:s7+$0x10] =	vst v14;
	vm0 =	veq.f32 v14, v16;
	vm1 =	vlt.s32 v24, v13  }
0x130: {  	v12 =	vsub.f32 v23, v7;
	vm2 =	vgt.f32 v14, v16;
	v22 =	vld [tilespmem:s12+$0xFFFFFFF0];
	vm0 =	vmand vm1, vm0  }
0x131: {  	v18 =	vsub.f32 v18, v7;
	v19 =	vsub.f32 v19, v10;
	v23 =	vld [tilespmem:s6+$0xFFFFFFF0];
	vm0 =	vmor vm2, vm0  }
0x132: {  	v21 =	vsub.f32 v21, v10;
	v14 =	vsel vm0, v14, v16;
	v16 =	vsel vm0, v24, v13  }
0x133: {  	s21 =	sadd.s32 $0xFFFFFFE0, s0;
	s7 =	sadd.s32 $0x40, s7;
	v18 =	vmul.f32 v18, v18;
	v24 =	vsub.f32 v25, v9;
	v19 =	vmul.f32 v19, v19;
	v25 =	vld [tilespmem:s19+$0x0]  }
0x134: {  	v27 =	vsub.f32 v15, v9;
	v13 =	vor.u32 s21, v2;
	v26 =	vld [tilespmem:s7+$0xFFFFFFE0];
	v17 =	vsub.f32 v17, v7  }
0x135: {  	s21 =	sadd.s32 $0xFFFFFFD0, s0;
	v15 =	vadd.f32 v19, v18;
	v18 =	vmul.f32 v24, v24;
	v19 =	vsub.f32 v22, v10  }
0x136: {  	v20 =	vsub.f32 v20, v10;
	v22 =	vor.u32 s21, v2;
	v23 =	vsub.f32 v23, v9  }
0x137: {  	v17 =	vmul.f32 v17, v17;
	v18 =	vadd.f32 v15, v18;
	v19 =	vmul.f32 v19, v19  }
0x138: {  	v20 =	vmul.f32 v20, v20;
	v15 =	vmul.f32 v21, v21;
	v24 =	vld [tilespmem:s7+$0xFFFFFFF0];
	v25 =	vsub.f32 v25, v7  }
.Ltmp3:
0x139: {  	v18 =	vmin.f32 v18, v26;
	v17 =	vadd.f32 v19, v17;
	v19 =	vmul.f32 v23, v23;
	(pc) =	sbr.rel @p1 .LBB2_5-.Ltmp3, $4  }
0x13a: {  	vm1 =	vlt.s32 v22, v16;
	[tilespmem:s7+$0xFFFFFFE0] =	vst v18;
	vm0 =	veq.f32 v18, v14;
	v21 =	vmul.f32 v25, v25  }
0x13b: {  	vm2 =	vgt.f32 v18, v14;
	vm0 =	vmand vm1, vm0;
	v23 =	vadd.f32 v17, v19  }
0x13c: {  	vm0 =	vmor vm2, vm0;
	v20 =	vadd.f32 v20, v21;
	v21 =	vmul.f32 v27, v27;
	v17 =	vld [tilespmem:s7+$0x0]  }
0x13d: {  	s6 =	sadd.s32 $0x40, s6;
	v18 =	vsel vm0, v18, v14;
	v19 =	vsel vm0, v22, v16;
	v16 =	vmin.f32 v23, v24;
	v14 =	vld [tilespmem:s7+$0x10]  }
0x13e: {  	vm0 =	veq.f32 v16, v18;
	vm1 =	vlt.s32 v13, v19;
	v7 =	vmul.f32 v12, v12  }
0x13f: {  	vm2 =	vgt.f32 v16, v18;
	v9 =	vadd.f32 v20, v21;
	vm0 =	vmand vm1, vm0  }
0x140: {  	v10 =	vmul.f32 v11, v11;
	vm0 =	vmor vm2, vm0;
	v7 =	vadd.f32 v15, v7  }
0x141: {  	v58 =	vsel vm0, v16, v18;
	v59 =	vsel vm0, v13, v19;
	v9 =	vmin.f32 v9, v17  }
0x142: {  	vm5 =	veq.f32 v9, v58;
	vm6 =	vlt.s32 v8, v59  }
0x143: {  	vm7 =	vgt.f32 v9, v58;
	v7 =	vadd.f32 v7, v10;
	vm0 =	vmand vm6, vm5  }
0x144: {  	v60 =	vor.u32 s11, v2;
	vm0 =	vmor vm7, vm0  }
0x145: {  	v7 =	vmin.f32 v7, v14;
	v11 =	vsel vm0, v9, v58;
	v8 =	vsel vm0, v8, v59  }
0x146: {  	vm8 =	veq.f32 v7, v11;
	vm9 =	vlt.s32 v60, v8  }
0x147: {  	[tilespmem:s7+$0xFFFFFFF0] =	vst v16;
	vm10 =	vgt.f32 v7, v11;
	vm0 =	vmand vm9, vm8  }
0x148: {  	s0 =	sshll.u32 s28, $0x9;
	[tilespmem:s7+$0x0] =	vst v9;
	vm0 =	vmor vm10, vm0  }
0x149: {  	s0 =	sand.u32 $0x200, s0;
	[tilespmem:s7+$0x10] =	vst v7;
	v7 =	vsel vm0, v7, v11  }
0x14a: {  	s5 =	sshrl.u32 s25, $0x2;
	s0 =	sadd.s32 s0, s3;
	v8 =	vsel vm0, v60, v8;
	[tilespmem:$0xA080] =	vst v7  }
0x14b: {  	s5 =	sadd.s32 s5, s0;
	[tilespmem:$0xA090] =	vst v8  }
0x14c: {  	[spmem:s5] =	stream.linear.scatter [tilespmem:s18], [sflag:$0x2], $0x20, $0x38;
	[tilespmem:$0xA1C0] =	vst v63  }
0x14d: {  	_ =	swait.ge [sflag:s13], $0x20  }
0x14e: {  	[sflag:s13] =	ssyncset.done $0x0  }
0x14f: {  	[sflag:s13] =	ssyncadd.s32 $0xFFFFFFE0  }
0x150: {  	s0 =	sadd.s32 s22, s0;
	[bflag:$0x0] =	sbarrier.arrive $0xFFFF  }
0x151: {  	[tilespmem:s29], [sflag:$0x2] =	stream.linear.gather [spmem:s0], $0x20, $0x38;
	[tilespmem:$0xA1C0] =	vst v63  }
0x152: {  	_ =	swait.ge [sflag:s13], $0x20  }
0x153: {  	[sflag:s13] =	ssyncset.done $0x0  }
0x154: {  	[sflag:s13] =	ssyncadd.s32 $0xFFFFFFE0  }
0x155: {  	v61 =	vld [tilespmem:$0xA100]  }
0x156: {  	v62 =	vld [tilespmem:$0xA110];
	_ =	sdelay $0x4  }
0x157: {  	vm11 =	veq.f32 v61, v7;
	vm12 =	vlt.s32 v62, v8  }
0x158: {  	vm13 =	vgt.f32 v61, v7;
	vm0 =	vmand vm11, vm12  }
0x159: {  	vm0 =	vmor vm13, vm0  }
0x15a: {  	v7 =	vsel vm0, v61, v7  }
0x15b: {  	(xrf0) =	vmax.scan.msk.f32 $0xffff, v7;
	_ =	sdelay $0x5  }
0x15c: {  	v63, _, _ =	vpop (xrf0)  }
0x15d: {  	v9 =	vbroadcast v63, $0xF  }
0x15e: {  	v8 =	vsel vm0, v62, v8  }
0x15f: {  	vm14 =	veq.f32 v7, v9;
	v7 =	vxor.u32 $0x80000000, v8  }
0x160: {  	v7 =	vnsel vm14, $0xFFFFFFFF, v7  }
0x161: {  	(xrf0) =	vmin.scan.msk.u32 $0xffff, v7;
	_ =	sdelay $0x5  }
0x162: {  	v7, _, _ =	vpop (xrf0)  }
0x163: {  	(v2sf) =	vpush v7, $0xF;
	_ =	sdelay $0x8  }
0x164: {  	s19 =	sand.u32 $0xF, s28  }
0x165: {  	p1 =	sne.s32 s19, $0xF  }
0x166: {  	s0 =	sand.u32 @!p1 $0x3F0, s28;
	s28 =	sadd.s32 $0x1, s28  }
0x167: {  	p2 =	sne.s32 s28, $0x400  }
.Ltmp4:
0x168: {  	_ = 	snop;
	(pc) =	sbr.rel @p2 .LBB2_4-.Ltmp4, $4  }
0x169: {  	v7 =	vmov s19  }
0x16a: {  	vm15 =	veq.s32 v7, v1;
	s21 =	spop (v2sf)  }
0x16b: {  	v5 =	vsel vm15, v6, v5;
	s5 =	sxor.u32 $0x80000000, s21  }
0x16c: {  	[tilespmem:s0+$0x4880] =	vst @!p1 v5;
	v6 =	vmov s5  }
.Ltmp5:
0x16d: {  	(pc) =	sbr.rel @p0 .LBB2_9-.Ltmp5, $1  }
0x16e: {  	_ =	sdelay $0x3  }
0x16f: {  	v5 =	vld [tilespmem:$0x4880];
	_ =	sdelay $0x7  }
0x170: {  	v6 =	vld.idx.msk [tilespmem:v5+s4+$0x0], $0xffff;
	_ =	sdelay $0x4  }
0x171: {  	[tilespmem:$0x4C80] =	vst v6  }
0x172: {  	v6 =	vld.idx.msk [tilespmem:v5+s8+$0x0], $0xffff;
	_ =	sdelay $0x4  }
0x173: {  	[tilespmem:$0x5080] =	vst v6  }
0x174: {  	v6 =	vld.idx.msk [tilespmem:v5+s9+$0x0], $0xffff;
	_ =	sdelay $0x3  }
0x175: {  	v7 =	vld [tilespmem:$0x4890]  }
0x176: {  	[tilespmem:$0x5480] =	vst v6  }
0x177: {  	v5 =	vld.idx.msk [tilespmem:v5+s14+$0x0], $0xffff;
	_ =	sdelay $0x4  }
0x178: {  	[tilespmem:$0x5880] =	vst v5  }
0x179: {  	v5 =	vld.idx.msk [tilespmem:v7+s4+$0x0], $0xffff;
	_ =	sdelay $0x4  }
0x17a: {  	[tilespmem:$0x4C90] =	vst v5  }
0x17b: {  	v5 =	vld.idx.msk [tilespmem:v7+s8+$0x0], $0xffff;
	_ =	sdelay $0x4  }
0x17c: {  	[tilespmem:$0x5090] =	vst v5  }
0x17d: {  	v5 =	vld.idx.msk [tilespmem:v7+s9+$0x0], $0xffff;
	_ =	sdelay $0x3  }
0x17e: {  	v6 =	vld [tilespmem:$0x48A0]  }
0x17f: {  	[tilespmem:$0x5490] =	vst v5  }
0x180: {  	v5 =	vld.idx.msk [tilespmem:v7+s14+$0x0], $0xffff;
	_ =	sdelay $0x4  }
0x181: {  	[tilespmem:$0x5890] =	vst v5  }
0x182: {  	v5 =	vld.idx.msk [tilespmem:v6+s4+$0x0], $0xffff;
	_ =	sdelay $0x4  }
0x183: {  	[tilespmem:$0x4CA0] =	vst v5  }
0x184: {  	v5 =	vld.idx.msk [tilespmem:v6+s8+$0x0], $0xffff;
	_ =	sdelay $0x4  }
0x185: {  	[tilespmem:$0x50A0] =	vst v5  }
0x186: {  	v5 =	vld.idx.msk [tilespmem:v6+s9+$0x0], $0xffff;
	_ =	sdelay $0x3  }
0x187: {  	v7 =	vld [tilespmem:$0x48B0]  }
0x188: {  	[tilespmem:$0x54A0] =	vst v5  }
0x189: {  	v5 =	vld.idx.msk [tilespmem:v6+s14+$0x0], $0xffff;
	_ =	sdelay $0x4  }
0x18a: {  	[tilespmem:$0x58A0] =	vst v5  }
0x18b: {  	v5 =	vld.idx.msk [tilespmem:v7+s4+$0x0], $0xffff;
	_ =	sdelay $0x4  }
0x18c: {  	[tilespmem:$0x4CB0] =	vst v5  }
0x18d: {  	v5 =	vld.idx.msk [tilespmem:v7+s8+$0x0], $0xffff;
	_ =	sdelay $0x4  }
0x18e: {  	[tilespmem:$0x50B0] =	vst v5  }
0x18f: {  	v5 =	vld.idx.msk [tilespmem:v7+s9+$0x0], $0xffff;
	_ =	sdelay $0x3  }
0x190: {  	v6 =	vld [tilespmem:$0x48C0]  }
0x191: {  	[tilespmem:$0x54B0] =	vst v5  }
0x192: {  	v5 =	vld.idx.msk [tilespmem:v7+s14+$0x0], $0xffff;
	_ =	sdelay $0x4  }
0x193: {  	[tilespmem:$0x58B0] =	vst v5  }
0x194: {  	v5 =	vld.idx.msk [tilespmem:v6+s4+$0x0], $0xffff;
	_ =	sdelay $0x4  }
0x195: {  	[tilespmem:$0x4CC0] =	vst v5  }
0x196: {  	v5 =	vld.idx.msk [tilespmem:v6+s8+$0x0], $0xffff;
	_ =	sdelay $0x4  }
0x197: {  	[tilespmem:$0x50C0] =	vst v5  }
0x198: {  	v5 =	vld.idx.msk [tilespmem:v6+s9+$0x0], $0xffff;
	_ =	sdelay $0x3  }
0x199: {  	v7 =	vld [tilespmem:$0x48D0]  }
0x19a: {  	[tilespmem:$0x54C0] =	vst v5  }
0x19b: {  	v5 =	vld.idx.msk [tilespmem:v6+s14+$0x0], $0xffff;
	_ =	sdelay $0x4  }
0x19c: {  	[tilespmem:$0x58C0] =	vst v5  }
0x19d: {  	v5 =	vld.idx.msk [tilespmem:v7+s4+$0x0], $0xffff;
	_ =	sdelay $0x4  }
0x19e: {  	[tilespmem:$0x4CD0] =	vst v5  }
0x19f: {  	v5 =	vld.idx.msk [tilespmem:v7+s8+$0x0], $0xffff;
	_ =	sdelay $0x4  }
0x1a0: {  	[tilespmem:$0x50D0] =	vst v5  }
0x1a1: {  	v5 =	vld.idx.msk [tilespmem:v7+s9+$0x0], $0xffff;
	_ =	sdelay $0x3  }
0x1a2: {  	v6 =	vld [tilespmem:$0x48E0]  }
0x1a3: {  	[tilespmem:$0x54D0] =	vst v5  }
0x1a4: {  	v5 =	vld.idx.msk [tilespmem:v7+s14+$0x0], $0xffff;
	_ =	sdelay $0x4  }
0x1a5: {  	[tilespmem:$0x58D0] =	vst v5  }
0x1a6: {  	v5 =	vld.idx.msk [tilespmem:v6+s4+$0x0], $0xffff;
	_ =	sdelay $0x4  }
0x1a7: {  	[tilespmem:$0x4CE0] =	vst v5  }
0x1a8: {  	v5 =	vld.idx.msk [tilespmem:v6+s8+$0x0], $0xffff;
	_ =	sdelay $0x4  }
0x1a9: {  	[tilespmem:$0x50E0] =	vst v5  }
0x1aa: {  	v5 =	vld.idx.msk [tilespmem:v6+s9+$0x0], $0xffff;
	_ =	sdelay $0x3  }
0x1ab: {  	v7 =	vld [tilespmem:$0x48F0]  }
0x1ac: {  	[tilespmem:$0x54E0] =	vst v5  }
0x1ad: {  	v5 =	vld.idx.msk [tilespmem:v6+s14+$0x0], $0xffff;
	_ =	sdelay $0x4  }
0x1ae: {  	[tilespmem:$0x58E0] =	vst v5  }
0x1af: {  	v5 =	vld.idx.msk [tilespmem:v7+s4+$0x0], $0xffff;
	_ =	sdelay $0x4  }
0x1b0: {  	[tilespmem:$0x4CF0] =	vst v5  }
0x1b1: {  	v5 =	vld.idx.msk [tilespmem:v7+s8+$0x0], $0xffff;
	_ =	sdelay $0x4  }
0x1b2: {  	[tilespmem:$0x50F0] =	vst v5  }
0x1b3: {  	v5 =	vld.idx.msk [tilespmem:v7+s9+$0x0], $0xffff;
	_ =	sdelay $0x3  }
0x1b4: {  	v6 =	vld [tilespmem:$0x4900]  }
0x1b5: {  	[tilespmem:$0x54F0] =	vst v5  }
0x1b6: {  	v5 =	vld.idx.msk [tilespmem:v7+s14+$0x0], $0xffff;
	_ =	sdelay $0x4  }
0x1b7: {  	[tilespmem:$0x58F0] =	vst v5  }
0x1b8: {  	v5 =	vld.idx.msk [tilespmem:v6+s4+$0x0], $0xffff;
	_ =	sdelay $0x4  }
0x1b9: {  	[tilespmem:$0x4D00] =	vst v5  }
0x1ba: {  	v5 =	vld.idx.msk [tilespmem:v6+s8+$0x0], $0xffff;
	_ =	sdelay $0x4  }
0x1bb: {  	[tilespmem:$0x5100] =	vst v5  }
0x1bc: {  	v5 =	vld.idx.msk [tilespmem:v6+s9+$0x0], $0xffff;
	_ =	sdelay $0x3  }
0x1bd: {  	v7 =	vld [tilespmem:$0x4910]  }
0x1be: {  	[tilespmem:$0x5500] =	vst v5  }
0x1bf: {  	v5 =	vld.idx.msk [tilespmem:v6+s14+$0x0], $0xffff;
	_ =	sdelay $0x4  }
0x1c0: {  	[tilespmem:$0x5900] =	vst v5  }
0x1c1: {  	v5 =	vld.idx.msk [tilespmem:v7+s4+$0x0], $0xffff;
	_ =	sdelay $0x4  }
0x1c2: {  	[tilespmem:$0x4D10] =	vst v5  }
0x1c3: {  	v5 =	vld.idx.msk [tilespmem:v7+s8+$0x0], $0xffff;
	_ =	sdelay $0x4  }
0x1c4: {  	[tilespmem:$0x5110] =	vst v5  }
0x1c5: {  	v5 =	vld.idx.msk [tilespmem:v7+s9+$0x0], $0xffff;
	_ =	sdelay $0x3  }
0x1c6: {  	v6 =	vld [tilespmem:$0x4920]  }
0x1c7: {  	[tilespmem:$0x5510] =	vst v5  }
0x1c8: {  	v5 =	vld.idx.msk [tilespmem:v7+s14+$0x0], $0xffff;
	_ =	sdelay $0x4  }
0x1c9: {  	[tilespmem:$0x5910] =	vst v5  }
0x1ca: {  	v5 =	vld.idx.msk [tilespmem:v6+s4+$0x0], $0xffff;
	_ =	sdelay $0x4  }
0x1cb: {  	[tilespmem:$0x4D20] =	vst v5  }
0x1cc: {  	v5 =	vld.idx.msk [tilespmem:v6+s8+$0x0], $0xffff;
	_ =	sdelay $0x4  }
0x1cd: {  	[tilespmem:$0x5120] =	vst v5  }
0x1ce: {  	v5 =	vld.idx.msk [tilespmem:v6+s9+$0x0], $0xffff;
	_ =	sdelay $0x3  }
0x1cf: {  	v7 =	vld [tilespmem:$0x4930]  }
0x1d0: {  	[tilespmem:$0x5520] =	vst v5  }
0x1d1: {  	v5 =	vld.idx.msk [tilespmem:v6+s14+$0x0], $0xffff;
	_ =	sdelay $0x4  }
0x1d2: {  	[tilespmem:$0x5920] =	vst v5  }
0x1d3: {  	v5 =	vld.idx.msk [tilespmem:v7+s4+$0x0], $0xffff;
	_ =	sdelay $0x4  }
0x1d4: {  	[tilespmem:$0x4D30] =	vst v5  }
0x1d5: {  	v5 =	vld.idx.msk [tilespmem:v7+s8+$0x0], $0xffff;
	_ =	sdelay $0x4  }
0x1d6: {  	[tilespmem:$0x5130] =	vst v5  }
0x1d7: {  	v5 =	vld.idx.msk [tilespmem:v7+s9+$0x0], $0xffff;
	_ =	sdelay $0x3  }
0x1d8: {  	v6 =	vld [tilespmem:$0x4940]  }
0x1d9: {  	[tilespmem:$0x5530] =	vst v5  }
0x1da: {  	v5 =	vld.idx.msk [tilespmem:v7+s14+$0x0], $0xffff;
	_ =	sdelay $0x4  }
0x1db: {  	[tilespmem:$0x5930] =	vst v5  }
0x1dc: {  	v5 =	vld.idx.msk [tilespmem:v6+s4+$0x0], $0xffff;
	_ =	sdelay $0x4  }
0x1dd: {  	[tilespmem:$0x4D40] =	vst v5  }
0x1de: {  	v5 =	vld.idx.msk [tilespmem:v6+s8+$0x0], $0xffff;
	_ =	sdelay $0x4  }
0x1df: {  	[tilespmem:$0x5140] =	vst v5  }
0x1e0: {  	v5 =	vld.idx.msk [tilespmem:v6+s9+$0x0], $0xffff;
	_ =	sdelay $0x3  }
0x1e1: {  	v7 =	vld [tilespmem:$0x4950]  }
0x1e2: {  	[tilespmem:$0x5540] =	vst v5  }
0x1e3: {  	v5 =	vld.idx.msk [tilespmem:v6+s14+$0x0], $0xffff;
	_ =	sdelay $0x4  }
0x1e4: {  	[tilespmem:$0x5940] =	vst v5  }
0x1e5: {  	v5 =	vld.idx.msk [tilespmem:v7+s4+$0x0], $0xffff;
	_ =	sdelay $0x4  }
0x1e6: {  	[tilespmem:$0x4D50] =	vst v5  }
0x1e7: {  	v5 =	vld.idx.msk [tilespmem:v7+s8+$0x0], $0xffff;
	_ =	sdelay $0x4  }
0x1e8: {  	[tilespmem:$0x5150] =	vst v5  }
0x1e9: {  	v5 =	vld.idx.msk [tilespmem:v7+s9+$0x0], $0xffff;
	_ =	sdelay $0x3  }
0x1ea: {  	v6 =	vld [tilespmem:$0x4960]  }
0x1eb: {  	[tilespmem:$0x5550] =	vst v5  }
0x1ec: {  	v5 =	vld.idx.msk [tilespmem:v7+s14+$0x0], $0xffff;
	_ =	sdelay $0x4  }
0x1ed: {  	[tilespmem:$0x5950] =	vst v5  }
0x1ee: {  	v5 =	vld.idx.msk [tilespmem:v6+s4+$0x0], $0xffff;
	_ =	sdelay $0x4  }
0x1ef: {  	[tilespmem:$0x4D60] =	vst v5  }
0x1f0: {  	v5 =	vld.idx.msk [tilespmem:v6+s8+$0x0], $0xffff;
	_ =	sdelay $0x4  }
0x1f1: {  	[tilespmem:$0x5160] =	vst v5  }
0x1f2: {  	v5 =	vld.idx.msk [tilespmem:v6+s9+$0x0], $0xffff;
	_ =	sdelay $0x3  }
0x1f3: {  	v7 =	vld [tilespmem:$0x4970]  }
0x1f4: {  	[tilespmem:$0x5560] =	vst v5  }
0x1f5: {  	v5 =	vld.idx.msk [tilespmem:v6+s14+$0x0], $0xffff;
	_ =	sdelay $0x4  }
0x1f6: {  	[tilespmem:$0x5960] =	vst v5  }
0x1f7: {  	v5 =	vld.idx.msk [tilespmem:v7+s4+$0x0], $0xffff;
	_ =	sdelay $0x4  }
0x1f8: {  	[tilespmem:$0x4D70] =	vst v5  }
0x1f9: {  	v5 =	vld.idx.msk [tilespmem:v7+s8+$0x0], $0xffff;
	_ =	sdelay $0x4  }
0x1fa: {  	[tilespmem:$0x5170] =	vst v5  }
0x1fb: {  	v5 =	vld.idx.msk [tilespmem:v7+s9+$0x0], $0xffff;
	_ =	sdelay $0x3  }
0x1fc: {  	v6 =	vld [tilespmem:$0x4980]  }
0x1fd: {  	[tilespmem:$0x5570] =	vst v5  }
0x1fe: {  	v5 =	vld.idx.msk [tilespmem:v7+s14+$0x0], $0xffff;
	_ =	sdelay $0x4  }
0x1ff: {  	[tilespmem:$0x5970] =	vst v5  }
0x200: {  	v5 =	vld.idx.msk [tilespmem:v6+s4+$0x0], $0xffff;
	_ =	sdelay $0x4  }
0x201: {  	[tilespmem:$0x4D80] =	vst v5  }
0x202: {  	v5 =	vld.idx.msk [tilespmem:v6+s8+$0x0], $0xffff;
	_ =	sdelay $0x4  }
0x203: {  	[tilespmem:$0x5180] =	vst v5  }
0x204: {  	v5 =	vld.idx.msk [tilespmem:v6+s9+$0x0], $0xffff;
	_ =	sdelay $0x3  }
0x205: {  	v7 =	vld [tilespmem:$0x4990]  }
0x206: {  	[tilespmem:$0x5580] =	vst v5  }
0x207: {  	v5 =	vld.idx.msk [tilespmem:v6+s14+$0x0], $0xffff;
	_ =	sdelay $0x4  }
0x208: {  	[tilespmem:$0x5980] =	vst v5  }
0x209: {  	v5 =	vld.idx.msk [tilespmem:v7+s4+$0x0], $0xffff;
	_ =	sdelay $0x4  }
0x20a: {  	[tilespmem:$0x4D90] =	vst v5  }
0x20b: {  	v5 =	vld.idx.msk [tilespmem:v7+s8+$0x0], $0xffff;
	_ =	sdelay $0x4  }
0x20c: {  	[tilespmem:$0x5190] =	vst v5  }
0x20d: {  	v5 =	vld.idx.msk [tilespmem:v7+s9+$0x0], $0xffff;
	_ =	sdelay $0x3  }
0x20e: {  	v6 =	vld [tilespmem:$0x49A0]  }
0x20f: {  	[tilespmem:$0x5590] =	vst v5  }
0x210: {  	v5 =	vld.idx.msk [tilespmem:v7+s14+$0x0], $0xffff;
	_ =	sdelay $0x4  }
0x211: {  	[tilespmem:$0x5990] =	vst v5  }
0x212: {  	v5 =	vld.idx.msk [tilespmem:v6+s4+$0x0], $0xffff;
	_ =	sdelay $0x4  }
0x213: {  	[tilespmem:$0x4DA0] =	vst v5  }
0x214: {  	v5 =	vld.idx.msk [tilespmem:v6+s8+$0x0], $0xffff;
	_ =	sdelay $0x4  }
0x215: {  	[tilespmem:$0x51A0] =	vst v5  }
0x216: {  	v5 =	vld.idx.msk [tilespmem:v6+s9+$0x0], $0xffff;
	_ =	sdelay $0x3  }
0x217: {  	v7 =	vld [tilespmem:$0x49B0]  }
0x218: {  	[tilespmem:$0x55A0] =	vst v5  }
0x219: {  	v5 =	vld.idx.msk [tilespmem:v6+s14+$0x0], $0xffff;
	_ =	sdelay $0x4  }
0x21a: {  	[tilespmem:$0x59A0] =	vst v5  }
0x21b: {  	v5 =	vld.idx.msk [tilespmem:v7+s4+$0x0], $0xffff;
	_ =	sdelay $0x4  }
0x21c: {  	[tilespmem:$0x4DB0] =	vst v5  }
0x21d: {  	v5 =	vld.idx.msk [tilespmem:v7+s8+$0x0], $0xffff;
	_ =	sdelay $0x4  }
0x21e: {  	[tilespmem:$0x51B0] =	vst v5  }
0x21f: {  	v5 =	vld.idx.msk [tilespmem:v7+s9+$0x0], $0xffff;
	_ =	sdelay $0x3  }
0x220: {  	v6 =	vld [tilespmem:$0x49C0]  }
0x221: {  	[tilespmem:$0x55B0] =	vst v5  }
0x222: {  	v5 =	vld.idx.msk [tilespmem:v7+s14+$0x0], $0xffff;
	_ =	sdelay $0x4  }
0x223: {  	[tilespmem:$0x59B0] =	vst v5  }
0x224: {  	v5 =	vld.idx.msk [tilespmem:v6+s4+$0x0], $0xffff;
	_ =	sdelay $0x4  }
0x225: {  	[tilespmem:$0x4DC0] =	vst v5  }
0x226: {  	v5 =	vld.idx.msk [tilespmem:v6+s8+$0x0], $0xffff;
	_ =	sdelay $0x4  }
0x227: {  	[tilespmem:$0x51C0] =	vst v5  }
0x228: {  	v5 =	vld.idx.msk [tilespmem:v6+s9+$0x0], $0xffff;
	_ =	sdelay $0x3  }
0x229: {  	v7 =	vld [tilespmem:$0x49D0]  }
0x22a: {  	[tilespmem:$0x55C0] =	vst v5  }
0x22b: {  	v5 =	vld.idx.msk [tilespmem:v6+s14+$0x0], $0xffff;
	_ =	sdelay $0x4  }
0x22c: {  	[tilespmem:$0x59C0] =	vst v5  }
0x22d: {  	v5 =	vld.idx.msk [tilespmem:v7+s4+$0x0], $0xffff;
	_ =	sdelay $0x4  }
0x22e: {  	[tilespmem:$0x4DD0] =	vst v5  }
0x22f: {  	v5 =	vld.idx.msk [tilespmem:v7+s8+$0x0], $0xffff;
	_ =	sdelay $0x4  }
0x230: {  	[tilespmem:$0x51D0] =	vst v5  }
0x231: {  	v5 =	vld.idx.msk [tilespmem:v7+s9+$0x0], $0xffff;
	_ =	sdelay $0x3  }
0x232: {  	v6 =	vld [tilespmem:$0x49E0]  }
0x233: {  	[tilespmem:$0x55D0] =	vst v5  }
0x234: {  	v5 =	vld.idx.msk [tilespmem:v7+s14+$0x0], $0xffff;
	_ =	sdelay $0x4  }
0x235: {  	[tilespmem:$0x59D0] =	vst v5  }
0x236: {  	v5 =	vld.idx.msk [tilespmem:v6+s4+$0x0], $0xffff;
	_ =	sdelay $0x4  }
0x237: {  	[tilespmem:$0x4DE0] =	vst v5  }
0x238: {  	v5 =	vld.idx.msk [tilespmem:v6+s8+$0x0], $0xffff;
	_ =	sdelay $0x4  }
0x239: {  	[tilespmem:$0x51E0] =	vst v5  }
0x23a: {  	v5 =	vld.idx.msk [tilespmem:v6+s9+$0x0], $0xffff;
	_ =	sdelay $0x3  }
0x23b: {  	v7 =	vld [tilespmem:$0x49F0]  }
0x23c: {  	[tilespmem:$0x55E0] =	vst v5  }
0x23d: {  	v5 =	vld.idx.msk [tilespmem:v6+s14+$0x0], $0xffff;
	_ =	sdelay $0x4  }
0x23e: {  	[tilespmem:$0x59E0] =	vst v5  }
0x23f: {  	v5 =	vld.idx.msk [tilespmem:v7+s4+$0x0], $0xffff;
	_ =	sdelay $0x4  }
0x240: {  	[tilespmem:$0x4DF0] =	vst v5  }
0x241: {  	v5 =	vld.idx.msk [tilespmem:v7+s8+$0x0], $0xffff;
	_ =	sdelay $0x4  }
0x242: {  	[tilespmem:$0x51F0] =	vst v5  }
0x243: {  	v5 =	vld.idx.msk [tilespmem:v7+s9+$0x0], $0xffff;
	_ =	sdelay $0x3  }
0x244: {  	v6 =	vld [tilespmem:$0x4A00]  }
0x245: {  	[tilespmem:$0x55F0] =	vst v5  }
0x246: {  	v5 =	vld.idx.msk [tilespmem:v7+s14+$0x0], $0xffff;
	_ =	sdelay $0x4  }
0x247: {  	[tilespmem:$0x59F0] =	vst v5  }
0x248: {  	v5 =	vld.idx.msk [tilespmem:v6+s4+$0x0], $0xffff;
	_ =	sdelay $0x4  }
0x249: {  	[tilespmem:$0x4E00] =	vst v5  }
0x24a: {  	v5 =	vld.idx.msk [tilespmem:v6+s8+$0x0], $0xffff;
	_ =	sdelay $0x4  }
0x24b: {  	[tilespmem:$0x5200] =	vst v5  }
0x24c: {  	v5 =	vld.idx.msk [tilespmem:v6+s9+$0x0], $0xffff;
	_ =	sdelay $0x3  }
0x24d: {  	v7 =	vld [tilespmem:$0x4A10]  }
0x24e: {  	[tilespmem:$0x5600] =	vst v5  }
0x24f: {  	v5 =	vld.idx.msk [tilespmem:v6+s14+$0x0], $0xffff;
	_ =	sdelay $0x4  }
0x250: {  	[tilespmem:$0x5A00] =	vst v5  }
0x251: {  	v5 =	vld.idx.msk [tilespmem:v7+s4+$0x0], $0xffff;
	_ =	sdelay $0x4  }
0x252: {  	[tilespmem:$0x4E10] =	vst v5  }
0x253: {  	v5 =	vld.idx.msk [tilespmem:v7+s8+$0x0], $0xffff;
	_ =	sdelay $0x4  }
0x254: {  	[tilespmem:$0x5210] =	vst v5  }
0x255: {  	v5 =	vld.idx.msk [tilespmem:v7+s9+$0x0], $0xffff;
	_ =	sdelay $0x3  }
0x256: {  	v6 =	vld [tilespmem:$0x4A20]  }
0x257: {  	[tilespmem:$0x5610] =	vst v5  }
0x258: {  	v5 =	vld.idx.msk [tilespmem:v7+s14+$0x0], $0xffff;
	_ =	sdelay $0x4  }
0x259: {  	[tilespmem:$0x5A10] =	vst v5  }
0x25a: {  	v5 =	vld.idx.msk [tilespmem:v6+s4+$0x0], $0xffff;
	_ =	sdelay $0x4  }
0x25b: {  	[tilespmem:$0x4E20] =	vst v5  }
0x25c: {  	v5 =	vld.idx.msk [tilespmem:v6+s8+$0x0], $0xffff;
	_ =	sdelay $0x4  }
0x25d: {  	[tilespmem:$0x5220] =	vst v5  }
0x25e: {  	v5 =	vld.idx.msk [tilespmem:v6+s9+$0x0], $0xffff;
	_ =	sdelay $0x3  }
0x25f: {  	v7 =	vld [tilespmem:$0x4A30]  }
0x260: {  	[tilespmem:$0x5620] =	vst v5  }
0x261: {  	v5 =	vld.idx.msk [tilespmem:v6+s14+$0x0], $0xffff;
	_ =	sdelay $0x4  }
0x262: {  	[tilespmem:$0x5A20] =	vst v5  }
0x263: {  	v5 =	vld.idx.msk [tilespmem:v7+s4+$0x0], $0xffff;
	_ =	sdelay $0x4  }
0x264: {  	[tilespmem:$0x4E30] =	vst v5  }
0x265: {  	v5 =	vld.idx.msk [tilespmem:v7+s8+$0x0], $0xffff;
	_ =	sdelay $0x4  }
0x266: {  	[tilespmem:$0x5230] =	vst v5  }
0x267: {  	v5 =	vld.idx.msk [tilespmem:v7+s9+$0x0], $0xffff;
	_ =	sdelay $0x3  }
0x268: {  	v6 =	vld [tilespmem:$0x4A40]  }
0x269: {  	[tilespmem:$0x5630] =	vst v5  }
0x26a: {  	v5 =	vld.idx.msk [tilespmem:v7+s14+$0x0], $0xffff;
	_ =	sdelay $0x4  }
0x26b: {  	[tilespmem:$0x5A30] =	vst v5  }
0x26c: {  	v5 =	vld.idx.msk [tilespmem:v6+s4+$0x0], $0xffff;
	_ =	sdelay $0x4  }
0x26d: {  	[tilespmem:$0x4E40] =	vst v5  }
0x26e: {  	v5 =	vld.idx.msk [tilespmem:v6+s8+$0x0], $0xffff;
	_ =	sdelay $0x4  }
0x26f: {  	[tilespmem:$0x5240] =	vst v5  }
0x270: {  	v5 =	vld.idx.msk [tilespmem:v6+s9+$0x0], $0xffff;
	_ =	sdelay $0x3  }
0x271: {  	v7 =	vld [tilespmem:$0x4A50]  }
0x272: {  	[tilespmem:$0x5640] =	vst v5  }
0x273: {  	v5 =	vld.idx.msk [tilespmem:v6+s14+$0x0], $0xffff;
	_ =	sdelay $0x4  }
0x274: {  	[tilespmem:$0x5A40] =	vst v5  }
0x275: {  	v5 =	vld.idx.msk [tilespmem:v7+s4+$0x0], $0xffff;
	_ =	sdelay $0x4  }
0x276: {  	[tilespmem:$0x4E50] =	vst v5  }
0x277: {  	v5 =	vld.idx.msk [tilespmem:v7+s8+$0x0], $0xffff;
	_ =	sdelay $0x4  }
0x278: {  	[tilespmem:$0x5250] =	vst v5  }
0x279: {  	v5 =	vld.idx.msk [tilespmem:v7+s9+$0x0], $0xffff;
	_ =	sdelay $0x3  }
0x27a: {  	v6 =	vld [tilespmem:$0x4A60]  }
0x27b: {  	[tilespmem:$0x5650] =	vst v5  }
0x27c: {  	v5 =	vld.idx.msk [tilespmem:v7+s14+$0x0], $0xffff;
	_ =	sdelay $0x4  }
0x27d: {  	[tilespmem:$0x5A50] =	vst v5  }
0x27e: {  	v5 =	vld.idx.msk [tilespmem:v6+s4+$0x0], $0xffff;
	_ =	sdelay $0x4  }
0x27f: {  	[tilespmem:$0x4E60] =	vst v5  }
0x280: {  	v5 =	vld.idx.msk [tilespmem:v6+s8+$0x0], $0xffff;
	_ =	sdelay $0x4  }
0x281: {  	[tilespmem:$0x5260] =	vst v5  }
0x282: {  	v5 =	vld.idx.msk [tilespmem:v6+s9+$0x0], $0xffff;
	_ =	sdelay $0x3  }
0x283: {  	v7 =	vld [tilespmem:$0x4A70]  }
0x284: {  	[tilespmem:$0x5660] =	vst v5  }
0x285: {  	v5 =	vld.idx.msk [tilespmem:v6+s14+$0x0], $0xffff;
	_ =	sdelay $0x4  }
0x286: {  	[tilespmem:$0x5A60] =	vst v5  }
0x287: {  	v5 =	vld.idx.msk [tilespmem:v7+s4+$0x0], $0xffff;
	_ =	sdelay $0x4  }
0x288: {  	[tilespmem:$0x4E70] =	vst v5  }
0x289: {  	v5 =	vld.idx.msk [tilespmem:v7+s8+$0x0], $0xffff;
	_ =	sdelay $0x4  }
0x28a: {  	[tilespmem:$0x5270] =	vst v5  }
0x28b: {  	v5 =	vld.idx.msk [tilespmem:v7+s9+$0x0], $0xffff;
	_ =	sdelay $0x3  }
0x28c: {  	v6 =	vld [tilespmem:$0x4A80]  }
0x28d: {  	[tilespmem:$0x5670] =	vst v5  }
0x28e: {  	v5 =	vld.idx.msk [tilespmem:v7+s14+$0x0], $0xffff;
	_ =	sdelay $0x4  }
0x28f: {  	[tilespmem:$0x5A70] =	vst v5  }
0x290: {  	v5 =	vld.idx.msk [tilespmem:v6+s4+$0x0], $0xffff;
	_ =	sdelay $0x4  }
0x291: {  	[tilespmem:$0x4E80] =	vst v5  }
0x292: {  	v5 =	vld.idx.msk [tilespmem:v6+s8+$0x0], $0xffff;
	_ =	sdelay $0x4  }
0x293: {  	[tilespmem:$0x5280] =	vst v5  }
0x294: {  	v5 =	vld.idx.msk [tilespmem:v6+s9+$0x0], $0xffff;
	_ =	sdelay $0x3  }
0x295: {  	v7 =	vld [tilespmem:$0x4A90]  }
0x296: {  	[tilespmem:$0x5680] =	vst v5  }
0x297: {  	v5 =	vld.idx.msk [tilespmem:v6+s14+$0x0], $0xffff;
	_ =	sdelay $0x4  }
0x298: {  	[tilespmem:$0x5A80] =	vst v5  }
0x299: {  	v5 =	vld.idx.msk [tilespmem:v7+s4+$0x0], $0xffff;
	_ =	sdelay $0x4  }
0x29a: {  	[tilespmem:$0x4E90] =	vst v5  }
0x29b: {  	v5 =	vld.idx.msk [tilespmem:v7+s8+$0x0], $0xffff;
	_ =	sdelay $0x4  }
0x29c: {  	[tilespmem:$0x5290] =	vst v5  }
0x29d: {  	v5 =	vld.idx.msk [tilespmem:v7+s9+$0x0], $0xffff;
	_ =	sdelay $0x3  }
0x29e: {  	v6 =	vld [tilespmem:$0x4AA0]  }
0x29f: {  	[tilespmem:$0x5690] =	vst v5  }
0x2a0: {  	v5 =	vld.idx.msk [tilespmem:v7+s14+$0x0], $0xffff;
	_ =	sdelay $0x4  }
0x2a1: {  	[tilespmem:$0x5A90] =	vst v5  }
0x2a2: {  	v5 =	vld.idx.msk [tilespmem:v6+s4+$0x0], $0xffff;
	_ =	sdelay $0x4  }
0x2a3: {  	[tilespmem:$0x4EA0] =	vst v5  }
0x2a4: {  	v5 =	vld.idx.msk [tilespmem:v6+s8+$0x0], $0xffff;
	_ =	sdelay $0x4  }
0x2a5: {  	[tilespmem:$0x52A0] =	vst v5  }
0x2a6: {  	v5 =	vld.idx.msk [tilespmem:v6+s9+$0x0], $0xffff;
	_ =	sdelay $0x3  }
0x2a7: {  	v7 =	vld [tilespmem:$0x4AB0]  }
0x2a8: {  	[tilespmem:$0x56A0] =	vst v5  }
0x2a9: {  	v5 =	vld.idx.msk [tilespmem:v6+s14+$0x0], $0xffff;
	_ =	sdelay $0x4  }
0x2aa: {  	[tilespmem:$0x5AA0] =	vst v5  }
0x2ab: {  	v5 =	vld.idx.msk [tilespmem:v7+s4+$0x0], $0xffff;
	_ =	sdelay $0x4  }
0x2ac: {  	[tilespmem:$0x4EB0] =	vst v5  }
0x2ad: {  	v5 =	vld.idx.msk [tilespmem:v7+s8+$0x0], $0xffff;
	_ =	sdelay $0x4  }
0x2ae: {  	[tilespmem:$0x52B0] =	vst v5  }
0x2af: {  	v5 =	vld.idx.msk [tilespmem:v7+s9+$0x0], $0xffff;
	_ =	sdelay $0x3  }
0x2b0: {  	v6 =	vld [tilespmem:$0x4AC0]  }
0x2b1: {  	[tilespmem:$0x56B0] =	vst v5  }
0x2b2: {  	v5 =	vld.idx.msk [tilespmem:v7+s14+$0x0], $0xffff;
	_ =	sdelay $0x4  }
0x2b3: {  	[tilespmem:$0x5AB0] =	vst v5  }
0x2b4: {  	v5 =	vld.idx.msk [tilespmem:v6+s4+$0x0], $0xffff;
	_ =	sdelay $0x4  }
0x2b5: {  	[tilespmem:$0x4EC0] =	vst v5  }
0x2b6: {  	v5 =	vld.idx.msk [tilespmem:v6+s8+$0x0], $0xffff;
	_ =	sdelay $0x4  }
0x2b7: {  	[tilespmem:$0x52C0] =	vst v5  }
0x2b8: {  	v5 =	vld.idx.msk [tilespmem:v6+s9+$0x0], $0xffff;
	_ =	sdelay $0x3  }
0x2b9: {  	v7 =	vld [tilespmem:$0x4AD0]  }
0x2ba: {  	[tilespmem:$0x56C0] =	vst v5  }
0x2bb: {  	v5 =	vld.idx.msk [tilespmem:v6+s14+$0x0], $0xffff;
	_ =	sdelay $0x4  }
0x2bc: {  	[tilespmem:$0x5AC0] =	vst v5  }
0x2bd: {  	v5 =	vld.idx.msk [tilespmem:v7+s4+$0x0], $0xffff;
	_ =	sdelay $0x4  }
0x2be: {  	[tilespmem:$0x4ED0] =	vst v5  }
0x2bf: {  	v5 =	vld.idx.msk [tilespmem:v7+s8+$0x0], $0xffff;
	_ =	sdelay $0x4  }
0x2c0: {  	[tilespmem:$0x52D0] =	vst v5  }
0x2c1: {  	v5 =	vld.idx.msk [tilespmem:v7+s9+$0x0], $0xffff;
	_ =	sdelay $0x3  }
0x2c2: {  	v6 =	vld [tilespmem:$0x4AE0]  }
0x2c3: {  	[tilespmem:$0x56D0] =	vst v5  }
0x2c4: {  	v5 =	vld.idx.msk [tilespmem:v7+s14+$0x0], $0xffff;
	_ =	sdelay $0x4  }
0x2c5: {  	[tilespmem:$0x5AD0] =	vst v5  }
0x2c6: {  	v5 =	vld.idx.msk [tilespmem:v6+s4+$0x0], $0xffff;
	_ =	sdelay $0x4  }
0x2c7: {  	[tilespmem:$0x4EE0] =	vst v5  }
0x2c8: {  	v5 =	vld.idx.msk [tilespmem:v6+s8+$0x0], $0xffff;
	_ =	sdelay $0x4  }
0x2c9: {  	[tilespmem:$0x52E0] =	vst v5  }
0x2ca: {  	v5 =	vld.idx.msk [tilespmem:v6+s9+$0x0], $0xffff;
	_ =	sdelay $0x3  }
0x2cb: {  	v7 =	vld [tilespmem:$0x4AF0]  }
0x2cc: {  	[tilespmem:$0x56E0] =	vst v5  }
0x2cd: {  	v5 =	vld.idx.msk [tilespmem:v6+s14+$0x0], $0xffff;
	_ =	sdelay $0x4  }
0x2ce: {  	[tilespmem:$0x5AE0] =	vst v5  }
0x2cf: {  	v5 =	vld.idx.msk [tilespmem:v7+s4+$0x0], $0xffff;
	_ =	sdelay $0x4  }
0x2d0: {  	[tilespmem:$0x4EF0] =	vst v5  }
0x2d1: {  	v5 =	vld.idx.msk [tilespmem:v7+s8+$0x0], $0xffff;
	_ =	sdelay $0x4  }
0x2d2: {  	[tilespmem:$0x52F0] =	vst v5  }
0x2d3: {  	v5 =	vld.idx.msk [tilespmem:v7+s9+$0x0], $0xffff;
	_ =	sdelay $0x3  }
0x2d4: {  	v6 =	vld [tilespmem:$0x4B00]  }
0x2d5: {  	[tilespmem:$0x56F0] =	vst v5  }
0x2d6: {  	v5 =	vld.idx.msk [tilespmem:v7+s14+$0x0], $0xffff;
	_ =	sdelay $0x4  }
0x2d7: {  	[tilespmem:$0x5AF0] =	vst v5  }
0x2d8: {  	v5 =	vld.idx.msk [tilespmem:v6+s4+$0x0], $0xffff;
	_ =	sdelay $0x4  }
0x2d9: {  	[tilespmem:$0x4F00] =	vst v5  }
0x2da: {  	v5 =	vld.idx.msk [tilespmem:v6+s8+$0x0], $0xffff;
	_ =	sdelay $0x4  }
0x2db: {  	[tilespmem:$0x5300] =	vst v5  }
0x2dc: {  	v5 =	vld.idx.msk [tilespmem:v6+s9+$0x0], $0xffff;
	_ =	sdelay $0x3  }
0x2dd: {  	v7 =	vld [tilespmem:$0x4B10]  }
0x2de: {  	[tilespmem:$0x5700] =	vst v5  }
0x2df: {  	v5 =	vld.idx.msk [tilespmem:v6+s14+$0x0], $0xffff;
	_ =	sdelay $0x4  }
0x2e0: {  	[tilespmem:$0x5B00] =	vst v5  }
0x2e1: {  	v5 =	vld.idx.msk [tilespmem:v7+s4+$0x0], $0xffff;
	_ =	sdelay $0x4  }
0x2e2: {  	[tilespmem:$0x4F10] =	vst v5  }
0x2e3: {  	v5 =	vld.idx.msk [tilespmem:v7+s8+$0x0], $0xffff;
	_ =	sdelay $0x4  }
0x2e4: {  	[tilespmem:$0x5310] =	vst v5  }
0x2e5: {  	v5 =	vld.idx.msk [tilespmem:v7+s9+$0x0], $0xffff;
	_ =	sdelay $0x3  }
0x2e6: {  	v6 =	vld [tilespmem:$0x4B20]  }
0x2e7: {  	[tilespmem:$0x5710] =	vst v5  }
0x2e8: {  	v5 =	vld.idx.msk [tilespmem:v7+s14+$0x0], $0xffff;
	_ =	sdelay $0x4  }
0x2e9: {  	[tilespmem:$0x5B10] =	vst v5  }
0x2ea: {  	v5 =	vld.idx.msk [tilespmem:v6+s4+$0x0], $0xffff;
	_ =	sdelay $0x4  }
0x2eb: {  	[tilespmem:$0x4F20] =	vst v5  }
0x2ec: {  	v5 =	vld.idx.msk [tilespmem:v6+s8+$0x0], $0xffff;
	_ =	sdelay $0x4  }
0x2ed: {  	[tilespmem:$0x5320] =	vst v5  }
0x2ee: {  	v5 =	vld.idx.msk [tilespmem:v6+s9+$0x0], $0xffff;
	_ =	sdelay $0x3  }
0x2ef: {  	v7 =	vld [tilespmem:$0x4B30]  }
0x2f0: {  	[tilespmem:$0x5720] =	vst v5  }
0x2f1: {  	v5 =	vld.idx.msk [tilespmem:v6+s14+$0x0], $0xffff;
	_ =	sdelay $0x4  }
0x2f2: {  	[tilespmem:$0x5B20] =	vst v5  }
0x2f3: {  	v5 =	vld.idx.msk [tilespmem:v7+s4+$0x0], $0xffff;
	_ =	sdelay $0x4  }
0x2f4: {  	[tilespmem:$0x4F30] =	vst v5  }
0x2f5: {  	v5 =	vld.idx.msk [tilespmem:v7+s8+$0x0], $0xffff;
	_ =	sdelay $0x4  }
0x2f6: {  	[tilespmem:$0x5330] =	vst v5  }
0x2f7: {  	v5 =	vld.idx.msk [tilespmem:v7+s9+$0x0], $0xffff;
	_ =	sdelay $0x3  }
0x2f8: {  	v6 =	vld [tilespmem:$0x4B40]  }
0x2f9: {  	[tilespmem:$0x5730] =	vst v5  }
0x2fa: {  	v5 =	vld.idx.msk [tilespmem:v7+s14+$0x0], $0xffff;
	_ =	sdelay $0x4  }
0x2fb: {  	[tilespmem:$0x5B30] =	vst v5  }
0x2fc: {  	v5 =	vld.idx.msk [tilespmem:v6+s4+$0x0], $0xffff;
	_ =	sdelay $0x4  }
0x2fd: {  	[tilespmem:$0x4F40] =	vst v5  }
0x2fe: {  	v5 =	vld.idx.msk [tilespmem:v6+s8+$0x0], $0xffff;
	_ =	sdelay $0x4  }
0x2ff: {  	[tilespmem:$0x5340] =	vst v5  }
0x300: {  	v5 =	vld.idx.msk [tilespmem:v6+s9+$0x0], $0xffff;
	_ =	sdelay $0x3  }
0x301: {  	v7 =	vld [tilespmem:$0x4B50]  }
0x302: {  	[tilespmem:$0x5740] =	vst v5  }
0x303: {  	v5 =	vld.idx.msk [tilespmem:v6+s14+$0x0], $0xffff;
	_ =	sdelay $0x4  }
0x304: {  	[tilespmem:$0x5B40] =	vst v5  }
0x305: {  	v5 =	vld.idx.msk [tilespmem:v7+s4+$0x0], $0xffff;
	_ =	sdelay $0x4  }
0x306: {  	[tilespmem:$0x4F50] =	vst v5  }
0x307: {  	v5 =	vld.idx.msk [tilespmem:v7+s8+$0x0], $0xffff;
	_ =	sdelay $0x4  }
0x308: {  	[tilespmem:$0x5350] =	vst v5  }
0x309: {  	v5 =	vld.idx.msk [tilespmem:v7+s9+$0x0], $0xffff;
	_ =	sdelay $0x3  }
0x30a: {  	v6 =	vld [tilespmem:$0x4B60]  }
0x30b: {  	[tilespmem:$0x5750] =	vst v5  }
0x30c: {  	v5 =	vld.idx.msk [tilespmem:v7+s14+$0x0], $0xffff;
	_ =	sdelay $0x4  }
0x30d: {  	[tilespmem:$0x5B50] =	vst v5  }
0x30e: {  	v5 =	vld.idx.msk [tilespmem:v6+s4+$0x0], $0xffff;
	_ =	sdelay $0x4  }
0x30f: {  	[tilespmem:$0x4F60] =	vst v5  }
0x310: {  	v5 =	vld.idx.msk [tilespmem:v6+s8+$0x0], $0xffff;
	_ =	sdelay $0x4  }
0x311: {  	[tilespmem:$0x5360] =	vst v5  }
0x312: {  	v5 =	vld.idx.msk [tilespmem:v6+s9+$0x0], $0xffff;
	_ =	sdelay $0x3  }
0x313: {  	v7 =	vld [tilespmem:$0x4B70]  }
0x314: {  	[tilespmem:$0x5760] =	vst v5  }
0x315: {  	v5 =	vld.idx.msk [tilespmem:v6+s14+$0x0], $0xffff;
	_ =	sdelay $0x4  }
0x316: {  	[tilespmem:$0x5B60] =	vst v5  }
0x317: {  	v5 =	vld.idx.msk [tilespmem:v7+s4+$0x0], $0xffff;
	_ =	sdelay $0x4  }
0x318: {  	[tilespmem:$0x4F70] =	vst v5  }
0x319: {  	v5 =	vld.idx.msk [tilespmem:v7+s8+$0x0], $0xffff;
	_ =	sdelay $0x4  }
0x31a: {  	[tilespmem:$0x5370] =	vst v5  }
0x31b: {  	v5 =	vld.idx.msk [tilespmem:v7+s9+$0x0], $0xffff;
	_ =	sdelay $0x3  }
0x31c: {  	v6 =	vld [tilespmem:$0x4B80]  }
0x31d: {  	[tilespmem:$0x5770] =	vst v5  }
0x31e: {  	v5 =	vld.idx.msk [tilespmem:v7+s14+$0x0], $0xffff;
	_ =	sdelay $0x4  }
0x31f: {  	[tilespmem:$0x5B70] =	vst v5  }
0x320: {  	v5 =	vld.idx.msk [tilespmem:v6+s4+$0x0], $0xffff;
	_ =	sdelay $0x4  }
0x321: {  	[tilespmem:$0x4F80] =	vst v5  }
0x322: {  	v5 =	vld.idx.msk [tilespmem:v6+s8+$0x0], $0xffff;
	_ =	sdelay $0x4  }
0x323: {  	[tilespmem:$0x5380] =	vst v5  }
0x324: {  	v5 =	vld.idx.msk [tilespmem:v6+s9+$0x0], $0xffff;
	_ =	sdelay $0x3  }
0x325: {  	v7 =	vld [tilespmem:$0x4B90]  }
0x326: {  	[tilespmem:$0x5780] =	vst v5  }
0x327: {  	v5 =	vld.idx.msk [tilespmem:v6+s14+$0x0], $0xffff;
	_ =	sdelay $0x4  }
0x328: {  	[tilespmem:$0x5B80] =	vst v5  }
0x329: {  	v5 =	vld.idx.msk [tilespmem:v7+s4+$0x0], $0xffff;
	_ =	sdelay $0x4  }
0x32a: {  	[tilespmem:$0x4F90] =	vst v5  }
0x32b: {  	v5 =	vld.idx.msk [tilespmem:v7+s8+$0x0], $0xffff;
	_ =	sdelay $0x4  }
0x32c: {  	[tilespmem:$0x5390] =	vst v5  }
0x32d: {  	v5 =	vld.idx.msk [tilespmem:v7+s9+$0x0], $0xffff;
	_ =	sdelay $0x3  }
0x32e: {  	v6 =	vld [tilespmem:$0x4BA0]  }
0x32f: {  	[tilespmem:$0x5790] =	vst v5  }
0x330: {  	v5 =	vld.idx.msk [tilespmem:v7+s14+$0x0], $0xffff;
	_ =	sdelay $0x4  }
0x331: {  	[tilespmem:$0x5B90] =	vst v5  }
0x332: {  	v5 =	vld.idx.msk [tilespmem:v6+s4+$0x0], $0xffff;
	_ =	sdelay $0x4  }
0x333: {  	[tilespmem:$0x4FA0] =	vst v5  }
0x334: {  	v5 =	vld.idx.msk [tilespmem:v6+s8+$0x0], $0xffff;
	_ =	sdelay $0x4  }
0x335: {  	[tilespmem:$0x53A0] =	vst v5  }
0x336: {  	v5 =	vld.idx.msk [tilespmem:v6+s9+$0x0], $0xffff;
	_ =	sdelay $0x3  }
0x337: {  	v7 =	vld [tilespmem:$0x4BB0]  }
0x338: {  	[tilespmem:$0x57A0] =	vst v5  }
0x339: {  	v5 =	vld.idx.msk [tilespmem:v6+s14+$0x0], $0xffff;
	_ =	sdelay $0x4  }
0x33a: {  	[tilespmem:$0x5BA0] =	vst v5  }
0x33b: {  	v5 =	vld.idx.msk [tilespmem:v7+s4+$0x0], $0xffff;
	_ =	sdelay $0x4  }
0x33c: {  	[tilespmem:$0x4FB0] =	vst v5  }
0x33d: {  	v5 =	vld.idx.msk [tilespmem:v7+s8+$0x0], $0xffff;
	_ =	sdelay $0x4  }
0x33e: {  	[tilespmem:$0x53B0] =	vst v5  }
0x33f: {  	v5 =	vld.idx.msk [tilespmem:v7+s9+$0x0], $0xffff;
	_ =	sdelay $0x3  }
0x340: {  	v6 =	vld [tilespmem:$0x4BC0]  }
0x341: {  	[tilespmem:$0x57B0] =	vst v5  }
0x342: {  	v5 =	vld.idx.msk [tilespmem:v7+s14+$0x0], $0xffff;
	_ =	sdelay $0x4  }
0x343: {  	[tilespmem:$0x5BB0] =	vst v5  }
0x344: {  	v5 =	vld.idx.msk [tilespmem:v6+s4+$0x0], $0xffff;
	_ =	sdelay $0x4  }
0x345: {  	[tilespmem:$0x4FC0] =	vst v5  }
0x346: {  	v5 =	vld.idx.msk [tilespmem:v6+s8+$0x0], $0xffff;
	_ =	sdelay $0x4  }
0x347: {  	[tilespmem:$0x53C0] =	vst v5  }
0x348: {  	v5 =	vld.idx.msk [tilespmem:v6+s9+$0x0], $0xffff;
	_ =	sdelay $0x3  }
0x349: {  	v7 =	vld [tilespmem:$0x4BD0]  }
0x34a: {  	[tilespmem:$0x57C0] =	vst v5  }
0x34b: {  	v5 =	vld.idx.msk [tilespmem:v6+s14+$0x0], $0xffff;
	_ =	sdelay $0x4  }
0x34c: {  	[tilespmem:$0x5BC0] =	vst v5  }
0x34d: {  	v5 =	vld.idx.msk [tilespmem:v7+s4+$0x0], $0xffff;
	_ =	sdelay $0x4  }
0x34e: {  	[tilespmem:$0x4FD0] =	vst v5  }
0x34f: {  	v5 =	vld.idx.msk [tilespmem:v7+s8+$0x0], $0xffff;
	_ =	sdelay $0x4  }
0x350: {  	[tilespmem:$0x53D0] =	vst v5  }
0x351: {  	v5 =	vld.idx.msk [tilespmem:v7+s9+$0x0], $0xffff;
	_ =	sdelay $0x3  }
0x352: {  	v6 =	vld [tilespmem:$0x4BE0]  }
0x353: {  	[tilespmem:$0x57D0] =	vst v5  }
0x354: {  	v5 =	vld.idx.msk [tilespmem:v7+s14+$0x0], $0xffff;
	_ =	sdelay $0x4  }
0x355: {  	[tilespmem:$0x5BD0] =	vst v5  }
0x356: {  	v5 =	vld.idx.msk [tilespmem:v6+s4+$0x0], $0xffff;
	_ =	sdelay $0x4  }
0x357: {  	[tilespmem:$0x4FE0] =	vst v5  }
0x358: {  	v5 =	vld.idx.msk [tilespmem:v6+s8+$0x0], $0xffff;
	_ =	sdelay $0x4  }
0x359: {  	[tilespmem:$0x53E0] =	vst v5  }
0x35a: {  	v5 =	vld.idx.msk [tilespmem:v6+s9+$0x0], $0xffff;
	_ =	sdelay $0x3  }
0x35b: {  	v7 =	vld [tilespmem:$0x4BF0]  }
0x35c: {  	[tilespmem:$0x57E0] =	vst v5  }
0x35d: {  	v5 =	vld.idx.msk [tilespmem:v6+s14+$0x0], $0xffff;
	_ =	sdelay $0x4  }
0x35e: {  	[tilespmem:$0x5BE0] =	vst v5  }
0x35f: {  	v5 =	vld.idx.msk [tilespmem:v7+s4+$0x0], $0xffff;
	_ =	sdelay $0x4  }
0x360: {  	[tilespmem:$0x4FF0] =	vst v5  }
0x361: {  	v5 =	vld.idx.msk [tilespmem:v7+s8+$0x0], $0xffff;
	_ =	sdelay $0x4  }
0x362: {  	[tilespmem:$0x53F0] =	vst v5  }
0x363: {  	v5 =	vld.idx.msk [tilespmem:v7+s9+$0x0], $0xffff;
	_ =	sdelay $0x3  }
0x364: {  	v6 =	vld [tilespmem:$0x4C00]  }
0x365: {  	[tilespmem:$0x57F0] =	vst v5  }
0x366: {  	v5 =	vld.idx.msk [tilespmem:v7+s14+$0x0], $0xffff;
	_ =	sdelay $0x4  }
0x367: {  	[tilespmem:$0x5BF0] =	vst v5  }
0x368: {  	v5 =	vld.idx.msk [tilespmem:v6+s4+$0x0], $0xffff;
	_ =	sdelay $0x4  }
0x369: {  	[tilespmem:$0x5000] =	vst v5  }
0x36a: {  	v5 =	vld.idx.msk [tilespmem:v6+s8+$0x0], $0xffff;
	_ =	sdelay $0x4  }
0x36b: {  	[tilespmem:$0x5400] =	vst v5  }
0x36c: {  	v5 =	vld.idx.msk [tilespmem:v6+s9+$0x0], $0xffff;
	_ =	sdelay $0x3  }
0x36d: {  	v7 =	vld [tilespmem:$0x4C10]  }
0x36e: {  	[tilespmem:$0x5800] =	vst v5  }
0x36f: {  	v5 =	vld.idx.msk [tilespmem:v6+s14+$0x0], $0xffff;
	_ =	sdelay $0x4  }
0x370: {  	[tilespmem:$0x5C00] =	vst v5  }
0x371: {  	v5 =	vld.idx.msk [tilespmem:v7+s4+$0x0], $0xffff;
	_ =	sdelay $0x4  }
0x372: {  	[tilespmem:$0x5010] =	vst v5  }
0x373: {  	v5 =	vld.idx.msk [tilespmem:v7+s8+$0x0], $0xffff;
	_ =	sdelay $0x4  }
0x374: {  	[tilespmem:$0x5410] =	vst v5  }
0x375: {  	v5 =	vld.idx.msk [tilespmem:v7+s9+$0x0], $0xffff;
	_ =	sdelay $0x3  }
0x376: {  	v6 =	vld [tilespmem:$0x4C20]  }
0x377: {  	[tilespmem:$0x5810] =	vst v5  }
0x378: {  	v5 =	vld.idx.msk [tilespmem:v7+s14+$0x0], $0xffff;
	_ =	sdelay $0x4  }
0x379: {  	[tilespmem:$0x5C10] =	vst v5  }
0x37a: {  	v5 =	vld.idx.msk [tilespmem:v6+s4+$0x0], $0xffff;
	_ =	sdelay $0x4  }
0x37b: {  	[tilespmem:$0x5020] =	vst v5  }
0x37c: {  	v5 =	vld.idx.msk [tilespmem:v6+s8+$0x0], $0xffff;
	_ =	sdelay $0x4  }
0x37d: {  	[tilespmem:$0x5420] =	vst v5  }
0x37e: {  	v5 =	vld.idx.msk [tilespmem:v6+s9+$0x0], $0xffff;
	_ =	sdelay $0x3  }
0x37f: {  	v7 =	vld [tilespmem:$0x4C30]  }
0x380: {  	[tilespmem:$0x5820] =	vst v5  }
0x381: {  	v5 =	vld.idx.msk [tilespmem:v6+s14+$0x0], $0xffff;
	_ =	sdelay $0x4  }
0x382: {  	[tilespmem:$0x5C20] =	vst v5  }
0x383: {  	v5 =	vld.idx.msk [tilespmem:v7+s4+$0x0], $0xffff;
	_ =	sdelay $0x4  }
0x384: {  	[tilespmem:$0x5030] =	vst v5  }
0x385: {  	v5 =	vld.idx.msk [tilespmem:v7+s8+$0x0], $0xffff;
	_ =	sdelay $0x4  }
0x386: {  	[tilespmem:$0x5430] =	vst v5  }
0x387: {  	v5 =	vld.idx.msk [tilespmem:v7+s9+$0x0], $0xffff;
	_ =	sdelay $0x3  }
0x388: {  	v6 =	vld [tilespmem:$0x4C40]  }
0x389: {  	[tilespmem:$0x5830] =	vst v5  }
0x38a: {  	v5 =	vld.idx.msk [tilespmem:v7+s14+$0x0], $0xffff;
	_ =	sdelay $0x4  }
0x38b: {  	[tilespmem:$0x5C30] =	vst v5  }
0x38c: {  	v5 =	vld.idx.msk [tilespmem:v6+s4+$0x0], $0xffff;
	_ =	sdelay $0x4  }
0x38d: {  	[tilespmem:$0x5040] =	vst v5  }
0x38e: {  	v5 =	vld.idx.msk [tilespmem:v6+s8+$0x0], $0xffff;
	_ =	sdelay $0x4  }
0x38f: {  	[tilespmem:$0x5440] =	vst v5  }
0x390: {  	v5 =	vld.idx.msk [tilespmem:v6+s9+$0x0], $0xffff;
	_ =	sdelay $0x3  }
0x391: {  	v7 =	vld [tilespmem:$0x4C50]  }
0x392: {  	[tilespmem:$0x5840] =	vst v5  }
0x393: {  	v5 =	vld.idx.msk [tilespmem:v6+s14+$0x0], $0xffff;
	_ =	sdelay $0x4  }
0x394: {  	[tilespmem:$0x5C40] =	vst v5  }
0x395: {  	v5 =	vld.idx.msk [tilespmem:v7+s4+$0x0], $0xffff;
	_ =	sdelay $0x4  }
0x396: {  	[tilespmem:$0x5050] =	vst v5  }
0x397: {  	v5 =	vld.idx.msk [tilespmem:v7+s8+$0x0], $0xffff;
	_ =	sdelay $0x4  }
0x398: {  	[tilespmem:$0x5450] =	vst v5  }
0x399: {  	v5 =	vld.idx.msk [tilespmem:v7+s9+$0x0], $0xffff;
	_ =	sdelay $0x3  }
0x39a: {  	v6 =	vld [tilespmem:$0x4C60]  }
0x39b: {  	[tilespmem:$0x5850] =	vst v5  }
0x39c: {  	v5 =	vld.idx.msk [tilespmem:v7+s14+$0x0], $0xffff;
	_ =	sdelay $0x4  }
0x39d: {  	[tilespmem:$0x5C50] =	vst v5  }
0x39e: {  	v5 =	vld.idx.msk [tilespmem:v6+s4+$0x0], $0xffff;
	_ =	sdelay $0x4  }
0x39f: {  	[tilespmem:$0x5060] =	vst v5  }
0x3a0: {  	v5 =	vld.idx.msk [tilespmem:v6+s8+$0x0], $0xffff;
	_ =	sdelay $0x4  }
0x3a1: {  	[tilespmem:$0x5460] =	vst v5  }
0x3a2: {  	v5 =	vld.idx.msk [tilespmem:v6+s9+$0x0], $0xffff;
	_ =	sdelay $0x3  }
0x3a3: {  	v7 =	vld [tilespmem:$0x4C70]  }
0x3a4: {  	[tilespmem:$0x5860] =	vst v5  }
0x3a5: {  	v5 =	vld.idx.msk [tilespmem:v6+s14+$0x0], $0xffff;
	_ =	sdelay $0x4  }
0x3a6: {  	[tilespmem:$0x5C60] =	vst v5  }
0x3a7: {  	v5 =	vld.idx.msk [tilespmem:v7+s4+$0x0], $0xffff;
	_ =	sdelay $0x4  }
0x3a8: {  	[tilespmem:$0x5070] =	vst v5  }
0x3a9: {  	v5 =	vld.idx.msk [tilespmem:v7+s8+$0x0], $0xffff;
	_ =	sdelay $0x4  }
0x3aa: {  	[tilespmem:$0x5470] =	vst v5  }
0x3ab: {  	v5 =	vld.idx.msk [tilespmem:v7+s9+$0x0], $0xffff;
	_ =	sdelay $0x4  }
0x3ac: {  	[tilespmem:$0x5870] =	vst v5  }
0x3ad: {  	v5 =	vld.idx.msk [tilespmem:v7+s14+$0x0], $0xffff;
	_ =	sdelay $0x4  }
0x3ae: {  	s5 =	simm.s32 $0x4C80;
	s0 =	rddreg [dreg:$0xc];
	[tilespmem:$0x5C70] =	vst v5  }
0x3af: {  	[hbm4b:s0+s4] =	stream.linear.scatter [tilespmem:s5], [sflag:$0x2], $0x400, $0x38;
	[tilespmem:$0xA1C0] =	vst v63  }
0x3b0: {  	_ =	swait.ge [sflag:s13], $0x400  }
0x3b1: {  	[sflag:s13] =	ssyncset.done $0x0  }
0x3b2: {  	s11 =	simm.s32 $0x5080;
	s7 =	rddreg [dreg:$0xd];
	[sflag:s13] =	ssyncadd.s32 $0xFFFFFC00  }
0x3b3: {  	[hbm4b:s7+s4] =	stream.linear.scatter [tilespmem:s11], [sflag:$0x2], $0x400, $0x38;
	[tilespmem:$0xA1C0] =	vst v63  }
0x3b4: {  	_ =	swait.ge [sflag:s13], $0x400  }
0x3b5: {  	[sflag:s13] =	ssyncset.done $0x0  }
0x3b6: {  	s19 =	simm.s32 $0x5480;
	s12 =	rddreg [dreg:$0xe];
	[sflag:s13] =	ssyncadd.s32 $0xFFFFFC00  }
0x3b7: {  	[hbm4b:s12+s4] =	stream.linear.scatter [tilespmem:s19], [sflag:$0x2], $0x400, $0x38;
	[tilespmem:$0xA1C0] =	vst v63  }
0x3b8: {  	_ =	swait.ge [sflag:s13], $0x400  }
0x3b9: {  	s28 =	simm.s32 $0x5880;
	[sflag:s13] =	ssyncset.done $0x0  }
.Ltmp6:
0x3ba: {  	s21 =	rddreg [dreg:$0xf];
	[sflag:s13] =	ssyncadd.s32 $0xFFFFFC00;
	(pc) =	sbr.rel .LBB2_9-.Ltmp6, $4  }
0x3bb: {  	[hbm4b:s21+s4] =	stream.linear.scatter [tilespmem:s28], [sflag:$0x2], $0x400, $0x38;
	[tilespmem:$0xA1C0] =	vst v63  }
0x3bc: {  	_ =	swait.ge [sflag:s13], $0x400  }
0x3bd: {  	[sflag:s13] =	ssyncset.done $0x0  }
0x3be: {  	[sflag:s13] =	ssyncadd.s32 $0xFFFFFC00  }
.LBB2_10:
0x3bf: {  	_ =	sfence.sel $0x180000  }
0x3c0: {  	[bflag:$0x0] =	sbarrier.arrive $0xFFFF  }
0x3c1: {  	_ =	strace $0x90000047  }
0x3c2: {  	s0 =	stileid.u32;
	[bflag:$0x2] =	sbarrier.arrive $0xFFFF  }
0x3c3: {  	p0 =	sne.s32 s0, $0x0;
	s0 =	rddreg [dreg:$0x6]  }
0x3c4: {  	s0 =	sadd.s32 @!p0 $0x100000, s0  }
0x3c5: {  	[sflag:s0] =	ssyncadd.tile.s32 @!p0 $0x1;
	_ =	shalt  }
.Lfunc_end2:
_tile_overlayer_lowered:
.L_overlay_start_2:
0x3c6: {  	(tag) =	ssettag $0x2  }
0x3c7: {  	s0 =	rddreg [dreg:$0x0];
	s2 =	stileid.u32  }
0x3c8: {  	s1 =	rddreg [dreg:$0x1];
	p0 =	sne.s32 s2, $0x0  }
0x3c9: {  	s3 =	rddreg [dreg:$0x2];
	[bflag:$0x3] =	sbarrier.arrive $0xFFFF;
	s2 =	simm.s32 @!p0 $0x1C02  }
0x3ca: {  	[timem:s3], [sflag:s2] =	dma.local @!p0 [hbm:s0], s1  }
0x3cb: {  	s0 =	simm.s32 @!p0 $0x2  }
0x3cc: {  	_ =	swait.ge @!p0 [sflag:s0], s1  }
0x3cd: {  	s1 =	ssub.s32 @!p0 $0x0, s1;
	[sflag:s0] =	ssyncset.done @!p0 $0x0  }
0x3ce: {  	[sflag:s0] =	ssyncadd.s32 @!p0 s1  }
0x3cf: {  	[bflag:$0x3] =	sbarrier.arrive $0xFFFF  }
0x3d0: {  	_ =	shalt  }

</sc_bundles>
